<compile_context>
chip_gen: v7x
topology: tpu7x:2x2x1
jax: 0.10.2.dev20260603
libtpu: 0.0.44.dev20260713+nightly
codegen_flags: <defaults>
</compile_context>

<pallas_src>
import jax
import jax.numpy as jnp
from jax import lax
from jax.experimental import pallas as pl
from jax.experimental.pallas import tpu as pltpu
from jax.experimental.pallas import tpu_sc as plsc

VOCAB = 1_000_000
D = 32
B = 16384
H = 200
HID = 128
OUT = 64

NC, NS = 2, 16
NW = NC * NS
ROWS_PER_W = B // NW
CHUNK_ROWS = 8
CHUNK_IDX = CHUNK_ROWS * H
N_CHUNKS = ROWS_PER_W // CHUNK_ROWS

ROW_SLICES = [(0, 128), (128, 72)]
OUT_BATCH = 8


def _pool_body(x_hbm, tab_hbm, out_hbm,
               i0, i1, r0, r1, out_v, isem0, isem1, gsem0, gsem1):
    c = lax.axis_index("c")
    s = lax.axis_index("s")
    wid = s * NC + c
    chunk0 = wid * N_CHUNKS

    zeros = jnp.zeros((16,), jnp.float32)

    def idx_copy(g, idx_v, isem):
        return pltpu.make_async_copy(
            x_hbm.at[pl.ds((chunk0 + g) * CHUNK_ROWS, CHUNK_ROWS), :],
            idx_v, isem)

    def gathers(idx_v, rows_v, gsem):
        return [pltpu.make_async_copy(
                    tab_hbm.at[idx_v.at[r, pl.ds(off, sz)]],
                    rows_v.at[pl.ds(r * H + off, sz)], gsem)
                for r in range(CHUNK_ROWS)
                for off, sz in ROW_SLICES]

    def accumulate(g, rows_v):
        vbase = (g % OUT_BATCH) * CHUNK_ROWS
        for r in range(CHUNK_ROWS):
            rb = r * H

            def acc_body(j, ac):
                row = rb + j
                return (ac[0] + rows_v[row, pl.ds(0, 16)],
                        ac[1] + rows_v[row, pl.ds(16, 16)])

            a0, a1 = lax.fori_loop(0, H, acc_body, (zeros, zeros), unroll=8)
            out_v[vbase + r, pl.ds(0, 16)] = a0
            out_v[vbase + r, pl.ds(16, 16)] = a1

        @pl.when(g % OUT_BATCH == OUT_BATCH - 1)
        def _():
            pltpu.sync_copy(
                out_v,
                out_hbm.at[pl.ds(
                    (chunk0 + g - (OUT_BATCH - 1)) * CHUNK_ROWS,
                    OUT_BATCH * CHUNK_ROWS)])

    idx_copy(0, i0, isem0).start()
    idx_copy(0, i0, isem0).wait()
    for cp in gathers(i0, r0, gsem0):
        cp.start()
    idx_copy(1, i1, isem1).start()

    def pair_body(p, carry):
        g = p * 2
        idx_copy(g + 1, i1, isem1).wait()
        for cp in gathers(i1, r1, gsem1):
            cp.start()
        for cp in gathers(i0, r0, gsem0):
            cp.wait()

        @pl.when(p < N_CHUNKS // 2 - 1)
        def _():
            idx_copy(g + 2, i0, isem0).start()

        accumulate(g, r0)

        @pl.when(p < N_CHUNKS // 2 - 1)
        def _():
            idx_copy(g + 2, i0, isem0).wait()
            for cp in gathers(i0, r0, gsem0):
                cp.start()

        for cp in gathers(i1, r1, gsem1):
            cp.wait()

        @pl.when(p < N_CHUNKS // 2 - 1)
        def _():
            idx_copy(g + 3, i1, isem1).start()

        accumulate(g + 1, r1)
        return carry

    lax.fori_loop(0, N_CHUNKS // 2, pair_body, 0)


_pool = pl.kernel(
    _pool_body,
    mesh=plsc.VectorSubcoreMesh(core_axis_name="c", subcore_axis_name="s"),
    out_type=jax.ShapeDtypeStruct((B, D), jnp.float32),
    scratch_types=[
        pltpu.VMEM((CHUNK_ROWS, H), jnp.int32),
        pltpu.VMEM((CHUNK_ROWS, H), jnp.int32),
        pltpu.VMEM((CHUNK_IDX, D), jnp.float32),
        pltpu.VMEM((CHUNK_IDX, D), jnp.float32),
        pltpu.VMEM((OUT_BATCH * CHUNK_ROWS, D), jnp.float32),
        pltpu.SemaphoreType.DMA,
        pltpu.SemaphoreType.DMA,
        pltpu.SemaphoreType.DMA,
        pltpu.SemaphoreType.DMA,
    ],
    compiler_params=pltpu.CompilerParams(use_tc_tiling_on_sc=False),
)


def _mlp_body(p_ref, w1_ref, b1_ref, w2_ref, b2_ref, o_ref):
    p = p_ref[...] * (1.0 / H)
    h = jnp.maximum(
        jnp.dot(p, w1_ref[...], preferred_element_type=jnp.float32)
        + b1_ref[...], 0.0)
    o_ref[...] = (jnp.dot(h, w2_ref[...], preferred_element_type=jnp.float32)
                  + b2_ref[...])


MB = 2048

_mlp = pl.pallas_call(
    _mlp_body,
    grid=(B // MB,),
    in_specs=[
        pl.BlockSpec((MB, D), lambda i: (i, 0)),
        pl.BlockSpec((D, HID), lambda i: (0, 0)),
        pl.BlockSpec((1, HID), lambda i: (0, 0)),
        pl.BlockSpec((HID, OUT), lambda i: (0, 0)),
        pl.BlockSpec((1, OUT), lambda i: (0, 0)),
    ],
    out_specs=pl.BlockSpec((MB, OUT), lambda i: (i, 0)),
    out_shape=jax.ShapeDtypeStruct((B, OUT), jnp.float32),
)


def kernel(x, emb_table, W1, b1, W2, b2):
    pooled = _pool(x.astype(jnp.int32), emb_table)
    return _mlp(pooled, W1, b1.reshape(1, HID), W2, b2.reshape(1, OUT))

# --- scband reference (transcript-rebuilt; emitter-appended) ---
"""Pipeline reference for scband-import-encoder-26740466385372 (READ-ONLY COPY).

The authoritative reference and input builder live on the scoring server;
editing this copy changes nothing except your own understanding.
"""

import jax, jax.numpy as jnp
import numpy as np

VOCAB = 1000000
EMBED_DIM = 32
BATCH = 16384
HIST = 200
HID = 128
OUT = 64

def setup_inputs(seed: int = 0) -> dict:
    key = jax.random.key(seed)
    k_idx, k_emb, k_w1, k_b1, k_w2, k_b2 = jax.random.split(key, 6)
    x = jax.random.randint(k_idx, (BATCH, HIST), 0, VOCAB, dtype=jnp.int64 if jax.config.jax_enable_x64 else jnp.int32)
    emb_table = jax.random.normal(k_emb, (VOCAB, EMBED_DIM), dtype=jnp.float32)
    W1 = jax.random.normal(k_w1, (EMBED_DIM, HID), dtype=jnp.float32) * (1.0 / np.sqrt(EMBED_DIM))
    b1 = jax.random.normal(k_b1, (HID,), dtype=jnp.float32) * 0.01
    W2 = jax.random.normal(k_w2, (HID, OUT), dtype=jnp.float32) * (1.0 / np.sqrt(HID))
    b2 = jax.random.normal(k_b2, (OUT,), dtype=jnp.float32) * 0.01
    return {"x": x, "emb_table": emb_table, "W1": W1, "b1": b1, "W2": W2, "b2": b2}

def reference(x, emb_table, W1, b1, W2, b2):
    # embedding lookup (gather)
    emb = jnp.take(emb_table, x, axis=0)          # [B, L, D]
    pooled = jnp.mean(emb, axis=1)                # [B, D]
    h = jnp.maximum(pooled @ W1 + b1, 0.0)        # Linear + ReLU
    # Dropout is identity in eval mode
    out = h @ W2 + b2                             # [B, 64]
    return out

if __name__ == "__main__":
    import jax
    _d = setup_inputs()
    print(jax.jit(kernel)(*tuple(_d.values())))

</pallas_src>

<mosaic_0001>
#map = affine_map<(d0, d1) -> (0, 0)>
module attributes {stable_mosaic.version = 14 : i64} {
  func.func @_pool_body(%arg0: i32, %arg1: i32, %arg2: memref<16384x200xi32, #tpu.memory_space<hbm>>, %arg3: memref<1000000x32xf32, #tpu.memory_space<hbm>>, %arg4: memref<16384x32xf32, #tpu.memory_space<hbm>>, %arg5: memref<8x200xi32, #tpu.memory_space<vmem>>, %arg6: memref<8x200xi32, #tpu.memory_space<vmem>>, %arg7: memref<1600x32xf32, #tpu.memory_space<vmem>>, %arg8: memref<1600x32xf32, #tpu.memory_space<vmem>>, %arg9: memref<64x32xf32, #tpu.memory_space<vmem>>, %arg10: memref<!tpu.dma_semaphore, #tpu.memory_space<semaphore_mem>>, %arg11: memref<!tpu.dma_semaphore, #tpu.memory_space<semaphore_mem>>, %arg12: memref<!tpu.dma_semaphore, #tpu.memory_space<semaphore_mem>>, %arg13: memref<!tpu.dma_semaphore, #tpu.memory_space<semaphore_mem>>) attributes {dimension_semantics = [#tpu.dimension_semantics<core_parallel>, #tpu.dimension_semantics<subcore_parallel>], iteration_bounds = array<i64: 2, 16>, scalar_prefetch = 0 : i64, scratch_operands = 9 : i64, tpu.core_type = #tpu.core_type<sc_vector_subcore>, window_params = [{transform_indices = #map}, {transform_indices = #map}, {transform_indices = #map}]} {
    %mul3A = arith.constant 2 : i32
    %mul3A_0 = arith.muli %arg1, %mul3A : i32
    %add3A = arith.addi %mul3A_0, %arg0 : i32
    %mul3A_1 = arith.constant 64 : i32
    %mul3A_2 = arith.muli %add3A, %mul3A_1 : i32
    %broadcast_in_dim3A = arith.constant 0.000000e+00 : f32
    %broadcast_in_dim3A_3 = vector.broadcast %broadcast_in_dim3A : f32 to vector<16xf32>
    %add3A_4 = arith.constant 0 : i32
    %add3A_5 = arith.addi %mul3A_2, %add3A_4 : i32
    %mul3A_6 = arith.constant 8 : i32
    %mul3A_7 = arith.muli %add3A_5, %mul3A_6 : i32
    %dma_start3A = arith.constant 0 : i32
    %dma_start3A_8 = tpu.memref_slice %arg2[%mul3A_7, %dma_start3A] : memref<16384x200xi32, #tpu.memory_space<hbm>> -> memref<8x200xi32, #tpu.memory_space<hbm>>
    %dma_start3A_9 = arith.constant 0 : i32
    %dma_start3A_10 = tpu.memref_slice %arg2[%mul3A_7, %dma_start3A_9] : memref<16384x200xi32, #tpu.memory_space<hbm>> -> memref<8x200xi32, #tpu.memory_space<hbm>>
    tpu.enqueue_dma source(%dma_start3A_10 : memref<8x200xi32, #tpu.memory_space<hbm>>) target(%arg5 : memref<8x200xi32, #tpu.memory_space<vmem>>) target_semaphore(%arg10 : memref<!tpu.dma_semaphore, #tpu.memory_space<semaphore_mem>>)
    %add3A_11 = arith.constant 0 : i32
    %add3A_12 = arith.addi %mul3A_2, %add3A_11 : i32
    %mul3A_13 = arith.constant 8 : i32
    %mul3A_14 = arith.muli %add3A_12, %mul3A_13 : i32
    %dma_wait3A = arith.constant 0 : i32
    %dma_wait3A_15 = tpu.memref_slice %arg2[%mul3A_14, %dma_wait3A] : memref<16384x200xi32, #tpu.memory_space<hbm>> -> memref<8x200xi32, #tpu.memory_space<hbm>>
    %dma_wait3A_16 = arith.constant 0 : i32
    %dma_wait3A_17 = tpu.memref_slice %arg2[%mul3A_14, %dma_wait3A_16] : memref<16384x200xi32, #tpu.memory_space<hbm>> -> memref<8x200xi32, #tpu.memory_space<hbm>>
    tpu.wait_dma2 semaphore(%arg10 : memref<!tpu.dma_semaphore, #tpu.memory_space<semaphore_mem>>) src(%dma_wait3A_17 : memref<8x200xi32, #tpu.memory_space<hbm>>) dst(%arg5 : memref<8x200xi32, #tpu.memory_space<vmem>>)
    %dma_start3A_18 = arith.constant 0 : i32
    %dma_start3A_19 = arith.constant 0 : i32
    %dma_start3A_20 = arith.constant 0 : i32
    %dma_start3A_21 = tpu.memref_slice %arg7[%dma_start3A_19, %dma_start3A_20] : memref<1600x32xf32, #tpu.memory_space<vmem>> -> memref<128x32xf32, #tpu.memory_space<vmem>>
    %dma_start3A_22 = arith.constant 0 : i32
    %dma_start3A_23 = tpu.memref_slice %arg5[%dma_start3A_18, %dma_start3A_22] : memref<8x200xi32, #tpu.memory_space<vmem>> -> memref<1x128xi32, #tpu.memory_space<vmem>>
    %dma_start3A_24 = tpu.memref_squeeze %dma_start3A_23 : memref<1x128xi32, #tpu.memory_space<vmem>> -> memref<128xi32, #tpu.memory_space<vmem>>
    %dma_start3A_25 = arith.constant 0 : i32
    %dma_start3A_26 = arith.constant 0 : i32
    %dma_start3A_27 = tpu.memref_slice %arg3[%dma_start3A_25, %dma_start3A_26] : memref<1000000x32xf32, #tpu.memory_space<hbm>> -> memref<1000000x32xf32, #tpu.memory_space<hbm>>
    tpu.enqueue_indirect_dma source(%dma_start3A_27 : memref<1000000x32xf32, #tpu.memory_space<hbm>>) target(%dma_start3A_21 : memref<128x32xf32, #tpu.memory_space<vmem>>) offsets(%dma_start3A_24 : memref<128xi32, #tpu.memory_space<vmem>>) semaphore(%arg12 : memref<!tpu.dma_semaphore, #tpu.memory_space<semaphore_mem>>)
    %dma_start3A_28 = arith.constant 0 : i32
    %dma_start3A_29 = arith.constant 128 : i32
    %dma_start3A_30 = arith.constant 0 : i32
    %dma_start3A_31 = tpu.memref_slice %arg7[%dma_start3A_29, %dma_start3A_30] : memref<1600x32xf32, #tpu.memory_space<vmem>> -> memref<72x32xf32, #tpu.memory_space<vmem>>
    %dma_start3A_32 = arith.constant 128 : i32
    %dma_start3A_33 = tpu.memref_slice %arg5[%dma_start3A_28, %dma_start3A_32] : memref<8x200xi32, #tpu.memory_space<vmem>> -> memref<1x72xi32, #tpu.memory_space<vmem>>
    %dma_start3A_34 = tpu.memref_squeeze %dma_start3A_33 : memref<1x72xi32, #tpu.memory_space<vmem>> -> memref<72xi32, #tpu.memory_space<vmem>>
    %dma_start3A_35 = arith.constant 0 : i32
    %dma_start3A_36 = arith.constant 0 : i32
    %dma_start3A_37 = tpu.memref_slice %arg3[%dma_start3A_35, %dma_start3A_36] : memref<1000000x32xf32, #tpu.memory_space<hbm>> -> memref<1000000x32xf32, #tpu.memory_space<hbm>>
    tpu.enqueue_indirect_dma source(%dma_start3A_37 : memref<1000000x32xf32, #tpu.memory_space<hbm>>) target(%dma_start3A_31 : memref<72x32xf32, #tpu.memory_space<vmem>>) offsets(%dma_start3A_34 : memref<72xi32, #tpu.memory_space<vmem>>) semaphore(%arg12 : memref<!tpu.dma_semaphore, #tpu.memory_space<semaphore_mem>>)
    %dma_start3A_38 = arith.constant 1 : i32
    %dma_start3A_39 = arith.constant 200 : i32
    %dma_start3A_40 = arith.constant 0 : i32
    %dma_start3A_41 = tpu.memref_slice %arg7[%dma_start3A_39, %dma_start3A_40] : memref<1600x32xf32, #tpu.memory_space<vmem>> -> memref<128x32xf32, #tpu.memory_space<vmem>>
    %dma_start3A_42 = arith.constant 0 : i32
    %dma_start3A_43 = tpu.memref_slice %arg5[%dma_start3A_38, %dma_start3A_42] : memref<8x200xi32, #tpu.memory_space<vmem>> -> memref<1x128xi32, #tpu.memory_space<vmem>>
    %dma_start3A_44 = tpu.memref_squeeze %dma_start3A_43 : memref<1x128xi32, #tpu.memory_space<vmem>> -> memref<128xi32, #tpu.memory_space<vmem>>
    %dma_start3A_45 = arith.constant 0 : i32
    %dma_start3A_46 = arith.constant 0 : i32
    %dma_start3A_47 = tpu.memref_slice %arg3[%dma_start3A_45, %dma_start3A_46] : memref<1000000x32xf32, #tpu.memory_space<hbm>> -> memref<1000000x32xf32, #tpu.memory_space<hbm>>
    tpu.enqueue_indirect_dma source(%dma_start3A_47 : memref<1000000x32xf32, #tpu.memory_space<hbm>>) target(%dma_start3A_41 : memref<128x32xf32, #tpu.memory_space<vmem>>) offsets(%dma_start3A_44 : memref<128xi32, #tpu.memory_space<vmem>>) semaphore(%arg12 : memref<!tpu.dma_semaphore, #tpu.memory_space<semaphore_mem>>)
    %dma_start3A_48 = arith.constant 1 : i32
    %dma_start3A_49 = arith.constant 328 : i32
    %dma_start3A_50 = arith.constant 0 : i32
    %dma_start3A_51 = tpu.memref_slice %arg7[%dma_start3A_49, %dma_start3A_50] : memref<1600x32xf32, #tpu.memory_space<vmem>> -> memref<72x32xf32, #tpu.memory_space<vmem>>
    %dma_start3A_52 = arith.constant 128 : i32
    %dma_start3A_53 = tpu.memref_slice %arg5[%dma_start3A_48, %dma_start3A_52] : memref<8x200xi32, #tpu.memory_space<vmem>> -> memref<1x72xi32, #tpu.memory_space<vmem>>
    %dma_start3A_54 = tpu.memref_squeeze %dma_start3A_53 : memref<1x72xi32, #tpu.memory_space<vmem>> -> memref<72xi32, #tpu.memory_space<vmem>>
    %dma_start3A_55 = arith.constant 0 : i32
    %dma_start3A_56 = arith.constant 0 : i32
    %dma_start3A_57 = tpu.memref_slice %arg3[%dma_start3A_55, %dma_start3A_56] : memref<1000000x32xf32, #tpu.memory_space<hbm>> -> memref<1000000x32xf32, #tpu.memory_space<hbm>>
    tpu.enqueue_indirect_dma source(%dma_start3A_57 : memref<1000000x32xf32, #tpu.memory_space<hbm>>) target(%dma_start3A_51 : memref<72x32xf32, #tpu.memory_space<vmem>>) offsets(%dma_start3A_54 : memref<72xi32, #tpu.memory_space<vmem>>) semaphore(%arg12 : memref<!tpu.dma_semaphore, #tpu.memory_space<semaphore_mem>>)
    %dma_start3A_58 = arith.constant 2 : i32
    %dma_start3A_59 = arith.constant 400 : i32
    %dma_start3A_60 = arith.constant 0 : i32
    %dma_start3A_61 = tpu.memref_slice %arg7[%dma_start3A_59, %dma_start3A_60] : memref<1600x32xf32, #tpu.memory_space<vmem>> -> memref<128x32xf32, #tpu.memory_space<vmem>>
    %dma_start3A_62 = arith.constant 0 : i32
    %dma_start3A_63 = tpu.memref_slice %arg5[%dma_start3A_58, %dma_start3A_62] : memref<8x200xi32, #tpu.memory_space<vmem>> -> memref<1x128xi32, #tpu.memory_space<vmem>>
    %dma_start3A_64 = tpu.memref_squeeze %dma_start3A_63 : memref<1x128xi32, #tpu.memory_space<vmem>> -> memref<128xi32, #tpu.memory_space<vmem>>
    %dma_start3A_65 = arith.constant 0 : i32
    %dma_start3A_66 = arith.constant 0 : i32
    %dma_start3A_67 = tpu.memref_slice %arg3[%dma_start3A_65, %dma_start3A_66] : memref<1000000x32xf32, #tpu.memory_space<hbm>> -> memref<1000000x32xf32, #tpu.memory_space<hbm>>
    tpu.enqueue_indirect_dma source(%dma_start3A_67 : memref<1000000x32xf32, #tpu.memory_space<hbm>>) target(%dma_start3A_61 : memref<128x32xf32, #tpu.memory_space<vmem>>) offsets(%dma_start3A_64 : memref<128xi32, #tpu.memory_space<vmem>>) semaphore(%arg12 : memref<!tpu.dma_semaphore, #tpu.memory_space<semaphore_mem>>)
    %dma_start3A_68 = arith.constant 2 : i32
    %dma_start3A_69 = arith.constant 528 : i32
    %dma_start3A_70 = arith.constant 0 : i32
    %dma_start3A_71 = tpu.memref_slice %arg7[%dma_start3A_69, %dma_start3A_70] : memref<1600x32xf32, #tpu.memory_space<vmem>> -> memref<72x32xf32, #tpu.memory_space<vmem>>
    %dma_start3A_72 = arith.constant 128 : i32
    %dma_start3A_73 = tpu.memref_slice %arg5[%dma_start3A_68, %dma_start3A_72] : memref<8x200xi32, #tpu.memory_space<vmem>> -> memref<1x72xi32, #tpu.memory_space<vmem>>
    %dma_start3A_74 = tpu.memref_squeeze %dma_start3A_73 : memref<1x72xi32, #tpu.memory_space<vmem>> -> memref<72xi32, #tpu.memory_space<vmem>>
    %dma_start3A_75 = arith.constant 0 : i32
    %dma_start3A_76 = arith.constant 0 : i32
    %dma_start3A_77 = tpu.memref_slice %arg3[%dma_start3A_75, %dma_start3A_76] : memref<1000000x32xf32, #tpu.memory_space<hbm>> -> memref<1000000x32xf32, #tpu.memory_space<hbm>>
    tpu.enqueue_indirect_dma source(%dma_start3A_77 : memref<1000000x32xf32, #tpu.memory_space<hbm>>) target(%dma_start3A_71 : memref<72x32xf32, #tpu.memory_space<vmem>>) offsets(%dma_start3A_74 : memref<72xi32, #tpu.memory_space<vmem>>) semaphore(%arg12 : memref<!tpu.dma_semaphore, #tpu.memory_space<semaphore_mem>>)
    %dma_start3A_78 = arith.constant 3 : i32
    %dma_start3A_79 = arith.constant 600 : i32
    %dma_start3A_80 = arith.constant 0 : i32
    %dma_start3A_81 = tpu.memref_slice %arg7[%dma_start3A_79, %dma_start3A_80] : memref<1600x32xf32, #tpu.memory_space<vmem>> -> memref<128x32xf32, #tpu.memory_space<vmem>>
    %dma_start3A_82 = arith.constant 0 : i32
    %dma_start3A_83 = tpu.memref_slice %arg5[%dma_start3A_78, %dma_start3A_82] : memref<8x200xi32, #tpu.memory_space<vmem>> -> memref<1x128xi32, #tpu.memory_space<vmem>>
    %dma_start3A_84 = tpu.memref_squeeze %dma_start3A_83 : memref<1x128xi32, #tpu.memory_space<vmem>> -> memref<128xi32, #tpu.memory_space<vmem>>
    %dma_start3A_85 = arith.constant 0 : i32
    %dma_start3A_86 = arith.constant 0 : i32
    %dma_start3A_87 = tpu.memref_slice %arg3[%dma_start3A_85, %dma_start3A_86] : memref<1000000x32xf32, #tpu.memory_space<hbm>> -> memref<1000000x32xf32, #tpu.memory_space<hbm>>
    tpu.enqueue_indirect_dma source(%dma_start3A_87 : memref<1000000x32xf32, #tpu.memory_space<hbm>>) target(%dma_start3A_81 : memref<128x32xf32, #tpu.memory_space<vmem>>) offsets(%dma_start3A_84 : memref<128xi32, #tpu.memory_space<vmem>>) semaphore(%arg12 : memref<!tpu.dma_semaphore, #tpu.memory_space<semaphore_mem>>)
    %dma_start3A_88 = arith.constant 3 : i32
    %dma_start3A_89 = arith.constant 728 : i32
    %dma_start3A_90 = arith.constant 0 : i32
    %dma_start3A_91 = tpu.memref_slice %arg7[%dma_start3A_89, %dma_start3A_90] : memref<1600x32xf32, #tpu.memory_space<vmem>> -> memref<72x32xf32, #tpu.memory_space<vmem>>
    %dma_start3A_92 = arith.constant 128 : i32
    %dma_start3A_93 = tpu.memref_slice %arg5[%dma_start3A_88, %dma_start3A_92] : memref<8x200xi32, #tpu.memory_space<vmem>> -> memref<1x72xi32, #tpu.memory_space<vmem>>
    %dma_start3A_94 = tpu.memref_squeeze %dma_start3A_93 : memref<1x72xi32, #tpu.memory_space<vmem>> -> memref<72xi32, #tpu.memory_space<vmem>>
    %dma_start3A_95 = arith.constant 0 : i32
    %dma_start3A_96 = arith.constant 0 : i32
    %dma_start3A_97 = tpu.memref_slice %arg3[%dma_start3A_95, %dma_start3A_96] : memref<1000000x32xf32, #tpu.memory_space<hbm>> -> memref<1000000x32xf32, #tpu.memory_space<hbm>>
    tpu.enqueue_indirect_dma source(%dma_start3A_97 : memref<1000000x32xf32, #tpu.memory_space<hbm>>) target(%dma_start3A_91 : memref<72x32xf32, #tpu.memory_space<vmem>>) offsets(%dma_start3A_94 : memref<72xi32, #tpu.memory_space<vmem>>) semaphore(%arg12 : memref<!tpu.dma_semaphore, #tpu.memory_space<semaphore_mem>>)
    %dma_start3A_98 = arith.constant 4 : i32
    %dma_start3A_99 = arith.constant 800 : i32
    %dma_start3A_100 = arith.constant 0 : i32
    %dma_start3A_101 = tpu.memref_slice %arg7[%dma_start3A_99, %dma_start3A_100] : memref<1600x32xf32, #tpu.memory_space<vmem>> -> memref<128x32xf32, #tpu.memory_space<vmem>>
    %dma_start3A_102 = arith.constant 0 : i32
    %dma_start3A_103 = tpu.memref_slice %arg5[%dma_start3A_98, %dma_start3A_102] : memref<8x200xi32, #tpu.memory_space<vmem>> -> memref<1x128xi32, #tpu.memory_space<vmem>>
    %dma_start3A_104 = tpu.memref_squeeze %dma_start3A_103 : memref<1x128xi32, #tpu.memory_space<vmem>> -> memref<128xi32, #tpu.memory_space<vmem>>
    %dma_start3A_105 = arith.constant 0 : i32
    %dma_start3A_106 = arith.constant 0 : i32
    %dma_start3A_107 = tpu.memref_slice %arg3[%dma_start3A_105, %dma_start3A_106] : memref<1000000x32xf32, #tpu.memory_space<hbm>> -> memref<1000000x32xf32, #tpu.memory_space<hbm>>
    tpu.enqueue_indirect_dma source(%dma_start3A_107 : memref<1000000x32xf32, #tpu.memory_space<hbm>>) target(%dma_start3A_101 : memref<128x32xf32, #tpu.memory_space<vmem>>) offsets(%dma_start3A_104 : memref<128xi32, #tpu.memory_space<vmem>>) semaphore(%arg12 : memref<!tpu.dma_semaphore, #tpu.memory_space<semaphore_mem>>)
    %dma_start3A_108 = arith.constant 4 : i32
    %dma_start3A_109 = arith.constant 928 : i32
    %dma_start3A_110 = arith.constant 0 : i32
    %dma_start3A_111 = tpu.memref_slice %arg7[%dma_start3A_109, %dma_start3A_110] : memref<1600x32xf32, #tpu.memory_space<vmem>> -> memref<72x32xf32, #tpu.memory_space<vmem>>
    %dma_start3A_112 = arith.constant 128 : i32
    %dma_start3A_113 = tpu.memref_slice %arg5[%dma_start3A_108, %dma_start3A_112] : memref<8x200xi32, #tpu.memory_space<vmem>> -> memref<1x72xi32, #tpu.memory_space<vmem>>
    %dma_start3A_114 = tpu.memref_squeeze %dma_start3A_113 : memref<1x72xi32, #tpu.memory_space<vmem>> -> memref<72xi32, #tpu.memory_space<vmem>>
    %dma_start3A_115 = arith.constant 0 : i32
    %dma_start3A_116 = arith.constant 0 : i32
    %dma_start3A_117 = tpu.memref_slice %arg3[%dma_start3A_115, %dma_start3A_116] : memref<1000000x32xf32, #tpu.memory_space<hbm>> -> memref<1000000x32xf32, #tpu.memory_space<hbm>>
    tpu.enqueue_indirect_dma source(%dma_start3A_117 : memref<1000000x32xf32, #tpu.memory_space<hbm>>) target(%dma_start3A_111 : memref<72x32xf32, #tpu.memory_space<vmem>>) offsets(%dma_start3A_114 : memref<72xi32, #tpu.memory_space<vmem>>) semaphore(%arg12 : memref<!tpu.dma_semaphore, #tpu.memory_space<semaphore_mem>>)
    %dma_start3A_118 = arith.constant 5 : i32
    %dma_start3A_119 = arith.constant 1000 : i32
    %dma_start3A_120 = arith.constant 0 : i32
    %dma_start3A_121 = tpu.memref_slice %arg7[%dma_start3A_119, %dma_start3A_120] : memref<1600x32xf32, #tpu.memory_space<vmem>> -> memref<128x32xf32, #tpu.memory_space<vmem>>
    %dma_start3A_122 = arith.constant 0 : i32
    %dma_start3A_123 = tpu.memref_slice %arg5[%dma_start3A_118, %dma_start3A_122] : memref<8x200xi32, #tpu.memory_space<vmem>> -> memref<1x128xi32, #tpu.memory_space<vmem>>
    %dma_start3A_124 = tpu.memref_squeeze %dma_start3A_123 : memref<1x128xi32, #tpu.memory_space<vmem>> -> memref<128xi32, #tpu.memory_space<vmem>>
    %dma_start3A_125 = arith.constant 0 : i32
    %dma_start3A_126 = arith.constant 0 : i32
    %dma_start3A_127 = tpu.memref_slice %arg3[%dma_start3A_125, %dma_start3A_126] : memref<1000000x32xf32, #tpu.memory_space<hbm>> -> memref<1000000x32xf32, #tpu.memory_space<hbm>>
    tpu.enqueue_indirect_dma source(%dma_start3A_127 : memref<1000000x32xf32, #tpu.memory_space<hbm>>) target(%dma_start3A_121 : memref<128x32xf32, #tpu.memory_space<vmem>>) offsets(%dma_start3A_124 : memref<128xi32, #tpu.memory_space<vmem>>) semaphore(%arg12 : memref<!tpu.dma_semaphore, #tpu.memory_space<semaphore_mem>>)
    %dma_start3A_128 = arith.constant 5 : i32
    %dma_start3A_129 = arith.constant 1128 : i32
    %dma_start3A_130 = arith.constant 0 : i32
    %dma_start3A_131 = tpu.memref_slice %arg7[%dma_start3A_129, %dma_start3A_130] : memref<1600x32xf32, #tpu.memory_space<vmem>> -> memref<72x32xf32, #tpu.memory_space<vmem>>
    %dma_start3A_132 = arith.constant 128 : i32
    %dma_start3A_133 = tpu.memref_slice %arg5[%dma_start3A_128, %dma_start3A_132] : memref<8x200xi32, #tpu.memory_space<vmem>> -> memref<1x72xi32, #tpu.memory_space<vmem>>
    %dma_start3A_134 = tpu.memref_squeeze %dma_start3A_133 : memref<1x72xi32, #tpu.memory_space<vmem>> -> memref<72xi32, #tpu.memory_space<vmem>>
    %dma_start3A_135 = arith.constant 0 : i32
    %dma_start3A_136 = arith.constant 0 : i32
    %dma_start3A_137 = tpu.memref_slice %arg3[%dma_start3A_135, %dma_start3A_136] : memref<1000000x32xf32, #tpu.memory_space<hbm>> -> memref<1000000x32xf32, #tpu.memory_space<hbm>>
    tpu.enqueue_indirect_dma source(%dma_start3A_137 : memref<1000000x32xf32, #tpu.memory_space<hbm>>) target(%dma_start3A_131 : memref<72x32xf32, #tpu.memory_space<vmem>>) offsets(%dma_start3A_134 : memref<72xi32, #tpu.memory_space<vmem>>) semaphore(%arg12 : memref<!tpu.dma_semaphore, #tpu.memory_space<semaphore_mem>>)
    %dma_start3A_138 = arith.constant 6 : i32
    %dma_start3A_139 = arith.constant 1200 : i32
    %dma_start3A_140 = arith.constant 0 : i32
    %dma_start3A_141 = tpu.memref_slice %arg7[%dma_start3A_139, %dma_start3A_140] : memref<1600x32xf32, #tpu.memory_space<vmem>> -> memref<128x32xf32, #tpu.memory_space<vmem>>
    %dma_start3A_142 = arith.constant 0 : i32
    %dma_start3A_143 = tpu.memref_slice %arg5[%dma_start3A_138, %dma_start3A_142] : memref<8x200xi32, #tpu.memory_space<vmem>> -> memref<1x128xi32, #tpu.memory_space<vmem>>
    %dma_start3A_144 = tpu.memref_squeeze %dma_start3A_143 : memref<1x128xi32, #tpu.memory_space<vmem>> -> memref<128xi32, #tpu.memory_space<vmem>>
    %dma_start3A_145 = arith.constant 0 : i32
    %dma_start3A_146 = arith.constant 0 : i32
    %dma_start3A_147 = tpu.memref_slice %arg3[%dma_start3A_145, %dma_start3A_146] : memref<1000000x32xf32, #tpu.memory_space<hbm>> -> memref<1000000x32xf32, #tpu.memory_space<hbm>>
    tpu.enqueue_indirect_dma source(%dma_start3A_147 : memref<1000000x32xf32, #tpu.memory_space<hbm>>) target(%dma_start3A_141 : memref<128x32xf32, #tpu.memory_space<vmem>>) offsets(%dma_start3A_144 : memref<128xi32, #tpu.memory_space<vmem>>) semaphore(%arg12 : memref<!tpu.dma_semaphore, #tpu.memory_space<semaphore_mem>>)
    %dma_start3A_148 = arith.constant 6 : i32
    %dma_start3A_149 = arith.constant 1328 : i32
    %dma_start3A_150 = arith.constant 0 : i32
    %dma_start3A_151 = tpu.memref_slice %arg7[%dma_start3A_149, %dma_start3A_150] : memref<1600x32xf32, #tpu.memory_space<vmem>> -> memref<72x32xf32, #tpu.memory_space<vmem>>
    %dma_start3A_152 = arith.constant 128 : i32
    %dma_start3A_153 = tpu.memref_slice %arg5[%dma_start3A_148, %dma_start3A_152] : memref<8x200xi32, #tpu.memory_space<vmem>> -> memref<1x72xi32, #tpu.memory_space<vmem>>
    %dma_start3A_154 = tpu.memref_squeeze %dma_start3A_153 : memref<1x72xi32, #tpu.memory_space<vmem>> -> memref<72xi32, #tpu.memory_space<vmem>>
    %dma_start3A_155 = arith.constant 0 : i32
    %dma_start3A_156 = arith.constant 0 : i32
    %dma_start3A_157 = tpu.memref_slice %arg3[%dma_start3A_155, %dma_start3A_156] : memref<1000000x32xf32, #tpu.memory_space<hbm>> -> memref<1000000x32xf32, #tpu.memory_space<hbm>>
    tpu.enqueue_indirect_dma source(%dma_start3A_157 : memref<1000000x32xf32, #tpu.memory_space<hbm>>) target(%dma_start3A_151 : memref<72x32xf32, #tpu.memory_space<vmem>>) offsets(%dma_start3A_154 : memref<72xi32, #tpu.memory_space<vmem>>) semaphore(%arg12 : memref<!tpu.dma_semaphore, #tpu.memory_space<semaphore_mem>>)
    %dma_start3A_158 = arith.constant 7 : i32
    %dma_start3A_159 = arith.constant 1400 : i32
    %dma_start3A_160 = arith.constant 0 : i32
    %dma_start3A_161 = tpu.memref_slice %arg7[%dma_start3A_159, %dma_start3A_160] : memref<1600x32xf32, #tpu.memory_space<vmem>> -> memref<128x32xf32, #tpu.memory_space<vmem>>
    %dma_start3A_162 = arith.constant 0 : i32
    %dma_start3A_163 = tpu.memref_slice %arg5[%dma_start3A_158, %dma_start3A_162] : memref<8x200xi32, #tpu.memory_space<vmem>> -> memref<1x128xi32, #tpu.memory_space<vmem>>
    %dma_start3A_164 = tpu.memref_squeeze %dma_start3A_163 : memref<1x128xi32, #tpu.memory_space<vmem>> -> memref<128xi32, #tpu.memory_space<vmem>>
    %dma_start3A_165 = arith.constant 0 : i32
    %dma_start3A_166 = arith.constant 0 : i32
    %dma_start3A_167 = tpu.memref_slice %arg3[%dma_start3A_165, %dma_start3A_166] : memref<1000000x32xf32, #tpu.memory_space<hbm>> -> memref<1000000x32xf32, #tpu.memory_space<hbm>>
    tpu.enqueue_indirect_dma source(%dma_start3A_167 : memref<1000000x32xf32, #tpu.memory_space<hbm>>) target(%dma_start3A_161 : memref<128x32xf32, #tpu.memory_space<vmem>>) offsets(%dma_start3A_164 : memref<128xi32, #tpu.memory_space<vmem>>) semaphore(%arg12 : memref<!tpu.dma_semaphore, #tpu.memory_space<semaphore_mem>>)
    %dma_start3A_168 = arith.constant 7 : i32
    %dma_start3A_169 = arith.constant 1528 : i32
    %dma_start3A_170 = arith.constant 0 : i32
    %dma_start3A_171 = tpu.memref_slice %arg7[%dma_start3A_169, %dma_start3A_170] : memref<1600x32xf32, #tpu.memory_space<vmem>> -> memref<72x32xf32, #tpu.memory_space<vmem>>
    %dma_start3A_172 = arith.constant 128 : i32
    %dma_start3A_173 = tpu.memref_slice %arg5[%dma_start3A_168, %dma_start3A_172] : memref<8x200xi32, #tpu.memory_space<vmem>> -> memref<1x72xi32, #tpu.memory_space<vmem>>
    %dma_start3A_174 = tpu.memref_squeeze %dma_start3A_173 : memref<1x72xi32, #tpu.memory_space<vmem>> -> memref<72xi32, #tpu.memory_space<vmem>>
    %dma_start3A_175 = arith.constant 0 : i32
    %dma_start3A_176 = arith.constant 0 : i32
    %dma_start3A_177 = tpu.memref_slice %arg3[%dma_start3A_175, %dma_start3A_176] : memref<1000000x32xf32, #tpu.memory_space<hbm>> -> memref<1000000x32xf32, #tpu.memory_space<hbm>>
    tpu.enqueue_indirect_dma source(%dma_start3A_177 : memref<1000000x32xf32, #tpu.memory_space<hbm>>) target(%dma_start3A_171 : memref<72x32xf32, #tpu.memory_space<vmem>>) offsets(%dma_start3A_174 : memref<72xi32, #tpu.memory_space<vmem>>) semaphore(%arg12 : memref<!tpu.dma_semaphore, #tpu.memory_space<semaphore_mem>>)
    %add3A_178 = arith.constant 1 : i32
    %add3A_179 = arith.addi %mul3A_2, %add3A_178 : i32
    %mul3A_180 = arith.constant 8 : i32
    %mul3A_181 = arith.muli %add3A_179, %mul3A_180 : i32
    %dma_start3A_182 = arith.constant 0 : i32
    %dma_start3A_183 = tpu.memref_slice %arg2[%mul3A_181, %dma_start3A_182] : memref<16384x200xi32, #tpu.memory_space<hbm>> -> memref<8x200xi32, #tpu.memory_space<hbm>>
    %dma_start3A_184 = arith.constant 0 : i32
    %dma_start3A_185 = tpu.memref_slice %arg2[%mul3A_181, %dma_start3A_184] : memref<16384x200xi32, #tpu.memory_space<hbm>> -> memref<8x200xi32, #tpu.memory_space<hbm>>
    tpu.enqueue_dma source(%dma_start3A_185 : memref<8x200xi32, #tpu.memory_space<hbm>>) target(%arg6 : memref<8x200xi32, #tpu.memory_space<vmem>>) target_semaphore(%arg11 : memref<!tpu.dma_semaphore, #tpu.memory_space<semaphore_mem>>)
    %scan3A = arith.constant 0 : i32
    %scan3A_186 = arith.constant 0 : i32
    %scan3A_187 = arith.constant 32 : i32
    %scan3A_188 = arith.addi %scan3A_186, %scan3A_187 : i32
    %scan3A_189 = arith.constant 1 : i32
    scf.for %scan3A_191 = %scan3A_186 to %scan3A_188 step %scan3A_189  : i32 {
      %mul3A_192 = arith.constant 2 : i32
      %mul3A_193 = arith.muli %scan3A_191, %mul3A_192 : i32
      %add3A_194 = arith.constant 1 : i32
      %add3A_195 = arith.addi %mul3A_193, %add3A_194 : i32
      %add3A_196 = arith.addi %mul3A_2, %add3A_195 : i32
      %mul3A_197 = arith.constant 8 : i32
      %mul3A_198 = arith.muli %add3A_196, %mul3A_197 : i32
      %dma_wait3A_199 = arith.constant 0 : i32
      %dma_wait3A_200 = tpu.memref_slice %arg2[%mul3A_198, %dma_wait3A_199] : memref<16384x200xi32, #tpu.memory_space<hbm>> -> memref<8x200xi32, #tpu.memory_space<hbm>>
      %dma_wait3A_201 = arith.constant 0 : i32
      %dma_wait3A_202 = tpu.memref_slice %arg2[%mul3A_198, %dma_wait3A_201] : memref<16384x200xi32, #tpu.memory_space<hbm>> -> memref<8x200xi32, #tpu.memory_space<hbm>>
      tpu.wait_dma2 semaphore(%arg11 : memref<!tpu.dma_semaphore, #tpu.memory_space<semaphore_mem>>) src(%dma_wait3A_202 : memref<8x200xi32, #tpu.memory_space<hbm>>) dst(%arg6 : memref<8x200xi32, #tpu.memory_space<vmem>>)
      %dma_start3A_203 = arith.constant 0 : i32
      %dma_start3A_204 = arith.constant 0 : i32
      %dma_start3A_205 = arith.constant 0 : i32
      %dma_start3A_206 = tpu.memref_slice %arg8[%dma_start3A_204, %dma_start3A_205] : memref<1600x32xf32, #tpu.memory_space<vmem>> -> memref<128x32xf32, #tpu.memory_space<vmem>>
      %dma_start3A_207 = arith.constant 0 : i32
      %dma_start3A_208 = tpu.memref_slice %arg6[%dma_start3A_203, %dma_start3A_207] : memref<8x200xi32, #tpu.memory_space<vmem>> -> memref<1x128xi32, #tpu.memory_space<vmem>>
      %dma_start3A_209 = tpu.memref_squeeze %dma_start3A_208 : memref<1x128xi32, #tpu.memory_space<vmem>> -> memref<128xi32, #tpu.memory_space<vmem>>
      %dma_start3A_210 = arith.constant 0 : i32
      %dma_start3A_211 = arith.constant 0 : i32
      %dma_start3A_212 = tpu.memref_slice %arg3[%dma_start3A_210, %dma_start3A_211] : memref<1000000x32xf32, #tpu.memory_space<hbm>> -> memref<1000000x32xf32, #tpu.memory_space<hbm>>
      tpu.enqueue_indirect_dma source(%dma_start3A_212 : memref<1000000x32xf32, #tpu.memory_space<hbm>>) target(%dma_start3A_206 : memref<128x32xf32, #tpu.memory_space<vmem>>) offsets(%dma_start3A_209 : memref<128xi32, #tpu.memory_space<vmem>>) semaphore(%arg13 : memref<!tpu.dma_semaphore, #tpu.memory_space<semaphore_mem>>)
      %dma_start3A_213 = arith.constant 0 : i32
      %dma_start3A_214 = arith.constant 128 : i32
      %dma_start3A_215 = arith.constant 0 : i32
      %dma_start3A_216 = tpu.memref_slice %arg8[%dma_start3A_214, %dma_start3A_215] : memref<1600x32xf32, #tpu.memory_space<vmem>> -> memref<72x32xf32, #tpu.memory_space<vmem>>
      %dma_start3A_217 = arith.constant 128 : i32
      %dma_start3A_218 = tpu.memref_slice %arg6[%dma_start3A_213, %dma_start3A_217] : memref<8x200xi32, #tpu.memory_space<vmem>> -> memref<1x72xi32, #tpu.memory_space<vmem>>
      %dma_start3A_219 = tpu.memref_squeeze %dma_start3A_218 : memref<1x72xi32, #tpu.memory_space<vmem>> -> memref<72xi32, #tpu.memory_space<vmem>>
      %dma_start3A_220 = arith.constant 0 : i32
      %dma_start3A_221 = arith.constant 0 : i32
      %dma_start3A_222 = tpu.memref_slice %arg3[%dma_start3A_220, %dma_start3A_221] : memref<1000000x32xf32, #tpu.memory_space<hbm>> -> memref<1000000x32xf32, #tpu.memory_space<hbm>>
      tpu.enqueue_indirect_dma source(%dma_start3A_222 : memref<1000000x32xf32, #tpu.memory_space<hbm>>) target(%dma_start3A_216 : memref<72x32xf32, #tpu.memory_space<vmem>>) offsets(%dma_start3A_219 : memref<72xi32, #tpu.memory_space<vmem>>) semaphore(%arg13 : memref<!tpu.dma_semaphore, #tpu.memory_space<semaphore_mem>>)
      %dma_start3A_223 = arith.constant 1 : i32
      %dma_start3A_224 = arith.constant 200 : i32
      %dma_start3A_225 = arith.constant 0 : i32
      %dma_start3A_226 = tpu.memref_slice %arg8[%dma_start3A_224, %dma_start3A_225] : memref<1600x32xf32, #tpu.memory_space<vmem>> -> memref<128x32xf32, #tpu.memory_space<vmem>>
      %dma_start3A_227 = arith.constant 0 : i32
      %dma_start3A_228 = tpu.memref_slice %arg6[%dma_start3A_223, %dma_start3A_227] : memref<8x200xi32, #tpu.memory_space<vmem>> -> memref<1x128xi32, #tpu.memory_space<vmem>>
      %dma_start3A_229 = tpu.memref_squeeze %dma_start3A_228 : memref<1x128xi32, #tpu.memory_space<vmem>> -> memref<128xi32, #tpu.memory_space<vmem>>
      %dma_start3A_230 = arith.constant 0 : i32
      %dma_start3A_231 = arith.constant 0 : i32
      %dma_start3A_232 = tpu.memref_slice %arg3[%dma_start3A_230, %dma_start3A_231] : memref<1000000x32xf32, #tpu.memory_space<hbm>> -> memref<1000000x32xf32, #tpu.memory_space<hbm>>
      tpu.enqueue_indirect_dma source(%dma_start3A_232 : memref<1000000x32xf32, #tpu.memory_space<hbm>>) target(%dma_start3A_226 : memref<128x32xf32, #tpu.memory_space<vmem>>) offsets(%dma_start3A_229 : memref<128xi32, #tpu.memory_space<vmem>>) semaphore(%arg13 : memref<!tpu.dma_semaphore, #tpu.memory_space<semaphore_mem>>)
      %dma_start3A_233 = arith.constant 1 : i32
      %dma_start3A_234 = arith.constant 328 : i32
      %dma_start3A_235 = arith.constant 0 : i32
      %dma_start3A_236 = tpu.memref_slice %arg8[%dma_start3A_234, %dma_start3A_235] : memref<1600x32xf32, #tpu.memory_space<vmem>> -> memref<72x32xf32, #tpu.memory_space<vmem>>
      %dma_start3A_237 = arith.constant 128 : i32
      %dma_start3A_238 = tpu.memref_slice %arg6[%dma_start3A_233, %dma_start3A_237] : memref<8x200xi32, #tpu.memory_space<vmem>> -> memref<1x72xi32, #tpu.memory_space<vmem>>
      %dma_start3A_239 = tpu.memref_squeeze %dma_start3A_238 : memref<1x72xi32, #tpu.memory_space<vmem>> -> memref<72xi32, #tpu.memory_space<vmem>>
      %dma_start3A_240 = arith.constant 0 : i32
      %dma_start3A_241 = arith.constant 0 : i32
      %dma_start3A_242 = tpu.memref_slice %arg3[%dma_start3A_240, %dma_start3A_241] : memref<1000000x32xf32, #tpu.memory_space<hbm>> -> memref<1000000x32xf32, #tpu.memory_space<hbm>>
      tpu.enqueue_indirect_dma source(%dma_start3A_242 : memref<1000000x32xf32, #tpu.memory_space<hbm>>) target(%dma_start3A_236 : memref<72x32xf32, #tpu.memory_space<vmem>>) offsets(%dma_start3A_239 : memref<72xi32, #tpu.memory_space<vmem>>) semaphore(%arg13 : memref<!tpu.dma_semaphore, #tpu.memory_space<semaphore_mem>>)
      %dma_start3A_243 = arith.constant 2 : i32
      %dma_start3A_244 = arith.constant 400 : i32
      %dma_start3A_245 = arith.constant 0 : i32
      %dma_start3A_246 = tpu.memref_slice %arg8[%dma_start3A_244, %dma_start3A_245] : memref<1600x32xf32, #tpu.memory_space<vmem>> -> memref<128x32xf32, #tpu.memory_space<vmem>>
      %dma_start3A_247 = arith.constant 0 : i32
      %dma_start3A_248 = tpu.memref_slice %arg6[%dma_start3A_243, %dma_start3A_247] : memref<8x200xi32, #tpu.memory_space<vmem>> -> memref<1x128xi32, #tpu.memory_space<vmem>>
      %dma_start3A_249 = tpu.memref_squeeze %dma_start3A_248 : memref<1x128xi32, #tpu.memory_space<vmem>> -> memref<128xi32, #tpu.memory_space<vmem>>
      %dma_start3A_250 = arith.constant 0 : i32
      %dma_start3A_251 = arith.constant 0 : i32
      %dma_start3A_252 = tpu.memref_slice %arg3[%dma_start3A_250, %dma_start3A_251] : memref<1000000x32xf32, #tpu.memory_space<hbm>> -> memref<1000000x32xf32, #tpu.memory_space<hbm>>
      tpu.enqueue_indirect_dma source(%dma_start3A_252 : memref<1000000x32xf32, #tpu.memory_space<hbm>>) target(%dma_start3A_246 : memref<128x32xf32, #tpu.memory_space<vmem>>) offsets(%dma_start3A_249 : memref<128xi32, #tpu.memory_space<vmem>>) semaphore(%arg13 : memref<!tpu.dma_semaphore, #tpu.memory_space<semaphore_mem>>)
      %dma_start3A_253 = arith.constant 2 : i32
      %dma_start3A_254 = arith.constant 528 : i32
      %dma_start3A_255 = arith.constant 0 : i32
      %dma_start3A_256 = tpu.memref_slice %arg8[%dma_start3A_254, %dma_start3A_255] : memref<1600x32xf32, #tpu.memory_space<vmem>> -> memref<72x32xf32, #tpu.memory_space<vmem>>
      %dma_start3A_257 = arith.constant 128 : i32
      %dma_start3A_258 = tpu.memref_slice %arg6[%dma_start3A_253, %dma_start3A_257] : memref<8x200xi32, #tpu.memory_space<vmem>> -> memref<1x72xi32, #tpu.memory_space<vmem>>
      %dma_start3A_259 = tpu.memref_squeeze %dma_start3A_258 : memref<1x72xi32, #tpu.memory_space<vmem>> -> memref<72xi32, #tpu.memory_space<vmem>>
      %dma_start3A_260 = arith.constant 0 : i32
      %dma_start3A_261 = arith.constant 0 : i32
      %dma_start3A_262 = tpu.memref_slice %arg3[%dma_start3A_260, %dma_start3A_261] : memref<1000000x32xf32, #tpu.memory_space<hbm>> -> memref<1000000x32xf32, #tpu.memory_space<hbm>>
      tpu.enqueue_indirect_dma source(%dma_start3A_262 : memref<1000000x32xf32, #tpu.memory_space<hbm>>) target(%dma_start3A_256 : memref<72x32xf32, #tpu.memory_space<vmem>>) offsets(%dma_start3A_259 : memref<72xi32, #tpu.memory_space<vmem>>) semaphore(%arg13 : memref<!tpu.dma_semaphore, #tpu.memory_space<semaphore_mem>>)
      %dma_start3A_263 = arith.constant 3 : i32
      %dma_start3A_264 = arith.constant 600 : i32
      %dma_start3A_265 = arith.constant 0 : i32
      %dma_start3A_266 = tpu.memref_slice %arg8[%dma_start3A_264, %dma_start3A_265] : memref<1600x32xf32, #tpu.memory_space<vmem>> -> memref<128x32xf32, #tpu.memory_space<vmem>>
      %dma_start3A_267 = arith.constant 0 : i32
      %dma_start3A_268 = tpu.memref_slice %arg6[%dma_start3A_263, %dma_start3A_267] : memref<8x200xi32, #tpu.memory_space<vmem>> -> memref<1x128xi32, #tpu.memory_space<vmem>>
      %dma_start3A_269 = tpu.memref_squeeze %dma_start3A_268 : memref<1x128xi32, #tpu.memory_space<vmem>> -> memref<128xi32, #tpu.memory_space<vmem>>
      %dma_start3A_270 = arith.constant 0 : i32
      %dma_start3A_271 = arith.constant 0 : i32
      %dma_start3A_272 = tpu.memref_slice %arg3[%dma_start3A_270, %dma_start3A_271] : memref<1000000x32xf32, #tpu.memory_space<hbm>> -> memref<1000000x32xf32, #tpu.memory_space<hbm>>
      tpu.enqueue_indirect_dma source(%dma_start3A_272 : memref<1000000x32xf32, #tpu.memory_space<hbm>>) target(%dma_start3A_266 : memref<128x32xf32, #tpu.memory_space<vmem>>) offsets(%dma_start3A_269 : memref<128xi32, #tpu.memory_space<vmem>>) semaphore(%arg13 : memref<!tpu.dma_semaphore, #tpu.memory_space<semaphore_mem>>)
      %dma_start3A_273 = arith.constant 3 : i32
      %dma_start3A_274 = arith.constant 728 : i32
      %dma_start3A_275 = arith.constant 0 : i32
      %dma_start3A_276 = tpu.memref_slice %arg8[%dma_start3A_274, %dma_start3A_275] : memref<1600x32xf32, #tpu.memory_space<vmem>> -> memref<72x32xf32, #tpu.memory_space<vmem>>
      %dma_start3A_277 = arith.constant 128 : i32
      %dma_start3A_278 = tpu.memref_slice %arg6[%dma_start3A_273, %dma_start3A_277] : memref<8x200xi32, #tpu.memory_space<vmem>> -> memref<1x72xi32, #tpu.memory_space<vmem>>
      %dma_start3A_279 = tpu.memref_squeeze %dma_start3A_278 : memref<1x72xi32, #tpu.memory_space<vmem>> -> memref<72xi32, #tpu.memory_space<vmem>>
      %dma_start3A_280 = arith.constant 0 : i32
      %dma_start3A_281 = arith.constant 0 : i32
      %dma_start3A_282 = tpu.memref_slice %arg3[%dma_start3A_280, %dma_start3A_281] : memref<1000000x32xf32, #tpu.memory_space<hbm>> -> memref<1000000x32xf32, #tpu.memory_space<hbm>>
      tpu.enqueue_indirect_dma source(%dma_start3A_282 : memref<1000000x32xf32, #tpu.memory_space<hbm>>) target(%dma_start3A_276 : memref<72x32xf32, #tpu.memory_space<vmem>>) offsets(%dma_start3A_279 : memref<72xi32, #tpu.memory_space<vmem>>) semaphore(%arg13 : memref<!tpu.dma_semaphore, #tpu.memory_space<semaphore_mem>>)
      %dma_start3A_283 = arith.constant 4 : i32
      %dma_start3A_284 = arith.constant 800 : i32
      %dma_start3A_285 = arith.constant 0 : i32
      %dma_start3A_286 = tpu.memref_slice %arg8[%dma_start3A_284, %dma_start3A_285] : memref<1600x32xf32, #tpu.memory_space<vmem>> -> memref<128x32xf32, #tpu.memory_space<vmem>>
      %dma_start3A_287 = arith.constant 0 : i32
      %dma_start3A_288 = tpu.memref_slice %arg6[%dma_start3A_283, %dma_start3A_287] : memref<8x200xi32, #tpu.memory_space<vmem>> -> memref<1x128xi32, #tpu.memory_space<vmem>>
      %dma_start3A_289 = tpu.memref_squeeze %dma_start3A_288 : memref<1x128xi32, #tpu.memory_space<vmem>> -> memref<128xi32, #tpu.memory_space<vmem>>
      %dma_start3A_290 = arith.constant 0 : i32
      %dma_start3A_291 = arith.constant 0 : i32
      %dma_start3A_292 = tpu.memref_slice %arg3[%dma_start3A_290, %dma_start3A_291] : memref<1000000x32xf32, #tpu.memory_space<hbm>> -> memref<1000000x32xf32, #tpu.memory_space<hbm>>
      tpu.enqueue_indirect_dma source(%dma_start3A_292 : memref<1000000x32xf32, #tpu.memory_space<hbm>>) target(%dma_start3A_286 : memref<128x32xf32, #tpu.memory_space<vmem>>) offsets(%dma_start3A_289 : memref<128xi32, #tpu.memory_space<vmem>>) semaphore(%arg13 : memref<!tpu.dma_semaphore, #tpu.memory_space<semaphore_mem>>)
      %dma_start3A_293 = arith.constant 4 : i32
      %dma_start3A_294 = arith.constant 928 : i32
      %dma_start3A_295 = arith.constant 0 : i32
      %dma_start3A_296 = tpu.memref_slice %arg8[%dma_start3A_294, %dma_start3A_295] : memref<1600x32xf32, #tpu.memory_space<vmem>> -> memref<72x32xf32, #tpu.memory_space<vmem>>
      %dma_start3A_297 = arith.constant 128 : i32
      %dma_start3A_298 = tpu.memref_slice %arg6[%dma_start3A_293, %dma_start3A_297] : memref<8x200xi32, #tpu.memory_space<vmem>> -> memref<1x72xi32, #tpu.memory_space<vmem>>
      %dma_start3A_299 = tpu.memref_squeeze %dma_start3A_298 : memref<1x72xi32, #tpu.memory_space<vmem>> -> memref<72xi32, #tpu.memory_space<vmem>>
      %dma_start3A_300 = arith.constant 0 : i32
      %dma_start3A_301 = arith.constant 0 : i32
      %dma_start3A_302 = tpu.memref_slice %arg3[%dma_start3A_300, %dma_start3A_301] : memref<1000000x32xf32, #tpu.memory_space<hbm>> -> memref<1000000x32xf32, #tpu.memory_space<hbm>>
      tpu.enqueue_indirect_dma source(%dma_start3A_302 : memref<1000000x32xf32, #tpu.memory_space<hbm>>) target(%dma_start3A_296 : memref<72x32xf32, #tpu.memory_space<vmem>>) offsets(%dma_start3A_299 : memref<72xi32, #tpu.memory_space<vmem>>) semaphore(%arg13 : memref<!tpu.dma_semaphore, #tpu.memory_space<semaphore_mem>>)
      %dma_start3A_303 = arith.constant 5 : i32
      %dma_start3A_304 = arith.constant 1000 : i32
      %dma_start3A_305 = arith.constant 0 : i32
      %dma_start3A_306 = tpu.memref_slice %arg8[%dma_start3A_304, %dma_start3A_305] : memref<1600x32xf32, #tpu.memory_space<vmem>> -> memref<128x32xf32, #tpu.memory_space<vmem>>
      %dma_start3A_307 = arith.constant 0 : i32
      %dma_start3A_308 = tpu.memref_slice %arg6[%dma_start3A_303, %dma_start3A_307] : memref<8x200xi32, #tpu.memory_space<vmem>> -> memref<1x128xi32, #tpu.memory_space<vmem>>
      %dma_start3A_309 = tpu.memref_squeeze %dma_start3A_308 : memref<1x128xi32, #tpu.memory_space<vmem>> -> memref<128xi32, #tpu.memory_space<vmem>>
      %dma_start3A_310 = arith.constant 0 : i32
      %dma_start3A_311 = arith.constant 0 : i32
      %dma_start3A_312 = tpu.memref_slice %arg3[%dma_start3A_310, %dma_start3A_311] : memref<1000000x32xf32, #tpu.memory_space<hbm>> -> memref<1000000x32xf32, #tpu.memory_space<hbm>>
      tpu.enqueue_indirect_dma source(%dma_start3A_312 : memref<1000000x32xf32, #tpu.memory_space<hbm>>) target(%dma_start3A_306 : memref<128x32xf32, #tpu.memory_space<vmem>>) offsets(%dma_start3A_309 : memref<128xi32, #tpu.memory_space<vmem>>) semaphore(%arg13 : memref<!tpu.dma_semaphore, #tpu.memory_space<semaphore_mem>>)
      %dma_start3A_313 = arith.constant 5 : i32
      %dma_start3A_314 = arith.constant 1128 : i32
      %dma_start3A_315 = arith.constant 0 : i32
      %dma_start3A_316 = tpu.memref_slice %arg8[%dma_start3A_314, %dma_start3A_315] : memref<1600x32xf32, #tpu.memory_space<vmem>> -> memref<72x32xf32, #tpu.memory_space<vmem>>
      %dma_start3A_317 = arith.constant 128 : i32
      %dma_start3A_318 = tpu.memref_slice %arg6[%dma_start3A_313, %dma_start3A_317] : memref<8x200xi32, #tpu.memory_space<vmem>> -> memref<1x72xi32, #tpu.memory_space<vmem>>
      %dma_start3A_319 = tpu.memref_squeeze %dma_start3A_318 : memref<1x72xi32, #tpu.memory_space<vmem>> -> memref<72xi32, #tpu.memory_space<vmem>>
      %dma_start3A_320 = arith.constant 0 : i32
      %dma_start3A_321 = arith.constant 0 : i32
      %dma_start3A_322 = tpu.memref_slice %arg3[%dma_start3A_320, %dma_start3A_321] : memref<1000000x32xf32, #tpu.memory_space<hbm>> -> memref<1000000x32xf32, #tpu.memory_space<hbm>>
      tpu.enqueue_indirect_dma source(%dma_start3A_322 : memref<1000000x32xf32, #tpu.memory_space<hbm>>) target(%dma_start3A_316 : memref<72x32xf32, #tpu.memory_space<vmem>>) offsets(%dma_start3A_319 : memref<72xi32, #tpu.memory_space<vmem>>) semaphore(%arg13 : memref<!tpu.dma_semaphore, #tpu.memory_space<semaphore_mem>>)
      %dma_start3A_323 = arith.constant 6 : i32
      %dma_start3A_324 = arith.constant 1200 : i32
      %dma_start3A_325 = arith.constant 0 : i32
      %dma_start3A_326 = tpu.memref_slice %arg8[%dma_start3A_324, %dma_start3A_325] : memref<1600x32xf32, #tpu.memory_space<vmem>> -> memref<128x32xf32, #tpu.memory_space<vmem>>
      %dma_start3A_327 = arith.constant 0 : i32
      %dma_start3A_328 = tpu.memref_slice %arg6[%dma_start3A_323, %dma_start3A_327] : memref<8x200xi32, #tpu.memory_space<vmem>> -> memref<1x128xi32, #tpu.memory_space<vmem>>
      %dma_start3A_329 = tpu.memref_squeeze %dma_start3A_328 : memref<1x128xi32, #tpu.memory_space<vmem>> -> memref<128xi32, #tpu.memory_space<vmem>>
      %dma_start3A_330 = arith.constant 0 : i32
      %dma_start3A_331 = arith.constant 0 : i32
      %dma_start3A_332 = tpu.memref_slice %arg3[%dma_start3A_330, %dma_start3A_331] : memref<1000000x32xf32, #tpu.memory_space<hbm>> -> memref<1000000x32xf32, #tpu.memory_space<hbm>>
      tpu.enqueue_indirect_dma source(%dma_start3A_332 : memref<1000000x32xf32, #tpu.memory_space<hbm>>) target(%dma_start3A_326 : memref<128x32xf32, #tpu.memory_space<vmem>>) offsets(%dma_start3A_329 : memref<128xi32, #tpu.memory_space<vmem>>) semaphore(%arg13 : memref<!tpu.dma_semaphore, #tpu.memory_space<semaphore_mem>>)
      %dma_start3A_333 = arith.constant 6 : i32
      %dma_start3A_334 = arith.constant 1328 : i32
      %dma_start3A_335 = arith.constant 0 : i32
      %dma_start3A_336 = tpu.memref_slice %arg8[%dma_start3A_334, %dma_start3A_335] : memref<1600x32xf32, #tpu.memory_space<vmem>> -> memref<72x32xf32, #tpu.memory_space<vmem>>
      %dma_start3A_337 = arith.constant 128 : i32
      %dma_start3A_338 = tpu.memref_slice %arg6[%dma_start3A_333, %dma_start3A_337] : memref<8x200xi32, #tpu.memory_space<vmem>> -> memref<1x72xi32, #tpu.memory_space<vmem>>
      %dma_start3A_339 = tpu.memref_squeeze %dma_start3A_338 : memref<1x72xi32, #tpu.memory_space<vmem>> -> memref<72xi32, #tpu.memory_space<vmem>>
      %dma_start3A_340 = arith.constant 0 : i32
      %dma_start3A_341 = arith.constant 0 : i32
      %dma_start3A_342 = tpu.memref_slice %arg3[%dma_start3A_340, %dma_start3A_341] : memref<1000000x32xf32, #tpu.memory_space<hbm>> -> memref<1000000x32xf32, #tpu.memory_space<hbm>>
      tpu.enqueue_indirect_dma source(%dma_start3A_342 : memref<1000000x32xf32, #tpu.memory_space<hbm>>) target(%dma_start3A_336 : memref<72x32xf32, #tpu.memory_space<vmem>>) offsets(%dma_start3A_339 : memref<72xi32, #tpu.memory_space<vmem>>) semaphore(%arg13 : memref<!tpu.dma_semaphore, #tpu.memory_space<semaphore_mem>>)
      %dma_start3A_343 = arith.constant 7 : i32
      %dma_start3A_344 = arith.constant 1400 : i32
      %dma_start3A_345 = arith.constant 0 : i32
      %dma_start3A_346 = tpu.memref_slice %arg8[%dma_start3A_344, %dma_start3A_345] : memref<1600x32xf32, #tpu.memory_space<vmem>> -> memref<128x32xf32, #tpu.memory_space<vmem>>
      %dma_start3A_347 = arith.constant 0 : i32
      %dma_start3A_348 = tpu.memref_slice %arg6[%dma_start3A_343, %dma_start3A_347] : memref<8x200xi32, #tpu.memory_space<vmem>> -> memref<1x128xi32, #tpu.memory_space<vmem>>
      %dma_start3A_349 = tpu.memref_squeeze %dma_start3A_348 : memref<1x128xi32, #tpu.memory_space<vmem>> -> memref<128xi32, #tpu.memory_space<vmem>>
      %dma_start3A_350 = arith.constant 0 : i32
      %dma_start3A_351 = arith.constant 0 : i32
      %dma_start3A_352 = tpu.memref_slice %arg3[%dma_start3A_350, %dma_start3A_351] : memref<1000000x32xf32, #tpu.memory_space<hbm>> -> memref<1000000x32xf32, #tpu.memory_space<hbm>>
      tpu.enqueue_indirect_dma source(%dma_start3A_352 : memref<1000000x32xf32, #tpu.memory_space<hbm>>) target(%dma_start3A_346 : memref<128x32xf32, #tpu.memory_space<vmem>>) offsets(%dma_start3A_349 : memref<128xi32, #tpu.memory_space<vmem>>) semaphore(%arg13 : memref<!tpu.dma_semaphore, #tpu.memory_space<semaphore_mem>>)
      %dma_start3A_353 = arith.constant 7 : i32
      %dma_start3A_354 = arith.constant 1528 : i32
      %dma_start3A_355 = arith.constant 0 : i32
      %dma_start3A_356 = tpu.memref_slice %arg8[%dma_start3A_354, %dma_start3A_355] : memref<1600x32xf32, #tpu.memory_space<vmem>> -> memref<72x32xf32, #tpu.memory_space<vmem>>
      %dma_start3A_357 = arith.constant 128 : i32
      %dma_start3A_358 = tpu.memref_slice %arg6[%dma_start3A_353, %dma_start3A_357] : memref<8x200xi32, #tpu.memory_space<vmem>> -> memref<1x72xi32, #tpu.memory_space<vmem>>
      %dma_start3A_359 = tpu.memref_squeeze %dma_start3A_358 : memref<1x72xi32, #tpu.memory_space<vmem>> -> memref<72xi32, #tpu.memory_space<vmem>>
      %dma_start3A_360 = arith.constant 0 : i32
      %dma_start3A_361 = arith.constant 0 : i32
      %dma_start3A_362 = tpu.memref_slice %arg3[%dma_start3A_360, %dma_start3A_361] : memref<1000000x32xf32, #tpu.memory_space<hbm>> -> memref<1000000x32xf32, #tpu.memory_space<hbm>>
      tpu.enqueue_indirect_dma source(%dma_start3A_362 : memref<1000000x32xf32, #tpu.memory_space<hbm>>) target(%dma_start3A_356 : memref<72x32xf32, #tpu.memory_space<vmem>>) offsets(%dma_start3A_359 : memref<72xi32, #tpu.memory_space<vmem>>) semaphore(%arg13 : memref<!tpu.dma_semaphore, #tpu.memory_space<semaphore_mem>>)
      %dma_wait3A_363 = arith.constant 0 : i32
      %dma_wait3A_364 = arith.constant 0 : i32
      %dma_wait3A_365 = arith.constant 0 : i32
      %dma_wait3A_366 = tpu.memref_slice %arg7[%dma_wait3A_364, %dma_wait3A_365] : memref<1600x32xf32, #tpu.memory_space<vmem>> -> memref<128x32xf32, #tpu.memory_space<vmem>>
      %dma_wait3A_367 = arith.constant 0 : i32
      %dma_wait3A_368 = tpu.memref_slice %arg5[%dma_wait3A_363, %dma_wait3A_367] : memref<8x200xi32, #tpu.memory_space<vmem>> -> memref<1x128xi32, #tpu.memory_space<vmem>>
      %dma_wait3A_369 = tpu.memref_squeeze %dma_wait3A_368 : memref<1x128xi32, #tpu.memory_space<vmem>> -> memref<128xi32, #tpu.memory_space<vmem>>
      %dma_wait3A_370 = arith.constant 0 : i32
      %dma_wait3A_371 = arith.constant 0 : i32
      %dma_wait3A_372 = tpu.memref_slice %arg3[%dma_wait3A_370, %dma_wait3A_371] : memref<1000000x32xf32, #tpu.memory_space<hbm>> -> memref<1000000x32xf32, #tpu.memory_space<hbm>>
      tpu.wait_indirect_dma semaphore(%arg12 : memref<!tpu.dma_semaphore, #tpu.memory_space<semaphore_mem>>) src(%dma_wait3A_372 : memref<1000000x32xf32, #tpu.memory_space<hbm>>) dst(%dma_wait3A_366 : memref<128x32xf32, #tpu.memory_space<vmem>>)
      %dma_wait3A_373 = arith.constant 0 : i32
      %dma_wait3A_374 = arith.constant 128 : i32
      %dma_wait3A_375 = arith.constant 0 : i32
      %dma_wait3A_376 = tpu.memref_slice %arg7[%dma_wait3A_374, %dma_wait3A_375] : memref<1600x32xf32, #tpu.memory_space<vmem>> -> memref<72x32xf32, #tpu.memory_space<vmem>>
      %dma_wait3A_377 = arith.constant 128 : i32
      %dma_wait3A_378 = tpu.memref_slice %arg5[%dma_wait3A_373, %dma_wait3A_377] : memref<8x200xi32, #tpu.memory_space<vmem>> -> memref<1x72xi32, #tpu.memory_space<vmem>>
      %dma_wait3A_379 = tpu.memref_squeeze %dma_wait3A_378 : memref<1x72xi32, #tpu.memory_space<vmem>> -> memref<72xi32, #tpu.memory_space<vmem>>
      %dma_wait3A_380 = arith.constant 0 : i32
      %dma_wait3A_381 = arith.constant 0 : i32
      %dma_wait3A_382 = tpu.memref_slice %arg3[%dma_wait3A_380, %dma_wait3A_381] : memref<1000000x32xf32, #tpu.memory_space<hbm>> -> memref<1000000x32xf32, #tpu.memory_space<hbm>>
      tpu.wait_indirect_dma semaphore(%arg12 : memref<!tpu.dma_semaphore, #tpu.memory_space<semaphore_mem>>) src(%dma_wait3A_382 : memref<1000000x32xf32, #tpu.memory_space<hbm>>) dst(%dma_wait3A_376 : memref<72x32xf32, #tpu.memory_space<vmem>>)
      %dma_wait3A_383 = arith.constant 1 : i32
      %dma_wait3A_384 = arith.constant 200 : i32
      %dma_wait3A_385 = arith.constant 0 : i32
      %dma_wait3A_386 = tpu.memref_slice %arg7[%dma_wait3A_384, %dma_wait3A_385] : memref<1600x32xf32, #tpu.memory_space<vmem>> -> memref<128x32xf32, #tpu.memory_space<vmem>>
      %dma_wait3A_387 = arith.constant 0 : i32
      %dma_wait3A_388 = tpu.memref_slice %arg5[%dma_wait3A_383, %dma_wait3A_387] : memref<8x200xi32, #tpu.memory_space<vmem>> -> memref<1x128xi32, #tpu.memory_space<vmem>>
      %dma_wait3A_389 = tpu.memref_squeeze %dma_wait3A_388 : memref<1x128xi32, #tpu.memory_space<vmem>> -> memref<128xi32, #tpu.memory_space<vmem>>
      %dma_wait3A_390 = arith.constant 0 : i32
      %dma_wait3A_391 = arith.constant 0 : i32
      %dma_wait3A_392 = tpu.memref_slice %arg3[%dma_wait3A_390, %dma_wait3A_391] : memref<1000000x32xf32, #tpu.memory_space<hbm>> -> memref<1000000x32xf32, #tpu.memory_space<hbm>>
      tpu.wait_indirect_dma semaphore(%arg12 : memref<!tpu.dma_semaphore, #tpu.memory_space<semaphore_mem>>) src(%dma_wait3A_392 : memref<1000000x32xf32, #tpu.memory_space<hbm>>) dst(%dma_wait3A_386 : memref<128x32xf32, #tpu.memory_space<vmem>>)
      %dma_wait3A_393 = arith.constant 1 : i32
      %dma_wait3A_394 = arith.constant 328 : i32
      %dma_wait3A_395 = arith.constant 0 : i32
      %dma_wait3A_396 = tpu.memref_slice %arg7[%dma_wait3A_394, %dma_wait3A_395] : memref<1600x32xf32, #tpu.memory_space<vmem>> -> memref<72x32xf32, #tpu.memory_space<vmem>>
      %dma_wait3A_397 = arith.constant 128 : i32
      %dma_wait3A_398 = tpu.memref_slice %arg5[%dma_wait3A_393, %dma_wait3A_397] : memref<8x200xi32, #tpu.memory_space<vmem>> -> memref<1x72xi32, #tpu.memory_space<vmem>>
      %dma_wait3A_399 = tpu.memref_squeeze %dma_wait3A_398 : memref<1x72xi32, #tpu.memory_space<vmem>> -> memref<72xi32, #tpu.memory_space<vmem>>
      %dma_wait3A_400 = arith.constant 0 : i32
      %dma_wait3A_401 = arith.constant 0 : i32
      %dma_wait3A_402 = tpu.memref_slice %arg3[%dma_wait3A_400, %dma_wait3A_401] : memref<1000000x32xf32, #tpu.memory_space<hbm>> -> memref<1000000x32xf32, #tpu.memory_space<hbm>>
      tpu.wait_indirect_dma semaphore(%arg12 : memref<!tpu.dma_semaphore, #tpu.memory_space<semaphore_mem>>) src(%dma_wait3A_402 : memref<1000000x32xf32, #tpu.memory_space<hbm>>) dst(%dma_wait3A_396 : memref<72x32xf32, #tpu.memory_space<vmem>>)
      %dma_wait3A_403 = arith.constant 2 : i32
      %dma_wait3A_404 = arith.constant 400 : i32
      %dma_wait3A_405 = arith.constant 0 : i32
      %dma_wait3A_406 = tpu.memref_slice %arg7[%dma_wait3A_404, %dma_wait3A_405] : memref<1600x32xf32, #tpu.memory_space<vmem>> -> memref<128x32xf32, #tpu.memory_space<vmem>>
      %dma_wait3A_407 = arith.constant 0 : i32
      %dma_wait3A_408 = tpu.memref_slice %arg5[%dma_wait3A_403, %dma_wait3A_407] : memref<8x200xi32, #tpu.memory_space<vmem>> -> memref<1x128xi32, #tpu.memory_space<vmem>>
      %dma_wait3A_409 = tpu.memref_squeeze %dma_wait3A_408 : memref<1x128xi32, #tpu.memory_space<vmem>> -> memref<128xi32, #tpu.memory_space<vmem>>
      %dma_wait3A_410 = arith.constant 0 : i32
      %dma_wait3A_411 = arith.constant 0 : i32
      %dma_wait3A_412 = tpu.memref_slice %arg3[%dma_wait3A_410, %dma_wait3A_411] : memref<1000000x32xf32, #tpu.memory_space<hbm>> -> memref<1000000x32xf32, #tpu.memory_space<hbm>>
      tpu.wait_indirect_dma semaphore(%arg12 : memref<!tpu.dma_semaphore, #tpu.memory_space<semaphore_mem>>) src(%dma_wait3A_412 : memref<1000000x32xf32, #tpu.memory_space<hbm>>) dst(%dma_wait3A_406 : memref<128x32xf32, #tpu.memory_space<vmem>>)
      %dma_wait3A_413 = arith.constant 2 : i32
      %dma_wait3A_414 = arith.constant 528 : i32
      %dma_wait3A_415 = arith.constant 0 : i32
      %dma_wait3A_416 = tpu.memref_slice %arg7[%dma_wait3A_414, %dma_wait3A_415] : memref<1600x32xf32, #tpu.memory_space<vmem>> -> memref<72x32xf32, #tpu.memory_space<vmem>>
      %dma_wait3A_417 = arith.constant 128 : i32
      %dma_wait3A_418 = tpu.memref_slice %arg5[%dma_wait3A_413, %dma_wait3A_417] : memref<8x200xi32, #tpu.memory_space<vmem>> -> memref<1x72xi32, #tpu.memory_space<vmem>>
      %dma_wait3A_419 = tpu.memref_squeeze %dma_wait3A_418 : memref<1x72xi32, #tpu.memory_space<vmem>> -> memref<72xi32, #tpu.memory_space<vmem>>
      %dma_wait3A_420 = arith.constant 0 : i32
      %dma_wait3A_421 = arith.constant 0 : i32
      %dma_wait3A_422 = tpu.memref_slice %arg3[%dma_wait3A_420, %dma_wait3A_421] : memref<1000000x32xf32, #tpu.memory_space<hbm>> -> memref<1000000x32xf32, #tpu.memory_space<hbm>>
      tpu.wait_indirect_dma semaphore(%arg12 : memref<!tpu.dma_semaphore, #tpu.memory_space<semaphore_mem>>) src(%dma_wait3A_422 : memref<1000000x32xf32, #tpu.memory_space<hbm>>) dst(%dma_wait3A_416 : memref<72x32xf32, #tpu.memory_space<vmem>>)
      %dma_wait3A_423 = arith.constant 3 : i32
      %dma_wait3A_424 = arith.constant 600 : i32
      %dma_wait3A_425 = arith.constant 0 : i32
      %dma_wait3A_426 = tpu.memref_slice %arg7[%dma_wait3A_424, %dma_wait3A_425] : memref<1600x32xf32, #tpu.memory_space<vmem>> -> memref<128x32xf32, #tpu.memory_space<vmem>>
      %dma_wait3A_427 = arith.constant 0 : i32
      %dma_wait3A_428 = tpu.memref_slice %arg5[%dma_wait3A_423, %dma_wait3A_427] : memref<8x200xi32, #tpu.memory_space<vmem>> -> memref<1x128xi32, #tpu.memory_space<vmem>>
      %dma_wait3A_429 = tpu.memref_squeeze %dma_wait3A_428 : memref<1x128xi32, #tpu.memory_space<vmem>> -> memref<128xi32, #tpu.memory_space<vmem>>
      %dma_wait3A_430 = arith.constant 0 : i32
      %dma_wait3A_431 = arith.constant 0 : i32
      %dma_wait3A_432 = tpu.memref_slice %arg3[%dma_wait3A_430, %dma_wait3A_431] : memref<1000000x32xf32, #tpu.memory_space<hbm>> -> memref<1000000x32xf32, #tpu.memory_space<hbm>>
      tpu.wait_indirect_dma semaphore(%arg12 : memref<!tpu.dma_semaphore, #tpu.memory_space<semaphore_mem>>) src(%dma_wait3A_432 : memref<1000000x32xf32, #tpu.memory_space<hbm>>) dst(%dma_wait3A_426 : memref<128x32xf32, #tpu.memory_space<vmem>>)
      %dma_wait3A_433 = arith.constant 3 : i32
      %dma_wait3A_434 = arith.constant 728 : i32
      %dma_wait3A_435 = arith.constant 0 : i32
      %dma_wait3A_436 = tpu.memref_slice %arg7[%dma_wait3A_434, %dma_wait3A_435] : memref<1600x32xf32, #tpu.memory_space<vmem>> -> memref<72x32xf32, #tpu.memory_space<vmem>>
      %dma_wait3A_437 = arith.constant 128 : i32
      %dma_wait3A_438 = tpu.memref_slice %arg5[%dma_wait3A_433, %dma_wait3A_437] : memref<8x200xi32, #tpu.memory_space<vmem>> -> memref<1x72xi32, #tpu.memory_space<vmem>>
      %dma_wait3A_439 = tpu.memref_squeeze %dma_wait3A_438 : memref<1x72xi32, #tpu.memory_space<vmem>> -> memref<72xi32, #tpu.memory_space<vmem>>
      %dma_wait3A_440 = arith.constant 0 : i32
      %dma_wait3A_441 = arith.constant 0 : i32
      %dma_wait3A_442 = tpu.memref_slice %arg3[%dma_wait3A_440, %dma_wait3A_441] : memref<1000000x32xf32, #tpu.memory_space<hbm>> -> memref<1000000x32xf32, #tpu.memory_space<hbm>>
      tpu.wait_indirect_dma semaphore(%arg12 : memref<!tpu.dma_semaphore, #tpu.memory_space<semaphore_mem>>) src(%dma_wait3A_442 : memref<1000000x32xf32, #tpu.memory_space<hbm>>) dst(%dma_wait3A_436 : memref<72x32xf32, #tpu.memory_space<vmem>>)
      %dma_wait3A_443 = arith.constant 4 : i32
      %dma_wait3A_444 = arith.constant 800 : i32
      %dma_wait3A_445 = arith.constant 0 : i32
      %dma_wait3A_446 = tpu.memref_slice %arg7[%dma_wait3A_444, %dma_wait3A_445] : memref<1600x32xf32, #tpu.memory_space<vmem>> -> memref<128x32xf32, #tpu.memory_space<vmem>>
      %dma_wait3A_447 = arith.constant 0 : i32
      %dma_wait3A_448 = tpu.memref_slice %arg5[%dma_wait3A_443, %dma_wait3A_447] : memref<8x200xi32, #tpu.memory_space<vmem>> -> memref<1x128xi32, #tpu.memory_space<vmem>>
      %dma_wait3A_449 = tpu.memref_squeeze %dma_wait3A_448 : memref<1x128xi32, #tpu.memory_space<vmem>> -> memref<128xi32, #tpu.memory_space<vmem>>
      %dma_wait3A_450 = arith.constant 0 : i32
      %dma_wait3A_451 = arith.constant 0 : i32
      %dma_wait3A_452 = tpu.memref_slice %arg3[%dma_wait3A_450, %dma_wait3A_451] : memref<1000000x32xf32, #tpu.memory_space<hbm>> -> memref<1000000x32xf32, #tpu.memory_space<hbm>>
      tpu.wait_indirect_dma semaphore(%arg12 : memref<!tpu.dma_semaphore, #tpu.memory_space<semaphore_mem>>) src(%dma_wait3A_452 : memref<1000000x32xf32, #tpu.memory_space<hbm>>) dst(%dma_wait3A_446 : memref<128x32xf32, #tpu.memory_space<vmem>>)
      %dma_wait3A_453 = arith.constant 4 : i32
      %dma_wait3A_454 = arith.constant 928 : i32
      %dma_wait3A_455 = arith.constant 0 : i32
      %dma_wait3A_456 = tpu.memref_slice %arg7[%dma_wait3A_454, %dma_wait3A_455] : memref<1600x32xf32, #tpu.memory_space<vmem>> -> memref<72x32xf32, #tpu.memory_space<vmem>>
      %dma_wait3A_457 = arith.constant 128 : i32
      %dma_wait3A_458 = tpu.memref_slice %arg5[%dma_wait3A_453, %dma_wait3A_457] : memref<8x200xi32, #tpu.memory_space<vmem>> -> memref<1x72xi32, #tpu.memory_space<vmem>>
      %dma_wait3A_459 = tpu.memref_squeeze %dma_wait3A_458 : memref<1x72xi32, #tpu.memory_space<vmem>> -> memref<72xi32, #tpu.memory_space<vmem>>
      %dma_wait3A_460 = arith.constant 0 : i32
      %dma_wait3A_461 = arith.constant 0 : i32
      %dma_wait3A_462 = tpu.memref_slice %arg3[%dma_wait3A_460, %dma_wait3A_461] : memref<1000000x32xf32, #tpu.memory_space<hbm>> -> memref<1000000x32xf32, #tpu.memory_space<hbm>>
      tpu.wait_indirect_dma semaphore(%arg12 : memref<!tpu.dma_semaphore, #tpu.memory_space<semaphore_mem>>) src(%dma_wait3A_462 : memref<1000000x32xf32, #tpu.memory_space<hbm>>) dst(%dma_wait3A_456 : memref<72x32xf32, #tpu.memory_space<vmem>>)
      %dma_wait3A_463 = arith.constant 5 : i32
      %dma_wait3A_464 = arith.constant 1000 : i32
      %dma_wait3A_465 = arith.constant 0 : i32
      %dma_wait3A_466 = tpu.memref_slice %arg7[%dma_wait3A_464, %dma_wait3A_465] : memref<1600x32xf32, #tpu.memory_space<vmem>> -> memref<128x32xf32, #tpu.memory_space<vmem>>
      %dma_wait3A_467 = arith.constant 0 : i32
      %dma_wait3A_468 = tpu.memref_slice %arg5[%dma_wait3A_463, %dma_wait3A_467] : memref<8x200xi32, #tpu.memory_space<vmem>> -> memref<1x128xi32, #tpu.memory_space<vmem>>
      %dma_wait3A_469 = tpu.memref_squeeze %dma_wait3A_468 : memref<1x128xi32, #tpu.memory_space<vmem>> -> memref<128xi32, #tpu.memory_space<vmem>>
      %dma_wait3A_470 = arith.constant 0 : i32
      %dma_wait3A_471 = arith.constant 0 : i32
      %dma_wait3A_472 = tpu.memref_slice %arg3[%dma_wait3A_470, %dma_wait3A_471] : memref<1000000x32xf32, #tpu.memory_space<hbm>> -> memref<1000000x32xf32, #tpu.memory_space<hbm>>
      tpu.wait_indirect_dma semaphore(%arg12 : memref<!tpu.dma_semaphore, #tpu.memory_space<semaphore_mem>>) src(%dma_wait3A_472 : memref<1000000x32xf32, #tpu.memory_space<hbm>>) dst(%dma_wait3A_466 : memref<128x32xf32, #tpu.memory_space<vmem>>)
      %dma_wait3A_473 = arith.constant 5 : i32
      %dma_wait3A_474 = arith.constant 1128 : i32
      %dma_wait3A_475 = arith.constant 0 : i32
      %dma_wait3A_476 = tpu.memref_slice %arg7[%dma_wait3A_474, %dma_wait3A_475] : memref<1600x32xf32, #tpu.memory_space<vmem>> -> memref<72x32xf32, #tpu.memory_space<vmem>>
      %dma_wait3A_477 = arith.constant 128 : i32
      %dma_wait3A_478 = tpu.memref_slice %arg5[%dma_wait3A_473, %dma_wait3A_477] : memref<8x200xi32, #tpu.memory_space<vmem>> -> memref<1x72xi32, #tpu.memory_space<vmem>>
      %dma_wait3A_479 = tpu.memref_squeeze %dma_wait3A_478 : memref<1x72xi32, #tpu.memory_space<vmem>> -> memref<72xi32, #tpu.memory_space<vmem>>
      %dma_wait3A_480 = arith.constant 0 : i32
      %dma_wait3A_481 = arith.constant 0 : i32
      %dma_wait3A_482 = tpu.memref_slice %arg3[%dma_wait3A_480, %dma_wait3A_481] : memref<1000000x32xf32, #tpu.memory_space<hbm>> -> memref<1000000x32xf32, #tpu.memory_space<hbm>>
      tpu.wait_indirect_dma semaphore(%arg12 : memref<!tpu.dma_semaphore, #tpu.memory_space<semaphore_mem>>) src(%dma_wait3A_482 : memref<1000000x32xf32, #tpu.memory_space<hbm>>) dst(%dma_wait3A_476 : memref<72x32xf32, #tpu.memory_space<vmem>>)
      %dma_wait3A_483 = arith.constant 6 : i32
      %dma_wait3A_484 = arith.constant 1200 : i32
      %dma_wait3A_485 = arith.constant 0 : i32
      %dma_wait3A_486 = tpu.memref_slice %arg7[%dma_wait3A_484, %dma_wait3A_485] : memref<1600x32xf32, #tpu.memory_space<vmem>> -> memref<128x32xf32, #tpu.memory_space<vmem>>
      %dma_wait3A_487 = arith.constant 0 : i32
      %dma_wait3A_488 = tpu.memref_slice %arg5[%dma_wait3A_483, %dma_wait3A_487] : memref<8x200xi32, #tpu.memory_space<vmem>> -> memref<1x128xi32, #tpu.memory_space<vmem>>
      %dma_wait3A_489 = tpu.memref_squeeze %dma_wait3A_488 : memref<1x128xi32, #tpu.memory_space<vmem>> -> memref<128xi32, #tpu.memory_space<vmem>>
      %dma_wait3A_490 = arith.constant 0 : i32
      %dma_wait3A_491 = arith.constant 0 : i32
      %dma_wait3A_492 = tpu.memref_slice %arg3[%dma_wait3A_490, %dma_wait3A_491] : memref<1000000x32xf32, #tpu.memory_space<hbm>> -> memref<1000000x32xf32, #tpu.memory_space<hbm>>
      tpu.wait_indirect_dma semaphore(%arg12 : memref<!tpu.dma_semaphore, #tpu.memory_space<semaphore_mem>>) src(%dma_wait3A_492 : memref<1000000x32xf32, #tpu.memory_space<hbm>>) dst(%dma_wait3A_486 : memref<128x32xf32, #tpu.memory_space<vmem>>)
      %dma_wait3A_493 = arith.constant 6 : i32
      %dma_wait3A_494 = arith.constant 1328 : i32
      %dma_wait3A_495 = arith.constant 0 : i32
      %dma_wait3A_496 = tpu.memref_slice %arg7[%dma_wait3A_494, %dma_wait3A_495] : memref<1600x32xf32, #tpu.memory_space<vmem>> -> memref<72x32xf32, #tpu.memory_space<vmem>>
      %dma_wait3A_497 = arith.constant 128 : i32
      %dma_wait3A_498 = tpu.memref_slice %arg5[%dma_wait3A_493, %dma_wait3A_497] : memref<8x200xi32, #tpu.memory_space<vmem>> -> memref<1x72xi32, #tpu.memory_space<vmem>>
      %dma_wait3A_499 = tpu.memref_squeeze %dma_wait3A_498 : memref<1x72xi32, #tpu.memory_space<vmem>> -> memref<72xi32, #tpu.memory_space<vmem>>
      %dma_wait3A_500 = arith.constant 0 : i32
      %dma_wait3A_501 = arith.constant 0 : i32
      %dma_wait3A_502 = tpu.memref_slice %arg3[%dma_wait3A_500, %dma_wait3A_501] : memref<1000000x32xf32, #tpu.memory_space<hbm>> -> memref<1000000x32xf32, #tpu.memory_space<hbm>>
      tpu.wait_indirect_dma semaphore(%arg12 : memref<!tpu.dma_semaphore, #tpu.memory_space<semaphore_mem>>) src(%dma_wait3A_502 : memref<1000000x32xf32, #tpu.memory_space<hbm>>) dst(%dma_wait3A_496 : memref<72x32xf32, #tpu.memory_space<vmem>>)
      %dma_wait3A_503 = arith.constant 7 : i32
      %dma_wait3A_504 = arith.constant 1400 : i32
      %dma_wait3A_505 = arith.constant 0 : i32
      %dma_wait3A_506 = tpu.memref_slice %arg7[%dma_wait3A_504, %dma_wait3A_505] : memref<1600x32xf32, #tpu.memory_space<vmem>> -> memref<128x32xf32, #tpu.memory_space<vmem>>
      %dma_wait3A_507 = arith.constant 0 : i32
      %dma_wait3A_508 = tpu.memref_slice %arg5[%dma_wait3A_503, %dma_wait3A_507] : memref<8x200xi32, #tpu.memory_space<vmem>> -> memref<1x128xi32, #tpu.memory_space<vmem>>
      %dma_wait3A_509 = tpu.memref_squeeze %dma_wait3A_508 : memref<1x128xi32, #tpu.memory_space<vmem>> -> memref<128xi32, #tpu.memory_space<vmem>>
      %dma_wait3A_510 = arith.constant 0 : i32
      %dma_wait3A_511 = arith.constant 0 : i32
      %dma_wait3A_512 = tpu.memref_slice %arg3[%dma_wait3A_510, %dma_wait3A_511] : memref<1000000x32xf32, #tpu.memory_space<hbm>> -> memref<1000000x32xf32, #tpu.memory_space<hbm>>
      tpu.wait_indirect_dma semaphore(%arg12 : memref<!tpu.dma_semaphore, #tpu.memory_space<semaphore_mem>>) src(%dma_wait3A_512 : memref<1000000x32xf32, #tpu.memory_space<hbm>>) dst(%dma_wait3A_506 : memref<128x32xf32, #tpu.memory_space<vmem>>)
      %dma_wait3A_513 = arith.constant 7 : i32
      %dma_wait3A_514 = arith.constant 1528 : i32
      %dma_wait3A_515 = arith.constant 0 : i32
      %dma_wait3A_516 = tpu.memref_slice %arg7[%dma_wait3A_514, %dma_wait3A_515] : memref<1600x32xf32, #tpu.memory_space<vmem>> -> memref<72x32xf32, #tpu.memory_space<vmem>>
      %dma_wait3A_517 = arith.constant 128 : i32
      %dma_wait3A_518 = tpu.memref_slice %arg5[%dma_wait3A_513, %dma_wait3A_517] : memref<8x200xi32, #tpu.memory_space<vmem>> -> memref<1x72xi32, #tpu.memory_space<vmem>>
      %dma_wait3A_519 = tpu.memref_squeeze %dma_wait3A_518 : memref<1x72xi32, #tpu.memory_space<vmem>> -> memref<72xi32, #tpu.memory_space<vmem>>
      %dma_wait3A_520 = arith.constant 0 : i32
      %dma_wait3A_521 = arith.constant 0 : i32
      %dma_wait3A_522 = tpu.memref_slice %arg3[%dma_wait3A_520, %dma_wait3A_521] : memref<1000000x32xf32, #tpu.memory_space<hbm>> -> memref<1000000x32xf32, #tpu.memory_space<hbm>>
      tpu.wait_indirect_dma semaphore(%arg12 : memref<!tpu.dma_semaphore, #tpu.memory_space<semaphore_mem>>) src(%dma_wait3A_522 : memref<1000000x32xf32, #tpu.memory_space<hbm>>) dst(%dma_wait3A_516 : memref<72x32xf32, #tpu.memory_space<vmem>>)
      %lt3A = arith.constant 31 : i32
      %lt3A_523 = arith.cmpi slt, %scan3A_191, %lt3A : i32
      %convert_element_type3A = arith.extui %lt3A_523 : i1 to i32
      %cond3A = arith.constant 0 : i32
      %cond3A_524 = arith.cmpi ne, %convert_element_type3A, %cond3A : i32
      scf.if %cond3A_524 {
        %add3A_1088 = arith.constant 2 : i32
        %add3A_1089 = arith.addi %mul3A_193, %add3A_1088 : i32
        %add3A_1090 = arith.addi %mul3A_2, %add3A_1089 : i32
        %mul3A_1091 = arith.constant 8 : i32
        %mul3A_1092 = arith.muli %add3A_1090, %mul3A_1091 : i32
        %dma_start3A_1093 = arith.constant 0 : i32
        %dma_start3A_1094 = tpu.memref_slice %arg2[%mul3A_1092, %dma_start3A_1093] : memref<16384x200xi32, #tpu.memory_space<hbm>> -> memref<8x200xi32, #tpu.memory_space<hbm>>
        %dma_start3A_1095 = arith.constant 0 : i32
        %dma_start3A_1096 = tpu.memref_slice %arg2[%mul3A_1092, %dma_start3A_1095] : memref<16384x200xi32, #tpu.memory_space<hbm>> -> memref<8x200xi32, #tpu.memory_space<hbm>>
        tpu.enqueue_dma source(%dma_start3A_1096 : memref<8x200xi32, #tpu.memory_space<hbm>>) target(%arg5 : memref<8x200xi32, #tpu.memory_space<vmem>>) target_semaphore(%arg10 : memref<!tpu.dma_semaphore, #tpu.memory_space<semaphore_mem>>)
      } else {
      }
      %jit3A = arith.constant 8 : i32
      %eq3A = arith.constant 0 : i32
      %eq3A_525 = arith.cmpi eq, %jit3A, %eq3A : i32
      %jit3A_526 = arith.constant 1 : i32
      %select_n3A = arith.select %eq3A_525, %jit3A_526, %jit3A : i32
      %rem3A = arith.remsi %mul3A_193, %select_n3A : i32
      %ne3A = arith.constant 0 : i32
      %ne3A_527 = arith.cmpi ne, %rem3A, %ne3A : i32
      %lt3A_528 = arith.constant 0 : i32
      %lt3A_529 = arith.cmpi slt, %rem3A, %lt3A_528 : i32
      %lt3A_530 = arith.constant 0 : i32
      %lt3A_531 = arith.cmpi slt, %select_n3A, %lt3A_530 : i32
      %ne3A_532 = arith.xori %lt3A_529, %lt3A_531 : i1
      %and3A = arith.andi %ne3A_532, %ne3A_527 : i1
      %add3A_533 = arith.addi %rem3A, %select_n3A : i32
      %select_n3A_534 = arith.select %and3A, %add3A_533, %rem3A : i32
      %mul3A_535 = arith.constant 8 : i32
      %mul3A_536 = arith.muli %select_n3A_534, %mul3A_535 : i32
      %scan3A_537 = arith.constant 0 : i32
      %scan3A_538 = arith.constant 200 : i32
      %scan3A_539 = arith.addi %scan3A_537, %scan3A_538 : i32
      %scan3A_540 = arith.constant 8 : i32
      %scan3A_541:2 = scf.for %scan3A_1088 = %scan3A_537 to %scan3A_539 step %scan3A_540 iter_args(%scan3A_1089 = %broadcast_in_dim3A_3, %scan3A_1090 = %broadcast_in_dim3A_3) -> (vector<16xf32>, vector<16xf32>)  : i32 {
        %add3A_1091 = arith.constant 0 : i32
        %add3A_1092 = arith.addi %add3A_1091, %scan3A_1088 : i32
        %get3A = arith.index_cast %add3A_1092 : i32 to index
        %get3A_1093 = arith.constant 0 : index
        %get3A_1094 = tpu.vector_load %arg7[%get3A, %get3A_1093] {strides = array<i32>} : memref<1600x32xf32, #tpu.memory_space<vmem>>, vector<1x16xf32>,
        %get3A_1095 = vector.shape_cast %get3A_1094 : vector<1x16xf32> to vector<16xf32>
        %add3A_1096 = arith.addf %scan3A_1089, %get3A_1095 : vector<16xf32>
        %get3A_1097 = arith.index_cast %add3A_1092 : i32 to index
        %get3A_1098 = arith.constant 16 : index
        %get3A_1099 = tpu.vector_load %arg7[%get3A_1097, %get3A_1098] {strides = array<i32>} : memref<1600x32xf32, #tpu.memory_space<vmem>>, vector<1x16xf32>,
        %get3A_1100 = vector.shape_cast %get3A_1099 : vector<1x16xf32> to vector<16xf32>
        %add3A_1101 = arith.addf %scan3A_1090, %get3A_1100 : vector<16xf32>
        %scan3A_1102 = arith.constant 1 : i32
        %scan3A_1103 = arith.addi %scan3A_1088, %scan3A_1102 : i32
        %add3A_1104 = arith.constant 0 : i32
        %add3A_1105 = arith.addi %add3A_1104, %scan3A_1103 : i32
        %get3A_1106 = arith.index_cast %add3A_1105 : i32 to index
        %get3A_1107 = arith.constant 0 : index
        %get3A_1108 = tpu.vector_load %arg7[%get3A_1106, %get3A_1107] {strides = array<i32>} : memref<1600x32xf32, #tpu.memory_space<vmem>>, vector<1x16xf32>,
        %get3A_1109 = vector.shape_cast %get3A_1108 : vector<1x16xf32> to vector<16xf32>
        %add3A_1110 = arith.addf %add3A_1096, %get3A_1109 : vector<16xf32>
        %get3A_1111 = arith.index_cast %add3A_1105 : i32 to index
        %get3A_1112 = arith.constant 16 : index
        %get3A_1113 = tpu.vector_load %arg7[%get3A_1111, %get3A_1112] {strides = array<i32>} : memref<1600x32xf32, #tpu.memory_space<vmem>>, vector<1x16xf32>,
        %get3A_1114 = vector.shape_cast %get3A_1113 : vector<1x16xf32> to vector<16xf32>
        %add3A_1115 = arith.addf %add3A_1101, %get3A_1114 : vector<16xf32>
        %scan3A_1116 = arith.constant 2 : i32
        %scan3A_1117 = arith.addi %scan3A_1088, %scan3A_1116 : i32
        %add3A_1118 = arith.constant 0 : i32
        %add3A_1119 = arith.addi %add3A_1118, %scan3A_1117 : i32
        %get3A_1120 = arith.index_cast %add3A_1119 : i32 to index
        %get3A_1121 = arith.constant 0 : index
        %get3A_1122 = tpu.vector_load %arg7[%get3A_1120, %get3A_1121] {strides = array<i32>} : memref<1600x32xf32, #tpu.memory_space<vmem>>, vector<1x16xf32>,
        %get3A_1123 = vector.shape_cast %get3A_1122 : vector<1x16xf32> to vector<16xf32>
        %add3A_1124 = arith.addf %add3A_1110, %get3A_1123 : vector<16xf32>
        %get3A_1125 = arith.index_cast %add3A_1119 : i32 to index
        %get3A_1126 = arith.constant 16 : index
        %get3A_1127 = tpu.vector_load %arg7[%get3A_1125, %get3A_1126] {strides = array<i32>} : memref<1600x32xf32, #tpu.memory_space<vmem>>, vector<1x16xf32>,
        %get3A_1128 = vector.shape_cast %get3A_1127 : vector<1x16xf32> to vector<16xf32>
        %add3A_1129 = arith.addf %add3A_1115, %get3A_1128 : vector<16xf32>
        %scan3A_1130 = arith.constant 3 : i32
        %scan3A_1131 = arith.addi %scan3A_1088, %scan3A_1130 : i32
        %add3A_1132 = arith.constant 0 : i32
        %add3A_1133 = arith.addi %add3A_1132, %scan3A_1131 : i32
        %get3A_1134 = arith.index_cast %add3A_1133 : i32 to index
        %get3A_1135 = arith.constant 0 : index
        %get3A_1136 = tpu.vector_load %arg7[%get3A_1134, %get3A_1135] {strides = array<i32>} : memref<1600x32xf32, #tpu.memory_space<vmem>>, vector<1x16xf32>,
        %get3A_1137 = vector.shape_cast %get3A_1136 : vector<1x16xf32> to vector<16xf32>
        %add3A_1138 = arith.addf %add3A_1124, %get3A_1137 : vector<16xf32>
        %get3A_1139 = arith.index_cast %add3A_1133 : i32 to index
        %get3A_1140 = arith.constant 16 : index
        %get3A_1141 = tpu.vector_load %arg7[%get3A_1139, %get3A_1140] {strides = array<i32>} : memref<1600x32xf32, #tpu.memory_space<vmem>>, vector<1x16xf32>,
        %get3A_1142 = vector.shape_cast %get3A_1141 : vector<1x16xf32> to vector<16xf32>
        %add3A_1143 = arith.addf %add3A_1129, %get3A_1142 : vector<16xf32>
        %scan3A_1144 = arith.constant 4 : i32
        %scan3A_1145 = arith.addi %scan3A_1088, %scan3A_1144 : i32
        %add3A_1146 = arith.constant 0 : i32
        %add3A_1147 = arith.addi %add3A_1146, %scan3A_1145 : i32
        %get3A_1148 = arith.index_cast %add3A_1147 : i32 to index
        %get3A_1149 = arith.constant 0 : index
        %get3A_1150 = tpu.vector_load %arg7[%get3A_1148, %get3A_1149] {strides = array<i32>} : memref<1600x32xf32, #tpu.memory_space<vmem>>, vector<1x16xf32>,
        %get3A_1151 = vector.shape_cast %get3A_1150 : vector<1x16xf32> to vector<16xf32>
        %add3A_1152 = arith.addf %add3A_1138, %get3A_1151 : vector<16xf32>
        %get3A_1153 = arith.index_cast %add3A_1147 : i32 to index
        %get3A_1154 = arith.constant 16 : index
        %get3A_1155 = tpu.vector_load %arg7[%get3A_1153, %get3A_1154] {strides = array<i32>} : memref<1600x32xf32, #tpu.memory_space<vmem>>, vector<1x16xf32>,
        %get3A_1156 = vector.shape_cast %get3A_1155 : vector<1x16xf32> to vector<16xf32>
        %add3A_1157 = arith.addf %add3A_1143, %get3A_1156 : vector<16xf32>
        %scan3A_1158 = arith.constant 5 : i32
        %scan3A_1159 = arith.addi %scan3A_1088, %scan3A_1158 : i32
        %add3A_1160 = arith.constant 0 : i32
        %add3A_1161 = arith.addi %add3A_1160, %scan3A_1159 : i32
        %get3A_1162 = arith.index_cast %add3A_1161 : i32 to index
        %get3A_1163 = arith.constant 0 : index
        %get3A_1164 = tpu.vector_load %arg7[%get3A_1162, %get3A_1163] {strides = array<i32>} : memref<1600x32xf32, #tpu.memory_space<vmem>>, vector<1x16xf32>,
        %get3A_1165 = vector.shape_cast %get3A_1164 : vector<1x16xf32> to vector<16xf32>
        %add3A_1166 = arith.addf %add3A_1152, %get3A_1165 : vector<16xf32>
        %get3A_1167 = arith.index_cast %add3A_1161 : i32 to index
        %get3A_1168 = arith.constant 16 : index
        %get3A_1169 = tpu.vector_load %arg7[%get3A_1167, %get3A_1168] {strides = array<i32>} : memref<1600x32xf32, #tpu.memory_space<vmem>>, vector<1x16xf32>,
        %get3A_1170 = vector.shape_cast %get3A_1169 : vector<1x16xf32> to vector<16xf32>
        %add3A_1171 = arith.addf %add3A_1157, %get3A_1170 : vector<16xf32>
        %scan3A_1172 = arith.constant 6 : i32
        %scan3A_1173 = arith.addi %scan3A_1088, %scan3A_1172 : i32
        %add3A_1174 = arith.constant 0 : i32
        %add3A_1175 = arith.addi %add3A_1174, %scan3A_1173 : i32
        %get3A_1176 = arith.index_cast %add3A_1175 : i32 to index
        %get3A_1177 = arith.constant 0 : index
        %get3A_1178 = tpu.vector_load %arg7[%get3A_1176, %get3A_1177] {strides = array<i32>} : memref<1600x32xf32, #tpu.memory_space<vmem>>, vector<1x16xf32>,
        %get3A_1179 = vector.shape_cast %get3A_1178 : vector<1x16xf32> to vector<16xf32>
        %add3A_1180 = arith.addf %add3A_1166, %get3A_1179 : vector<16xf32>
        %get3A_1181 = arith.index_cast %add3A_1175 : i32 to index
        %get3A_1182 = arith.constant 16 : index
        %get3A_1183 = tpu.vector_load %arg7[%get3A_1181, %get3A_1182] {strides = array<i32>} : memref<1600x32xf32, #tpu.memory_space<vmem>>, vector<1x16xf32>,
        %get3A_1184 = vector.shape_cast %get3A_1183 : vector<1x16xf32> to vector<16xf32>
        %add3A_1185 = arith.addf %add3A_1171, %get3A_1184 : vector<16xf32>
        %scan3A_1186 = arith.constant 7 : i32
        %scan3A_1187 = arith.addi %scan3A_1088, %scan3A_1186 : i32
        %add3A_1188 = arith.constant 0 : i32
        %add3A_1189 = arith.addi %add3A_1188, %scan3A_1187 : i32
        %get3A_1190 = arith.index_cast %add3A_1189 : i32 to index
        %get3A_1191 = arith.constant 0 : index
        %get3A_1192 = tpu.vector_load %arg7[%get3A_1190, %get3A_1191] {strides = array<i32>} : memref<1600x32xf32, #tpu.memory_space<vmem>>, vector<1x16xf32>,
        %get3A_1193 = vector.shape_cast %get3A_1192 : vector<1x16xf32> to vector<16xf32>
        %add3A_1194 = arith.addf %add3A_1180, %get3A_1193 : vector<16xf32>
        %get3A_1195 = arith.index_cast %add3A_1189 : i32 to index
        %get3A_1196 = arith.constant 16 : index
        %get3A_1197 = tpu.vector_load %arg7[%get3A_1195, %get3A_1196] {strides = array<i32>} : memref<1600x32xf32, #tpu.memory_space<vmem>>, vector<1x16xf32>,
        %get3A_1198 = vector.shape_cast %get3A_1197 : vector<1x16xf32> to vector<16xf32>
        %add3A_1199 = arith.addf %add3A_1185, %get3A_1198 : vector<16xf32>
        scf.yield %add3A_1194, %add3A_1199 : vector<16xf32>, vector<16xf32>
      }
      %scan3A_542 = arith.constant 200 : i32
      %add3A_543 = arith.constant 0 : i32
      %add3A_544 = arith.addi %mul3A_536, %add3A_543 : i32
      %swap3A = arith.index_cast %add3A_544 : i32 to index
      %swap3A_545 = arith.constant 0 : index
      %swap3A_546 = tpu.vector_load %arg9[%swap3A, %swap3A_545] {strides = array<i32>} : memref<64x32xf32, #tpu.memory_space<vmem>>, vector<1x16xf32>,
      %swap3A_547 = vector.shape_cast %swap3A_546 : vector<1x16xf32> to vector<16xf32>
      %swap3A_548 = vector.shape_cast %scan3A_541#0 : vector<16xf32> to vector<1x16xf32>
      tpu.vector_store %arg9[%swap3A, %swap3A_545], %swap3A_548 {strides = array<i32>} : memref<64x32xf32, #tpu.memory_space<vmem>>, vector<1x16xf32>,
      %add3A_549 = arith.constant 0 : i32
      %add3A_550 = arith.addi %mul3A_536, %add3A_549 : i32
      %swap3A_551 = arith.index_cast %add3A_550 : i32 to index
      %swap3A_552 = arith.constant 16 : index
      %swap3A_553 = tpu.vector_load %arg9[%swap3A_551, %swap3A_552] {strides = array<i32>} : memref<64x32xf32, #tpu.memory_space<vmem>>, vector<1x16xf32>,
      %swap3A_554 = vector.shape_cast %swap3A_553 : vector<1x16xf32> to vector<16xf32>
      %swap3A_555 = vector.shape_cast %scan3A_541#1 : vector<16xf32> to vector<1x16xf32>
      tpu.vector_store %arg9[%swap3A_551, %swap3A_552], %swap3A_555 {strides = array<i32>} : memref<64x32xf32, #tpu.memory_space<vmem>>, vector<1x16xf32>,
      %scan3A_556 = arith.constant 0 : i32
      %scan3A_557 = arith.constant 200 : i32
      %scan3A_558 = arith.addi %scan3A_556, %scan3A_557 : i32
      %scan3A_559 = arith.constant 8 : i32
      %scan3A_560:2 = scf.for %scan3A_1088 = %scan3A_556 to %scan3A_558 step %scan3A_559 iter_args(%scan3A_1089 = %broadcast_in_dim3A_3, %scan3A_1090 = %broadcast_in_dim3A_3) -> (vector<16xf32>, vector<16xf32>)  : i32 {
        %add3A_1091 = arith.constant 200 : i32
        %add3A_1092 = arith.addi %add3A_1091, %scan3A_1088 : i32
        %get3A = arith.index_cast %add3A_1092 : i32 to index
        %get3A_1093 = arith.constant 0 : index
        %get3A_1094 = tpu.vector_load %arg7[%get3A, %get3A_1093] {strides = array<i32>} : memref<1600x32xf32, #tpu.memory_space<vmem>>, vector<1x16xf32>,
        %get3A_1095 = vector.shape_cast %get3A_1094 : vector<1x16xf32> to vector<16xf32>
        %add3A_1096 = arith.addf %scan3A_1089, %get3A_1095 : vector<16xf32>
        %get3A_1097 = arith.index_cast %add3A_1092 : i32 to index
        %get3A_1098 = arith.constant 16 : index
        %get3A_1099 = tpu.vector_load %arg7[%get3A_1097, %get3A_1098] {strides = array<i32>} : memref<1600x32xf32, #tpu.memory_space<vmem>>, vector<1x16xf32>,
        %get3A_1100 = vector.shape_cast %get3A_1099 : vector<1x16xf32> to vector<16xf32>
        %add3A_1101 = arith.addf %scan3A_1090, %get3A_1100 : vector<16xf32>
        %scan3A_1102 = arith.constant 1 : i32
        %scan3A_1103 = arith.addi %scan3A_1088, %scan3A_1102 : i32
        %add3A_1104 = arith.constant 200 : i32
        %add3A_1105 = arith.addi %add3A_1104, %scan3A_1103 : i32
        %get3A_1106 = arith.index_cast %add3A_1105 : i32 to index
        %get3A_1107 = arith.constant 0 : index
        %get3A_1108 = tpu.vector_load %arg7[%get3A_1106, %get3A_1107] {strides = array<i32>} : memref<1600x32xf32, #tpu.memory_space<vmem>>, vector<1x16xf32>,
        %get3A_1109 = vector.shape_cast %get3A_1108 : vector<1x16xf32> to vector<16xf32>
        %add3A_1110 = arith.addf %add3A_1096, %get3A_1109 : vector<16xf32>
        %get3A_1111 = arith.index_cast %add3A_1105 : i32 to index
        %get3A_1112 = arith.constant 16 : index
        %get3A_1113 = tpu.vector_load %arg7[%get3A_1111, %get3A_1112] {strides = array<i32>} : memref<1600x32xf32, #tpu.memory_space<vmem>>, vector<1x16xf32>,
        %get3A_1114 = vector.shape_cast %get3A_1113 : vector<1x16xf32> to vector<16xf32>
        %add3A_1115 = arith.addf %add3A_1101, %get3A_1114 : vector<16xf32>
        %scan3A_1116 = arith.constant 2 : i32
        %scan3A_1117 = arith.addi %scan3A_1088, %scan3A_1116 : i32
        %add3A_1118 = arith.constant 200 : i32
        %add3A_1119 = arith.addi %add3A_1118, %scan3A_1117 : i32
        %get3A_1120 = arith.index_cast %add3A_1119 : i32 to index
        %get3A_1121 = arith.constant 0 : index
        %get3A_1122 = tpu.vector_load %arg7[%get3A_1120, %get3A_1121] {strides = array<i32>} : memref<1600x32xf32, #tpu.memory_space<vmem>>, vector<1x16xf32>,
        %get3A_1123 = vector.shape_cast %get3A_1122 : vector<1x16xf32> to vector<16xf32>
        %add3A_1124 = arith.addf %add3A_1110, %get3A_1123 : vector<16xf32>
        %get3A_1125 = arith.index_cast %add3A_1119 : i32 to index
        %get3A_1126 = arith.constant 16 : index
        %get3A_1127 = tpu.vector_load %arg7[%get3A_1125, %get3A_1126] {strides = array<i32>} : memref<1600x32xf32, #tpu.memory_space<vmem>>, vector<1x16xf32>,
        %get3A_1128 = vector.shape_cast %get3A_1127 : vector<1x16xf32> to vector<16xf32>
        %add3A_1129 = arith.addf %add3A_1115, %get3A_1128 : vector<16xf32>
        %scan3A_1130 = arith.constant 3 : i32
        %scan3A_1131 = arith.addi %scan3A_1088, %scan3A_1130 : i32
        %add3A_1132 = arith.constant 200 : i32
        %add3A_1133 = arith.addi %add3A_1132, %scan3A_1131 : i32
        %get3A_1134 = arith.index_cast %add3A_1133 : i32 to index
        %get3A_1135 = arith.constant 0 : index
        %get3A_1136 = tpu.vector_load %arg7[%get3A_1134, %get3A_1135] {strides = array<i32>} : memref<1600x32xf32, #tpu.memory_space<vmem>>, vector<1x16xf32>,
        %get3A_1137 = vector.shape_cast %get3A_1136 : vector<1x16xf32> to vector<16xf32>
        %add3A_1138 = arith.addf %add3A_1124, %get3A_1137 : vector<16xf32>
        %get3A_1139 = arith.index_cast %add3A_1133 : i32 to index
        %get3A_1140 = arith.constant 16 : index
        %get3A_1141 = tpu.vector_load %arg7[%get3A_1139, %get3A_1140] {strides = array<i32>} : memref<1600x32xf32, #tpu.memory_space<vmem>>, vector<1x16xf32>,
        %get3A_1142 = vector.shape_cast %get3A_1141 : vector<1x16xf32> to vector<16xf32>
        %add3A_1143 = arith.addf %add3A_1129, %get3A_1142 : vector<16xf32>
        %scan3A_1144 = arith.constant 4 : i32
        %scan3A_1145 = arith.addi %scan3A_1088, %scan3A_1144 : i32
        %add3A_1146 = arith.constant 200 : i32
        %add3A_1147 = arith.addi %add3A_1146, %scan3A_1145 : i32
        %get3A_1148 = arith.index_cast %add3A_1147 : i32 to index
        %get3A_1149 = arith.constant 0 : index
        %get3A_1150 = tpu.vector_load %arg7[%get3A_1148, %get3A_1149] {strides = array<i32>} : memref<1600x32xf32, #tpu.memory_space<vmem>>, vector<1x16xf32>,
        %get3A_1151 = vector.shape_cast %get3A_1150 : vector<1x16xf32> to vector<16xf32>
        %add3A_1152 = arith.addf %add3A_1138, %get3A_1151 : vector<16xf32>
        %get3A_1153 = arith.index_cast %add3A_1147 : i32 to index
        %get3A_1154 = arith.constant 16 : index
        %get3A_1155 = tpu.vector_load %arg7[%get3A_1153, %get3A_1154] {strides = array<i32>} : memref<1600x32xf32, #tpu.memory_space<vmem>>, vector<1x16xf32>,
        %get3A_1156 = vector.shape_cast %get3A_1155 : vector<1x16xf32> to vector<16xf32>
        %add3A_1157 = arith.addf %add3A_1143, %get3A_1156 : vector<16xf32>
        %scan3A_1158 = arith.constant 5 : i32
        %scan3A_1159 = arith.addi %scan3A_1088, %scan3A_1158 : i32
        %add3A_1160 = arith.constant 200 : i32
        %add3A_1161 = arith.addi %add3A_1160, %scan3A_1159 : i32
        %get3A_1162 = arith.index_cast %add3A_1161 : i32 to index
        %get3A_1163 = arith.constant 0 : index
        %get3A_1164 = tpu.vector_load %arg7[%get3A_1162, %get3A_1163] {strides = array<i32>} : memref<1600x32xf32, #tpu.memory_space<vmem>>, vector<1x16xf32>,
        %get3A_1165 = vector.shape_cast %get3A_1164 : vector<1x16xf32> to vector<16xf32>
        %add3A_1166 = arith.addf %add3A_1152, %get3A_1165 : vector<16xf32>
        %get3A_1167 = arith.index_cast %add3A_1161 : i32 to index
        %get3A_1168 = arith.constant 16 : index
        %get3A_1169 = tpu.vector_load %arg7[%get3A_1167, %get3A_1168] {strides = array<i32>} : memref<1600x32xf32, #tpu.memory_space<vmem>>, vector<1x16xf32>,
        %get3A_1170 = vector.shape_cast %get3A_1169 : vector<1x16xf32> to vector<16xf32>
        %add3A_1171 = arith.addf %add3A_1157, %get3A_1170 : vector<16xf32>
        %scan3A_1172 = arith.constant 6 : i32
        %scan3A_1173 = arith.addi %scan3A_1088, %scan3A_1172 : i32
        %add3A_1174 = arith.constant 200 : i32
        %add3A_1175 = arith.addi %add3A_1174, %scan3A_1173 : i32
        %get3A_1176 = arith.index_cast %add3A_1175 : i32 to index
        %get3A_1177 = arith.constant 0 : index
        %get3A_1178 = tpu.vector_load %arg7[%get3A_1176, %get3A_1177] {strides = array<i32>} : memref<1600x32xf32, #tpu.memory_space<vmem>>, vector<1x16xf32>,
        %get3A_1179 = vector.shape_cast %get3A_1178 : vector<1x16xf32> to vector<16xf32>
        %add3A_1180 = arith.addf %add3A_1166, %get3A_1179 : vector<16xf32>
        %get3A_1181 = arith.index_cast %add3A_1175 : i32 to index
        %get3A_1182 = arith.constant 16 : index
        %get3A_1183 = tpu.vector_load %arg7[%get3A_1181, %get3A_1182] {strides = array<i32>} : memref<1600x32xf32, #tpu.memory_space<vmem>>, vector<1x16xf32>,
        %get3A_1184 = vector.shape_cast %get3A_1183 : vector<1x16xf32> to vector<16xf32>
        %add3A_1185 = arith.addf %add3A_1171, %get3A_1184 : vector<16xf32>
        %scan3A_1186 = arith.constant 7 : i32
        %scan3A_1187 = arith.addi %scan3A_1088, %scan3A_1186 : i32
        %add3A_1188 = arith.constant 200 : i32
        %add3A_1189 = arith.addi %add3A_1188, %scan3A_1187 : i32
        %get3A_1190 = arith.index_cast %add3A_1189 : i32 to index
        %get3A_1191 = arith.constant 0 : index
        %get3A_1192 = tpu.vector_load %arg7[%get3A_1190, %get3A_1191] {strides = array<i32>} : memref<1600x32xf32, #tpu.memory_space<vmem>>, vector<1x16xf32>,
        %get3A_1193 = vector.shape_cast %get3A_1192 : vector<1x16xf32> to vector<16xf32>
        %add3A_1194 = arith.addf %add3A_1180, %get3A_1193 : vector<16xf32>
        %get3A_1195 = arith.index_cast %add3A_1189 : i32 to index
        %get3A_1196 = arith.constant 16 : index
        %get3A_1197 = tpu.vector_load %arg7[%get3A_1195, %get3A_1196] {strides = array<i32>} : memref<1600x32xf32, #tpu.memory_space<vmem>>, vector<1x16xf32>,
        %get3A_1198 = vector.shape_cast %get3A_1197 : vector<1x16xf32> to vector<16xf32>
        %add3A_1199 = arith.addf %add3A_1185, %get3A_1198 : vector<16xf32>
        scf.yield %add3A_1194, %add3A_1199 : vector<16xf32>, vector<16xf32>
      }
      %scan3A_561 = arith.constant 200 : i32
      %add3A_562 = arith.constant 1 : i32
      %add3A_563 = arith.addi %mul3A_536, %add3A_562 : i32
      %swap3A_564 = arith.index_cast %add3A_563 : i32 to index
      %swap3A_565 = arith.constant 0 : index
      %swap3A_566 = tpu.vector_load %arg9[%swap3A_564, %swap3A_565] {strides = array<i32>} : memref<64x32xf32, #tpu.memory_space<vmem>>, vector<1x16xf32>,
      %swap3A_567 = vector.shape_cast %swap3A_566 : vector<1x16xf32> to vector<16xf32>
      %swap3A_568 = vector.shape_cast %scan3A_560#0 : vector<16xf32> to vector<1x16xf32>
      tpu.vector_store %arg9[%swap3A_564, %swap3A_565], %swap3A_568 {strides = array<i32>} : memref<64x32xf32, #tpu.memory_space<vmem>>, vector<1x16xf32>,
      %add3A_569 = arith.constant 1 : i32
      %add3A_570 = arith.addi %mul3A_536, %add3A_569 : i32
      %swap3A_571 = arith.index_cast %add3A_570 : i32 to index
      %swap3A_572 = arith.constant 16 : index
      %swap3A_573 = tpu.vector_load %arg9[%swap3A_571, %swap3A_572] {strides = array<i32>} : memref<64x32xf32, #tpu.memory_space<vmem>>, vector<1x16xf32>,
      %swap3A_574 = vector.shape_cast %swap3A_573 : vector<1x16xf32> to vector<16xf32>
      %swap3A_575 = vector.shape_cast %scan3A_560#1 : vector<16xf32> to vector<1x16xf32>
      tpu.vector_store %arg9[%swap3A_571, %swap3A_572], %swap3A_575 {strides = array<i32>} : memref<64x32xf32, #tpu.memory_space<vmem>>, vector<1x16xf32>,
      %scan3A_576 = arith.constant 0 : i32
      %scan3A_577 = arith.constant 200 : i32
      %scan3A_578 = arith.addi %scan3A_576, %scan3A_577 : i32
      %scan3A_579 = arith.constant 8 : i32
      %scan3A_580:2 = scf.for %scan3A_1088 = %scan3A_576 to %scan3A_578 step %scan3A_579 iter_args(%scan3A_1089 = %broadcast_in_dim3A_3, %scan3A_1090 = %broadcast_in_dim3A_3) -> (vector<16xf32>, vector<16xf32>)  : i32 {
        %add3A_1091 = arith.constant 400 : i32
        %add3A_1092 = arith.addi %add3A_1091, %scan3A_1088 : i32
        %get3A = arith.index_cast %add3A_1092 : i32 to index
        %get3A_1093 = arith.constant 0 : index
        %get3A_1094 = tpu.vector_load %arg7[%get3A, %get3A_1093] {strides = array<i32>} : memref<1600x32xf32, #tpu.memory_space<vmem>>, vector<1x16xf32>,
        %get3A_1095 = vector.shape_cast %get3A_1094 : vector<1x16xf32> to vector<16xf32>
        %add3A_1096 = arith.addf %scan3A_1089, %get3A_1095 : vector<16xf32>
        %get3A_1097 = arith.index_cast %add3A_1092 : i32 to index
        %get3A_1098 = arith.constant 16 : index
        %get3A_1099 = tpu.vector_load %arg7[%get3A_1097, %get3A_1098] {strides = array<i32>} : memref<1600x32xf32, #tpu.memory_space<vmem>>, vector<1x16xf32>,
        %get3A_1100 = vector.shape_cast %get3A_1099 : vector<1x16xf32> to vector<16xf32>
        %add3A_1101 = arith.addf %scan3A_1090, %get3A_1100 : vector<16xf32>
        %scan3A_1102 = arith.constant 1 : i32
        %scan3A_1103 = arith.addi %scan3A_1088, %scan3A_1102 : i32
        %add3A_1104 = arith.constant 400 : i32
        %add3A_1105 = arith.addi %add3A_1104, %scan3A_1103 : i32
        %get3A_1106 = arith.index_cast %add3A_1105 : i32 to index
        %get3A_1107 = arith.constant 0 : index
        %get3A_1108 = tpu.vector_load %arg7[%get3A_1106, %get3A_1107] {strides = array<i32>} : memref<1600x32xf32, #tpu.memory_space<vmem>>, vector<1x16xf32>,
        %get3A_1109 = vector.shape_cast %get3A_1108 : vector<1x16xf32> to vector<16xf32>
        %add3A_1110 = arith.addf %add3A_1096, %get3A_1109 : vector<16xf32>
        %get3A_1111 = arith.index_cast %add3A_1105 : i32 to index
        %get3A_1112 = arith.constant 16 : index
        %get3A_1113 = tpu.vector_load %arg7[%get3A_1111, %get3A_1112] {strides = array<i32>} : memref<1600x32xf32, #tpu.memory_space<vmem>>, vector<1x16xf32>,
        %get3A_1114 = vector.shape_cast %get3A_1113 : vector<1x16xf32> to vector<16xf32>
        %add3A_1115 = arith.addf %add3A_1101, %get3A_1114 : vector<16xf32>
        %scan3A_1116 = arith.constant 2 : i32
        %scan3A_1117 = arith.addi %scan3A_1088, %scan3A_1116 : i32
        %add3A_1118 = arith.constant 400 : i32
        %add3A_1119 = arith.addi %add3A_1118, %scan3A_1117 : i32
        %get3A_1120 = arith.index_cast %add3A_1119 : i32 to index
        %get3A_1121 = arith.constant 0 : index
        %get3A_1122 = tpu.vector_load %arg7[%get3A_1120, %get3A_1121] {strides = array<i32>} : memref<1600x32xf32, #tpu.memory_space<vmem>>, vector<1x16xf32>,
        %get3A_1123 = vector.shape_cast %get3A_1122 : vector<1x16xf32> to vector<16xf32>
        %add3A_1124 = arith.addf %add3A_1110, %get3A_1123 : vector<16xf32>
        %get3A_1125 = arith.index_cast %add3A_1119 : i32 to index
        %get3A_1126 = arith.constant 16 : index
        %get3A_1127 = tpu.vector_load %arg7[%get3A_1125, %get3A_1126] {strides = array<i32>} : memref<1600x32xf32, #tpu.memory_space<vmem>>, vector<1x16xf32>,
        %get3A_1128 = vector.shape_cast %get3A_1127 : vector<1x16xf32> to vector<16xf32>
        %add3A_1129 = arith.addf %add3A_1115, %get3A_1128 : vector<16xf32>
        %scan3A_1130 = arith.constant 3 : i32
        %scan3A_1131 = arith.addi %scan3A_1088, %scan3A_1130 : i32
        %add3A_1132 = arith.constant 400 : i32
        %add3A_1133 = arith.addi %add3A_1132, %scan3A_1131 : i32
        %get3A_1134 = arith.index_cast %add3A_1133 : i32 to index
        %get3A_1135 = arith.constant 0 : index
        %get3A_1136 = tpu.vector_load %arg7[%get3A_1134, %get3A_1135] {strides = array<i32>} : memref<1600x32xf32, #tpu.memory_space<vmem>>, vector<1x16xf32>,
        %get3A_1137 = vector.shape_cast %get3A_1136 : vector<1x16xf32> to vector<16xf32>
        %add3A_1138 = arith.addf %add3A_1124, %get3A_1137 : vector<16xf32>
        %get3A_1139 = arith.index_cast %add3A_1133 : i32 to index
        %get3A_1140 = arith.constant 16 : index
        %get3A_1141 = tpu.vector_load %arg7[%get3A_1139, %get3A_1140] {strides = array<i32>} : memref<1600x32xf32, #tpu.memory_space<vmem>>, vector<1x16xf32>,
        %get3A_1142 = vector.shape_cast %get3A_1141 : vector<1x16xf32> to vector<16xf32>
        %add3A_1143 = arith.addf %add3A_1129, %get3A_1142 : vector<16xf32>
        %scan3A_1144 = arith.constant 4 : i32
        %scan3A_1145 = arith.addi %scan3A_1088, %scan3A_1144 : i32
        %add3A_1146 = arith.constant 400 : i32
        %add3A_1147 = arith.addi %add3A_1146, %scan3A_1145 : i32
        %get3A_1148 = arith.index_cast %add3A_1147 : i32 to index
        %get3A_1149 = arith.constant 0 : index
        %get3A_1150 = tpu.vector_load %arg7[%get3A_1148, %get3A_1149] {strides = array<i32>} : memref<1600x32xf32, #tpu.memory_space<vmem>>, vector<1x16xf32>,
        %get3A_1151 = vector.shape_cast %get3A_1150 : vector<1x16xf32> to vector<16xf32>
        %add3A_1152 = arith.addf %add3A_1138, %get3A_1151 : vector<16xf32>
        %get3A_1153 = arith.index_cast %add3A_1147 : i32 to index
        %get3A_1154 = arith.constant 16 : index
        %get3A_1155 = tpu.vector_load %arg7[%get3A_1153, %get3A_1154] {strides = array<i32>} : memref<1600x32xf32, #tpu.memory_space<vmem>>, vector<1x16xf32>,
        %get3A_1156 = vector.shape_cast %get3A_1155 : vector<1x16xf32> to vector<16xf32>
        %add3A_1157 = arith.addf %add3A_1143, %get3A_1156 : vector<16xf32>
        %scan3A_1158 = arith.constant 5 : i32
        %scan3A_1159 = arith.addi %scan3A_1088, %scan3A_1158 : i32
        %add3A_1160 = arith.constant 400 : i32
        %add3A_1161 = arith.addi %add3A_1160, %scan3A_1159 : i32
        %get3A_1162 = arith.index_cast %add3A_1161 : i32 to index
        %get3A_1163 = arith.constant 0 : index
        %get3A_1164 = tpu.vector_load %arg7[%get3A_1162, %get3A_1163] {strides = array<i32>} : memref<1600x32xf32, #tpu.memory_space<vmem>>, vector<1x16xf32>,
        %get3A_1165 = vector.shape_cast %get3A_1164 : vector<1x16xf32> to vector<16xf32>
        %add3A_1166 = arith.addf %add3A_1152, %get3A_1165 : vector<16xf32>
        %get3A_1167 = arith.index_cast %add3A_1161 : i32 to index
        %get3A_1168 = arith.constant 16 : index
        %get3A_1169 = tpu.vector_load %arg7[%get3A_1167, %get3A_1168] {strides = array<i32>} : memref<1600x32xf32, #tpu.memory_space<vmem>>, vector<1x16xf32>,
        %get3A_1170 = vector.shape_cast %get3A_1169 : vector<1x16xf32> to vector<16xf32>
        %add3A_1171 = arith.addf %add3A_1157, %get3A_1170 : vector<16xf32>
        %scan3A_1172 = arith.constant 6 : i32
        %scan3A_1173 = arith.addi %scan3A_1088, %scan3A_1172 : i32
        %add3A_1174 = arith.constant 400 : i32
        %add3A_1175 = arith.addi %add3A_1174, %scan3A_1173 : i32
        %get3A_1176 = arith.index_cast %add3A_1175 : i32 to index
        %get3A_1177 = arith.constant 0 : index
        %get3A_1178 = tpu.vector_load %arg7[%get3A_1176, %get3A_1177] {strides = array<i32>} : memref<1600x32xf32, #tpu.memory_space<vmem>>, vector<1x16xf32>,
        %get3A_1179 = vector.shape_cast %get3A_1178 : vector<1x16xf32> to vector<16xf32>
        %add3A_1180 = arith.addf %add3A_1166, %get3A_1179 : vector<16xf32>
        %get3A_1181 = arith.index_cast %add3A_1175 : i32 to index
        %get3A_1182 = arith.constant 16 : index
        %get3A_1183 = tpu.vector_load %arg7[%get3A_1181, %get3A_1182] {strides = array<i32>} : memref<1600x32xf32, #tpu.memory_space<vmem>>, vector<1x16xf32>,
        %get3A_1184 = vector.shape_cast %get3A_1183 : vector<1x16xf32> to vector<16xf32>
        %add3A_1185 = arith.addf %add3A_1171, %get3A_1184 : vector<16xf32>
        %scan3A_1186 = arith.constant 7 : i32
        %scan3A_1187 = arith.addi %scan3A_1088, %scan3A_1186 : i32
        %add3A_1188 = arith.constant 400 : i32
        %add3A_1189 = arith.addi %add3A_1188, %scan3A_1187 : i32
        %get3A_1190 = arith.index_cast %add3A_1189 : i32 to index
        %get3A_1191 = arith.constant 0 : index
        %get3A_1192 = tpu.vector_load %arg7[%get3A_1190, %get3A_1191] {strides = array<i32>} : memref<1600x32xf32, #tpu.memory_space<vmem>>, vector<1x16xf32>,
        %get3A_1193 = vector.shape_cast %get3A_1192 : vector<1x16xf32> to vector<16xf32>
        %add3A_1194 = arith.addf %add3A_1180, %get3A_1193 : vector<16xf32>
        %get3A_1195 = arith.index_cast %add3A_1189 : i32 to index
        %get3A_1196 = arith.constant 16 : index
        %get3A_1197 = tpu.vector_load %arg7[%get3A_1195, %get3A_1196] {strides = array<i32>} : memref<1600x32xf32, #tpu.memory_space<vmem>>, vector<1x16xf32>,
        %get3A_1198 = vector.shape_cast %get3A_1197 : vector<1x16xf32> to vector<16xf32>
        %add3A_1199 = arith.addf %add3A_1185, %get3A_1198 : vector<16xf32>
        scf.yield %add3A_1194, %add3A_1199 : vector<16xf32>, vector<16xf32>
      }
      %scan3A_581 = arith.constant 200 : i32
      %add3A_582 = arith.constant 2 : i32
      %add3A_583 = arith.addi %mul3A_536, %add3A_582 : i32
      %swap3A_584 = arith.index_cast %add3A_583 : i32 to index
      %swap3A_585 = arith.constant 0 : index
      %swap3A_586 = tpu.vector_load %arg9[%swap3A_584, %swap3A_585] {strides = array<i32>} : memref<64x32xf32, #tpu.memory_space<vmem>>, vector<1x16xf32>,
      %swap3A_587 = vector.shape_cast %swap3A_586 : vector<1x16xf32> to vector<16xf32>
      %swap3A_588 = vector.shape_cast %scan3A_580#0 : vector<16xf32> to vector<1x16xf32>
      tpu.vector_store %arg9[%swap3A_584, %swap3A_585], %swap3A_588 {strides = array<i32>} : memref<64x32xf32, #tpu.memory_space<vmem>>, vector<1x16xf32>,
      %add3A_589 = arith.constant 2 : i32
      %add3A_590 = arith.addi %mul3A_536, %add3A_589 : i32
      %swap3A_591 = arith.index_cast %add3A_590 : i32 to index
      %swap3A_592 = arith.constant 16 : index
      %swap3A_593 = tpu.vector_load %arg9[%swap3A_591, %swap3A_592] {strides = array<i32>} : memref<64x32xf32, #tpu.memory_space<vmem>>, vector<1x16xf32>,
      %swap3A_594 = vector.shape_cast %swap3A_593 : vector<1x16xf32> to vector<16xf32>
      %swap3A_595 = vector.shape_cast %scan3A_580#1 : vector<16xf32> to vector<1x16xf32>
      tpu.vector_store %arg9[%swap3A_591, %swap3A_592], %swap3A_595 {strides = array<i32>} : memref<64x32xf32, #tpu.memory_space<vmem>>, vector<1x16xf32>,
      %scan3A_596 = arith.constant 0 : i32
      %scan3A_597 = arith.constant 200 : i32
      %scan3A_598 = arith.addi %scan3A_596, %scan3A_597 : i32
      %scan3A_599 = arith.constant 8 : i32
      %scan3A_600:2 = scf.for %scan3A_1088 = %scan3A_596 to %scan3A_598 step %scan3A_599 iter_args(%scan3A_1089 = %broadcast_in_dim3A_3, %scan3A_1090 = %broadcast_in_dim3A_3) -> (vector<16xf32>, vector<16xf32>)  : i32 {
        %add3A_1091 = arith.constant 600 : i32
        %add3A_1092 = arith.addi %add3A_1091, %scan3A_1088 : i32
        %get3A = arith.index_cast %add3A_1092 : i32 to index
        %get3A_1093 = arith.constant 0 : index
        %get3A_1094 = tpu.vector_load %arg7[%get3A, %get3A_1093] {strides = array<i32>} : memref<1600x32xf32, #tpu.memory_space<vmem>>, vector<1x16xf32>,
        %get3A_1095 = vector.shape_cast %get3A_1094 : vector<1x16xf32> to vector<16xf32>
        %add3A_1096 = arith.addf %scan3A_1089, %get3A_1095 : vector<16xf32>
        %get3A_1097 = arith.index_cast %add3A_1092 : i32 to index
        %get3A_1098 = arith.constant 16 : index
        %get3A_1099 = tpu.vector_load %arg7[%get3A_1097, %get3A_1098] {strides = array<i32>} : memref<1600x32xf32, #tpu.memory_space<vmem>>, vector<1x16xf32>,
        %get3A_1100 = vector.shape_cast %get3A_1099 : vector<1x16xf32> to vector<16xf32>
        %add3A_1101 = arith.addf %scan3A_1090, %get3A_1100 : vector<16xf32>
        %scan3A_1102 = arith.constant 1 : i32
        %scan3A_1103 = arith.addi %scan3A_1088, %scan3A_1102 : i32
        %add3A_1104 = arith.constant 600 : i32
        %add3A_1105 = arith.addi %add3A_1104, %scan3A_1103 : i32
        %get3A_1106 = arith.index_cast %add3A_1105 : i32 to index
        %get3A_1107 = arith.constant 0 : index
        %get3A_1108 = tpu.vector_load %arg7[%get3A_1106, %get3A_1107] {strides = array<i32>} : memref<1600x32xf32, #tpu.memory_space<vmem>>, vector<1x16xf32>,
        %get3A_1109 = vector.shape_cast %get3A_1108 : vector<1x16xf32> to vector<16xf32>
        %add3A_1110 = arith.addf %add3A_1096, %get3A_1109 : vector<16xf32>
        %get3A_1111 = arith.index_cast %add3A_1105 : i32 to index
        %get3A_1112 = arith.constant 16 : index
        %get3A_1113 = tpu.vector_load %arg7[%get3A_1111, %get3A_1112] {strides = array<i32>} : memref<1600x32xf32, #tpu.memory_space<vmem>>, vector<1x16xf32>,
        %get3A_1114 = vector.shape_cast %get3A_1113 : vector<1x16xf32> to vector<16xf32>
        %add3A_1115 = arith.addf %add3A_1101, %get3A_1114 : vector<16xf32>
        %scan3A_1116 = arith.constant 2 : i32
        %scan3A_1117 = arith.addi %scan3A_1088, %scan3A_1116 : i32
        %add3A_1118 = arith.constant 600 : i32
        %add3A_1119 = arith.addi %add3A_1118, %scan3A_1117 : i32
        %get3A_1120 = arith.index_cast %add3A_1119 : i32 to index
        %get3A_1121 = arith.constant 0 : index
        %get3A_1122 = tpu.vector_load %arg7[%get3A_1120, %get3A_1121] {strides = array<i32>} : memref<1600x32xf32, #tpu.memory_space<vmem>>, vector<1x16xf32>,
        %get3A_1123 = vector.shape_cast %get3A_1122 : vector<1x16xf32> to vector<16xf32>
        %add3A_1124 = arith.addf %add3A_1110, %get3A_1123 : vector<16xf32>
        %get3A_1125 = arith.index_cast %add3A_1119 : i32 to index
        %get3A_1126 = arith.constant 16 : index
        %get3A_1127 = tpu.vector_load %arg7[%get3A_1125, %get3A_1126] {strides = array<i32>} : memref<1600x32xf32, #tpu.memory_space<vmem>>, vector<1x16xf32>,
        %get3A_1128 = vector.shape_cast %get3A_1127 : vector<1x16xf32> to vector<16xf32>
        %add3A_1129 = arith.addf %add3A_1115, %get3A_1128 : vector<16xf32>
        %scan3A_1130 = arith.constant 3 : i32
        %scan3A_1131 = arith.addi %scan3A_1088, %scan3A_1130 : i32
        %add3A_1132 = arith.constant 600 : i32
        %add3A_1133 = arith.addi %add3A_1132, %scan3A_1131 : i32
        %get3A_1134 = arith.index_cast %add3A_1133 : i32 to index
        %get3A_1135 = arith.constant 0 : index
        %get3A_1136 = tpu.vector_load %arg7[%get3A_1134, %get3A_1135] {strides = array<i32>} : memref<1600x32xf32, #tpu.memory_space<vmem>>, vector<1x16xf32>,
        %get3A_1137 = vector.shape_cast %get3A_1136 : vector<1x16xf32> to vector<16xf32>
        %add3A_1138 = arith.addf %add3A_1124, %get3A_1137 : vector<16xf32>
        %get3A_1139 = arith.index_cast %add3A_1133 : i32 to index
        %get3A_1140 = arith.constant 16 : index
        %get3A_1141 = tpu.vector_load %arg7[%get3A_1139, %get3A_1140] {strides = array<i32>} : memref<1600x32xf32, #tpu.memory_space<vmem>>, vector<1x16xf32>,
        %get3A_1142 = vector.shape_cast %get3A_1141 : vector<1x16xf32> to vector<16xf32>
        %add3A_1143 = arith.addf %add3A_1129, %get3A_1142 : vector<16xf32>
        %scan3A_1144 = arith.constant 4 : i32
        %scan3A_1145 = arith.addi %scan3A_1088, %scan3A_1144 : i32
        %add3A_1146 = arith.constant 600 : i32
        %add3A_1147 = arith.addi %add3A_1146, %scan3A_1145 : i32
        %get3A_1148 = arith.index_cast %add3A_1147 : i32 to index
        %get3A_1149 = arith.constant 0 : index
        %get3A_1150 = tpu.vector_load %arg7[%get3A_1148, %get3A_1149] {strides = array<i32>} : memref<1600x32xf32, #tpu.memory_space<vmem>>, vector<1x16xf32>,
        %get3A_1151 = vector.shape_cast %get3A_1150 : vector<1x16xf32> to vector<16xf32>
        %add3A_1152 = arith.addf %add3A_1138, %get3A_1151 : vector<16xf32>
        %get3A_1153 = arith.index_cast %add3A_1147 : i32 to index
        %get3A_1154 = arith.constant 16 : index
        %get3A_1155 = tpu.vector_load %arg7[%get3A_1153, %get3A_1154] {strides = array<i32>} : memref<1600x32xf32, #tpu.memory_space<vmem>>, vector<1x16xf32>,
        %get3A_1156 = vector.shape_cast %get3A_1155 : vector<1x16xf32> to vector<16xf32>
        %add3A_1157 = arith.addf %add3A_1143, %get3A_1156 : vector<16xf32>
        %scan3A_1158 = arith.constant 5 : i32
        %scan3A_1159 = arith.addi %scan3A_1088, %scan3A_1158 : i32
        %add3A_1160 = arith.constant 600 : i32
        %add3A_1161 = arith.addi %add3A_1160, %scan3A_1159 : i32
        %get3A_1162 = arith.index_cast %add3A_1161 : i32 to index
        %get3A_1163 = arith.constant 0 : index
        %get3A_1164 = tpu.vector_load %arg7[%get3A_1162, %get3A_1163] {strides = array<i32>} : memref<1600x32xf32, #tpu.memory_space<vmem>>, vector<1x16xf32>,
        %get3A_1165 = vector.shape_cast %get3A_1164 : vector<1x16xf32> to vector<16xf32>
        %add3A_1166 = arith.addf %add3A_1152, %get3A_1165 : vector<16xf32>
        %get3A_1167 = arith.index_cast %add3A_1161 : i32 to index
        %get3A_1168 = arith.constant 16 : index
        %get3A_1169 = tpu.vector_load %arg7[%get3A_1167, %get3A_1168] {strides = array<i32>} : memref<1600x32xf32, #tpu.memory_space<vmem>>, vector<1x16xf32>,
        %get3A_1170 = vector.shape_cast %get3A_1169 : vector<1x16xf32> to vector<16xf32>
        %add3A_1171 = arith.addf %add3A_1157, %get3A_1170 : vector<16xf32>
        %scan3A_1172 = arith.constant 6 : i32
        %scan3A_1173 = arith.addi %scan3A_1088, %scan3A_1172 : i32
        %add3A_1174 = arith.constant 600 : i32
        %add3A_1175 = arith.addi %add3A_1174, %scan3A_1173 : i32
        %get3A_1176 = arith.index_cast %add3A_1175 : i32 to index
        %get3A_1177 = arith.constant 0 : index
        %get3A_1178 = tpu.vector_load %arg7[%get3A_1176, %get3A_1177] {strides = array<i32>} : memref<1600x32xf32, #tpu.memory_space<vmem>>, vector<1x16xf32>,
        %get3A_1179 = vector.shape_cast %get3A_1178 : vector<1x16xf32> to vector<16xf32>
        %add3A_1180 = arith.addf %add3A_1166, %get3A_1179 : vector<16xf32>
        %get3A_1181 = arith.index_cast %add3A_1175 : i32 to index
        %get3A_1182 = arith.constant 16 : index
        %get3A_1183 = tpu.vector_load %arg7[%get3A_1181, %get3A_1182] {strides = array<i32>} : memref<1600x32xf32, #tpu.memory_space<vmem>>, vector<1x16xf32>,
        %get3A_1184 = vector.shape_cast %get3A_1183 : vector<1x16xf32> to vector<16xf32>
        %add3A_1185 = arith.addf %add3A_1171, %get3A_1184 : vector<16xf32>
        %scan3A_1186 = arith.constant 7 : i32
        %scan3A_1187 = arith.addi %scan3A_1088, %scan3A_1186 : i32
        %add3A_1188 = arith.constant 600 : i32
        %add3A_1189 = arith.addi %add3A_1188, %scan3A_1187 : i32
        %get3A_1190 = arith.index_cast %add3A_1189 : i32 to index
        %get3A_1191 = arith.constant 0 : index
        %get3A_1192 = tpu.vector_load %arg7[%get3A_1190, %get3A_1191] {strides = array<i32>} : memref<1600x32xf32, #tpu.memory_space<vmem>>, vector<1x16xf32>,
        %get3A_1193 = vector.shape_cast %get3A_1192 : vector<1x16xf32> to vector<16xf32>
        %add3A_1194 = arith.addf %add3A_1180, %get3A_1193 : vector<16xf32>
        %get3A_1195 = arith.index_cast %add3A_1189 : i32 to index
        %get3A_1196 = arith.constant 16 : index
        %get3A_1197 = tpu.vector_load %arg7[%get3A_1195, %get3A_1196] {strides = array<i32>} : memref<1600x32xf32, #tpu.memory_space<vmem>>, vector<1x16xf32>,
        %get3A_1198 = vector.shape_cast %get3A_1197 : vector<1x16xf32> to vector<16xf32>
        %add3A_1199 = arith.addf %add3A_1185, %get3A_1198 : vector<16xf32>
        scf.yield %add3A_1194, %add3A_1199 : vector<16xf32>, vector<16xf32>
      }
      %scan3A_601 = arith.constant 200 : i32
      %add3A_602 = arith.constant 3 : i32
      %add3A_603 = arith.addi %mul3A_536, %add3A_602 : i32
      %swap3A_604 = arith.index_cast %add3A_603 : i32 to index
      %swap3A_605 = arith.constant 0 : index
      %swap3A_606 = tpu.vector_load %arg9[%swap3A_604, %swap3A_605] {strides = array<i32>} : memref<64x32xf32, #tpu.memory_space<vmem>>, vector<1x16xf32>,
      %swap3A_607 = vector.shape_cast %swap3A_606 : vector<1x16xf32> to vector<16xf32>
      %swap3A_608 = vector.shape_cast %scan3A_600#0 : vector<16xf32> to vector<1x16xf32>
      tpu.vector_store %arg9[%swap3A_604, %swap3A_605], %swap3A_608 {strides = array<i32>} : memref<64x32xf32, #tpu.memory_space<vmem>>, vector<1x16xf32>,
      %add3A_609 = arith.constant 3 : i32
      %add3A_610 = arith.addi %mul3A_536, %add3A_609 : i32
      %swap3A_611 = arith.index_cast %add3A_610 : i32 to index
      %swap3A_612 = arith.constant 16 : index
      %swap3A_613 = tpu.vector_load %arg9[%swap3A_611, %swap3A_612] {strides = array<i32>} : memref<64x32xf32, #tpu.memory_space<vmem>>, vector<1x16xf32>,
      %swap3A_614 = vector.shape_cast %swap3A_613 : vector<1x16xf32> to vector<16xf32>
      %swap3A_615 = vector.shape_cast %scan3A_600#1 : vector<16xf32> to vector<1x16xf32>
      tpu.vector_store %arg9[%swap3A_611, %swap3A_612], %swap3A_615 {strides = array<i32>} : memref<64x32xf32, #tpu.memory_space<vmem>>, vector<1x16xf32>,
      %scan3A_616 = arith.constant 0 : i32
      %scan3A_617 = arith.constant 200 : i32
      %scan3A_618 = arith.addi %scan3A_616, %scan3A_617 : i32
      %scan3A_619 = arith.constant 8 : i32
      %scan3A_620:2 = scf.for %scan3A_1088 = %scan3A_616 to %scan3A_618 step %scan3A_619 iter_args(%scan3A_1089 = %broadcast_in_dim3A_3, %scan3A_1090 = %broadcast_in_dim3A_3) -> (vector<16xf32>, vector<16xf32>)  : i32 {
        %add3A_1091 = arith.constant 800 : i32
        %add3A_1092 = arith.addi %add3A_1091, %scan3A_1088 : i32
        %get3A = arith.index_cast %add3A_1092 : i32 to index
        %get3A_1093 = arith.constant 0 : index
        %get3A_1094 = tpu.vector_load %arg7[%get3A, %get3A_1093] {strides = array<i32>} : memref<1600x32xf32, #tpu.memory_space<vmem>>, vector<1x16xf32>,
        %get3A_1095 = vector.shape_cast %get3A_1094 : vector<1x16xf32> to vector<16xf32>
        %add3A_1096 = arith.addf %scan3A_1089, %get3A_1095 : vector<16xf32>
        %get3A_1097 = arith.index_cast %add3A_1092 : i32 to index
        %get3A_1098 = arith.constant 16 : index
        %get3A_1099 = tpu.vector_load %arg7[%get3A_1097, %get3A_1098] {strides = array<i32>} : memref<1600x32xf32, #tpu.memory_space<vmem>>, vector<1x16xf32>,
        %get3A_1100 = vector.shape_cast %get3A_1099 : vector<1x16xf32> to vector<16xf32>
        %add3A_1101 = arith.addf %scan3A_1090, %get3A_1100 : vector<16xf32>
        %scan3A_1102 = arith.constant 1 : i32
        %scan3A_1103 = arith.addi %scan3A_1088, %scan3A_1102 : i32
        %add3A_1104 = arith.constant 800 : i32
        %add3A_1105 = arith.addi %add3A_1104, %scan3A_1103 : i32
        %get3A_1106 = arith.index_cast %add3A_1105 : i32 to index
        %get3A_1107 = arith.constant 0 : index
        %get3A_1108 = tpu.vector_load %arg7[%get3A_1106, %get3A_1107] {strides = array<i32>} : memref<1600x32xf32, #tpu.memory_space<vmem>>, vector<1x16xf32>,
        %get3A_1109 = vector.shape_cast %get3A_1108 : vector<1x16xf32> to vector<16xf32>
        %add3A_1110 = arith.addf %add3A_1096, %get3A_1109 : vector<16xf32>
        %get3A_1111 = arith.index_cast %add3A_1105 : i32 to index
        %get3A_1112 = arith.constant 16 : index
        %get3A_1113 = tpu.vector_load %arg7[%get3A_1111, %get3A_1112] {strides = array<i32>} : memref<1600x32xf32, #tpu.memory_space<vmem>>, vector<1x16xf32>,
        %get3A_1114 = vector.shape_cast %get3A_1113 : vector<1x16xf32> to vector<16xf32>
        %add3A_1115 = arith.addf %add3A_1101, %get3A_1114 : vector<16xf32>
        %scan3A_1116 = arith.constant 2 : i32
        %scan3A_1117 = arith.addi %scan3A_1088, %scan3A_1116 : i32
        %add3A_1118 = arith.constant 800 : i32
        %add3A_1119 = arith.addi %add3A_1118, %scan3A_1117 : i32
        %get3A_1120 = arith.index_cast %add3A_1119 : i32 to index
        %get3A_1121 = arith.constant 0 : index
        %get3A_1122 = tpu.vector_load %arg7[%get3A_1120, %get3A_1121] {strides = array<i32>} : memref<1600x32xf32, #tpu.memory_space<vmem>>, vector<1x16xf32>,
        %get3A_1123 = vector.shape_cast %get3A_1122 : vector<1x16xf32> to vector<16xf32>
        %add3A_1124 = arith.addf %add3A_1110, %get3A_1123 : vector<16xf32>
        %get3A_1125 = arith.index_cast %add3A_1119 : i32 to index
        %get3A_1126 = arith.constant 16 : index
        %get3A_1127 = tpu.vector_load %arg7[%get3A_1125, %get3A_1126] {strides = array<i32>} : memref<1600x32xf32, #tpu.memory_space<vmem>>, vector<1x16xf32>,
        %get3A_1128 = vector.shape_cast %get3A_1127 : vector<1x16xf32> to vector<16xf32>
        %add3A_1129 = arith.addf %add3A_1115, %get3A_1128 : vector<16xf32>
        %scan3A_1130 = arith.constant 3 : i32
        %scan3A_1131 = arith.addi %scan3A_1088, %scan3A_1130 : i32
        %add3A_1132 = arith.constant 800 : i32
        %add3A_1133 = arith.addi %add3A_1132, %scan3A_1131 : i32
        %get3A_1134 = arith.index_cast %add3A_1133 : i32 to index
        %get3A_1135 = arith.constant 0 : index
        %get3A_1136 = tpu.vector_load %arg7[%get3A_1134, %get3A_1135] {strides = array<i32>} : memref<1600x32xf32, #tpu.memory_space<vmem>>, vector<1x16xf32>,
        %get3A_1137 = vector.shape_cast %get3A_1136 : vector<1x16xf32> to vector<16xf32>
        %add3A_1138 = arith.addf %add3A_1124, %get3A_1137 : vector<16xf32>
        %get3A_1139 = arith.index_cast %add3A_1133 : i32 to index
        %get3A_1140 = arith.constant 16 : index
        %get3A_1141 = tpu.vector_load %arg7[%get3A_1139, %get3A_1140] {strides = array<i32>} : memref<1600x32xf32, #tpu.memory_space<vmem>>, vector<1x16xf32>,
        %get3A_1142 = vector.shape_cast %get3A_1141 : vector<1x16xf32> to vector<16xf32>
        %add3A_1143 = arith.addf %add3A_1129, %get3A_1142 : vector<16xf32>
        %scan3A_1144 = arith.constant 4 : i32
        %scan3A_1145 = arith.addi %scan3A_1088, %scan3A_1144 : i32
        %add3A_1146 = arith.constant 800 : i32
        %add3A_1147 = arith.addi %add3A_1146, %scan3A_1145 : i32
        %get3A_1148 = arith.index_cast %add3A_1147 : i32 to index
        %get3A_1149 = arith.constant 0 : index
        %get3A_1150 = tpu.vector_load %arg7[%get3A_1148, %get3A_1149] {strides = array<i32>} : memref<1600x32xf32, #tpu.memory_space<vmem>>, vector<1x16xf32>,
        %get3A_1151 = vector.shape_cast %get3A_1150 : vector<1x16xf32> to vector<16xf32>
        %add3A_1152 = arith.addf %add3A_1138, %get3A_1151 : vector<16xf32>
        %get3A_1153 = arith.index_cast %add3A_1147 : i32 to index
        %get3A_1154 = arith.constant 16 : index
        %get3A_1155 = tpu.vector_load %arg7[%get3A_1153, %get3A_1154] {strides = array<i32>} : memref<1600x32xf32, #tpu.memory_space<vmem>>, vector<1x16xf32>,
        %get3A_1156 = vector.shape_cast %get3A_1155 : vector<1x16xf32> to vector<16xf32>
        %add3A_1157 = arith.addf %add3A_1143, %get3A_1156 : vector<16xf32>
        %scan3A_1158 = arith.constant 5 : i32
        %scan3A_1159 = arith.addi %scan3A_1088, %scan3A_1158 : i32
        %add3A_1160 = arith.constant 800 : i32
        %add3A_1161 = arith.addi %add3A_1160, %scan3A_1159 : i32
        %get3A_1162 = arith.index_cast %add3A_1161 : i32 to index
        %get3A_1163 = arith.constant 0 : index
        %get3A_1164 = tpu.vector_load %arg7[%get3A_1162, %get3A_1163] {strides = array<i32>} : memref<1600x32xf32, #tpu.memory_space<vmem>>, vector<1x16xf32>,
        %get3A_1165 = vector.shape_cast %get3A_1164 : vector<1x16xf32> to vector<16xf32>
        %add3A_1166 = arith.addf %add3A_1152, %get3A_1165 : vector<16xf32>
        %get3A_1167 = arith.index_cast %add3A_1161 : i32 to index
        %get3A_1168 = arith.constant 16 : index
        %get3A_1169 = tpu.vector_load %arg7[%get3A_1167, %get3A_1168] {strides = array<i32>} : memref<1600x32xf32, #tpu.memory_space<vmem>>, vector<1x16xf32>,
        %get3A_1170 = vector.shape_cast %get3A_1169 : vector<1x16xf32> to vector<16xf32>
        %add3A_1171 = arith.addf %add3A_1157, %get3A_1170 : vector<16xf32>
        %scan3A_1172 = arith.constant 6 : i32
        %scan3A_1173 = arith.addi %scan3A_1088, %scan3A_1172 : i32
        %add3A_1174 = arith.constant 800 : i32
        %add3A_1175 = arith.addi %add3A_1174, %scan3A_1173 : i32
        %get3A_1176 = arith.index_cast %add3A_1175 : i32 to index
        %get3A_1177 = arith.constant 0 : index
        %get3A_1178 = tpu.vector_load %arg7[%get3A_1176, %get3A_1177] {strides = array<i32>} : memref<1600x32xf32, #tpu.memory_space<vmem>>, vector<1x16xf32>,
        %get3A_1179 = vector.shape_cast %get3A_1178 : vector<1x16xf32> to vector<16xf32>
        %add3A_1180 = arith.addf %add3A_1166, %get3A_1179 : vector<16xf32>
        %get3A_1181 = arith.index_cast %add3A_1175 : i32 to index
        %get3A_1182 = arith.constant 16 : index
        %get3A_1183 = tpu.vector_load %arg7[%get3A_1181, %get3A_1182] {strides = array<i32>} : memref<1600x32xf32, #tpu.memory_space<vmem>>, vector<1x16xf32>,
        %get3A_1184 = vector.shape_cast %get3A_1183 : vector<1x16xf32> to vector<16xf32>
        %add3A_1185 = arith.addf %add3A_1171, %get3A_1184 : vector<16xf32>
        %scan3A_1186 = arith.constant 7 : i32
        %scan3A_1187 = arith.addi %scan3A_1088, %scan3A_1186 : i32
        %add3A_1188 = arith.constant 800 : i32
        %add3A_1189 = arith.addi %add3A_1188, %scan3A_1187 : i32
        %get3A_1190 = arith.index_cast %add3A_1189 : i32 to index
        %get3A_1191 = arith.constant 0 : index
        %get3A_1192 = tpu.vector_load %arg7[%get3A_1190, %get3A_1191] {strides = array<i32>} : memref<1600x32xf32, #tpu.memory_space<vmem>>, vector<1x16xf32>,
        %get3A_1193 = vector.shape_cast %get3A_1192 : vector<1x16xf32> to vector<16xf32>
        %add3A_1194 = arith.addf %add3A_1180, %get3A_1193 : vector<16xf32>
        %get3A_1195 = arith.index_cast %add3A_1189 : i32 to index
        %get3A_1196 = arith.constant 16 : index
        %get3A_1197 = tpu.vector_load %arg7[%get3A_1195, %get3A_1196] {strides = array<i32>} : memref<1600x32xf32, #tpu.memory_space<vmem>>, vector<1x16xf32>,
        %get3A_1198 = vector.shape_cast %get3A_1197 : vector<1x16xf32> to vector<16xf32>
        %add3A_1199 = arith.addf %add3A_1185, %get3A_1198 : vector<16xf32>
        scf.yield %add3A_1194, %add3A_1199 : vector<16xf32>, vector<16xf32>
      }
      %scan3A_621 = arith.constant 200 : i32
      %add3A_622 = arith.constant 4 : i32
      %add3A_623 = arith.addi %mul3A_536, %add3A_622 : i32
      %swap3A_624 = arith.index_cast %add3A_623 : i32 to index
      %swap3A_625 = arith.constant 0 : index
      %swap3A_626 = tpu.vector_load %arg9[%swap3A_624, %swap3A_625] {strides = array<i32>} : memref<64x32xf32, #tpu.memory_space<vmem>>, vector<1x16xf32>,
      %swap3A_627 = vector.shape_cast %swap3A_626 : vector<1x16xf32> to vector<16xf32>
      %swap3A_628 = vector.shape_cast %scan3A_620#0 : vector<16xf32> to vector<1x16xf32>
      tpu.vector_store %arg9[%swap3A_624, %swap3A_625], %swap3A_628 {strides = array<i32>} : memref<64x32xf32, #tpu.memory_space<vmem>>, vector<1x16xf32>,
      %add3A_629 = arith.constant 4 : i32
      %add3A_630 = arith.addi %mul3A_536, %add3A_629 : i32
      %swap3A_631 = arith.index_cast %add3A_630 : i32 to index
      %swap3A_632 = arith.constant 16 : index
      %swap3A_633 = tpu.vector_load %arg9[%swap3A_631, %swap3A_632] {strides = array<i32>} : memref<64x32xf32, #tpu.memory_space<vmem>>, vector<1x16xf32>,
      %swap3A_634 = vector.shape_cast %swap3A_633 : vector<1x16xf32> to vector<16xf32>
      %swap3A_635 = vector.shape_cast %scan3A_620#1 : vector<16xf32> to vector<1x16xf32>
      tpu.vector_store %arg9[%swap3A_631, %swap3A_632], %swap3A_635 {strides = array<i32>} : memref<64x32xf32, #tpu.memory_space<vmem>>, vector<1x16xf32>,
      %scan3A_636 = arith.constant 0 : i32
      %scan3A_637 = arith.constant 200 : i32
      %scan3A_638 = arith.addi %scan3A_636, %scan3A_637 : i32
      %scan3A_639 = arith.constant 8 : i32
      %scan3A_640:2 = scf.for %scan3A_1088 = %scan3A_636 to %scan3A_638 step %scan3A_639 iter_args(%scan3A_1089 = %broadcast_in_dim3A_3, %scan3A_1090 = %broadcast_in_dim3A_3) -> (vector<16xf32>, vector<16xf32>)  : i32 {
        %add3A_1091 = arith.constant 1000 : i32
        %add3A_1092 = arith.addi %add3A_1091, %scan3A_1088 : i32
        %get3A = arith.index_cast %add3A_1092 : i32 to index
        %get3A_1093 = arith.constant 0 : index
        %get3A_1094 = tpu.vector_load %arg7[%get3A, %get3A_1093] {strides = array<i32>} : memref<1600x32xf32, #tpu.memory_space<vmem>>, vector<1x16xf32>,
        %get3A_1095 = vector.shape_cast %get3A_1094 : vector<1x16xf32> to vector<16xf32>
        %add3A_1096 = arith.addf %scan3A_1089, %get3A_1095 : vector<16xf32>
        %get3A_1097 = arith.index_cast %add3A_1092 : i32 to index
        %get3A_1098 = arith.constant 16 : index
        %get3A_1099 = tpu.vector_load %arg7[%get3A_1097, %get3A_1098] {strides = array<i32>} : memref<1600x32xf32, #tpu.memory_space<vmem>>, vector<1x16xf32>,
        %get3A_1100 = vector.shape_cast %get3A_1099 : vector<1x16xf32> to vector<16xf32>
        %add3A_1101 = arith.addf %scan3A_1090, %get3A_1100 : vector<16xf32>
        %scan3A_1102 = arith.constant 1 : i32
        %scan3A_1103 = arith.addi %scan3A_1088, %scan3A_1102 : i32
        %add3A_1104 = arith.constant 1000 : i32
        %add3A_1105 = arith.addi %add3A_1104, %scan3A_1103 : i32
        %get3A_1106 = arith.index_cast %add3A_1105 : i32 to index
        %get3A_1107 = arith.constant 0 : index
        %get3A_1108 = tpu.vector_load %arg7[%get3A_1106, %get3A_1107] {strides = array<i32>} : memref<1600x32xf32, #tpu.memory_space<vmem>>, vector<1x16xf32>,
        %get3A_1109 = vector.shape_cast %get3A_1108 : vector<1x16xf32> to vector<16xf32>
        %add3A_1110 = arith.addf %add3A_1096, %get3A_1109 : vector<16xf32>
        %get3A_1111 = arith.index_cast %add3A_1105 : i32 to index
        %get3A_1112 = arith.constant 16 : index
        %get3A_1113 = tpu.vector_load %arg7[%get3A_1111, %get3A_1112] {strides = array<i32>} : memref<1600x32xf32, #tpu.memory_space<vmem>>, vector<1x16xf32>,
        %get3A_1114 = vector.shape_cast %get3A_1113 : vector<1x16xf32> to vector<16xf32>
        %add3A_1115 = arith.addf %add3A_1101, %get3A_1114 : vector<16xf32>
        %scan3A_1116 = arith.constant 2 : i32
        %scan3A_1117 = arith.addi %scan3A_1088, %scan3A_1116 : i32
        %add3A_1118 = arith.constant 1000 : i32
        %add3A_1119 = arith.addi %add3A_1118, %scan3A_1117 : i32
        %get3A_1120 = arith.index_cast %add3A_1119 : i32 to index
        %get3A_1121 = arith.constant 0 : index
        %get3A_1122 = tpu.vector_load %arg7[%get3A_1120, %get3A_1121] {strides = array<i32>} : memref<1600x32xf32, #tpu.memory_space<vmem>>, vector<1x16xf32>,
        %get3A_1123 = vector.shape_cast %get3A_1122 : vector<1x16xf32> to vector<16xf32>
        %add3A_1124 = arith.addf %add3A_1110, %get3A_1123 : vector<16xf32>
        %get3A_1125 = arith.index_cast %add3A_1119 : i32 to index
        %get3A_1126 = arith.constant 16 : index
        %get3A_1127 = tpu.vector_load %arg7[%get3A_1125, %get3A_1126] {strides = array<i32>} : memref<1600x32xf32, #tpu.memory_space<vmem>>, vector<1x16xf32>,
        %get3A_1128 = vector.shape_cast %get3A_1127 : vector<1x16xf32> to vector<16xf32>
        %add3A_1129 = arith.addf %add3A_1115, %get3A_1128 : vector<16xf32>
        %scan3A_1130 = arith.constant 3 : i32
        %scan3A_1131 = arith.addi %scan3A_1088, %scan3A_1130 : i32
        %add3A_1132 = arith.constant 1000 : i32
        %add3A_1133 = arith.addi %add3A_1132, %scan3A_1131 : i32
        %get3A_1134 = arith.index_cast %add3A_1133 : i32 to index
        %get3A_1135 = arith.constant 0 : index
        %get3A_1136 = tpu.vector_load %arg7[%get3A_1134, %get3A_1135] {strides = array<i32>} : memref<1600x32xf32, #tpu.memory_space<vmem>>, vector<1x16xf32>,
        %get3A_1137 = vector.shape_cast %get3A_1136 : vector<1x16xf32> to vector<16xf32>
        %add3A_1138 = arith.addf %add3A_1124, %get3A_1137 : vector<16xf32>
        %get3A_1139 = arith.index_cast %add3A_1133 : i32 to index
        %get3A_1140 = arith.constant 16 : index
        %get3A_1141 = tpu.vector_load %arg7[%get3A_1139, %get3A_1140] {strides = array<i32>} : memref<1600x32xf32, #tpu.memory_space<vmem>>, vector<1x16xf32>,
        %get3A_1142 = vector.shape_cast %get3A_1141 : vector<1x16xf32> to vector<16xf32>
        %add3A_1143 = arith.addf %add3A_1129, %get3A_1142 : vector<16xf32>
        %scan3A_1144 = arith.constant 4 : i32
        %scan3A_1145 = arith.addi %scan3A_1088, %scan3A_1144 : i32
        %add3A_1146 = arith.constant 1000 : i32
        %add3A_1147 = arith.addi %add3A_1146, %scan3A_1145 : i32
        %get3A_1148 = arith.index_cast %add3A_1147 : i32 to index
        %get3A_1149 = arith.constant 0 : index
        %get3A_1150 = tpu.vector_load %arg7[%get3A_1148, %get3A_1149] {strides = array<i32>} : memref<1600x32xf32, #tpu.memory_space<vmem>>, vector<1x16xf32>,
        %get3A_1151 = vector.shape_cast %get3A_1150 : vector<1x16xf32> to vector<16xf32>
        %add3A_1152 = arith.addf %add3A_1138, %get3A_1151 : vector<16xf32>
        %get3A_1153 = arith.index_cast %add3A_1147 : i32 to index
        %get3A_1154 = arith.constant 16 : index
        %get3A_1155 = tpu.vector_load %arg7[%get3A_1153, %get3A_1154] {strides = array<i32>} : memref<1600x32xf32, #tpu.memory_space<vmem>>, vector<1x16xf32>,
        %get3A_1156 = vector.shape_cast %get3A_1155 : vector<1x16xf32> to vector<16xf32>
        %add3A_1157 = arith.addf %add3A_1143, %get3A_1156 : vector<16xf32>
        %scan3A_1158 = arith.constant 5 : i32
        %scan3A_1159 = arith.addi %scan3A_1088, %scan3A_1158 : i32
        %add3A_1160 = arith.constant 1000 : i32
        %add3A_1161 = arith.addi %add3A_1160, %scan3A_1159 : i32
        %get3A_1162 = arith.index_cast %add3A_1161 : i32 to index
        %get3A_1163 = arith.constant 0 : index
        %get3A_1164 = tpu.vector_load %arg7[%get3A_1162, %get3A_1163] {strides = array<i32>} : memref<1600x32xf32, #tpu.memory_space<vmem>>, vector<1x16xf32>,
        %get3A_1165 = vector.shape_cast %get3A_1164 : vector<1x16xf32> to vector<16xf32>
        %add3A_1166 = arith.addf %add3A_1152, %get3A_1165 : vector<16xf32>
        %get3A_1167 = arith.index_cast %add3A_1161 : i32 to index
        %get3A_1168 = arith.constant 16 : index
        %get3A_1169 = tpu.vector_load %arg7[%get3A_1167, %get3A_1168] {strides = array<i32>} : memref<1600x32xf32, #tpu.memory_space<vmem>>, vector<1x16xf32>,
        %get3A_1170 = vector.shape_cast %get3A_1169 : vector<1x16xf32> to vector<16xf32>
        %add3A_1171 = arith.addf %add3A_1157, %get3A_1170 : vector<16xf32>
        %scan3A_1172 = arith.constant 6 : i32
        %scan3A_1173 = arith.addi %scan3A_1088, %scan3A_1172 : i32
        %add3A_1174 = arith.constant 1000 : i32
        %add3A_1175 = arith.addi %add3A_1174, %scan3A_1173 : i32
        %get3A_1176 = arith.index_cast %add3A_1175 : i32 to index
        %get3A_1177 = arith.constant 0 : index
        %get3A_1178 = tpu.vector_load %arg7[%get3A_1176, %get3A_1177] {strides = array<i32>} : memref<1600x32xf32, #tpu.memory_space<vmem>>, vector<1x16xf32>,
        %get3A_1179 = vector.shape_cast %get3A_1178 : vector<1x16xf32> to vector<16xf32>
        %add3A_1180 = arith.addf %add3A_1166, %get3A_1179 : vector<16xf32>
        %get3A_1181 = arith.index_cast %add3A_1175 : i32 to index
        %get3A_1182 = arith.constant 16 : index
        %get3A_1183 = tpu.vector_load %arg7[%get3A_1181, %get3A_1182] {strides = array<i32>} : memref<1600x32xf32, #tpu.memory_space<vmem>>, vector<1x16xf32>,
        %get3A_1184 = vector.shape_cast %get3A_1183 : vector<1x16xf32> to vector<16xf32>
        %add3A_1185 = arith.addf %add3A_1171, %get3A_1184 : vector<16xf32>
        %scan3A_1186 = arith.constant 7 : i32
        %scan3A_1187 = arith.addi %scan3A_1088, %scan3A_1186 : i32
        %add3A_1188 = arith.constant 1000 : i32
        %add3A_1189 = arith.addi %add3A_1188, %scan3A_1187 : i32
        %get3A_1190 = arith.index_cast %add3A_1189 : i32 to index
        %get3A_1191 = arith.constant 0 : index
        %get3A_1192 = tpu.vector_load %arg7[%get3A_1190, %get3A_1191] {strides = array<i32>} : memref<1600x32xf32, #tpu.memory_space<vmem>>, vector<1x16xf32>,
        %get3A_1193 = vector.shape_cast %get3A_1192 : vector<1x16xf32> to vector<16xf32>
        %add3A_1194 = arith.addf %add3A_1180, %get3A_1193 : vector<16xf32>
        %get3A_1195 = arith.index_cast %add3A_1189 : i32 to index
        %get3A_1196 = arith.constant 16 : index
        %get3A_1197 = tpu.vector_load %arg7[%get3A_1195, %get3A_1196] {strides = array<i32>} : memref<1600x32xf32, #tpu.memory_space<vmem>>, vector<1x16xf32>,
        %get3A_1198 = vector.shape_cast %get3A_1197 : vector<1x16xf32> to vector<16xf32>
        %add3A_1199 = arith.addf %add3A_1185, %get3A_1198 : vector<16xf32>
        scf.yield %add3A_1194, %add3A_1199 : vector<16xf32>, vector<16xf32>
      }
      %scan3A_641 = arith.constant 200 : i32
      %add3A_642 = arith.constant 5 : i32
      %add3A_643 = arith.addi %mul3A_536, %add3A_642 : i32
      %swap3A_644 = arith.index_cast %add3A_643 : i32 to index
      %swap3A_645 = arith.constant 0 : index
      %swap3A_646 = tpu.vector_load %arg9[%swap3A_644, %swap3A_645] {strides = array<i32>} : memref<64x32xf32, #tpu.memory_space<vmem>>, vector<1x16xf32>,
      %swap3A_647 = vector.shape_cast %swap3A_646 : vector<1x16xf32> to vector<16xf32>
      %swap3A_648 = vector.shape_cast %scan3A_640#0 : vector<16xf32> to vector<1x16xf32>
      tpu.vector_store %arg9[%swap3A_644, %swap3A_645], %swap3A_648 {strides = array<i32>} : memref<64x32xf32, #tpu.memory_space<vmem>>, vector<1x16xf32>,
      %add3A_649 = arith.constant 5 : i32
      %add3A_650 = arith.addi %mul3A_536, %add3A_649 : i32
      %swap3A_651 = arith.index_cast %add3A_650 : i32 to index
      %swap3A_652 = arith.constant 16 : index
      %swap3A_653 = tpu.vector_load %arg9[%swap3A_651, %swap3A_652] {strides = array<i32>} : memref<64x32xf32, #tpu.memory_space<vmem>>, vector<1x16xf32>,
      %swap3A_654 = vector.shape_cast %swap3A_653 : vector<1x16xf32> to vector<16xf32>
      %swap3A_655 = vector.shape_cast %scan3A_640#1 : vector<16xf32> to vector<1x16xf32>
      tpu.vector_store %arg9[%swap3A_651, %swap3A_652], %swap3A_655 {strides = array<i32>} : memref<64x32xf32, #tpu.memory_space<vmem>>, vector<1x16xf32>,
      %scan3A_656 = arith.constant 0 : i32
      %scan3A_657 = arith.constant 200 : i32
      %scan3A_658 = arith.addi %scan3A_656, %scan3A_657 : i32
      %scan3A_659 = arith.constant 8 : i32
      %scan3A_660:2 = scf.for %scan3A_1088 = %scan3A_656 to %scan3A_658 step %scan3A_659 iter_args(%scan3A_1089 = %broadcast_in_dim3A_3, %scan3A_1090 = %broadcast_in_dim3A_3) -> (vector<16xf32>, vector<16xf32>)  : i32 {
        %add3A_1091 = arith.constant 1200 : i32
        %add3A_1092 = arith.addi %add3A_1091, %scan3A_1088 : i32
        %get3A = arith.index_cast %add3A_1092 : i32 to index
        %get3A_1093 = arith.constant 0 : index
        %get3A_1094 = tpu.vector_load %arg7[%get3A, %get3A_1093] {strides = array<i32>} : memref<1600x32xf32, #tpu.memory_space<vmem>>, vector<1x16xf32>,
        %get3A_1095 = vector.shape_cast %get3A_1094 : vector<1x16xf32> to vector<16xf32>
        %add3A_1096 = arith.addf %scan3A_1089, %get3A_1095 : vector<16xf32>
        %get3A_1097 = arith.index_cast %add3A_1092 : i32 to index
        %get3A_1098 = arith.constant 16 : index
        %get3A_1099 = tpu.vector_load %arg7[%get3A_1097, %get3A_1098] {strides = array<i32>} : memref<1600x32xf32, #tpu.memory_space<vmem>>, vector<1x16xf32>,
        %get3A_1100 = vector.shape_cast %get3A_1099 : vector<1x16xf32> to vector<16xf32>
        %add3A_1101 = arith.addf %scan3A_1090, %get3A_1100 : vector<16xf32>
        %scan3A_1102 = arith.constant 1 : i32
        %scan3A_1103 = arith.addi %scan3A_1088, %scan3A_1102 : i32
        %add3A_1104 = arith.constant 1200 : i32
        %add3A_1105 = arith.addi %add3A_1104, %scan3A_1103 : i32
        %get3A_1106 = arith.index_cast %add3A_1105 : i32 to index
        %get3A_1107 = arith.constant 0 : index
        %get3A_1108 = tpu.vector_load %arg7[%get3A_1106, %get3A_1107] {strides = array<i32>} : memref<1600x32xf32, #tpu.memory_space<vmem>>, vector<1x16xf32>,
        %get3A_1109 = vector.shape_cast %get3A_1108 : vector<1x16xf32> to vector<16xf32>
        %add3A_1110 = arith.addf %add3A_1096, %get3A_1109 : vector<16xf32>
        %get3A_1111 = arith.index_cast %add3A_1105 : i32 to index
        %get3A_1112 = arith.constant 16 : index
        %get3A_1113 = tpu.vector_load %arg7[%get3A_1111, %get3A_1112] {strides = array<i32>} : memref<1600x32xf32, #tpu.memory_space<vmem>>, vector<1x16xf32>,
        %get3A_1114 = vector.shape_cast %get3A_1113 : vector<1x16xf32> to vector<16xf32>
        %add3A_1115 = arith.addf %add3A_1101, %get3A_1114 : vector<16xf32>
        %scan3A_1116 = arith.constant 2 : i32
        %scan3A_1117 = arith.addi %scan3A_1088, %scan3A_1116 : i32
        %add3A_1118 = arith.constant 1200 : i32
        %add3A_1119 = arith.addi %add3A_1118, %scan3A_1117 : i32
        %get3A_1120 = arith.index_cast %add3A_1119 : i32 to index
        %get3A_1121 = arith.constant 0 : index
        %get3A_1122 = tpu.vector_load %arg7[%get3A_1120, %get3A_1121] {strides = array<i32>} : memref<1600x32xf32, #tpu.memory_space<vmem>>, vector<1x16xf32>,
        %get3A_1123 = vector.shape_cast %get3A_1122 : vector<1x16xf32> to vector<16xf32>
        %add3A_1124 = arith.addf %add3A_1110, %get3A_1123 : vector<16xf32>
        %get3A_1125 = arith.index_cast %add3A_1119 : i32 to index
        %get3A_1126 = arith.constant 16 : index
        %get3A_1127 = tpu.vector_load %arg7[%get3A_1125, %get3A_1126] {strides = array<i32>} : memref<1600x32xf32, #tpu.memory_space<vmem>>, vector<1x16xf32>,
        %get3A_1128 = vector.shape_cast %get3A_1127 : vector<1x16xf32> to vector<16xf32>
        %add3A_1129 = arith.addf %add3A_1115, %get3A_1128 : vector<16xf32>
        %scan3A_1130 = arith.constant 3 : i32
        %scan3A_1131 = arith.addi %scan3A_1088, %scan3A_1130 : i32
        %add3A_1132 = arith.constant 1200 : i32
        %add3A_1133 = arith.addi %add3A_1132, %scan3A_1131 : i32
        %get3A_1134 = arith.index_cast %add3A_1133 : i32 to index
        %get3A_1135 = arith.constant 0 : index
        %get3A_1136 = tpu.vector_load %arg7[%get3A_1134, %get3A_1135] {strides = array<i32>} : memref<1600x32xf32, #tpu.memory_space<vmem>>, vector<1x16xf32>,
        %get3A_1137 = vector.shape_cast %get3A_1136 : vector<1x16xf32> to vector<16xf32>
        %add3A_1138 = arith.addf %add3A_1124, %get3A_1137 : vector<16xf32>
        %get3A_1139 = arith.index_cast %add3A_1133 : i32 to index
        %get3A_1140 = arith.constant 16 : index
        %get3A_1141 = tpu.vector_load %arg7[%get3A_1139, %get3A_1140] {strides = array<i32>} : memref<1600x32xf32, #tpu.memory_space<vmem>>, vector<1x16xf32>,
        %get3A_1142 = vector.shape_cast %get3A_1141 : vector<1x16xf32> to vector<16xf32>
        %add3A_1143 = arith.addf %add3A_1129, %get3A_1142 : vector<16xf32>
        %scan3A_1144 = arith.constant 4 : i32
        %scan3A_1145 = arith.addi %scan3A_1088, %scan3A_1144 : i32
        %add3A_1146 = arith.constant 1200 : i32
        %add3A_1147 = arith.addi %add3A_1146, %scan3A_1145 : i32
        %get3A_1148 = arith.index_cast %add3A_1147 : i32 to index
        %get3A_1149 = arith.constant 0 : index
        %get3A_1150 = tpu.vector_load %arg7[%get3A_1148, %get3A_1149] {strides = array<i32>} : memref<1600x32xf32, #tpu.memory_space<vmem>>, vector<1x16xf32>,
        %get3A_1151 = vector.shape_cast %get3A_1150 : vector<1x16xf32> to vector<16xf32>
        %add3A_1152 = arith.addf %add3A_1138, %get3A_1151 : vector<16xf32>
        %get3A_1153 = arith.index_cast %add3A_1147 : i32 to index
        %get3A_1154 = arith.constant 16 : index
        %get3A_1155 = tpu.vector_load %arg7[%get3A_1153, %get3A_1154] {strides = array<i32>} : memref<1600x32xf32, #tpu.memory_space<vmem>>, vector<1x16xf32>,
        %get3A_1156 = vector.shape_cast %get3A_1155 : vector<1x16xf32> to vector<16xf32>
        %add3A_1157 = arith.addf %add3A_1143, %get3A_1156 : vector<16xf32>
        %scan3A_1158 = arith.constant 5 : i32
        %scan3A_1159 = arith.addi %scan3A_1088, %scan3A_1158 : i32
        %add3A_1160 = arith.constant 1200 : i32
        %add3A_1161 = arith.addi %add3A_1160, %scan3A_1159 : i32
        %get3A_1162 = arith.index_cast %add3A_1161 : i32 to index
        %get3A_1163 = arith.constant 0 : index
        %get3A_1164 = tpu.vector_load %arg7[%get3A_1162, %get3A_1163] {strides = array<i32>} : memref<1600x32xf32, #tpu.memory_space<vmem>>, vector<1x16xf32>,
        %get3A_1165 = vector.shape_cast %get3A_1164 : vector<1x16xf32> to vector<16xf32>
        %add3A_1166 = arith.addf %add3A_1152, %get3A_1165 : vector<16xf32>
        %get3A_1167 = arith.index_cast %add3A_1161 : i32 to index
        %get3A_1168 = arith.constant 16 : index
        %get3A_1169 = tpu.vector_load %arg7[%get3A_1167, %get3A_1168] {strides = array<i32>} : memref<1600x32xf32, #tpu.memory_space<vmem>>, vector<1x16xf32>,
        %get3A_1170 = vector.shape_cast %get3A_1169 : vector<1x16xf32> to vector<16xf32>
        %add3A_1171 = arith.addf %add3A_1157, %get3A_1170 : vector<16xf32>
        %scan3A_1172 = arith.constant 6 : i32
        %scan3A_1173 = arith.addi %scan3A_1088, %scan3A_1172 : i32
        %add3A_1174 = arith.constant 1200 : i32
        %add3A_1175 = arith.addi %add3A_1174, %scan3A_1173 : i32
        %get3A_1176 = arith.index_cast %add3A_1175 : i32 to index
        %get3A_1177 = arith.constant 0 : index
        %get3A_1178 = tpu.vector_load %arg7[%get3A_1176, %get3A_1177] {strides = array<i32>} : memref<1600x32xf32, #tpu.memory_space<vmem>>, vector<1x16xf32>,
        %get3A_1179 = vector.shape_cast %get3A_1178 : vector<1x16xf32> to vector<16xf32>
        %add3A_1180 = arith.addf %add3A_1166, %get3A_1179 : vector<16xf32>
        %get3A_1181 = arith.index_cast %add3A_1175 : i32 to index
        %get3A_1182 = arith.constant 16 : index
        %get3A_1183 = tpu.vector_load %arg7[%get3A_1181, %get3A_1182] {strides = array<i32>} : memref<1600x32xf32, #tpu.memory_space<vmem>>, vector<1x16xf32>,
        %get3A_1184 = vector.shape_cast %get3A_1183 : vector<1x16xf32> to vector<16xf32>
        %add3A_1185 = arith.addf %add3A_1171, %get3A_1184 : vector<16xf32>
        %scan3A_1186 = arith.constant 7 : i32
        %scan3A_1187 = arith.addi %scan3A_1088, %scan3A_1186 : i32
        %add3A_1188 = arith.constant 1200 : i32
        %add3A_1189 = arith.addi %add3A_1188, %scan3A_1187 : i32
        %get3A_1190 = arith.index_cast %add3A_1189 : i32 to index
        %get3A_1191 = arith.constant 0 : index
        %get3A_1192 = tpu.vector_load %arg7[%get3A_1190, %get3A_1191] {strides = array<i32>} : memref<1600x32xf32, #tpu.memory_space<vmem>>, vector<1x16xf32>,
        %get3A_1193 = vector.shape_cast %get3A_1192 : vector<1x16xf32> to vector<16xf32>
        %add3A_1194 = arith.addf %add3A_1180, %get3A_1193 : vector<16xf32>
        %get3A_1195 = arith.index_cast %add3A_1189 : i32 to index
        %get3A_1196 = arith.constant 16 : index
        %get3A_1197 = tpu.vector_load %arg7[%get3A_1195, %get3A_1196] {strides = array<i32>} : memref<1600x32xf32, #tpu.memory_space<vmem>>, vector<1x16xf32>,
        %get3A_1198 = vector.shape_cast %get3A_1197 : vector<1x16xf32> to vector<16xf32>
        %add3A_1199 = arith.addf %add3A_1185, %get3A_1198 : vector<16xf32>
        scf.yield %add3A_1194, %add3A_1199 : vector<16xf32>, vector<16xf32>
      }
      %scan3A_661 = arith.constant 200 : i32
      %add3A_662 = arith.constant 6 : i32
      %add3A_663 = arith.addi %mul3A_536, %add3A_662 : i32
      %swap3A_664 = arith.index_cast %add3A_663 : i32 to index
      %swap3A_665 = arith.constant 0 : index
      %swap3A_666 = tpu.vector_load %arg9[%swap3A_664, %swap3A_665] {strides = array<i32>} : memref<64x32xf32, #tpu.memory_space<vmem>>, vector<1x16xf32>,
      %swap3A_667 = vector.shape_cast %swap3A_666 : vector<1x16xf32> to vector<16xf32>
      %swap3A_668 = vector.shape_cast %scan3A_660#0 : vector<16xf32> to vector<1x16xf32>
      tpu.vector_store %arg9[%swap3A_664, %swap3A_665], %swap3A_668 {strides = array<i32>} : memref<64x32xf32, #tpu.memory_space<vmem>>, vector<1x16xf32>,
      %add3A_669 = arith.constant 6 : i32
      %add3A_670 = arith.addi %mul3A_536, %add3A_669 : i32
      %swap3A_671 = arith.index_cast %add3A_670 : i32 to index
      %swap3A_672 = arith.constant 16 : index
      %swap3A_673 = tpu.vector_load %arg9[%swap3A_671, %swap3A_672] {strides = array<i32>} : memref<64x32xf32, #tpu.memory_space<vmem>>, vector<1x16xf32>,
      %swap3A_674 = vector.shape_cast %swap3A_673 : vector<1x16xf32> to vector<16xf32>
      %swap3A_675 = vector.shape_cast %scan3A_660#1 : vector<16xf32> to vector<1x16xf32>
      tpu.vector_store %arg9[%swap3A_671, %swap3A_672], %swap3A_675 {strides = array<i32>} : memref<64x32xf32, #tpu.memory_space<vmem>>, vector<1x16xf32>,
      %scan3A_676 = arith.constant 0 : i32
      %scan3A_677 = arith.constant 200 : i32
      %scan3A_678 = arith.addi %scan3A_676, %scan3A_677 : i32
      %scan3A_679 = arith.constant 8 : i32
      %scan3A_680:2 = scf.for %scan3A_1088 = %scan3A_676 to %scan3A_678 step %scan3A_679 iter_args(%scan3A_1089 = %broadcast_in_dim3A_3, %scan3A_1090 = %broadcast_in_dim3A_3) -> (vector<16xf32>, vector<16xf32>)  : i32 {
        %add3A_1091 = arith.constant 1400 : i32
        %add3A_1092 = arith.addi %add3A_1091, %scan3A_1088 : i32
        %get3A = arith.index_cast %add3A_1092 : i32 to index
        %get3A_1093 = arith.constant 0 : index
        %get3A_1094 = tpu.vector_load %arg7[%get3A, %get3A_1093] {strides = array<i32>} : memref<1600x32xf32, #tpu.memory_space<vmem>>, vector<1x16xf32>,
        %get3A_1095 = vector.shape_cast %get3A_1094 : vector<1x16xf32> to vector<16xf32>
        %add3A_1096 = arith.addf %scan3A_1089, %get3A_1095 : vector<16xf32>
        %get3A_1097 = arith.index_cast %add3A_1092 : i32 to index
        %get3A_1098 = arith.constant 16 : index
        %get3A_1099 = tpu.vector_load %arg7[%get3A_1097, %get3A_1098] {strides = array<i32>} : memref<1600x32xf32, #tpu.memory_space<vmem>>, vector<1x16xf32>,
        %get3A_1100 = vector.shape_cast %get3A_1099 : vector<1x16xf32> to vector<16xf32>
        %add3A_1101 = arith.addf %scan3A_1090, %get3A_1100 : vector<16xf32>
        %scan3A_1102 = arith.constant 1 : i32
        %scan3A_1103 = arith.addi %scan3A_1088, %scan3A_1102 : i32
        %add3A_1104 = arith.constant 1400 : i32
        %add3A_1105 = arith.addi %add3A_1104, %scan3A_1103 : i32
        %get3A_1106 = arith.index_cast %add3A_1105 : i32 to index
        %get3A_1107 = arith.constant 0 : index
        %get3A_1108 = tpu.vector_load %arg7[%get3A_1106, %get3A_1107] {strides = array<i32>} : memref<1600x32xf32, #tpu.memory_space<vmem>>, vector<1x16xf32>,
        %get3A_1109 = vector.shape_cast %get3A_1108 : vector<1x16xf32> to vector<16xf32>
        %add3A_1110 = arith.addf %add3A_1096, %get3A_1109 : vector<16xf32>
        %get3A_1111 = arith.index_cast %add3A_1105 : i32 to index
        %get3A_1112 = arith.constant 16 : index
        %get3A_1113 = tpu.vector_load %arg7[%get3A_1111, %get3A_1112] {strides = array<i32>} : memref<1600x32xf32, #tpu.memory_space<vmem>>, vector<1x16xf32>,
        %get3A_1114 = vector.shape_cast %get3A_1113 : vector<1x16xf32> to vector<16xf32>
        %add3A_1115 = arith.addf %add3A_1101, %get3A_1114 : vector<16xf32>
        %scan3A_1116 = arith.constant 2 : i32
        %scan3A_1117 = arith.addi %scan3A_1088, %scan3A_1116 : i32
        %add3A_1118 = arith.constant 1400 : i32
        %add3A_1119 = arith.addi %add3A_1118, %scan3A_1117 : i32
        %get3A_1120 = arith.index_cast %add3A_1119 : i32 to index
        %get3A_1121 = arith.constant 0 : index
        %get3A_1122 = tpu.vector_load %arg7[%get3A_1120, %get3A_1121] {strides = array<i32>} : memref<1600x32xf32, #tpu.memory_space<vmem>>, vector<1x16xf32>,
        %get3A_1123 = vector.shape_cast %get3A_1122 : vector<1x16xf32> to vector<16xf32>
        %add3A_1124 = arith.addf %add3A_1110, %get3A_1123 : vector<16xf32>
        %get3A_1125 = arith.index_cast %add3A_1119 : i32 to index
        %get3A_1126 = arith.constant 16 : index
        %get3A_1127 = tpu.vector_load %arg7[%get3A_1125, %get3A_1126] {strides = array<i32>} : memref<1600x32xf32, #tpu.memory_space<vmem>>, vector<1x16xf32>,
        %get3A_1128 = vector.shape_cast %get3A_1127 : vector<1x16xf32> to vector<16xf32>
        %add3A_1129 = arith.addf %add3A_1115, %get3A_1128 : vector<16xf32>
        %scan3A_1130 = arith.constant 3 : i32
        %scan3A_1131 = arith.addi %scan3A_1088, %scan3A_1130 : i32
        %add3A_1132 = arith.constant 1400 : i32
        %add3A_1133 = arith.addi %add3A_1132, %scan3A_1131 : i32
        %get3A_1134 = arith.index_cast %add3A_1133 : i32 to index
        %get3A_1135 = arith.constant 0 : index
        %get3A_1136 = tpu.vector_load %arg7[%get3A_1134, %get3A_1135] {strides = array<i32>} : memref<1600x32xf32, #tpu.memory_space<vmem>>, vector<1x16xf32>,
        %get3A_1137 = vector.shape_cast %get3A_1136 : vector<1x16xf32> to vector<16xf32>
        %add3A_1138 = arith.addf %add3A_1124, %get3A_1137 : vector<16xf32>
        %get3A_1139 = arith.index_cast %add3A_1133 : i32 to index
        %get3A_1140 = arith.constant 16 : index
        %get3A_1141 = tpu.vector_load %arg7[%get3A_1139, %get3A_1140] {strides = array<i32>} : memref<1600x32xf32, #tpu.memory_space<vmem>>, vector<1x16xf32>,
        %get3A_1142 = vector.shape_cast %get3A_1141 : vector<1x16xf32> to vector<16xf32>
        %add3A_1143 = arith.addf %add3A_1129, %get3A_1142 : vector<16xf32>
        %scan3A_1144 = arith.constant 4 : i32
        %scan3A_1145 = arith.addi %scan3A_1088, %scan3A_1144 : i32
        %add3A_1146 = arith.constant 1400 : i32
        %add3A_1147 = arith.addi %add3A_1146, %scan3A_1145 : i32
        %get3A_1148 = arith.index_cast %add3A_1147 : i32 to index
        %get3A_1149 = arith.constant 0 : index
        %get3A_1150 = tpu.vector_load %arg7[%get3A_1148, %get3A_1149] {strides = array<i32>} : memref<1600x32xf32, #tpu.memory_space<vmem>>, vector<1x16xf32>,
        %get3A_1151 = vector.shape_cast %get3A_1150 : vector<1x16xf32> to vector<16xf32>
        %add3A_1152 = arith.addf %add3A_1138, %get3A_1151 : vector<16xf32>
        %get3A_1153 = arith.index_cast %add3A_1147 : i32 to index
        %get3A_1154 = arith.constant 16 : index
        %get3A_1155 = tpu.vector_load %arg7[%get3A_1153, %get3A_1154] {strides = array<i32>} : memref<1600x32xf32, #tpu.memory_space<vmem>>, vector<1x16xf32>,
        %get3A_1156 = vector.shape_cast %get3A_1155 : vector<1x16xf32> to vector<16xf32>
        %add3A_1157 = arith.addf %add3A_1143, %get3A_1156 : vector<16xf32>
        %scan3A_1158 = arith.constant 5 : i32
        %scan3A_1159 = arith.addi %scan3A_1088, %scan3A_1158 : i32
        %add3A_1160 = arith.constant 1400 : i32
        %add3A_1161 = arith.addi %add3A_1160, %scan3A_1159 : i32
        %get3A_1162 = arith.index_cast %add3A_1161 : i32 to index
        %get3A_1163 = arith.constant 0 : index
        %get3A_1164 = tpu.vector_load %arg7[%get3A_1162, %get3A_1163] {strides = array<i32>} : memref<1600x32xf32, #tpu.memory_space<vmem>>, vector<1x16xf32>,
        %get3A_1165 = vector.shape_cast %get3A_1164 : vector<1x16xf32> to vector<16xf32>
        %add3A_1166 = arith.addf %add3A_1152, %get3A_1165 : vector<16xf32>
        %get3A_1167 = arith.index_cast %add3A_1161 : i32 to index
        %get3A_1168 = arith.constant 16 : index
        %get3A_1169 = tpu.vector_load %arg7[%get3A_1167, %get3A_1168] {strides = array<i32>} : memref<1600x32xf32, #tpu.memory_space<vmem>>, vector<1x16xf32>,
        %get3A_1170 = vector.shape_cast %get3A_1169 : vector<1x16xf32> to vector<16xf32>
        %add3A_1171 = arith.addf %add3A_1157, %get3A_1170 : vector<16xf32>
        %scan3A_1172 = arith.constant 6 : i32
        %scan3A_1173 = arith.addi %scan3A_1088, %scan3A_1172 : i32
        %add3A_1174 = arith.constant 1400 : i32
        %add3A_1175 = arith.addi %add3A_1174, %scan3A_1173 : i32
        %get3A_1176 = arith.index_cast %add3A_1175 : i32 to index
        %get3A_1177 = arith.constant 0 : index
        %get3A_1178 = tpu.vector_load %arg7[%get3A_1176, %get3A_1177] {strides = array<i32>} : memref<1600x32xf32, #tpu.memory_space<vmem>>, vector<1x16xf32>,
        %get3A_1179 = vector.shape_cast %get3A_1178 : vector<1x16xf32> to vector<16xf32>
        %add3A_1180 = arith.addf %add3A_1166, %get3A_1179 : vector<16xf32>
        %get3A_1181 = arith.index_cast %add3A_1175 : i32 to index
        %get3A_1182 = arith.constant 16 : index
        %get3A_1183 = tpu.vector_load %arg7[%get3A_1181, %get3A_1182] {strides = array<i32>} : memref<1600x32xf32, #tpu.memory_space<vmem>>, vector<1x16xf32>,
        %get3A_1184 = vector.shape_cast %get3A_1183 : vector<1x16xf32> to vector<16xf32>
        %add3A_1185 = arith.addf %add3A_1171, %get3A_1184 : vector<16xf32>
        %scan3A_1186 = arith.constant 7 : i32
        %scan3A_1187 = arith.addi %scan3A_1088, %scan3A_1186 : i32
        %add3A_1188 = arith.constant 1400 : i32
        %add3A_1189 = arith.addi %add3A_1188, %scan3A_1187 : i32
        %get3A_1190 = arith.index_cast %add3A_1189 : i32 to index
        %get3A_1191 = arith.constant 0 : index
        %get3A_1192 = tpu.vector_load %arg7[%get3A_1190, %get3A_1191] {strides = array<i32>} : memref<1600x32xf32, #tpu.memory_space<vmem>>, vector<1x16xf32>,
        %get3A_1193 = vector.shape_cast %get3A_1192 : vector<1x16xf32> to vector<16xf32>
        %add3A_1194 = arith.addf %add3A_1180, %get3A_1193 : vector<16xf32>
        %get3A_1195 = arith.index_cast %add3A_1189 : i32 to index
        %get3A_1196 = arith.constant 16 : index
        %get3A_1197 = tpu.vector_load %arg7[%get3A_1195, %get3A_1196] {strides = array<i32>} : memref<1600x32xf32, #tpu.memory_space<vmem>>, vector<1x16xf32>,
        %get3A_1198 = vector.shape_cast %get3A_1197 : vector<1x16xf32> to vector<16xf32>
        %add3A_1199 = arith.addf %add3A_1185, %get3A_1198 : vector<16xf32>
        scf.yield %add3A_1194, %add3A_1199 : vector<16xf32>, vector<16xf32>
      }
      %scan3A_681 = arith.constant 200 : i32
      %add3A_682 = arith.constant 7 : i32
      %add3A_683 = arith.addi %mul3A_536, %add3A_682 : i32
      %swap3A_684 = arith.index_cast %add3A_683 : i32 to index
      %swap3A_685 = arith.constant 0 : index
      %swap3A_686 = tpu.vector_load %arg9[%swap3A_684, %swap3A_685] {strides = array<i32>} : memref<64x32xf32, #tpu.memory_space<vmem>>, vector<1x16xf32>,
      %swap3A_687 = vector.shape_cast %swap3A_686 : vector<1x16xf32> to vector<16xf32>
      %swap3A_688 = vector.shape_cast %scan3A_680#0 : vector<16xf32> to vector<1x16xf32>
      tpu.vector_store %arg9[%swap3A_684, %swap3A_685], %swap3A_688 {strides = array<i32>} : memref<64x32xf32, #tpu.memory_space<vmem>>, vector<1x16xf32>,
      %add3A_689 = arith.constant 7 : i32
      %add3A_690 = arith.addi %mul3A_536, %add3A_689 : i32
      %swap3A_691 = arith.index_cast %add3A_690 : i32 to index
      %swap3A_692 = arith.constant 16 : index
      %swap3A_693 = tpu.vector_load %arg9[%swap3A_691, %swap3A_692] {strides = array<i32>} : memref<64x32xf32, #tpu.memory_space<vmem>>, vector<1x16xf32>,
      %swap3A_694 = vector.shape_cast %swap3A_693 : vector<1x16xf32> to vector<16xf32>
      %swap3A_695 = vector.shape_cast %scan3A_680#1 : vector<16xf32> to vector<1x16xf32>
      tpu.vector_store %arg9[%swap3A_691, %swap3A_692], %swap3A_695 {strides = array<i32>} : memref<64x32xf32, #tpu.memory_space<vmem>>, vector<1x16xf32>,
      %jit3A_696 = arith.constant 8 : i32
      %eq3A_697 = arith.constant 0 : i32
      %eq3A_698 = arith.cmpi eq, %jit3A_696, %eq3A_697 : i32
      %jit3A_699 = arith.constant 1 : i32
      %select_n3A_700 = arith.select %eq3A_698, %jit3A_699, %jit3A_696 : i32
      %rem3A_701 = arith.remsi %mul3A_193, %select_n3A_700 : i32
      %ne3A_702 = arith.constant 0 : i32
      %ne3A_703 = arith.cmpi ne, %rem3A_701, %ne3A_702 : i32
      %lt3A_704 = arith.constant 0 : i32
      %lt3A_705 = arith.cmpi slt, %rem3A_701, %lt3A_704 : i32
      %lt3A_706 = arith.constant 0 : i32
      %lt3A_707 = arith.cmpi slt, %select_n3A_700, %lt3A_706 : i32
      %ne3A_708 = arith.xori %lt3A_705, %lt3A_707 : i1
      %and3A_709 = arith.andi %ne3A_708, %ne3A_703 : i1
      %add3A_710 = arith.addi %rem3A_701, %select_n3A_700 : i32
      %select_n3A_711 = arith.select %and3A_709, %add3A_710, %rem3A_701 : i32
      %eq3A_712 = arith.constant 7 : i32
      %eq3A_713 = arith.cmpi eq, %select_n3A_711, %eq3A_712 : i32
      %convert_element_type3A_714 = arith.extui %eq3A_713 : i1 to i32
      %cond3A_715 = arith.constant 0 : i32
      %cond3A_716 = arith.cmpi ne, %convert_element_type3A_714, %cond3A_715 : i32
      scf.if %cond3A_716 {
        %add3A_1088 = arith.addi %mul3A_2, %mul3A_193 : i32
        %sub3A = arith.constant 7 : i32
        %sub3A_1089 = arith.subi %add3A_1088, %sub3A : i32
        %mul3A_1090 = arith.constant 8 : i32
        %mul3A_1091 = arith.muli %sub3A_1089, %mul3A_1090 : i32
        "tpu.region"() ({
          %run_scoped3A = tpu.sem_alloc : memref<!tpu.dma_semaphore, #tpu.memory_space<semaphore_mem>>
          %dma_start3A_1092 = arith.constant 0 : i32
          %dma_start3A_1093 = tpu.memref_slice %arg4[%mul3A_1091, %dma_start3A_1092] : memref<16384x32xf32, #tpu.memory_space<hbm>> -> memref<64x32xf32, #tpu.memory_space<hbm>>
          %dma_start3A_1094 = arith.constant 0 : i32
          %dma_start3A_1095 = tpu.memref_slice %arg4[%mul3A_1091, %dma_start3A_1094] : memref<16384x32xf32, #tpu.memory_space<hbm>> -> memref<64x32xf32, #tpu.memory_space<hbm>>
          tpu.enqueue_dma source(%arg9 : memref<64x32xf32, #tpu.memory_space<vmem>>) target(%dma_start3A_1095 : memref<64x32xf32, #tpu.memory_space<hbm>>) target_semaphore(%run_scoped3A : memref<!tpu.dma_semaphore, #tpu.memory_space<semaphore_mem>>)
          %dma_wait3A_1096 = arith.constant 0 : i32
          %dma_wait3A_1097 = tpu.memref_slice %arg4[%mul3A_1091, %dma_wait3A_1096] : memref<16384x32xf32, #tpu.memory_space<hbm>> -> memref<64x32xf32, #tpu.memory_space<hbm>>
          %dma_wait3A_1098 = arith.constant 0 : i32
          %dma_wait3A_1099 = tpu.memref_slice %arg4[%mul3A_1091, %dma_wait3A_1098] : memref<16384x32xf32, #tpu.memory_space<hbm>> -> memref<64x32xf32, #tpu.memory_space<hbm>>
          tpu.wait_dma2 semaphore(%run_scoped3A : memref<!tpu.dma_semaphore, #tpu.memory_space<semaphore_mem>>) src(%arg9 : memref<64x32xf32, #tpu.memory_space<vmem>>) dst(%dma_wait3A_1099 : memref<64x32xf32, #tpu.memory_space<hbm>>)
          tpu.yield
        }) : () -> ()
      } else {
      }
      %lt3A_717 = arith.constant 31 : i32
      %lt3A_718 = arith.cmpi slt, %scan3A_191, %lt3A_717 : i32
      %convert_element_type3A_719 = arith.extui %lt3A_718 : i1 to i32
      %cond3A_720 = arith.constant 0 : i32
      %cond3A_721 = arith.cmpi ne, %convert_element_type3A_719, %cond3A_720 : i32
      scf.if %cond3A_721 {
        %add3A_1088 = arith.constant 2 : i32
        %add3A_1089 = arith.addi %mul3A_193, %add3A_1088 : i32
        %add3A_1090 = arith.addi %mul3A_2, %add3A_1089 : i32
        %mul3A_1091 = arith.constant 8 : i32
        %mul3A_1092 = arith.muli %add3A_1090, %mul3A_1091 : i32
        %dma_wait3A_1093 = arith.constant 0 : i32
        %dma_wait3A_1094 = tpu.memref_slice %arg2[%mul3A_1092, %dma_wait3A_1093] : memref<16384x200xi32, #tpu.memory_space<hbm>> -> memref<8x200xi32, #tpu.memory_space<hbm>>
        %dma_wait3A_1095 = arith.constant 0 : i32
        %dma_wait3A_1096 = tpu.memref_slice %arg2[%mul3A_1092, %dma_wait3A_1095] : memref<16384x200xi32, #tpu.memory_space<hbm>> -> memref<8x200xi32, #tpu.memory_space<hbm>>
        tpu.wait_dma2 semaphore(%arg10 : memref<!tpu.dma_semaphore, #tpu.memory_space<semaphore_mem>>) src(%dma_wait3A_1096 : memref<8x200xi32, #tpu.memory_space<hbm>>) dst(%arg5 : memref<8x200xi32, #tpu.memory_space<vmem>>)
        %dma_start3A_1097 = arith.constant 0 : i32
        %dma_start3A_1098 = arith.constant 0 : i32
        %dma_start3A_1099 = arith.constant 0 : i32
        %dma_start3A_1100 = tpu.memref_slice %arg7[%dma_start3A_1098, %dma_start3A_1099] : memref<1600x32xf32, #tpu.memory_space<vmem>> -> memref<128x32xf32, #tpu.memory_space<vmem>>
        %dma_start3A_1101 = arith.constant 0 : i32
        %dma_start3A_1102 = tpu.memref_slice %arg5[%dma_start3A_1097, %dma_start3A_1101] : memref<8x200xi32, #tpu.memory_space<vmem>> -> memref<1x128xi32, #tpu.memory_space<vmem>>
        %dma_start3A_1103 = tpu.memref_squeeze %dma_start3A_1102 : memref<1x128xi32, #tpu.memory_space<vmem>> -> memref<128xi32, #tpu.memory_space<vmem>>
        %dma_start3A_1104 = arith.constant 0 : i32
        %dma_start3A_1105 = arith.constant 0 : i32
        %dma_start3A_1106 = tpu.memref_slice %arg3[%dma_start3A_1104, %dma_start3A_1105] : memref<1000000x32xf32, #tpu.memory_space<hbm>> -> memref<1000000x32xf32, #tpu.memory_space<hbm>>
        tpu.enqueue_indirect_dma source(%dma_start3A_1106 : memref<1000000x32xf32, #tpu.memory_space<hbm>>) target(%dma_start3A_1100 : memref<128x32xf32, #tpu.memory_space<vmem>>) offsets(%dma_start3A_1103 : memref<128xi32, #tpu.memory_space<vmem>>) semaphore(%arg12 : memref<!tpu.dma_semaphore, #tpu.memory_space<semaphore_mem>>)
        %dma_start3A_1107 = arith.constant 0 : i32
        %dma_start3A_1108 = arith.constant 128 : i32
        %dma_start3A_1109 = arith.constant 0 : i32
        %dma_start3A_1110 = tpu.memref_slice %arg7[%dma_start3A_1108, %dma_start3A_1109] : memref<1600x32xf32, #tpu.memory_space<vmem>> -> memref<72x32xf32, #tpu.memory_space<vmem>>
        %dma_start3A_1111 = arith.constant 128 : i32
        %dma_start3A_1112 = tpu.memref_slice %arg5[%dma_start3A_1107, %dma_start3A_1111] : memref<8x200xi32, #tpu.memory_space<vmem>> -> memref<1x72xi32, #tpu.memory_space<vmem>>
        %dma_start3A_1113 = tpu.memref_squeeze %dma_start3A_1112 : memref<1x72xi32, #tpu.memory_space<vmem>> -> memref<72xi32, #tpu.memory_space<vmem>>
        %dma_start3A_1114 = arith.constant 0 : i32
        %dma_start3A_1115 = arith.constant 0 : i32
        %dma_start3A_1116 = tpu.memref_slice %arg3[%dma_start3A_1114, %dma_start3A_1115] : memref<1000000x32xf32, #tpu.memory_space<hbm>> -> memref<1000000x32xf32, #tpu.memory_space<hbm>>
        tpu.enqueue_indirect_dma source(%dma_start3A_1116 : memref<1000000x32xf32, #tpu.memory_space<hbm>>) target(%dma_start3A_1110 : memref<72x32xf32, #tpu.memory_space<vmem>>) offsets(%dma_start3A_1113 : memref<72xi32, #tpu.memory_space<vmem>>) semaphore(%arg12 : memref<!tpu.dma_semaphore, #tpu.memory_space<semaphore_mem>>)
        %dma_start3A_1117 = arith.constant 1 : i32
        %dma_start3A_1118 = arith.constant 200 : i32
        %dma_start3A_1119 = arith.constant 0 : i32
        %dma_start3A_1120 = tpu.memref_slice %arg7[%dma_start3A_1118, %dma_start3A_1119] : memref<1600x32xf32, #tpu.memory_space<vmem>> -> memref<128x32xf32, #tpu.memory_space<vmem>>
        %dma_start3A_1121 = arith.constant 0 : i32
        %dma_start3A_1122 = tpu.memref_slice %arg5[%dma_start3A_1117, %dma_start3A_1121] : memref<8x200xi32, #tpu.memory_space<vmem>> -> memref<1x128xi32, #tpu.memory_space<vmem>>
        %dma_start3A_1123 = tpu.memref_squeeze %dma_start3A_1122 : memref<1x128xi32, #tpu.memory_space<vmem>> -> memref<128xi32, #tpu.memory_space<vmem>>
        %dma_start3A_1124 = arith.constant 0 : i32
        %dma_start3A_1125 = arith.constant 0 : i32
        %dma_start3A_1126 = tpu.memref_slice %arg3[%dma_start3A_1124, %dma_start3A_1125] : memref<1000000x32xf32, #tpu.memory_space<hbm>> -> memref<1000000x32xf32, #tpu.memory_space<hbm>>
        tpu.enqueue_indirect_dma source(%dma_start3A_1126 : memref<1000000x32xf32, #tpu.memory_space<hbm>>) target(%dma_start3A_1120 : memref<128x32xf32, #tpu.memory_space<vmem>>) offsets(%dma_start3A_1123 : memref<128xi32, #tpu.memory_space<vmem>>) semaphore(%arg12 : memref<!tpu.dma_semaphore, #tpu.memory_space<semaphore_mem>>)
        %dma_start3A_1127 = arith.constant 1 : i32
        %dma_start3A_1128 = arith.constant 328 : i32
        %dma_start3A_1129 = arith.constant 0 : i32
        %dma_start3A_1130 = tpu.memref_slice %arg7[%dma_start3A_1128, %dma_start3A_1129] : memref<1600x32xf32, #tpu.memory_space<vmem>> -> memref<72x32xf32, #tpu.memory_space<vmem>>
        %dma_start3A_1131 = arith.constant 128 : i32
        %dma_start3A_1132 = tpu.memref_slice %arg5[%dma_start3A_1127, %dma_start3A_1131] : memref<8x200xi32, #tpu.memory_space<vmem>> -> memref<1x72xi32, #tpu.memory_space<vmem>>
        %dma_start3A_1133 = tpu.memref_squeeze %dma_start3A_1132 : memref<1x72xi32, #tpu.memory_space<vmem>> -> memref<72xi32, #tpu.memory_space<vmem>>
        %dma_start3A_1134 = arith.constant 0 : i32
        %dma_start3A_1135 = arith.constant 0 : i32
        %dma_start3A_1136 = tpu.memref_slice %arg3[%dma_start3A_1134, %dma_start3A_1135] : memref<1000000x32xf32, #tpu.memory_space<hbm>> -> memref<1000000x32xf32, #tpu.memory_space<hbm>>
        tpu.enqueue_indirect_dma source(%dma_start3A_1136 : memref<1000000x32xf32, #tpu.memory_space<hbm>>) target(%dma_start3A_1130 : memref<72x32xf32, #tpu.memory_space<vmem>>) offsets(%dma_start3A_1133 : memref<72xi32, #tpu.memory_space<vmem>>) semaphore(%arg12 : memref<!tpu.dma_semaphore, #tpu.memory_space<semaphore_mem>>)
        %dma_start3A_1137 = arith.constant 2 : i32
        %dma_start3A_1138 = arith.constant 400 : i32
        %dma_start3A_1139 = arith.constant 0 : i32
        %dma_start3A_1140 = tpu.memref_slice %arg7[%dma_start3A_1138, %dma_start3A_1139] : memref<1600x32xf32, #tpu.memory_space<vmem>> -> memref<128x32xf32, #tpu.memory_space<vmem>>
        %dma_start3A_1141 = arith.constant 0 : i32
        %dma_start3A_1142 = tpu.memref_slice %arg5[%dma_start3A_1137, %dma_start3A_1141] : memref<8x200xi32, #tpu.memory_space<vmem>> -> memref<1x128xi32, #tpu.memory_space<vmem>>
        %dma_start3A_1143 = tpu.memref_squeeze %dma_start3A_1142 : memref<1x128xi32, #tpu.memory_space<vmem>> -> memref<128xi32, #tpu.memory_space<vmem>>
        %dma_start3A_1144 = arith.constant 0 : i32
        %dma_start3A_1145 = arith.constant 0 : i32
        %dma_start3A_1146 = tpu.memref_slice %arg3[%dma_start3A_1144, %dma_start3A_1145] : memref<1000000x32xf32, #tpu.memory_space<hbm>> -> memref<1000000x32xf32, #tpu.memory_space<hbm>>
        tpu.enqueue_indirect_dma source(%dma_start3A_1146 : memref<1000000x32xf32, #tpu.memory_space<hbm>>) target(%dma_start3A_1140 : memref<128x32xf32, #tpu.memory_space<vmem>>) offsets(%dma_start3A_1143 : memref<128xi32, #tpu.memory_space<vmem>>) semaphore(%arg12 : memref<!tpu.dma_semaphore, #tpu.memory_space<semaphore_mem>>)
        %dma_start3A_1147 = arith.constant 2 : i32
        %dma_start3A_1148 = arith.constant 528 : i32
        %dma_start3A_1149 = arith.constant 0 : i32
        %dma_start3A_1150 = tpu.memref_slice %arg7[%dma_start3A_1148, %dma_start3A_1149] : memref<1600x32xf32, #tpu.memory_space<vmem>> -> memref<72x32xf32, #tpu.memory_space<vmem>>
        %dma_start3A_1151 = arith.constant 128 : i32
        %dma_start3A_1152 = tpu.memref_slice %arg5[%dma_start3A_1147, %dma_start3A_1151] : memref<8x200xi32, #tpu.memory_space<vmem>> -> memref<1x72xi32, #tpu.memory_space<vmem>>
        %dma_start3A_1153 = tpu.memref_squeeze %dma_start3A_1152 : memref<1x72xi32, #tpu.memory_space<vmem>> -> memref<72xi32, #tpu.memory_space<vmem>>
        %dma_start3A_1154 = arith.constant 0 : i32
        %dma_start3A_1155 = arith.constant 0 : i32
        %dma_start3A_1156 = tpu.memref_slice %arg3[%dma_start3A_1154, %dma_start3A_1155] : memref<1000000x32xf32, #tpu.memory_space<hbm>> -> memref<1000000x32xf32, #tpu.memory_space<hbm>>
        tpu.enqueue_indirect_dma source(%dma_start3A_1156 : memref<1000000x32xf32, #tpu.memory_space<hbm>>) target(%dma_start3A_1150 : memref<72x32xf32, #tpu.memory_space<vmem>>) offsets(%dma_start3A_1153 : memref<72xi32, #tpu.memory_space<vmem>>) semaphore(%arg12 : memref<!tpu.dma_semaphore, #tpu.memory_space<semaphore_mem>>)
        %dma_start3A_1157 = arith.constant 3 : i32
        %dma_start3A_1158 = arith.constant 600 : i32
        %dma_start3A_1159 = arith.constant 0 : i32
        %dma_start3A_1160 = tpu.memref_slice %arg7[%dma_start3A_1158, %dma_start3A_1159] : memref<1600x32xf32, #tpu.memory_space<vmem>> -> memref<128x32xf32, #tpu.memory_space<vmem>>
        %dma_start3A_1161 = arith.constant 0 : i32
        %dma_start3A_1162 = tpu.memref_slice %arg5[%dma_start3A_1157, %dma_start3A_1161] : memref<8x200xi32, #tpu.memory_space<vmem>> -> memref<1x128xi32, #tpu.memory_space<vmem>>
        %dma_start3A_1163 = tpu.memref_squeeze %dma_start3A_1162 : memref<1x128xi32, #tpu.memory_space<vmem>> -> memref<128xi32, #tpu.memory_space<vmem>>
        %dma_start3A_1164 = arith.constant 0 : i32
        %dma_start3A_1165 = arith.constant 0 : i32
        %dma_start3A_1166 = tpu.memref_slice %arg3[%dma_start3A_1164, %dma_start3A_1165] : memref<1000000x32xf32, #tpu.memory_space<hbm>> -> memref<1000000x32xf32, #tpu.memory_space<hbm>>
        tpu.enqueue_indirect_dma source(%dma_start3A_1166 : memref<1000000x32xf32, #tpu.memory_space<hbm>>) target(%dma_start3A_1160 : memref<128x32xf32, #tpu.memory_space<vmem>>) offsets(%dma_start3A_1163 : memref<128xi32, #tpu.memory_space<vmem>>) semaphore(%arg12 : memref<!tpu.dma_semaphore, #tpu.memory_space<semaphore_mem>>)
        %dma_start3A_1167 = arith.constant 3 : i32
        %dma_start3A_1168 = arith.constant 728 : i32
        %dma_start3A_1169 = arith.constant 0 : i32
        %dma_start3A_1170 = tpu.memref_slice %arg7[%dma_start3A_1168, %dma_start3A_1169] : memref<1600x32xf32, #tpu.memory_space<vmem>> -> memref<72x32xf32, #tpu.memory_space<vmem>>
        %dma_start3A_1171 = arith.constant 128 : i32
        %dma_start3A_1172 = tpu.memref_slice %arg5[%dma_start3A_1167, %dma_start3A_1171] : memref<8x200xi32, #tpu.memory_space<vmem>> -> memref<1x72xi32, #tpu.memory_space<vmem>>
        %dma_start3A_1173 = tpu.memref_squeeze %dma_start3A_1172 : memref<1x72xi32, #tpu.memory_space<vmem>> -> memref<72xi32, #tpu.memory_space<vmem>>
        %dma_start3A_1174 = arith.constant 0 : i32
        %dma_start3A_1175 = arith.constant 0 : i32
        %dma_start3A_1176 = tpu.memref_slice %arg3[%dma_start3A_1174, %dma_start3A_1175] : memref<1000000x32xf32, #tpu.memory_space<hbm>> -> memref<1000000x32xf32, #tpu.memory_space<hbm>>
        tpu.enqueue_indirect_dma source(%dma_start3A_1176 : memref<1000000x32xf32, #tpu.memory_space<hbm>>) target(%dma_start3A_1170 : memref<72x32xf32, #tpu.memory_space<vmem>>) offsets(%dma_start3A_1173 : memref<72xi32, #tpu.memory_space<vmem>>) semaphore(%arg12 : memref<!tpu.dma_semaphore, #tpu.memory_space<semaphore_mem>>)
        %dma_start3A_1177 = arith.constant 4 : i32
        %dma_start3A_1178 = arith.constant 800 : i32
        %dma_start3A_1179 = arith.constant 0 : i32
        %dma_start3A_1180 = tpu.memref_slice %arg7[%dma_start3A_1178, %dma_start3A_1179] : memref<1600x32xf32, #tpu.memory_space<vmem>> -> memref<128x32xf32, #tpu.memory_space<vmem>>
        %dma_start3A_1181 = arith.constant 0 : i32
        %dma_start3A_1182 = tpu.memref_slice %arg5[%dma_start3A_1177, %dma_start3A_1181] : memref<8x200xi32, #tpu.memory_space<vmem>> -> memref<1x128xi32, #tpu.memory_space<vmem>>
        %dma_start3A_1183 = tpu.memref_squeeze %dma_start3A_1182 : memref<1x128xi32, #tpu.memory_space<vmem>> -> memref<128xi32, #tpu.memory_space<vmem>>
        %dma_start3A_1184 = arith.constant 0 : i32
        %dma_start3A_1185 = arith.constant 0 : i32
        %dma_start3A_1186 = tpu.memref_slice %arg3[%dma_start3A_1184, %dma_start3A_1185] : memref<1000000x32xf32, #tpu.memory_space<hbm>> -> memref<1000000x32xf32, #tpu.memory_space<hbm>>
        tpu.enqueue_indirect_dma source(%dma_start3A_1186 : memref<1000000x32xf32, #tpu.memory_space<hbm>>) target(%dma_start3A_1180 : memref<128x32xf32, #tpu.memory_space<vmem>>) offsets(%dma_start3A_1183 : memref<128xi32, #tpu.memory_space<vmem>>) semaphore(%arg12 : memref<!tpu.dma_semaphore, #tpu.memory_space<semaphore_mem>>)
        %dma_start3A_1187 = arith.constant 4 : i32
        %dma_start3A_1188 = arith.constant 928 : i32
        %dma_start3A_1189 = arith.constant 0 : i32
        %dma_start3A_1190 = tpu.memref_slice %arg7[%dma_start3A_1188, %dma_start3A_1189] : memref<1600x32xf32, #tpu.memory_space<vmem>> -> memref<72x32xf32, #tpu.memory_space<vmem>>
        %dma_start3A_1191 = arith.constant 128 : i32
        %dma_start3A_1192 = tpu.memref_slice %arg5[%dma_start3A_1187, %dma_start3A_1191] : memref<8x200xi32, #tpu.memory_space<vmem>> -> memref<1x72xi32, #tpu.memory_space<vmem>>
        %dma_start3A_1193 = tpu.memref_squeeze %dma_start3A_1192 : memref<1x72xi32, #tpu.memory_space<vmem>> -> memref<72xi32, #tpu.memory_space<vmem>>
        %dma_start3A_1194 = arith.constant 0 : i32
        %dma_start3A_1195 = arith.constant 0 : i32
        %dma_start3A_1196 = tpu.memref_slice %arg3[%dma_start3A_1194, %dma_start3A_1195] : memref<1000000x32xf32, #tpu.memory_space<hbm>> -> memref<1000000x32xf32, #tpu.memory_space<hbm>>
        tpu.enqueue_indirect_dma source(%dma_start3A_1196 : memref<1000000x32xf32, #tpu.memory_space<hbm>>) target(%dma_start3A_1190 : memref<72x32xf32, #tpu.memory_space<vmem>>) offsets(%dma_start3A_1193 : memref<72xi32, #tpu.memory_space<vmem>>) semaphore(%arg12 : memref<!tpu.dma_semaphore, #tpu.memory_space<semaphore_mem>>)
        %dma_start3A_1197 = arith.constant 5 : i32
        %dma_start3A_1198 = arith.constant 1000 : i32
        %dma_start3A_1199 = arith.constant 0 : i32
        %dma_start3A_1200 = tpu.memref_slice %arg7[%dma_start3A_1198, %dma_start3A_1199] : memref<1600x32xf32, #tpu.memory_space<vmem>> -> memref<128x32xf32, #tpu.memory_space<vmem>>
        %dma_start3A_1201 = arith.constant 0 : i32
        %dma_start3A_1202 = tpu.memref_slice %arg5[%dma_start3A_1197, %dma_start3A_1201] : memref<8x200xi32, #tpu.memory_space<vmem>> -> memref<1x128xi32, #tpu.memory_space<vmem>>
        %dma_start3A_1203 = tpu.memref_squeeze %dma_start3A_1202 : memref<1x128xi32, #tpu.memory_space<vmem>> -> memref<128xi32, #tpu.memory_space<vmem>>
        %dma_start3A_1204 = arith.constant 0 : i32
        %dma_start3A_1205 = arith.constant 0 : i32
        %dma_start3A_1206 = tpu.memref_slice %arg3[%dma_start3A_1204, %dma_start3A_1205] : memref<1000000x32xf32, #tpu.memory_space<hbm>> -> memref<1000000x32xf32, #tpu.memory_space<hbm>>
        tpu.enqueue_indirect_dma source(%dma_start3A_1206 : memref<1000000x32xf32, #tpu.memory_space<hbm>>) target(%dma_start3A_1200 : memref<128x32xf32, #tpu.memory_space<vmem>>) offsets(%dma_start3A_1203 : memref<128xi32, #tpu.memory_space<vmem>>) semaphore(%arg12 : memref<!tpu.dma_semaphore, #tpu.memory_space<semaphore_mem>>)
        %dma_start3A_1207 = arith.constant 5 : i32
        %dma_start3A_1208 = arith.constant 1128 : i32
        %dma_start3A_1209 = arith.constant 0 : i32
        %dma_start3A_1210 = tpu.memref_slice %arg7[%dma_start3A_1208, %dma_start3A_1209] : memref<1600x32xf32, #tpu.memory_space<vmem>> -> memref<72x32xf32, #tpu.memory_space<vmem>>
        %dma_start3A_1211 = arith.constant 128 : i32
        %dma_start3A_1212 = tpu.memref_slice %arg5[%dma_start3A_1207, %dma_start3A_1211] : memref<8x200xi32, #tpu.memory_space<vmem>> -> memref<1x72xi32, #tpu.memory_space<vmem>>
        %dma_start3A_1213 = tpu.memref_squeeze %dma_start3A_1212 : memref<1x72xi32, #tpu.memory_space<vmem>> -> memref<72xi32, #tpu.memory_space<vmem>>
        %dma_start3A_1214 = arith.constant 0 : i32
        %dma_start3A_1215 = arith.constant 0 : i32
        %dma_start3A_1216 = tpu.memref_slice %arg3[%dma_start3A_1214, %dma_start3A_1215] : memref<1000000x32xf32, #tpu.memory_space<hbm>> -> memref<1000000x32xf32, #tpu.memory_space<hbm>>
        tpu.enqueue_indirect_dma source(%dma_start3A_1216 : memref<1000000x32xf32, #tpu.memory_space<hbm>>) target(%dma_start3A_1210 : memref<72x32xf32, #tpu.memory_space<vmem>>) offsets(%dma_start3A_1213 : memref<72xi32, #tpu.memory_space<vmem>>) semaphore(%arg12 : memref<!tpu.dma_semaphore, #tpu.memory_space<semaphore_mem>>)
        %dma_start3A_1217 = arith.constant 6 : i32
        %dma_start3A_1218 = arith.constant 1200 : i32
        %dma_start3A_1219 = arith.constant 0 : i32
        %dma_start3A_1220 = tpu.memref_slice %arg7[%dma_start3A_1218, %dma_start3A_1219] : memref<1600x32xf32, #tpu.memory_space<vmem>> -> memref<128x32xf32, #tpu.memory_space<vmem>>
        %dma_start3A_1221 = arith.constant 0 : i32
        %dma_start3A_1222 = tpu.memref_slice %arg5[%dma_start3A_1217, %dma_start3A_1221] : memref<8x200xi32, #tpu.memory_space<vmem>> -> memref<1x128xi32, #tpu.memory_space<vmem>>
        %dma_start3A_1223 = tpu.memref_squeeze %dma_start3A_1222 : memref<1x128xi32, #tpu.memory_space<vmem>> -> memref<128xi32, #tpu.memory_space<vmem>>
        %dma_start3A_1224 = arith.constant 0 : i32
        %dma_start3A_1225 = arith.constant 0 : i32
        %dma_start3A_1226 = tpu.memref_slice %arg3[%dma_start3A_1224, %dma_start3A_1225] : memref<1000000x32xf32, #tpu.memory_space<hbm>> -> memref<1000000x32xf32, #tpu.memory_space<hbm>>
        tpu.enqueue_indirect_dma source(%dma_start3A_1226 : memref<1000000x32xf32, #tpu.memory_space<hbm>>) target(%dma_start3A_1220 : memref<128x32xf32, #tpu.memory_space<vmem>>) offsets(%dma_start3A_1223 : memref<128xi32, #tpu.memory_space<vmem>>) semaphore(%arg12 : memref<!tpu.dma_semaphore, #tpu.memory_space<semaphore_mem>>)
        %dma_start3A_1227 = arith.constant 6 : i32
        %dma_start3A_1228 = arith.constant 1328 : i32
        %dma_start3A_1229 = arith.constant 0 : i32
        %dma_start3A_1230 = tpu.memref_slice %arg7[%dma_start3A_1228, %dma_start3A_1229] : memref<1600x32xf32, #tpu.memory_space<vmem>> -> memref<72x32xf32, #tpu.memory_space<vmem>>
        %dma_start3A_1231 = arith.constant 128 : i32
        %dma_start3A_1232 = tpu.memref_slice %arg5[%dma_start3A_1227, %dma_start3A_1231] : memref<8x200xi32, #tpu.memory_space<vmem>> -> memref<1x72xi32, #tpu.memory_space<vmem>>
        %dma_start3A_1233 = tpu.memref_squeeze %dma_start3A_1232 : memref<1x72xi32, #tpu.memory_space<vmem>> -> memref<72xi32, #tpu.memory_space<vmem>>
        %dma_start3A_1234 = arith.constant 0 : i32
        %dma_start3A_1235 = arith.constant 0 : i32
        %dma_start3A_1236 = tpu.memref_slice %arg3[%dma_start3A_1234, %dma_start3A_1235] : memref<1000000x32xf32, #tpu.memory_space<hbm>> -> memref<1000000x32xf32, #tpu.memory_space<hbm>>
        tpu.enqueue_indirect_dma source(%dma_start3A_1236 : memref<1000000x32xf32, #tpu.memory_space<hbm>>) target(%dma_start3A_1230 : memref<72x32xf32, #tpu.memory_space<vmem>>) offsets(%dma_start3A_1233 : memref<72xi32, #tpu.memory_space<vmem>>) semaphore(%arg12 : memref<!tpu.dma_semaphore, #tpu.memory_space<semaphore_mem>>)
        %dma_start3A_1237 = arith.constant 7 : i32
        %dma_start3A_1238 = arith.constant 1400 : i32
        %dma_start3A_1239 = arith.constant 0 : i32
        %dma_start3A_1240 = tpu.memref_slice %arg7[%dma_start3A_1238, %dma_start3A_1239] : memref<1600x32xf32, #tpu.memory_space<vmem>> -> memref<128x32xf32, #tpu.memory_space<vmem>>
        %dma_start3A_1241 = arith.constant 0 : i32
        %dma_start3A_1242 = tpu.memref_slice %arg5[%dma_start3A_1237, %dma_start3A_1241] : memref<8x200xi32, #tpu.memory_space<vmem>> -> memref<1x128xi32, #tpu.memory_space<vmem>>
        %dma_start3A_1243 = tpu.memref_squeeze %dma_start3A_1242 : memref<1x128xi32, #tpu.memory_space<vmem>> -> memref<128xi32, #tpu.memory_space<vmem>>
        %dma_start3A_1244 = arith.constant 0 : i32
        %dma_start3A_1245 = arith.constant 0 : i32
        %dma_start3A_1246 = tpu.memref_slice %arg3[%dma_start3A_1244, %dma_start3A_1245] : memref<1000000x32xf32, #tpu.memory_space<hbm>> -> memref<1000000x32xf32, #tpu.memory_space<hbm>>
        tpu.enqueue_indirect_dma source(%dma_start3A_1246 : memref<1000000x32xf32, #tpu.memory_space<hbm>>) target(%dma_start3A_1240 : memref<128x32xf32, #tpu.memory_space<vmem>>) offsets(%dma_start3A_1243 : memref<128xi32, #tpu.memory_space<vmem>>) semaphore(%arg12 : memref<!tpu.dma_semaphore, #tpu.memory_space<semaphore_mem>>)
        %dma_start3A_1247 = arith.constant 7 : i32
        %dma_start3A_1248 = arith.constant 1528 : i32
        %dma_start3A_1249 = arith.constant 0 : i32
        %dma_start3A_1250 = tpu.memref_slice %arg7[%dma_start3A_1248, %dma_start3A_1249] : memref<1600x32xf32, #tpu.memory_space<vmem>> -> memref<72x32xf32, #tpu.memory_space<vmem>>
        %dma_start3A_1251 = arith.constant 128 : i32
        %dma_start3A_1252 = tpu.memref_slice %arg5[%dma_start3A_1247, %dma_start3A_1251] : memref<8x200xi32, #tpu.memory_space<vmem>> -> memref<1x72xi32, #tpu.memory_space<vmem>>
        %dma_start3A_1253 = tpu.memref_squeeze %dma_start3A_1252 : memref<1x72xi32, #tpu.memory_space<vmem>> -> memref<72xi32, #tpu.memory_space<vmem>>
        %dma_start3A_1254 = arith.constant 0 : i32
        %dma_start3A_1255 = arith.constant 0 : i32
        %dma_start3A_1256 = tpu.memref_slice %arg3[%dma_start3A_1254, %dma_start3A_1255] : memref<1000000x32xf32, #tpu.memory_space<hbm>> -> memref<1000000x32xf32, #tpu.memory_space<hbm>>
        tpu.enqueue_indirect_dma source(%dma_start3A_1256 : memref<1000000x32xf32, #tpu.memory_space<hbm>>) target(%dma_start3A_1250 : memref<72x32xf32, #tpu.memory_space<vmem>>) offsets(%dma_start3A_1253 : memref<72xi32, #tpu.memory_space<vmem>>) semaphore(%arg12 : memref<!tpu.dma_semaphore, #tpu.memory_space<semaphore_mem>>)
      } else {
      }
      %dma_wait3A_722 = arith.constant 0 : i32
      %dma_wait3A_723 = arith.constant 0 : i32
      %dma_wait3A_724 = arith.constant 0 : i32
      %dma_wait3A_725 = tpu.memref_slice %arg8[%dma_wait3A_723, %dma_wait3A_724] : memref<1600x32xf32, #tpu.memory_space<vmem>> -> memref<128x32xf32, #tpu.memory_space<vmem>>
      %dma_wait3A_726 = arith.constant 0 : i32
      %dma_wait3A_727 = tpu.memref_slice %arg6[%dma_wait3A_722, %dma_wait3A_726] : memref<8x200xi32, #tpu.memory_space<vmem>> -> memref<1x128xi32, #tpu.memory_space<vmem>>
      %dma_wait3A_728 = tpu.memref_squeeze %dma_wait3A_727 : memref<1x128xi32, #tpu.memory_space<vmem>> -> memref<128xi32, #tpu.memory_space<vmem>>
      %dma_wait3A_729 = arith.constant 0 : i32
      %dma_wait3A_730 = arith.constant 0 : i32
      %dma_wait3A_731 = tpu.memref_slice %arg3[%dma_wait3A_729, %dma_wait3A_730] : memref<1000000x32xf32, #tpu.memory_space<hbm>> -> memref<1000000x32xf32, #tpu.memory_space<hbm>>
      tpu.wait_indirect_dma semaphore(%arg13 : memref<!tpu.dma_semaphore, #tpu.memory_space<semaphore_mem>>) src(%dma_wait3A_731 : memref<1000000x32xf32, #tpu.memory_space<hbm>>) dst(%dma_wait3A_725 : memref<128x32xf32, #tpu.memory_space<vmem>>)
      %dma_wait3A_732 = arith.constant 0 : i32
      %dma_wait3A_733 = arith.constant 128 : i32
      %dma_wait3A_734 = arith.constant 0 : i32
      %dma_wait3A_735 = tpu.memref_slice %arg8[%dma_wait3A_733, %dma_wait3A_734] : memref<1600x32xf32, #tpu.memory_space<vmem>> -> memref<72x32xf32, #tpu.memory_space<vmem>>
      %dma_wait3A_736 = arith.constant 128 : i32
      %dma_wait3A_737 = tpu.memref_slice %arg6[%dma_wait3A_732, %dma_wait3A_736] : memref<8x200xi32, #tpu.memory_space<vmem>> -> memref<1x72xi32, #tpu.memory_space<vmem>>
      %dma_wait3A_738 = tpu.memref_squeeze %dma_wait3A_737 : memref<1x72xi32, #tpu.memory_space<vmem>> -> memref<72xi32, #tpu.memory_space<vmem>>
      %dma_wait3A_739 = arith.constant 0 : i32
      %dma_wait3A_740 = arith.constant 0 : i32
      %dma_wait3A_741 = tpu.memref_slice %arg3[%dma_wait3A_739, %dma_wait3A_740] : memref<1000000x32xf32, #tpu.memory_space<hbm>> -> memref<1000000x32xf32, #tpu.memory_space<hbm>>
      tpu.wait_indirect_dma semaphore(%arg13 : memref<!tpu.dma_semaphore, #tpu.memory_space<semaphore_mem>>) src(%dma_wait3A_741 : memref<1000000x32xf32, #tpu.memory_space<hbm>>) dst(%dma_wait3A_735 : memref<72x32xf32, #tpu.memory_space<vmem>>)
      %dma_wait3A_742 = arith.constant 1 : i32
      %dma_wait3A_743 = arith.constant 200 : i32
      %dma_wait3A_744 = arith.constant 0 : i32
      %dma_wait3A_745 = tpu.memref_slice %arg8[%dma_wait3A_743, %dma_wait3A_744] : memref<1600x32xf32, #tpu.memory_space<vmem>> -> memref<128x32xf32, #tpu.memory_space<vmem>>
      %dma_wait3A_746 = arith.constant 0 : i32
      %dma_wait3A_747 = tpu.memref_slice %arg6[%dma_wait3A_742, %dma_wait3A_746] : memref<8x200xi32, #tpu.memory_space<vmem>> -> memref<1x128xi32, #tpu.memory_space<vmem>>
      %dma_wait3A_748 = tpu.memref_squeeze %dma_wait3A_747 : memref<1x128xi32, #tpu.memory_space<vmem>> -> memref<128xi32, #tpu.memory_space<vmem>>
      %dma_wait3A_749 = arith.constant 0 : i32
      %dma_wait3A_750 = arith.constant 0 : i32
      %dma_wait3A_751 = tpu.memref_slice %arg3[%dma_wait3A_749, %dma_wait3A_750] : memref<1000000x32xf32, #tpu.memory_space<hbm>> -> memref<1000000x32xf32, #tpu.memory_space<hbm>>
      tpu.wait_indirect_dma semaphore(%arg13 : memref<!tpu.dma_semaphore, #tpu.memory_space<semaphore_mem>>) src(%dma_wait3A_751 : memref<1000000x32xf32, #tpu.memory_space<hbm>>) dst(%dma_wait3A_745 : memref<128x32xf32, #tpu.memory_space<vmem>>)
      %dma_wait3A_752 = arith.constant 1 : i32
      %dma_wait3A_753 = arith.constant 328 : i32
      %dma_wait3A_754 = arith.constant 0 : i32
      %dma_wait3A_755 = tpu.memref_slice %arg8[%dma_wait3A_753, %dma_wait3A_754] : memref<1600x32xf32, #tpu.memory_space<vmem>> -> memref<72x32xf32, #tpu.memory_space<vmem>>
      %dma_wait3A_756 = arith.constant 128 : i32
      %dma_wait3A_757 = tpu.memref_slice %arg6[%dma_wait3A_752, %dma_wait3A_756] : memref<8x200xi32, #tpu.memory_space<vmem>> -> memref<1x72xi32, #tpu.memory_space<vmem>>
      %dma_wait3A_758 = tpu.memref_squeeze %dma_wait3A_757 : memref<1x72xi32, #tpu.memory_space<vmem>> -> memref<72xi32, #tpu.memory_space<vmem>>
      %dma_wait3A_759 = arith.constant 0 : i32
      %dma_wait3A_760 = arith.constant 0 : i32
      %dma_wait3A_761 = tpu.memref_slice %arg3[%dma_wait3A_759, %dma_wait3A_760] : memref<1000000x32xf32, #tpu.memory_space<hbm>> -> memref<1000000x32xf32, #tpu.memory_space<hbm>>
      tpu.wait_indirect_dma semaphore(%arg13 : memref<!tpu.dma_semaphore, #tpu.memory_space<semaphore_mem>>) src(%dma_wait3A_761 : memref<1000000x32xf32, #tpu.memory_space<hbm>>) dst(%dma_wait3A_755 : memref<72x32xf32, #tpu.memory_space<vmem>>)
      %dma_wait3A_762 = arith.constant 2 : i32
      %dma_wait3A_763 = arith.constant 400 : i32
      %dma_wait3A_764 = arith.constant 0 : i32
      %dma_wait3A_765 = tpu.memref_slice %arg8[%dma_wait3A_763, %dma_wait3A_764] : memref<1600x32xf32, #tpu.memory_space<vmem>> -> memref<128x32xf32, #tpu.memory_space<vmem>>
      %dma_wait3A_766 = arith.constant 0 : i32
      %dma_wait3A_767 = tpu.memref_slice %arg6[%dma_wait3A_762, %dma_wait3A_766] : memref<8x200xi32, #tpu.memory_space<vmem>> -> memref<1x128xi32, #tpu.memory_space<vmem>>
      %dma_wait3A_768 = tpu.memref_squeeze %dma_wait3A_767 : memref<1x128xi32, #tpu.memory_space<vmem>> -> memref<128xi32, #tpu.memory_space<vmem>>
      %dma_wait3A_769 = arith.constant 0 : i32
      %dma_wait3A_770 = arith.constant 0 : i32
      %dma_wait3A_771 = tpu.memref_slice %arg3[%dma_wait3A_769, %dma_wait3A_770] : memref<1000000x32xf32, #tpu.memory_space<hbm>> -> memref<1000000x32xf32, #tpu.memory_space<hbm>>
      tpu.wait_indirect_dma semaphore(%arg13 : memref<!tpu.dma_semaphore, #tpu.memory_space<semaphore_mem>>) src(%dma_wait3A_771 : memref<1000000x32xf32, #tpu.memory_space<hbm>>) dst(%dma_wait3A_765 : memref<128x32xf32, #tpu.memory_space<vmem>>)
      %dma_wait3A_772 = arith.constant 2 : i32
      %dma_wait3A_773 = arith.constant 528 : i32
      %dma_wait3A_774 = arith.constant 0 : i32
      %dma_wait3A_775 = tpu.memref_slice %arg8[%dma_wait3A_773, %dma_wait3A_774] : memref<1600x32xf32, #tpu.memory_space<vmem>> -> memref<72x32xf32, #tpu.memory_space<vmem>>
      %dma_wait3A_776 = arith.constant 128 : i32
      %dma_wait3A_777 = tpu.memref_slice %arg6[%dma_wait3A_772, %dma_wait3A_776] : memref<8x200xi32, #tpu.memory_space<vmem>> -> memref<1x72xi32, #tpu.memory_space<vmem>>
      %dma_wait3A_778 = tpu.memref_squeeze %dma_wait3A_777 : memref<1x72xi32, #tpu.memory_space<vmem>> -> memref<72xi32, #tpu.memory_space<vmem>>
      %dma_wait3A_779 = arith.constant 0 : i32
      %dma_wait3A_780 = arith.constant 0 : i32
      %dma_wait3A_781 = tpu.memref_slice %arg3[%dma_wait3A_779, %dma_wait3A_780] : memref<1000000x32xf32, #tpu.memory_space<hbm>> -> memref<1000000x32xf32, #tpu.memory_space<hbm>>
      tpu.wait_indirect_dma semaphore(%arg13 : memref<!tpu.dma_semaphore, #tpu.memory_space<semaphore_mem>>) src(%dma_wait3A_781 : memref<1000000x32xf32, #tpu.memory_space<hbm>>) dst(%dma_wait3A_775 : memref<72x32xf32, #tpu.memory_space<vmem>>)
      %dma_wait3A_782 = arith.constant 3 : i32
      %dma_wait3A_783 = arith.constant 600 : i32
      %dma_wait3A_784 = arith.constant 0 : i32
      %dma_wait3A_785 = tpu.memref_slice %arg8[%dma_wait3A_783, %dma_wait3A_784] : memref<1600x32xf32, #tpu.memory_space<vmem>> -> memref<128x32xf32, #tpu.memory_space<vmem>>
      %dma_wait3A_786 = arith.constant 0 : i32
      %dma_wait3A_787 = tpu.memref_slice %arg6[%dma_wait3A_782, %dma_wait3A_786] : memref<8x200xi32, #tpu.memory_space<vmem>> -> memref<1x128xi32, #tpu.memory_space<vmem>>
      %dma_wait3A_788 = tpu.memref_squeeze %dma_wait3A_787 : memref<1x128xi32, #tpu.memory_space<vmem>> -> memref<128xi32, #tpu.memory_space<vmem>>
      %dma_wait3A_789 = arith.constant 0 : i32
      %dma_wait3A_790 = arith.constant 0 : i32
      %dma_wait3A_791 = tpu.memref_slice %arg3[%dma_wait3A_789, %dma_wait3A_790] : memref<1000000x32xf32, #tpu.memory_space<hbm>> -> memref<1000000x32xf32, #tpu.memory_space<hbm>>
      tpu.wait_indirect_dma semaphore(%arg13 : memref<!tpu.dma_semaphore, #tpu.memory_space<semaphore_mem>>) src(%dma_wait3A_791 : memref<1000000x32xf32, #tpu.memory_space<hbm>>) dst(%dma_wait3A_785 : memref<128x32xf32, #tpu.memory_space<vmem>>)
      %dma_wait3A_792 = arith.constant 3 : i32
      %dma_wait3A_793 = arith.constant 728 : i32
      %dma_wait3A_794 = arith.constant 0 : i32
      %dma_wait3A_795 = tpu.memref_slice %arg8[%dma_wait3A_793, %dma_wait3A_794] : memref<1600x32xf32, #tpu.memory_space<vmem>> -> memref<72x32xf32, #tpu.memory_space<vmem>>
      %dma_wait3A_796 = arith.constant 128 : i32
      %dma_wait3A_797 = tpu.memref_slice %arg6[%dma_wait3A_792, %dma_wait3A_796] : memref<8x200xi32, #tpu.memory_space<vmem>> -> memref<1x72xi32, #tpu.memory_space<vmem>>
      %dma_wait3A_798 = tpu.memref_squeeze %dma_wait3A_797 : memref<1x72xi32, #tpu.memory_space<vmem>> -> memref<72xi32, #tpu.memory_space<vmem>>
      %dma_wait3A_799 = arith.constant 0 : i32
      %dma_wait3A_800 = arith.constant 0 : i32
      %dma_wait3A_801 = tpu.memref_slice %arg3[%dma_wait3A_799, %dma_wait3A_800] : memref<1000000x32xf32, #tpu.memory_space<hbm>> -> memref<1000000x32xf32, #tpu.memory_space<hbm>>
      tpu.wait_indirect_dma semaphore(%arg13 : memref<!tpu.dma_semaphore, #tpu.memory_space<semaphore_mem>>) src(%dma_wait3A_801 : memref<1000000x32xf32, #tpu.memory_space<hbm>>) dst(%dma_wait3A_795 : memref<72x32xf32, #tpu.memory_space<vmem>>)
      %dma_wait3A_802 = arith.constant 4 : i32
      %dma_wait3A_803 = arith.constant 800 : i32
      %dma_wait3A_804 = arith.constant 0 : i32
      %dma_wait3A_805 = tpu.memref_slice %arg8[%dma_wait3A_803, %dma_wait3A_804] : memref<1600x32xf32, #tpu.memory_space<vmem>> -> memref<128x32xf32, #tpu.memory_space<vmem>>
      %dma_wait3A_806 = arith.constant 0 : i32
      %dma_wait3A_807 = tpu.memref_slice %arg6[%dma_wait3A_802, %dma_wait3A_806] : memref<8x200xi32, #tpu.memory_space<vmem>> -> memref<1x128xi32, #tpu.memory_space<vmem>>
      %dma_wait3A_808 = tpu.memref_squeeze %dma_wait3A_807 : memref<1x128xi32, #tpu.memory_space<vmem>> -> memref<128xi32, #tpu.memory_space<vmem>>
      %dma_wait3A_809 = arith.constant 0 : i32
      %dma_wait3A_810 = arith.constant 0 : i32
      %dma_wait3A_811 = tpu.memref_slice %arg3[%dma_wait3A_809, %dma_wait3A_810] : memref<1000000x32xf32, #tpu.memory_space<hbm>> -> memref<1000000x32xf32, #tpu.memory_space<hbm>>
      tpu.wait_indirect_dma semaphore(%arg13 : memref<!tpu.dma_semaphore, #tpu.memory_space<semaphore_mem>>) src(%dma_wait3A_811 : memref<1000000x32xf32, #tpu.memory_space<hbm>>) dst(%dma_wait3A_805 : memref<128x32xf32, #tpu.memory_space<vmem>>)
      %dma_wait3A_812 = arith.constant 4 : i32
      %dma_wait3A_813 = arith.constant 928 : i32
      %dma_wait3A_814 = arith.constant 0 : i32
      %dma_wait3A_815 = tpu.memref_slice %arg8[%dma_wait3A_813, %dma_wait3A_814] : memref<1600x32xf32, #tpu.memory_space<vmem>> -> memref<72x32xf32, #tpu.memory_space<vmem>>
      %dma_wait3A_816 = arith.constant 128 : i32
      %dma_wait3A_817 = tpu.memref_slice %arg6[%dma_wait3A_812, %dma_wait3A_816] : memref<8x200xi32, #tpu.memory_space<vmem>> -> memref<1x72xi32, #tpu.memory_space<vmem>>
      %dma_wait3A_818 = tpu.memref_squeeze %dma_wait3A_817 : memref<1x72xi32, #tpu.memory_space<vmem>> -> memref<72xi32, #tpu.memory_space<vmem>>
      %dma_wait3A_819 = arith.constant 0 : i32
      %dma_wait3A_820 = arith.constant 0 : i32
      %dma_wait3A_821 = tpu.memref_slice %arg3[%dma_wait3A_819, %dma_wait3A_820] : memref<1000000x32xf32, #tpu.memory_space<hbm>> -> memref<1000000x32xf32, #tpu.memory_space<hbm>>
      tpu.wait_indirect_dma semaphore(%arg13 : memref<!tpu.dma_semaphore, #tpu.memory_space<semaphore_mem>>) src(%dma_wait3A_821 : memref<1000000x32xf32, #tpu.memory_space<hbm>>) dst(%dma_wait3A_815 : memref<72x32xf32, #tpu.memory_space<vmem>>)
      %dma_wait3A_822 = arith.constant 5 : i32
      %dma_wait3A_823 = arith.constant 1000 : i32
      %dma_wait3A_824 = arith.constant 0 : i32
      %dma_wait3A_825 = tpu.memref_slice %arg8[%dma_wait3A_823, %dma_wait3A_824] : memref<1600x32xf32, #tpu.memory_space<vmem>> -> memref<128x32xf32, #tpu.memory_space<vmem>>
      %dma_wait3A_826 = arith.constant 0 : i32
      %dma_wait3A_827 = tpu.memref_slice %arg6[%dma_wait3A_822, %dma_wait3A_826] : memref<8x200xi32, #tpu.memory_space<vmem>> -> memref<1x128xi32, #tpu.memory_space<vmem>>
      %dma_wait3A_828 = tpu.memref_squeeze %dma_wait3A_827 : memref<1x128xi32, #tpu.memory_space<vmem>> -> memref<128xi32, #tpu.memory_space<vmem>>
      %dma_wait3A_829 = arith.constant 0 : i32
      %dma_wait3A_830 = arith.constant 0 : i32
      %dma_wait3A_831 = tpu.memref_slice %arg3[%dma_wait3A_829, %dma_wait3A_830] : memref<1000000x32xf32, #tpu.memory_space<hbm>> -> memref<1000000x32xf32, #tpu.memory_space<hbm>>
      tpu.wait_indirect_dma semaphore(%arg13 : memref<!tpu.dma_semaphore, #tpu.memory_space<semaphore_mem>>) src(%dma_wait3A_831 : memref<1000000x32xf32, #tpu.memory_space<hbm>>) dst(%dma_wait3A_825 : memref<128x32xf32, #tpu.memory_space<vmem>>)
      %dma_wait3A_832 = arith.constant 5 : i32
      %dma_wait3A_833 = arith.constant 1128 : i32
      %dma_wait3A_834 = arith.constant 0 : i32
      %dma_wait3A_835 = tpu.memref_slice %arg8[%dma_wait3A_833, %dma_wait3A_834] : memref<1600x32xf32, #tpu.memory_space<vmem>> -> memref<72x32xf32, #tpu.memory_space<vmem>>
      %dma_wait3A_836 = arith.constant 128 : i32
      %dma_wait3A_837 = tpu.memref_slice %arg6[%dma_wait3A_832, %dma_wait3A_836] : memref<8x200xi32, #tpu.memory_space<vmem>> -> memref<1x72xi32, #tpu.memory_space<vmem>>
      %dma_wait3A_838 = tpu.memref_squeeze %dma_wait3A_837 : memref<1x72xi32, #tpu.memory_space<vmem>> -> memref<72xi32, #tpu.memory_space<vmem>>
      %dma_wait3A_839 = arith.constant 0 : i32
      %dma_wait3A_840 = arith.constant 0 : i32
      %dma_wait3A_841 = tpu.memref_slice %arg3[%dma_wait3A_839, %dma_wait3A_840] : memref<1000000x32xf32, #tpu.memory_space<hbm>> -> memref<1000000x32xf32, #tpu.memory_space<hbm>>
      tpu.wait_indirect_dma semaphore(%arg13 : memref<!tpu.dma_semaphore, #tpu.memory_space<semaphore_mem>>) src(%dma_wait3A_841 : memref<1000000x32xf32, #tpu.memory_space<hbm>>) dst(%dma_wait3A_835 : memref<72x32xf32, #tpu.memory_space<vmem>>)
      %dma_wait3A_842 = arith.constant 6 : i32
      %dma_wait3A_843 = arith.constant 1200 : i32
      %dma_wait3A_844 = arith.constant 0 : i32
      %dma_wait3A_845 = tpu.memref_slice %arg8[%dma_wait3A_843, %dma_wait3A_844] : memref<1600x32xf32, #tpu.memory_space<vmem>> -> memref<128x32xf32, #tpu.memory_space<vmem>>
      %dma_wait3A_846 = arith.constant 0 : i32
      %dma_wait3A_847 = tpu.memref_slice %arg6[%dma_wait3A_842, %dma_wait3A_846] : memref<8x200xi32, #tpu.memory_space<vmem>> -> memref<1x128xi32, #tpu.memory_space<vmem>>
      %dma_wait3A_848 = tpu.memref_squeeze %dma_wait3A_847 : memref<1x128xi32, #tpu.memory_space<vmem>> -> memref<128xi32, #tpu.memory_space<vmem>>
      %dma_wait3A_849 = arith.constant 0 : i32
      %dma_wait3A_850 = arith.constant 0 : i32
      %dma_wait3A_851 = tpu.memref_slice %arg3[%dma_wait3A_849, %dma_wait3A_850] : memref<1000000x32xf32, #tpu.memory_space<hbm>> -> memref<1000000x32xf32, #tpu.memory_space<hbm>>
      tpu.wait_indirect_dma semaphore(%arg13 : memref<!tpu.dma_semaphore, #tpu.memory_space<semaphore_mem>>) src(%dma_wait3A_851 : memref<1000000x32xf32, #tpu.memory_space<hbm>>) dst(%dma_wait3A_845 : memref<128x32xf32, #tpu.memory_space<vmem>>)
      %dma_wait3A_852 = arith.constant 6 : i32
      %dma_wait3A_853 = arith.constant 1328 : i32
      %dma_wait3A_854 = arith.constant 0 : i32
      %dma_wait3A_855 = tpu.memref_slice %arg8[%dma_wait3A_853, %dma_wait3A_854] : memref<1600x32xf32, #tpu.memory_space<vmem>> -> memref<72x32xf32, #tpu.memory_space<vmem>>
      %dma_wait3A_856 = arith.constant 128 : i32
      %dma_wait3A_857 = tpu.memref_slice %arg6[%dma_wait3A_852, %dma_wait3A_856] : memref<8x200xi32, #tpu.memory_space<vmem>> -> memref<1x72xi32, #tpu.memory_space<vmem>>
      %dma_wait3A_858 = tpu.memref_squeeze %dma_wait3A_857 : memref<1x72xi32, #tpu.memory_space<vmem>> -> memref<72xi32, #tpu.memory_space<vmem>>
      %dma_wait3A_859 = arith.constant 0 : i32
      %dma_wait3A_860 = arith.constant 0 : i32
      %dma_wait3A_861 = tpu.memref_slice %arg3[%dma_wait3A_859, %dma_wait3A_860] : memref<1000000x32xf32, #tpu.memory_space<hbm>> -> memref<1000000x32xf32, #tpu.memory_space<hbm>>
      tpu.wait_indirect_dma semaphore(%arg13 : memref<!tpu.dma_semaphore, #tpu.memory_space<semaphore_mem>>) src(%dma_wait3A_861 : memref<1000000x32xf32, #tpu.memory_space<hbm>>) dst(%dma_wait3A_855 : memref<72x32xf32, #tpu.memory_space<vmem>>)
      %dma_wait3A_862 = arith.constant 7 : i32
      %dma_wait3A_863 = arith.constant 1400 : i32
      %dma_wait3A_864 = arith.constant 0 : i32
      %dma_wait3A_865 = tpu.memref_slice %arg8[%dma_wait3A_863, %dma_wait3A_864] : memref<1600x32xf32, #tpu.memory_space<vmem>> -> memref<128x32xf32, #tpu.memory_space<vmem>>
      %dma_wait3A_866 = arith.constant 0 : i32
      %dma_wait3A_867 = tpu.memref_slice %arg6[%dma_wait3A_862, %dma_wait3A_866] : memref<8x200xi32, #tpu.memory_space<vmem>> -> memref<1x128xi32, #tpu.memory_space<vmem>>
      %dma_wait3A_868 = tpu.memref_squeeze %dma_wait3A_867 : memref<1x128xi32, #tpu.memory_space<vmem>> -> memref<128xi32, #tpu.memory_space<vmem>>
      %dma_wait3A_869 = arith.constant 0 : i32
      %dma_wait3A_870 = arith.constant 0 : i32
      %dma_wait3A_871 = tpu.memref_slice %arg3[%dma_wait3A_869, %dma_wait3A_870] : memref<1000000x32xf32, #tpu.memory_space<hbm>> -> memref<1000000x32xf32, #tpu.memory_space<hbm>>
      tpu.wait_indirect_dma semaphore(%arg13 : memref<!tpu.dma_semaphore, #tpu.memory_space<semaphore_mem>>) src(%dma_wait3A_871 : memref<1000000x32xf32, #tpu.memory_space<hbm>>) dst(%dma_wait3A_865 : memref<128x32xf32, #tpu.memory_space<vmem>>)
      %dma_wait3A_872 = arith.constant 7 : i32
      %dma_wait3A_873 = arith.constant 1528 : i32
      %dma_wait3A_874 = arith.constant 0 : i32
      %dma_wait3A_875 = tpu.memref_slice %arg8[%dma_wait3A_873, %dma_wait3A_874] : memref<1600x32xf32, #tpu.memory_space<vmem>> -> memref<72x32xf32, #tpu.memory_space<vmem>>
      %dma_wait3A_876 = arith.constant 128 : i32
      %dma_wait3A_877 = tpu.memref_slice %arg6[%dma_wait3A_872, %dma_wait3A_876] : memref<8x200xi32, #tpu.memory_space<vmem>> -> memref<1x72xi32, #tpu.memory_space<vmem>>
      %dma_wait3A_878 = tpu.memref_squeeze %dma_wait3A_877 : memref<1x72xi32, #tpu.memory_space<vmem>> -> memref<72xi32, #tpu.memory_space<vmem>>
      %dma_wait3A_879 = arith.constant 0 : i32
      %dma_wait3A_880 = arith.constant 0 : i32
      %dma_wait3A_881 = tpu.memref_slice %arg3[%dma_wait3A_879, %dma_wait3A_880] : memref<1000000x32xf32, #tpu.memory_space<hbm>> -> memref<1000000x32xf32, #tpu.memory_space<hbm>>
      tpu.wait_indirect_dma semaphore(%arg13 : memref<!tpu.dma_semaphore, #tpu.memory_space<semaphore_mem>>) src(%dma_wait3A_881 : memref<1000000x32xf32, #tpu.memory_space<hbm>>) dst(%dma_wait3A_875 : memref<72x32xf32, #tpu.memory_space<vmem>>)
      %lt3A_882 = arith.constant 31 : i32
      %lt3A_883 = arith.cmpi slt, %scan3A_191, %lt3A_882 : i32
      %convert_element_type3A_884 = arith.extui %lt3A_883 : i1 to i32
      %cond3A_885 = arith.constant 0 : i32
      %cond3A_886 = arith.cmpi ne, %convert_element_type3A_884, %cond3A_885 : i32
      scf.if %cond3A_886 {
        %add3A_1088 = arith.constant 3 : i32
        %add3A_1089 = arith.addi %mul3A_193, %add3A_1088 : i32
        %add3A_1090 = arith.addi %mul3A_2, %add3A_1089 : i32
        %mul3A_1091 = arith.constant 8 : i32
        %mul3A_1092 = arith.muli %add3A_1090, %mul3A_1091 : i32
        %dma_start3A_1093 = arith.constant 0 : i32
        %dma_start3A_1094 = tpu.memref_slice %arg2[%mul3A_1092, %dma_start3A_1093] : memref<16384x200xi32, #tpu.memory_space<hbm>> -> memref<8x200xi32, #tpu.memory_space<hbm>>
        %dma_start3A_1095 = arith.constant 0 : i32
        %dma_start3A_1096 = tpu.memref_slice %arg2[%mul3A_1092, %dma_start3A_1095] : memref<16384x200xi32, #tpu.memory_space<hbm>> -> memref<8x200xi32, #tpu.memory_space<hbm>>
        tpu.enqueue_dma source(%dma_start3A_1096 : memref<8x200xi32, #tpu.memory_space<hbm>>) target(%arg6 : memref<8x200xi32, #tpu.memory_space<vmem>>) target_semaphore(%arg11 : memref<!tpu.dma_semaphore, #tpu.memory_space<semaphore_mem>>)
      } else {
      }
      %add3A_887 = arith.constant 1 : i32
      %add3A_888 = arith.addi %mul3A_193, %add3A_887 : i32
      %jit3A_889 = arith.constant 8 : i32
      %eq3A_890 = arith.constant 0 : i32
      %eq3A_891 = arith.cmpi eq, %jit3A_889, %eq3A_890 : i32
      %jit3A_892 = arith.constant 1 : i32
      %select_n3A_893 = arith.select %eq3A_891, %jit3A_892, %jit3A_889 : i32
      %rem3A_894 = arith.remsi %add3A_888, %select_n3A_893 : i32
      %ne3A_895 = arith.constant 0 : i32
      %ne3A_896 = arith.cmpi ne, %rem3A_894, %ne3A_895 : i32
      %lt3A_897 = arith.constant 0 : i32
      %lt3A_898 = arith.cmpi slt, %rem3A_894, %lt3A_897 : i32
      %lt3A_899 = arith.constant 0 : i32
      %lt3A_900 = arith.cmpi slt, %select_n3A_893, %lt3A_899 : i32
      %ne3A_901 = arith.xori %lt3A_898, %lt3A_900 : i1
      %and3A_902 = arith.andi %ne3A_901, %ne3A_896 : i1
      %add3A_903 = arith.addi %rem3A_894, %select_n3A_893 : i32
      %select_n3A_904 = arith.select %and3A_902, %add3A_903, %rem3A_894 : i32
      %mul3A_905 = arith.constant 8 : i32
      %mul3A_906 = arith.muli %select_n3A_904, %mul3A_905 : i32
      %scan3A_907 = arith.constant 0 : i32
      %scan3A_908 = arith.constant 200 : i32
      %scan3A_909 = arith.addi %scan3A_907, %scan3A_908 : i32
      %scan3A_910 = arith.constant 8 : i32
      %scan3A_911:2 = scf.for %scan3A_1088 = %scan3A_907 to %scan3A_909 step %scan3A_910 iter_args(%scan3A_1089 = %broadcast_in_dim3A_3, %scan3A_1090 = %broadcast_in_dim3A_3) -> (vector<16xf32>, vector<16xf32>)  : i32 {
        %add3A_1091 = arith.constant 0 : i32
        %add3A_1092 = arith.addi %add3A_1091, %scan3A_1088 : i32
        %get3A = arith.index_cast %add3A_1092 : i32 to index
        %get3A_1093 = arith.constant 0 : index
        %get3A_1094 = tpu.vector_load %arg8[%get3A, %get3A_1093] {strides = array<i32>} : memref<1600x32xf32, #tpu.memory_space<vmem>>, vector<1x16xf32>,
        %get3A_1095 = vector.shape_cast %get3A_1094 : vector<1x16xf32> to vector<16xf32>
        %add3A_1096 = arith.addf %scan3A_1089, %get3A_1095 : vector<16xf32>
        %get3A_1097 = arith.index_cast %add3A_1092 : i32 to index
        %get3A_1098 = arith.constant 16 : index
        %get3A_1099 = tpu.vector_load %arg8[%get3A_1097, %get3A_1098] {strides = array<i32>} : memref<1600x32xf32, #tpu.memory_space<vmem>>, vector<1x16xf32>,
        %get3A_1100 = vector.shape_cast %get3A_1099 : vector<1x16xf32> to vector<16xf32>
        %add3A_1101 = arith.addf %scan3A_1090, %get3A_1100 : vector<16xf32>
        %scan3A_1102 = arith.constant 1 : i32
        %scan3A_1103 = arith.addi %scan3A_1088, %scan3A_1102 : i32
        %add3A_1104 = arith.constant 0 : i32
        %add3A_1105 = arith.addi %add3A_1104, %scan3A_1103 : i32
        %get3A_1106 = arith.index_cast %add3A_1105 : i32 to index
        %get3A_1107 = arith.constant 0 : index
        %get3A_1108 = tpu.vector_load %arg8[%get3A_1106, %get3A_1107] {strides = array<i32>} : memref<1600x32xf32, #tpu.memory_space<vmem>>, vector<1x16xf32>,
        %get3A_1109 = vector.shape_cast %get3A_1108 : vector<1x16xf32> to vector<16xf32>
        %add3A_1110 = arith.addf %add3A_1096, %get3A_1109 : vector<16xf32>
        %get3A_1111 = arith.index_cast %add3A_1105 : i32 to index
        %get3A_1112 = arith.constant 16 : index
        %get3A_1113 = tpu.vector_load %arg8[%get3A_1111, %get3A_1112] {strides = array<i32>} : memref<1600x32xf32, #tpu.memory_space<vmem>>, vector<1x16xf32>,
        %get3A_1114 = vector.shape_cast %get3A_1113 : vector<1x16xf32> to vector<16xf32>
        %add3A_1115 = arith.addf %add3A_1101, %get3A_1114 : vector<16xf32>
        %scan3A_1116 = arith.constant 2 : i32
        %scan3A_1117 = arith.addi %scan3A_1088, %scan3A_1116 : i32
        %add3A_1118 = arith.constant 0 : i32
        %add3A_1119 = arith.addi %add3A_1118, %scan3A_1117 : i32
        %get3A_1120 = arith.index_cast %add3A_1119 : i32 to index
        %get3A_1121 = arith.constant 0 : index
        %get3A_1122 = tpu.vector_load %arg8[%get3A_1120, %get3A_1121] {strides = array<i32>} : memref<1600x32xf32, #tpu.memory_space<vmem>>, vector<1x16xf32>,
        %get3A_1123 = vector.shape_cast %get3A_1122 : vector<1x16xf32> to vector<16xf32>
        %add3A_1124 = arith.addf %add3A_1110, %get3A_1123 : vector<16xf32>
        %get3A_1125 = arith.index_cast %add3A_1119 : i32 to index
        %get3A_1126 = arith.constant 16 : index
        %get3A_1127 = tpu.vector_load %arg8[%get3A_1125, %get3A_1126] {strides = array<i32>} : memref<1600x32xf32, #tpu.memory_space<vmem>>, vector<1x16xf32>,
        %get3A_1128 = vector.shape_cast %get3A_1127 : vector<1x16xf32> to vector<16xf32>
        %add3A_1129 = arith.addf %add3A_1115, %get3A_1128 : vector<16xf32>
        %scan3A_1130 = arith.constant 3 : i32
        %scan3A_1131 = arith.addi %scan3A_1088, %scan3A_1130 : i32
        %add3A_1132 = arith.constant 0 : i32
        %add3A_1133 = arith.addi %add3A_1132, %scan3A_1131 : i32
        %get3A_1134 = arith.index_cast %add3A_1133 : i32 to index
        %get3A_1135 = arith.constant 0 : index
        %get3A_1136 = tpu.vector_load %arg8[%get3A_1134, %get3A_1135] {strides = array<i32>} : memref<1600x32xf32, #tpu.memory_space<vmem>>, vector<1x16xf32>,
        %get3A_1137 = vector.shape_cast %get3A_1136 : vector<1x16xf32> to vector<16xf32>
        %add3A_1138 = arith.addf %add3A_1124, %get3A_1137 : vector<16xf32>
        %get3A_1139 = arith.index_cast %add3A_1133 : i32 to index
        %get3A_1140 = arith.constant 16 : index
        %get3A_1141 = tpu.vector_load %arg8[%get3A_1139, %get3A_1140] {strides = array<i32>} : memref<1600x32xf32, #tpu.memory_space<vmem>>, vector<1x16xf32>,
        %get3A_1142 = vector.shape_cast %get3A_1141 : vector<1x16xf32> to vector<16xf32>
        %add3A_1143 = arith.addf %add3A_1129, %get3A_1142 : vector<16xf32>
        %scan3A_1144 = arith.constant 4 : i32
        %scan3A_1145 = arith.addi %scan3A_1088, %scan3A_1144 : i32
        %add3A_1146 = arith.constant 0 : i32
        %add3A_1147 = arith.addi %add3A_1146, %scan3A_1145 : i32
        %get3A_1148 = arith.index_cast %add3A_1147 : i32 to index
        %get3A_1149 = arith.constant 0 : index
        %get3A_1150 = tpu.vector_load %arg8[%get3A_1148, %get3A_1149] {strides = array<i32>} : memref<1600x32xf32, #tpu.memory_space<vmem>>, vector<1x16xf32>,
        %get3A_1151 = vector.shape_cast %get3A_1150 : vector<1x16xf32> to vector<16xf32>
        %add3A_1152 = arith.addf %add3A_1138, %get3A_1151 : vector<16xf32>
        %get3A_1153 = arith.index_cast %add3A_1147 : i32 to index
        %get3A_1154 = arith.constant 16 : index
        %get3A_1155 = tpu.vector_load %arg8[%get3A_1153, %get3A_1154] {strides = array<i32>} : memref<1600x32xf32, #tpu.memory_space<vmem>>, vector<1x16xf32>,
        %get3A_1156 = vector.shape_cast %get3A_1155 : vector<1x16xf32> to vector<16xf32>
        %add3A_1157 = arith.addf %add3A_1143, %get3A_1156 : vector<16xf32>
        %scan3A_1158 = arith.constant 5 : i32
        %scan3A_1159 = arith.addi %scan3A_1088, %scan3A_1158 : i32
        %add3A_1160 = arith.constant 0 : i32
        %add3A_1161 = arith.addi %add3A_1160, %scan3A_1159 : i32
        %get3A_1162 = arith.index_cast %add3A_1161 : i32 to index
        %get3A_1163 = arith.constant 0 : index
        %get3A_1164 = tpu.vector_load %arg8[%get3A_1162, %get3A_1163] {strides = array<i32>} : memref<1600x32xf32, #tpu.memory_space<vmem>>, vector<1x16xf32>,
        %get3A_1165 = vector.shape_cast %get3A_1164 : vector<1x16xf32> to vector<16xf32>
        %add3A_1166 = arith.addf %add3A_1152, %get3A_1165 : vector<16xf32>
        %get3A_1167 = arith.index_cast %add3A_1161 : i32 to index
        %get3A_1168 = arith.constant 16 : index
        %get3A_1169 = tpu.vector_load %arg8[%get3A_1167, %get3A_1168] {strides = array<i32>} : memref<1600x32xf32, #tpu.memory_space<vmem>>, vector<1x16xf32>,
        %get3A_1170 = vector.shape_cast %get3A_1169 : vector<1x16xf32> to vector<16xf32>
        %add3A_1171 = arith.addf %add3A_1157, %get3A_1170 : vector<16xf32>
        %scan3A_1172 = arith.constant 6 : i32
        %scan3A_1173 = arith.addi %scan3A_1088, %scan3A_1172 : i32
        %add3A_1174 = arith.constant 0 : i32
        %add3A_1175 = arith.addi %add3A_1174, %scan3A_1173 : i32
        %get3A_1176 = arith.index_cast %add3A_1175 : i32 to index
        %get3A_1177 = arith.constant 0 : index
        %get3A_1178 = tpu.vector_load %arg8[%get3A_1176, %get3A_1177] {strides = array<i32>} : memref<1600x32xf32, #tpu.memory_space<vmem>>, vector<1x16xf32>,
        %get3A_1179 = vector.shape_cast %get3A_1178 : vector<1x16xf32> to vector<16xf32>
        %add3A_1180 = arith.addf %add3A_1166, %get3A_1179 : vector<16xf32>
        %get3A_1181 = arith.index_cast %add3A_1175 : i32 to index
        %get3A_1182 = arith.constant 16 : index
        %get3A_1183 = tpu.vector_load %arg8[%get3A_1181, %get3A_1182] {strides = array<i32>} : memref<1600x32xf32, #tpu.memory_space<vmem>>, vector<1x16xf32>,
        %get3A_1184 = vector.shape_cast %get3A_1183 : vector<1x16xf32> to vector<16xf32>
        %add3A_1185 = arith.addf %add3A_1171, %get3A_1184 : vector<16xf32>
        %scan3A_1186 = arith.constant 7 : i32
        %scan3A_1187 = arith.addi %scan3A_1088, %scan3A_1186 : i32
        %add3A_1188 = arith.constant 0 : i32
        %add3A_1189 = arith.addi %add3A_1188, %scan3A_1187 : i32
        %get3A_1190 = arith.index_cast %add3A_1189 : i32 to index
        %get3A_1191 = arith.constant 0 : index
        %get3A_1192 = tpu.vector_load %arg8[%get3A_1190, %get3A_1191] {strides = array<i32>} : memref<1600x32xf32, #tpu.memory_space<vmem>>, vector<1x16xf32>,
        %get3A_1193 = vector.shape_cast %get3A_1192 : vector<1x16xf32> to vector<16xf32>
        %add3A_1194 = arith.addf %add3A_1180, %get3A_1193 : vector<16xf32>
        %get3A_1195 = arith.index_cast %add3A_1189 : i32 to index
        %get3A_1196 = arith.constant 16 : index
        %get3A_1197 = tpu.vector_load %arg8[%get3A_1195, %get3A_1196] {strides = array<i32>} : memref<1600x32xf32, #tpu.memory_space<vmem>>, vector<1x16xf32>,
        %get3A_1198 = vector.shape_cast %get3A_1197 : vector<1x16xf32> to vector<16xf32>
        %add3A_1199 = arith.addf %add3A_1185, %get3A_1198 : vector<16xf32>
        scf.yield %add3A_1194, %add3A_1199 : vector<16xf32>, vector<16xf32>
      }
      %scan3A_912 = arith.constant 200 : i32
      %add3A_913 = arith.constant 0 : i32
      %add3A_914 = arith.addi %mul3A_906, %add3A_913 : i32
      %swap3A_915 = arith.index_cast %add3A_914 : i32 to index
      %swap3A_916 = arith.constant 0 : index
      %swap3A_917 = tpu.vector_load %arg9[%swap3A_915, %swap3A_916] {strides = array<i32>} : memref<64x32xf32, #tpu.memory_space<vmem>>, vector<1x16xf32>,
      %swap3A_918 = vector.shape_cast %swap3A_917 : vector<1x16xf32> to vector<16xf32>
      %swap3A_919 = vector.shape_cast %scan3A_911#0 : vector<16xf32> to vector<1x16xf32>
      tpu.vector_store %arg9[%swap3A_915, %swap3A_916], %swap3A_919 {strides = array<i32>} : memref<64x32xf32, #tpu.memory_space<vmem>>, vector<1x16xf32>,
      %add3A_920 = arith.constant 0 : i32
      %add3A_921 = arith.addi %mul3A_906, %add3A_920 : i32
      %swap3A_922 = arith.index_cast %add3A_921 : i32 to index
      %swap3A_923 = arith.constant 16 : index
      %swap3A_924 = tpu.vector_load %arg9[%swap3A_922, %swap3A_923] {strides = array<i32>} : memref<64x32xf32, #tpu.memory_space<vmem>>, vector<1x16xf32>,
      %swap3A_925 = vector.shape_cast %swap3A_924 : vector<1x16xf32> to vector<16xf32>
      %swap3A_926 = vector.shape_cast %scan3A_911#1 : vector<16xf32> to vector<1x16xf32>
      tpu.vector_store %arg9[%swap3A_922, %swap3A_923], %swap3A_926 {strides = array<i32>} : memref<64x32xf32, #tpu.memory_space<vmem>>, vector<1x16xf32>,
      %scan3A_927 = arith.constant 0 : i32
      %scan3A_928 = arith.constant 200 : i32
      %scan3A_929 = arith.addi %scan3A_927, %scan3A_928 : i32
      %scan3A_930 = arith.constant 8 : i32
      %scan3A_931:2 = scf.for %scan3A_1088 = %scan3A_927 to %scan3A_929 step %scan3A_930 iter_args(%scan3A_1089 = %broadcast_in_dim3A_3, %scan3A_1090 = %broadcast_in_dim3A_3) -> (vector<16xf32>, vector<16xf32>)  : i32 {
        %add3A_1091 = arith.constant 200 : i32
        %add3A_1092 = arith.addi %add3A_1091, %scan3A_1088 : i32
        %get3A = arith.index_cast %add3A_1092 : i32 to index
        %get3A_1093 = arith.constant 0 : index
        %get3A_1094 = tpu.vector_load %arg8[%get3A, %get3A_1093] {strides = array<i32>} : memref<1600x32xf32, #tpu.memory_space<vmem>>, vector<1x16xf32>,
        %get3A_1095 = vector.shape_cast %get3A_1094 : vector<1x16xf32> to vector<16xf32>
        %add3A_1096 = arith.addf %scan3A_1089, %get3A_1095 : vector<16xf32>
        %get3A_1097 = arith.index_cast %add3A_1092 : i32 to index
        %get3A_1098 = arith.constant 16 : index
        %get3A_1099 = tpu.vector_load %arg8[%get3A_1097, %get3A_1098] {strides = array<i32>} : memref<1600x32xf32, #tpu.memory_space<vmem>>, vector<1x16xf32>,
        %get3A_1100 = vector.shape_cast %get3A_1099 : vector<1x16xf32> to vector<16xf32>
        %add3A_1101 = arith.addf %scan3A_1090, %get3A_1100 : vector<16xf32>
        %scan3A_1102 = arith.constant 1 : i32
        %scan3A_1103 = arith.addi %scan3A_1088, %scan3A_1102 : i32
        %add3A_1104 = arith.constant 200 : i32
        %add3A_1105 = arith.addi %add3A_1104, %scan3A_1103 : i32
        %get3A_1106 = arith.index_cast %add3A_1105 : i32 to index
        %get3A_1107 = arith.constant 0 : index
        %get3A_1108 = tpu.vector_load %arg8[%get3A_1106, %get3A_1107] {strides = array<i32>} : memref<1600x32xf32, #tpu.memory_space<vmem>>, vector<1x16xf32>,
        %get3A_1109 = vector.shape_cast %get3A_1108 : vector<1x16xf32> to vector<16xf32>
        %add3A_1110 = arith.addf %add3A_1096, %get3A_1109 : vector<16xf32>
        %get3A_1111 = arith.index_cast %add3A_1105 : i32 to index
        %get3A_1112 = arith.constant 16 : index
        %get3A_1113 = tpu.vector_load %arg8[%get3A_1111, %get3A_1112] {strides = array<i32>} : memref<1600x32xf32, #tpu.memory_space<vmem>>, vector<1x16xf32>,
        %get3A_1114 = vector.shape_cast %get3A_1113 : vector<1x16xf32> to vector<16xf32>
        %add3A_1115 = arith.addf %add3A_1101, %get3A_1114 : vector<16xf32>
        %scan3A_1116 = arith.constant 2 : i32
        %scan3A_1117 = arith.addi %scan3A_1088, %scan3A_1116 : i32
        %add3A_1118 = arith.constant 200 : i32
        %add3A_1119 = arith.addi %add3A_1118, %scan3A_1117 : i32
        %get3A_1120 = arith.index_cast %add3A_1119 : i32 to index
        %get3A_1121 = arith.constant 0 : index
        %get3A_1122 = tpu.vector_load %arg8[%get3A_1120, %get3A_1121] {strides = array<i32>} : memref<1600x32xf32, #tpu.memory_space<vmem>>, vector<1x16xf32>,
        %get3A_1123 = vector.shape_cast %get3A_1122 : vector<1x16xf32> to vector<16xf32>
        %add3A_1124 = arith.addf %add3A_1110, %get3A_1123 : vector<16xf32>
        %get3A_1125 = arith.index_cast %add3A_1119 : i32 to index
        %get3A_1126 = arith.constant 16 : index
        %get3A_1127 = tpu.vector_load %arg8[%get3A_1125, %get3A_1126] {strides = array<i32>} : memref<1600x32xf32, #tpu.memory_space<vmem>>, vector<1x16xf32>,
        %get3A_1128 = vector.shape_cast %get3A_1127 : vector<1x16xf32> to vector<16xf32>
        %add3A_1129 = arith.addf %add3A_1115, %get3A_1128 : vector<16xf32>
        %scan3A_1130 = arith.constant 3 : i32
        %scan3A_1131 = arith.addi %scan3A_1088, %scan3A_1130 : i32
        %add3A_1132 = arith.constant 200 : i32
        %add3A_1133 = arith.addi %add3A_1132, %scan3A_1131 : i32
        %get3A_1134 = arith.index_cast %add3A_1133 : i32 to index
        %get3A_1135 = arith.constant 0 : index
        %get3A_1136 = tpu.vector_load %arg8[%get3A_1134, %get3A_1135] {strides = array<i32>} : memref<1600x32xf32, #tpu.memory_space<vmem>>, vector<1x16xf32>,
        %get3A_1137 = vector.shape_cast %get3A_1136 : vector<1x16xf32> to vector<16xf32>
        %add3A_1138 = arith.addf %add3A_1124, %get3A_1137 : vector<16xf32>
        %get3A_1139 = arith.index_cast %add3A_1133 : i32 to index
        %get3A_1140 = arith.constant 16 : index
        %get3A_1141 = tpu.vector_load %arg8[%get3A_1139, %get3A_1140] {strides = array<i32>} : memref<1600x32xf32, #tpu.memory_space<vmem>>, vector<1x16xf32>,
        %get3A_1142 = vector.shape_cast %get3A_1141 : vector<1x16xf32> to vector<16xf32>
        %add3A_1143 = arith.addf %add3A_1129, %get3A_1142 : vector<16xf32>
        %scan3A_1144 = arith.constant 4 : i32
        %scan3A_1145 = arith.addi %scan3A_1088, %scan3A_1144 : i32
        %add3A_1146 = arith.constant 200 : i32
        %add3A_1147 = arith.addi %add3A_1146, %scan3A_1145 : i32
        %get3A_1148 = arith.index_cast %add3A_1147 : i32 to index
        %get3A_1149 = arith.constant 0 : index
        %get3A_1150 = tpu.vector_load %arg8[%get3A_1148, %get3A_1149] {strides = array<i32>} : memref<1600x32xf32, #tpu.memory_space<vmem>>, vector<1x16xf32>,
        %get3A_1151 = vector.shape_cast %get3A_1150 : vector<1x16xf32> to vector<16xf32>
        %add3A_1152 = arith.addf %add3A_1138, %get3A_1151 : vector<16xf32>
        %get3A_1153 = arith.index_cast %add3A_1147 : i32 to index
        %get3A_1154 = arith.constant 16 : index
        %get3A_1155 = tpu.vector_load %arg8[%get3A_1153, %get3A_1154] {strides = array<i32>} : memref<1600x32xf32, #tpu.memory_space<vmem>>, vector<1x16xf32>,
        %get3A_1156 = vector.shape_cast %get3A_1155 : vector<1x16xf32> to vector<16xf32>
        %add3A_1157 = arith.addf %add3A_1143, %get3A_1156 : vector<16xf32>
        %scan3A_1158 = arith.constant 5 : i32
        %scan3A_1159 = arith.addi %scan3A_1088, %scan3A_1158 : i32
        %add3A_1160 = arith.constant 200 : i32
        %add3A_1161 = arith.addi %add3A_1160, %scan3A_1159 : i32
        %get3A_1162 = arith.index_cast %add3A_1161 : i32 to index
        %get3A_1163 = arith.constant 0 : index
        %get3A_1164 = tpu.vector_load %arg8[%get3A_1162, %get3A_1163] {strides = array<i32>} : memref<1600x32xf32, #tpu.memory_space<vmem>>, vector<1x16xf32>,
        %get3A_1165 = vector.shape_cast %get3A_1164 : vector<1x16xf32> to vector<16xf32>
        %add3A_1166 = arith.addf %add3A_1152, %get3A_1165 : vector<16xf32>
        %get3A_1167 = arith.index_cast %add3A_1161 : i32 to index
        %get3A_1168 = arith.constant 16 : index
        %get3A_1169 = tpu.vector_load %arg8[%get3A_1167, %get3A_1168] {strides = array<i32>} : memref<1600x32xf32, #tpu.memory_space<vmem>>, vector<1x16xf32>,
        %get3A_1170 = vector.shape_cast %get3A_1169 : vector<1x16xf32> to vector<16xf32>
        %add3A_1171 = arith.addf %add3A_1157, %get3A_1170 : vector<16xf32>
        %scan3A_1172 = arith.constant 6 : i32
        %scan3A_1173 = arith.addi %scan3A_1088, %scan3A_1172 : i32
        %add3A_1174 = arith.constant 200 : i32
        %add3A_1175 = arith.addi %add3A_1174, %scan3A_1173 : i32
        %get3A_1176 = arith.index_cast %add3A_1175 : i32 to index
        %get3A_1177 = arith.constant 0 : index
        %get3A_1178 = tpu.vector_load %arg8[%get3A_1176, %get3A_1177] {strides = array<i32>} : memref<1600x32xf32, #tpu.memory_space<vmem>>, vector<1x16xf32>,
        %get3A_1179 = vector.shape_cast %get3A_1178 : vector<1x16xf32> to vector<16xf32>
        %add3A_1180 = arith.addf %add3A_1166, %get3A_1179 : vector<16xf32>
        %get3A_1181 = arith.index_cast %add3A_1175 : i32 to index
        %get3A_1182 = arith.constant 16 : index
        %get3A_1183 = tpu.vector_load %arg8[%get3A_1181, %get3A_1182] {strides = array<i32>} : memref<1600x32xf32, #tpu.memory_space<vmem>>, vector<1x16xf32>,
        %get3A_1184 = vector.shape_cast %get3A_1183 : vector<1x16xf32> to vector<16xf32>
        %add3A_1185 = arith.addf %add3A_1171, %get3A_1184 : vector<16xf32>
        %scan3A_1186 = arith.constant 7 : i32
        %scan3A_1187 = arith.addi %scan3A_1088, %scan3A_1186 : i32
        %add3A_1188 = arith.constant 200 : i32
        %add3A_1189 = arith.addi %add3A_1188, %scan3A_1187 : i32
        %get3A_1190 = arith.index_cast %add3A_1189 : i32 to index
        %get3A_1191 = arith.constant 0 : index
        %get3A_1192 = tpu.vector_load %arg8[%get3A_1190, %get3A_1191] {strides = array<i32>} : memref<1600x32xf32, #tpu.memory_space<vmem>>, vector<1x16xf32>,
        %get3A_1193 = vector.shape_cast %get3A_1192 : vector<1x16xf32> to vector<16xf32>
        %add3A_1194 = arith.addf %add3A_1180, %get3A_1193 : vector<16xf32>
        %get3A_1195 = arith.index_cast %add3A_1189 : i32 to index
        %get3A_1196 = arith.constant 16 : index
        %get3A_1197 = tpu.vector_load %arg8[%get3A_1195, %get3A_1196] {strides = array<i32>} : memref<1600x32xf32, #tpu.memory_space<vmem>>, vector<1x16xf32>,
        %get3A_1198 = vector.shape_cast %get3A_1197 : vector<1x16xf32> to vector<16xf32>
        %add3A_1199 = arith.addf %add3A_1185, %get3A_1198 : vector<16xf32>
        scf.yield %add3A_1194, %add3A_1199 : vector<16xf32>, vector<16xf32>
      }
      %scan3A_932 = arith.constant 200 : i32
      %add3A_933 = arith.constant 1 : i32
      %add3A_934 = arith.addi %mul3A_906, %add3A_933 : i32
      %swap3A_935 = arith.index_cast %add3A_934 : i32 to index
      %swap3A_936 = arith.constant 0 : index
      %swap3A_937 = tpu.vector_load %arg9[%swap3A_935, %swap3A_936] {strides = array<i32>} : memref<64x32xf32, #tpu.memory_space<vmem>>, vector<1x16xf32>,
      %swap3A_938 = vector.shape_cast %swap3A_937 : vector<1x16xf32> to vector<16xf32>
      %swap3A_939 = vector.shape_cast %scan3A_931#0 : vector<16xf32> to vector<1x16xf32>
      tpu.vector_store %arg9[%swap3A_935, %swap3A_936], %swap3A_939 {strides = array<i32>} : memref<64x32xf32, #tpu.memory_space<vmem>>, vector<1x16xf32>,
      %add3A_940 = arith.constant 1 : i32
      %add3A_941 = arith.addi %mul3A_906, %add3A_940 : i32
      %swap3A_942 = arith.index_cast %add3A_941 : i32 to index
      %swap3A_943 = arith.constant 16 : index
      %swap3A_944 = tpu.vector_load %arg9[%swap3A_942, %swap3A_943] {strides = array<i32>} : memref<64x32xf32, #tpu.memory_space<vmem>>, vector<1x16xf32>,
      %swap3A_945 = vector.shape_cast %swap3A_944 : vector<1x16xf32> to vector<16xf32>
      %swap3A_946 = vector.shape_cast %scan3A_931#1 : vector<16xf32> to vector<1x16xf32>
      tpu.vector_store %arg9[%swap3A_942, %swap3A_943], %swap3A_946 {strides = array<i32>} : memref<64x32xf32, #tpu.memory_space<vmem>>, vector<1x16xf32>,
      %scan3A_947 = arith.constant 0 : i32
      %scan3A_948 = arith.constant 200 : i32
      %scan3A_949 = arith.addi %scan3A_947, %scan3A_948 : i32
      %scan3A_950 = arith.constant 8 : i32
      %scan3A_951:2 = scf.for %scan3A_1088 = %scan3A_947 to %scan3A_949 step %scan3A_950 iter_args(%scan3A_1089 = %broadcast_in_dim3A_3, %scan3A_1090 = %broadcast_in_dim3A_3) -> (vector<16xf32>, vector<16xf32>)  : i32 {
        %add3A_1091 = arith.constant 400 : i32
        %add3A_1092 = arith.addi %add3A_1091, %scan3A_1088 : i32
        %get3A = arith.index_cast %add3A_1092 : i32 to index
        %get3A_1093 = arith.constant 0 : index
        %get3A_1094 = tpu.vector_load %arg8[%get3A, %get3A_1093] {strides = array<i32>} : memref<1600x32xf32, #tpu.memory_space<vmem>>, vector<1x16xf32>,
        %get3A_1095 = vector.shape_cast %get3A_1094 : vector<1x16xf32> to vector<16xf32>
        %add3A_1096 = arith.addf %scan3A_1089, %get3A_1095 : vector<16xf32>
        %get3A_1097 = arith.index_cast %add3A_1092 : i32 to index
        %get3A_1098 = arith.constant 16 : index
        %get3A_1099 = tpu.vector_load %arg8[%get3A_1097, %get3A_1098] {strides = array<i32>} : memref<1600x32xf32, #tpu.memory_space<vmem>>, vector<1x16xf32>,
        %get3A_1100 = vector.shape_cast %get3A_1099 : vector<1x16xf32> to vector<16xf32>
        %add3A_1101 = arith.addf %scan3A_1090, %get3A_1100 : vector<16xf32>
        %scan3A_1102 = arith.constant 1 : i32
        %scan3A_1103 = arith.addi %scan3A_1088, %scan3A_1102 : i32
        %add3A_1104 = arith.constant 400 : i32
        %add3A_1105 = arith.addi %add3A_1104, %scan3A_1103 : i32
        %get3A_1106 = arith.index_cast %add3A_1105 : i32 to index
        %get3A_1107 = arith.constant 0 : index
        %get3A_1108 = tpu.vector_load %arg8[%get3A_1106, %get3A_1107] {strides = array<i32>} : memref<1600x32xf32, #tpu.memory_space<vmem>>, vector<1x16xf32>,
        %get3A_1109 = vector.shape_cast %get3A_1108 : vector<1x16xf32> to vector<16xf32>
        %add3A_1110 = arith.addf %add3A_1096, %get3A_1109 : vector<16xf32>
        %get3A_1111 = arith.index_cast %add3A_1105 : i32 to index
        %get3A_1112 = arith.constant 16 : index
        %get3A_1113 = tpu.vector_load %arg8[%get3A_1111, %get3A_1112] {strides = array<i32>} : memref<1600x32xf32, #tpu.memory_space<vmem>>, vector<1x16xf32>,
        %get3A_1114 = vector.shape_cast %get3A_1113 : vector<1x16xf32> to vector<16xf32>
        %add3A_1115 = arith.addf %add3A_1101, %get3A_1114 : vector<16xf32>
        %scan3A_1116 = arith.constant 2 : i32
        %scan3A_1117 = arith.addi %scan3A_1088, %scan3A_1116 : i32
        %add3A_1118 = arith.constant 400 : i32
        %add3A_1119 = arith.addi %add3A_1118, %scan3A_1117 : i32
        %get3A_1120 = arith.index_cast %add3A_1119 : i32 to index
        %get3A_1121 = arith.constant 0 : index
        %get3A_1122 = tpu.vector_load %arg8[%get3A_1120, %get3A_1121] {strides = array<i32>} : memref<1600x32xf32, #tpu.memory_space<vmem>>, vector<1x16xf32>,
        %get3A_1123 = vector.shape_cast %get3A_1122 : vector<1x16xf32> to vector<16xf32>
        %add3A_1124 = arith.addf %add3A_1110, %get3A_1123 : vector<16xf32>
        %get3A_1125 = arith.index_cast %add3A_1119 : i32 to index
        %get3A_1126 = arith.constant 16 : index
        %get3A_1127 = tpu.vector_load %arg8[%get3A_1125, %get3A_1126] {strides = array<i32>} : memref<1600x32xf32, #tpu.memory_space<vmem>>, vector<1x16xf32>,
        %get3A_1128 = vector.shape_cast %get3A_1127 : vector<1x16xf32> to vector<16xf32>
        %add3A_1129 = arith.addf %add3A_1115, %get3A_1128 : vector<16xf32>
        %scan3A_1130 = arith.constant 3 : i32
        %scan3A_1131 = arith.addi %scan3A_1088, %scan3A_1130 : i32
        %add3A_1132 = arith.constant 400 : i32
        %add3A_1133 = arith.addi %add3A_1132, %scan3A_1131 : i32
        %get3A_1134 = arith.index_cast %add3A_1133 : i32 to index
        %get3A_1135 = arith.constant 0 : index
        %get3A_1136 = tpu.vector_load %arg8[%get3A_1134, %get3A_1135] {strides = array<i32>} : memref<1600x32xf32, #tpu.memory_space<vmem>>, vector<1x16xf32>,
        %get3A_1137 = vector.shape_cast %get3A_1136 : vector<1x16xf32> to vector<16xf32>
        %add3A_1138 = arith.addf %add3A_1124, %get3A_1137 : vector<16xf32>
        %get3A_1139 = arith.index_cast %add3A_1133 : i32 to index
        %get3A_1140 = arith.constant 16 : index
        %get3A_1141 = tpu.vector_load %arg8[%get3A_1139, %get3A_1140] {strides = array<i32>} : memref<1600x32xf32, #tpu.memory_space<vmem>>, vector<1x16xf32>,
        %get3A_1142 = vector.shape_cast %get3A_1141 : vector<1x16xf32> to vector<16xf32>
        %add3A_1143 = arith.addf %add3A_1129, %get3A_1142 : vector<16xf32>
        %scan3A_1144 = arith.constant 4 : i32
        %scan3A_1145 = arith.addi %scan3A_1088, %scan3A_1144 : i32
        %add3A_1146 = arith.constant 400 : i32
        %add3A_1147 = arith.addi %add3A_1146, %scan3A_1145 : i32
        %get3A_1148 = arith.index_cast %add3A_1147 : i32 to index
        %get3A_1149 = arith.constant 0 : index
        %get3A_1150 = tpu.vector_load %arg8[%get3A_1148, %get3A_1149] {strides = array<i32>} : memref<1600x32xf32, #tpu.memory_space<vmem>>, vector<1x16xf32>,
        %get3A_1151 = vector.shape_cast %get3A_1150 : vector<1x16xf32> to vector<16xf32>
        %add3A_1152 = arith.addf %add3A_1138, %get3A_1151 : vector<16xf32>
        %get3A_1153 = arith.index_cast %add3A_1147 : i32 to index
        %get3A_1154 = arith.constant 16 : index
        %get3A_1155 = tpu.vector_load %arg8[%get3A_1153, %get3A_1154] {strides = array<i32>} : memref<1600x32xf32, #tpu.memory_space<vmem>>, vector<1x16xf32>,
        %get3A_1156 = vector.shape_cast %get3A_1155 : vector<1x16xf32> to vector<16xf32>
        %add3A_1157 = arith.addf %add3A_1143, %get3A_1156 : vector<16xf32>
        %scan3A_1158 = arith.constant 5 : i32
        %scan3A_1159 = arith.addi %scan3A_1088, %scan3A_1158 : i32
        %add3A_1160 = arith.constant 400 : i32
        %add3A_1161 = arith.addi %add3A_1160, %scan3A_1159 : i32
        %get3A_1162 = arith.index_cast %add3A_1161 : i32 to index
        %get3A_1163 = arith.constant 0 : index
        %get3A_1164 = tpu.vector_load %arg8[%get3A_1162, %get3A_1163] {strides = array<i32>} : memref<1600x32xf32, #tpu.memory_space<vmem>>, vector<1x16xf32>,
        %get3A_1165 = vector.shape_cast %get3A_1164 : vector<1x16xf32> to vector<16xf32>
        %add3A_1166 = arith.addf %add3A_1152, %get3A_1165 : vector<16xf32>
        %get3A_1167 = arith.index_cast %add3A_1161 : i32 to index
        %get3A_1168 = arith.constant 16 : index
        %get3A_1169 = tpu.vector_load %arg8[%get3A_1167, %get3A_1168] {strides = array<i32>} : memref<1600x32xf32, #tpu.memory_space<vmem>>, vector<1x16xf32>,
        %get3A_1170 = vector.shape_cast %get3A_1169 : vector<1x16xf32> to vector<16xf32>
        %add3A_1171 = arith.addf %add3A_1157, %get3A_1170 : vector<16xf32>
        %scan3A_1172 = arith.constant 6 : i32
        %scan3A_1173 = arith.addi %scan3A_1088, %scan3A_1172 : i32
        %add3A_1174 = arith.constant 400 : i32
        %add3A_1175 = arith.addi %add3A_1174, %scan3A_1173 : i32
        %get3A_1176 = arith.index_cast %add3A_1175 : i32 to index
        %get3A_1177 = arith.constant 0 : index
        %get3A_1178 = tpu.vector_load %arg8[%get3A_1176, %get3A_1177] {strides = array<i32>} : memref<1600x32xf32, #tpu.memory_space<vmem>>, vector<1x16xf32>,
        %get3A_1179 = vector.shape_cast %get3A_1178 : vector<1x16xf32> to vector<16xf32>
        %add3A_1180 = arith.addf %add3A_1166, %get3A_1179 : vector<16xf32>
        %get3A_1181 = arith.index_cast %add3A_1175 : i32 to index
        %get3A_1182 = arith.constant 16 : index
        %get3A_1183 = tpu.vector_load %arg8[%get3A_1181, %get3A_1182] {strides = array<i32>} : memref<1600x32xf32, #tpu.memory_space<vmem>>, vector<1x16xf32>,
        %get3A_1184 = vector.shape_cast %get3A_1183 : vector<1x16xf32> to vector<16xf32>
        %add3A_1185 = arith.addf %add3A_1171, %get3A_1184 : vector<16xf32>
        %scan3A_1186 = arith.constant 7 : i32
        %scan3A_1187 = arith.addi %scan3A_1088, %scan3A_1186 : i32
        %add3A_1188 = arith.constant 400 : i32
        %add3A_1189 = arith.addi %add3A_1188, %scan3A_1187 : i32
        %get3A_1190 = arith.index_cast %add3A_1189 : i32 to index
        %get3A_1191 = arith.constant 0 : index
        %get3A_1192 = tpu.vector_load %arg8[%get3A_1190, %get3A_1191] {strides = array<i32>} : memref<1600x32xf32, #tpu.memory_space<vmem>>, vector<1x16xf32>,
        %get3A_1193 = vector.shape_cast %get3A_1192 : vector<1x16xf32> to vector<16xf32>
        %add3A_1194 = arith.addf %add3A_1180, %get3A_1193 : vector<16xf32>
        %get3A_1195 = arith.index_cast %add3A_1189 : i32 to index
        %get3A_1196 = arith.constant 16 : index
        %get3A_1197 = tpu.vector_load %arg8[%get3A_1195, %get3A_1196] {strides = array<i32>} : memref<1600x32xf32, #tpu.memory_space<vmem>>, vector<1x16xf32>,
        %get3A_1198 = vector.shape_cast %get3A_1197 : vector<1x16xf32> to vector<16xf32>
        %add3A_1199 = arith.addf %add3A_1185, %get3A_1198 : vector<16xf32>
        scf.yield %add3A_1194, %add3A_1199 : vector<16xf32>, vector<16xf32>
      }
      %scan3A_952 = arith.constant 200 : i32
      %add3A_953 = arith.constant 2 : i32
      %add3A_954 = arith.addi %mul3A_906, %add3A_953 : i32
      %swap3A_955 = arith.index_cast %add3A_954 : i32 to index
      %swap3A_956 = arith.constant 0 : index
      %swap3A_957 = tpu.vector_load %arg9[%swap3A_955, %swap3A_956] {strides = array<i32>} : memref<64x32xf32, #tpu.memory_space<vmem>>, vector<1x16xf32>,
      %swap3A_958 = vector.shape_cast %swap3A_957 : vector<1x16xf32> to vector<16xf32>
      %swap3A_959 = vector.shape_cast %scan3A_951#0 : vector<16xf32> to vector<1x16xf32>
      tpu.vector_store %arg9[%swap3A_955, %swap3A_956], %swap3A_959 {strides = array<i32>} : memref<64x32xf32, #tpu.memory_space<vmem>>, vector<1x16xf32>,
      %add3A_960 = arith.constant 2 : i32
      %add3A_961 = arith.addi %mul3A_906, %add3A_960 : i32
      %swap3A_962 = arith.index_cast %add3A_961 : i32 to index
      %swap3A_963 = arith.constant 16 : index
      %swap3A_964 = tpu.vector_load %arg9[%swap3A_962, %swap3A_963] {strides = array<i32>} : memref<64x32xf32, #tpu.memory_space<vmem>>, vector<1x16xf32>,
      %swap3A_965 = vector.shape_cast %swap3A_964 : vector<1x16xf32> to vector<16xf32>
      %swap3A_966 = vector.shape_cast %scan3A_951#1 : vector<16xf32> to vector<1x16xf32>
      tpu.vector_store %arg9[%swap3A_962, %swap3A_963], %swap3A_966 {strides = array<i32>} : memref<64x32xf32, #tpu.memory_space<vmem>>, vector<1x16xf32>,
      %scan3A_967 = arith.constant 0 : i32
      %scan3A_968 = arith.constant 200 : i32
      %scan3A_969 = arith.addi %scan3A_967, %scan3A_968 : i32
      %scan3A_970 = arith.constant 8 : i32
      %scan3A_971:2 = scf.for %scan3A_1088 = %scan3A_967 to %scan3A_969 step %scan3A_970 iter_args(%scan3A_1089 = %broadcast_in_dim3A_3, %scan3A_1090 = %broadcast_in_dim3A_3) -> (vector<16xf32>, vector<16xf32>)  : i32 {
        %add3A_1091 = arith.constant 600 : i32
        %add3A_1092 = arith.addi %add3A_1091, %scan3A_1088 : i32
        %get3A = arith.index_cast %add3A_1092 : i32 to index
        %get3A_1093 = arith.constant 0 : index
        %get3A_1094 = tpu.vector_load %arg8[%get3A, %get3A_1093] {strides = array<i32>} : memref<1600x32xf32, #tpu.memory_space<vmem>>, vector<1x16xf32>,
        %get3A_1095 = vector.shape_cast %get3A_1094 : vector<1x16xf32> to vector<16xf32>
        %add3A_1096 = arith.addf %scan3A_1089, %get3A_1095 : vector<16xf32>
        %get3A_1097 = arith.index_cast %add3A_1092 : i32 to index
        %get3A_1098 = arith.constant 16 : index
        %get3A_1099 = tpu.vector_load %arg8[%get3A_1097, %get3A_1098] {strides = array<i32>} : memref<1600x32xf32, #tpu.memory_space<vmem>>, vector<1x16xf32>,
        %get3A_1100 = vector.shape_cast %get3A_1099 : vector<1x16xf32> to vector<16xf32>
        %add3A_1101 = arith.addf %scan3A_1090, %get3A_1100 : vector<16xf32>
        %scan3A_1102 = arith.constant 1 : i32
        %scan3A_1103 = arith.addi %scan3A_1088, %scan3A_1102 : i32
        %add3A_1104 = arith.constant 600 : i32
        %add3A_1105 = arith.addi %add3A_1104, %scan3A_1103 : i32
        %get3A_1106 = arith.index_cast %add3A_1105 : i32 to index
        %get3A_1107 = arith.constant 0 : index
        %get3A_1108 = tpu.vector_load %arg8[%get3A_1106, %get3A_1107] {strides = array<i32>} : memref<1600x32xf32, #tpu.memory_space<vmem>>, vector<1x16xf32>,
        %get3A_1109 = vector.shape_cast %get3A_1108 : vector<1x16xf32> to vector<16xf32>
        %add3A_1110 = arith.addf %add3A_1096, %get3A_1109 : vector<16xf32>
        %get3A_1111 = arith.index_cast %add3A_1105 : i32 to index
        %get3A_1112 = arith.constant 16 : index
        %get3A_1113 = tpu.vector_load %arg8[%get3A_1111, %get3A_1112] {strides = array<i32>} : memref<1600x32xf32, #tpu.memory_space<vmem>>, vector<1x16xf32>,
        %get3A_1114 = vector.shape_cast %get3A_1113 : vector<1x16xf32> to vector<16xf32>
        %add3A_1115 = arith.addf %add3A_1101, %get3A_1114 : vector<16xf32>
        %scan3A_1116 = arith.constant 2 : i32
        %scan3A_1117 = arith.addi %scan3A_1088, %scan3A_1116 : i32
        %add3A_1118 = arith.constant 600 : i32
        %add3A_1119 = arith.addi %add3A_1118, %scan3A_1117 : i32
        %get3A_1120 = arith.index_cast %add3A_1119 : i32 to index
        %get3A_1121 = arith.constant 0 : index
        %get3A_1122 = tpu.vector_load %arg8[%get3A_1120, %get3A_1121] {strides = array<i32>} : memref<1600x32xf32, #tpu.memory_space<vmem>>, vector<1x16xf32>,
        %get3A_1123 = vector.shape_cast %get3A_1122 : vector<1x16xf32> to vector<16xf32>
        %add3A_1124 = arith.addf %add3A_1110, %get3A_1123 : vector<16xf32>
        %get3A_1125 = arith.index_cast %add3A_1119 : i32 to index
        %get3A_1126 = arith.constant 16 : index
        %get3A_1127 = tpu.vector_load %arg8[%get3A_1125, %get3A_1126] {strides = array<i32>} : memref<1600x32xf32, #tpu.memory_space<vmem>>, vector<1x16xf32>,
        %get3A_1128 = vector.shape_cast %get3A_1127 : vector<1x16xf32> to vector<16xf32>
        %add3A_1129 = arith.addf %add3A_1115, %get3A_1128 : vector<16xf32>
        %scan3A_1130 = arith.constant 3 : i32
        %scan3A_1131 = arith.addi %scan3A_1088, %scan3A_1130 : i32
        %add3A_1132 = arith.constant 600 : i32
        %add3A_1133 = arith.addi %add3A_1132, %scan3A_1131 : i32
        %get3A_1134 = arith.index_cast %add3A_1133 : i32 to index
        %get3A_1135 = arith.constant 0 : index
        %get3A_1136 = tpu.vector_load %arg8[%get3A_1134, %get3A_1135] {strides = array<i32>} : memref<1600x32xf32, #tpu.memory_space<vmem>>, vector<1x16xf32>,
        %get3A_1137 = vector.shape_cast %get3A_1136 : vector<1x16xf32> to vector<16xf32>
        %add3A_1138 = arith.addf %add3A_1124, %get3A_1137 : vector<16xf32>
        %get3A_1139 = arith.index_cast %add3A_1133 : i32 to index
        %get3A_1140 = arith.constant 16 : index
        %get3A_1141 = tpu.vector_load %arg8[%get3A_1139, %get3A_1140] {strides = array<i32>} : memref<1600x32xf32, #tpu.memory_space<vmem>>, vector<1x16xf32>,
        %get3A_1142 = vector.shape_cast %get3A_1141 : vector<1x16xf32> to vector<16xf32>
        %add3A_1143 = arith.addf %add3A_1129, %get3A_1142 : vector<16xf32>
        %scan3A_1144 = arith.constant 4 : i32
        %scan3A_1145 = arith.addi %scan3A_1088, %scan3A_1144 : i32
        %add3A_1146 = arith.constant 600 : i32
        %add3A_1147 = arith.addi %add3A_1146, %scan3A_1145 : i32
        %get3A_1148 = arith.index_cast %add3A_1147 : i32 to index
        %get3A_1149 = arith.constant 0 : index
        %get3A_1150 = tpu.vector_load %arg8[%get3A_1148, %get3A_1149] {strides = array<i32>} : memref<1600x32xf32, #tpu.memory_space<vmem>>, vector<1x16xf32>,
        %get3A_1151 = vector.shape_cast %get3A_1150 : vector<1x16xf32> to vector<16xf32>
        %add3A_1152 = arith.addf %add3A_1138, %get3A_1151 : vector<16xf32>
        %get3A_1153 = arith.index_cast %add3A_1147 : i32 to index
        %get3A_1154 = arith.constant 16 : index
        %get3A_1155 = tpu.vector_load %arg8[%get3A_1153, %get3A_1154] {strides = array<i32>} : memref<1600x32xf32, #tpu.memory_space<vmem>>, vector<1x16xf32>,
        %get3A_1156 = vector.shape_cast %get3A_1155 : vector<1x16xf32> to vector<16xf32>
        %add3A_1157 = arith.addf %add3A_1143, %get3A_1156 : vector<16xf32>
        %scan3A_1158 = arith.constant 5 : i32
        %scan3A_1159 = arith.addi %scan3A_1088, %scan3A_1158 : i32
        %add3A_1160 = arith.constant 600 : i32
        %add3A_1161 = arith.addi %add3A_1160, %scan3A_1159 : i32
        %get3A_1162 = arith.index_cast %add3A_1161 : i32 to index
        %get3A_1163 = arith.constant 0 : index
        %get3A_1164 = tpu.vector_load %arg8[%get3A_1162, %get3A_1163] {strides = array<i32>} : memref<1600x32xf32, #tpu.memory_space<vmem>>, vector<1x16xf32>,
        %get3A_1165 = vector.shape_cast %get3A_1164 : vector<1x16xf32> to vector<16xf32>
        %add3A_1166 = arith.addf %add3A_1152, %get3A_1165 : vector<16xf32>
        %get3A_1167 = arith.index_cast %add3A_1161 : i32 to index
        %get3A_1168 = arith.constant 16 : index
        %get3A_1169 = tpu.vector_load %arg8[%get3A_1167, %get3A_1168] {strides = array<i32>} : memref<1600x32xf32, #tpu.memory_space<vmem>>, vector<1x16xf32>,
        %get3A_1170 = vector.shape_cast %get3A_1169 : vector<1x16xf32> to vector<16xf32>
        %add3A_1171 = arith.addf %add3A_1157, %get3A_1170 : vector<16xf32>
        %scan3A_1172 = arith.constant 6 : i32
        %scan3A_1173 = arith.addi %scan3A_1088, %scan3A_1172 : i32
        %add3A_1174 = arith.constant 600 : i32
        %add3A_1175 = arith.addi %add3A_1174, %scan3A_1173 : i32
        %get3A_1176 = arith.index_cast %add3A_1175 : i32 to index
        %get3A_1177 = arith.constant 0 : index
        %get3A_1178 = tpu.vector_load %arg8[%get3A_1176, %get3A_1177] {strides = array<i32>} : memref<1600x32xf32, #tpu.memory_space<vmem>>, vector<1x16xf32>,
        %get3A_1179 = vector.shape_cast %get3A_1178 : vector<1x16xf32> to vector<16xf32>
        %add3A_1180 = arith.addf %add3A_1166, %get3A_1179 : vector<16xf32>
        %get3A_1181 = arith.index_cast %add3A_1175 : i32 to index
        %get3A_1182 = arith.constant 16 : index
        %get3A_1183 = tpu.vector_load %arg8[%get3A_1181, %get3A_1182] {strides = array<i32>} : memref<1600x32xf32, #tpu.memory_space<vmem>>, vector<1x16xf32>,
        %get3A_1184 = vector.shape_cast %get3A_1183 : vector<1x16xf32> to vector<16xf32>
        %add3A_1185 = arith.addf %add3A_1171, %get3A_1184 : vector<16xf32>
        %scan3A_1186 = arith.constant 7 : i32
        %scan3A_1187 = arith.addi %scan3A_1088, %scan3A_1186 : i32
        %add3A_1188 = arith.constant 600 : i32
        %add3A_1189 = arith.addi %add3A_1188, %scan3A_1187 : i32
        %get3A_1190 = arith.index_cast %add3A_1189 : i32 to index
        %get3A_1191 = arith.constant 0 : index
        %get3A_1192 = tpu.vector_load %arg8[%get3A_1190, %get3A_1191] {strides = array<i32>} : memref<1600x32xf32, #tpu.memory_space<vmem>>, vector<1x16xf32>,
        %get3A_1193 = vector.shape_cast %get3A_1192 : vector<1x16xf32> to vector<16xf32>
        %add3A_1194 = arith.addf %add3A_1180, %get3A_1193 : vector<16xf32>
        %get3A_1195 = arith.index_cast %add3A_1189 : i32 to index
        %get3A_1196 = arith.constant 16 : index
        %get3A_1197 = tpu.vector_load %arg8[%get3A_1195, %get3A_1196] {strides = array<i32>} : memref<1600x32xf32, #tpu.memory_space<vmem>>, vector<1x16xf32>,
        %get3A_1198 = vector.shape_cast %get3A_1197 : vector<1x16xf32> to vector<16xf32>
        %add3A_1199 = arith.addf %add3A_1185, %get3A_1198 : vector<16xf32>
        scf.yield %add3A_1194, %add3A_1199 : vector<16xf32>, vector<16xf32>
      }
      %scan3A_972 = arith.constant 200 : i32
      %add3A_973 = arith.constant 3 : i32
      %add3A_974 = arith.addi %mul3A_906, %add3A_973 : i32
      %swap3A_975 = arith.index_cast %add3A_974 : i32 to index
      %swap3A_976 = arith.constant 0 : index
      %swap3A_977 = tpu.vector_load %arg9[%swap3A_975, %swap3A_976] {strides = array<i32>} : memref<64x32xf32, #tpu.memory_space<vmem>>, vector<1x16xf32>,
      %swap3A_978 = vector.shape_cast %swap3A_977 : vector<1x16xf32> to vector<16xf32>
      %swap3A_979 = vector.shape_cast %scan3A_971#0 : vector<16xf32> to vector<1x16xf32>
      tpu.vector_store %arg9[%swap3A_975, %swap3A_976], %swap3A_979 {strides = array<i32>} : memref<64x32xf32, #tpu.memory_space<vmem>>, vector<1x16xf32>,
      %add3A_980 = arith.constant 3 : i32
      %add3A_981 = arith.addi %mul3A_906, %add3A_980 : i32
      %swap3A_982 = arith.index_cast %add3A_981 : i32 to index
      %swap3A_983 = arith.constant 16 : index
      %swap3A_984 = tpu.vector_load %arg9[%swap3A_982, %swap3A_983] {strides = array<i32>} : memref<64x32xf32, #tpu.memory_space<vmem>>, vector<1x16xf32>,
      %swap3A_985 = vector.shape_cast %swap3A_984 : vector<1x16xf32> to vector<16xf32>
      %swap3A_986 = vector.shape_cast %scan3A_971#1 : vector<16xf32> to vector<1x16xf32>
      tpu.vector_store %arg9[%swap3A_982, %swap3A_983], %swap3A_986 {strides = array<i32>} : memref<64x32xf32, #tpu.memory_space<vmem>>, vector<1x16xf32>,
      %scan3A_987 = arith.constant 0 : i32
      %scan3A_988 = arith.constant 200 : i32
      %scan3A_989 = arith.addi %scan3A_987, %scan3A_988 : i32
      %scan3A_990 = arith.constant 8 : i32
      %scan3A_991:2 = scf.for %scan3A_1088 = %scan3A_987 to %scan3A_989 step %scan3A_990 iter_args(%scan3A_1089 = %broadcast_in_dim3A_3, %scan3A_1090 = %broadcast_in_dim3A_3) -> (vector<16xf32>, vector<16xf32>)  : i32 {
        %add3A_1091 = arith.constant 800 : i32
        %add3A_1092 = arith.addi %add3A_1091, %scan3A_1088 : i32
        %get3A = arith.index_cast %add3A_1092 : i32 to index
        %get3A_1093 = arith.constant 0 : index
        %get3A_1094 = tpu.vector_load %arg8[%get3A, %get3A_1093] {strides = array<i32>} : memref<1600x32xf32, #tpu.memory_space<vmem>>, vector<1x16xf32>,
        %get3A_1095 = vector.shape_cast %get3A_1094 : vector<1x16xf32> to vector<16xf32>
        %add3A_1096 = arith.addf %scan3A_1089, %get3A_1095 : vector<16xf32>
        %get3A_1097 = arith.index_cast %add3A_1092 : i32 to index
        %get3A_1098 = arith.constant 16 : index
        %get3A_1099 = tpu.vector_load %arg8[%get3A_1097, %get3A_1098] {strides = array<i32>} : memref<1600x32xf32, #tpu.memory_space<vmem>>, vector<1x16xf32>,
        %get3A_1100 = vector.shape_cast %get3A_1099 : vector<1x16xf32> to vector<16xf32>
        %add3A_1101 = arith.addf %scan3A_1090, %get3A_1100 : vector<16xf32>
        %scan3A_1102 = arith.constant 1 : i32
        %scan3A_1103 = arith.addi %scan3A_1088, %scan3A_1102 : i32
        %add3A_1104 = arith.constant 800 : i32
        %add3A_1105 = arith.addi %add3A_1104, %scan3A_1103 : i32
        %get3A_1106 = arith.index_cast %add3A_1105 : i32 to index
        %get3A_1107 = arith.constant 0 : index
        %get3A_1108 = tpu.vector_load %arg8[%get3A_1106, %get3A_1107] {strides = array<i32>} : memref<1600x32xf32, #tpu.memory_space<vmem>>, vector<1x16xf32>,
        %get3A_1109 = vector.shape_cast %get3A_1108 : vector<1x16xf32> to vector<16xf32>
        %add3A_1110 = arith.addf %add3A_1096, %get3A_1109 : vector<16xf32>
        %get3A_1111 = arith.index_cast %add3A_1105 : i32 to index
        %get3A_1112 = arith.constant 16 : index
        %get3A_1113 = tpu.vector_load %arg8[%get3A_1111, %get3A_1112] {strides = array<i32>} : memref<1600x32xf32, #tpu.memory_space<vmem>>, vector<1x16xf32>,
        %get3A_1114 = vector.shape_cast %get3A_1113 : vector<1x16xf32> to vector<16xf32>
        %add3A_1115 = arith.addf %add3A_1101, %get3A_1114 : vector<16xf32>
        %scan3A_1116 = arith.constant 2 : i32
        %scan3A_1117 = arith.addi %scan3A_1088, %scan3A_1116 : i32
        %add3A_1118 = arith.constant 800 : i32
        %add3A_1119 = arith.addi %add3A_1118, %scan3A_1117 : i32
        %get3A_1120 = arith.index_cast %add3A_1119 : i32 to index
        %get3A_1121 = arith.constant 0 : index
        %get3A_1122 = tpu.vector_load %arg8[%get3A_1120, %get3A_1121] {strides = array<i32>} : memref<1600x32xf32, #tpu.memory_space<vmem>>, vector<1x16xf32>,
        %get3A_1123 = vector.shape_cast %get3A_1122 : vector<1x16xf32> to vector<16xf32>
        %add3A_1124 = arith.addf %add3A_1110, %get3A_1123 : vector<16xf32>
        %get3A_1125 = arith.index_cast %add3A_1119 : i32 to index
        %get3A_1126 = arith.constant 16 : index
        %get3A_1127 = tpu.vector_load %arg8[%get3A_1125, %get3A_1126] {strides = array<i32>} : memref<1600x32xf32, #tpu.memory_space<vmem>>, vector<1x16xf32>,
        %get3A_1128 = vector.shape_cast %get3A_1127 : vector<1x16xf32> to vector<16xf32>
        %add3A_1129 = arith.addf %add3A_1115, %get3A_1128 : vector<16xf32>
        %scan3A_1130 = arith.constant 3 : i32
        %scan3A_1131 = arith.addi %scan3A_1088, %scan3A_1130 : i32
        %add3A_1132 = arith.constant 800 : i32
        %add3A_1133 = arith.addi %add3A_1132, %scan3A_1131 : i32
        %get3A_1134 = arith.index_cast %add3A_1133 : i32 to index
        %get3A_1135 = arith.constant 0 : index
        %get3A_1136 = tpu.vector_load %arg8[%get3A_1134, %get3A_1135] {strides = array<i32>} : memref<1600x32xf32, #tpu.memory_space<vmem>>, vector<1x16xf32>,
        %get3A_1137 = vector.shape_cast %get3A_1136 : vector<1x16xf32> to vector<16xf32>
        %add3A_1138 = arith.addf %add3A_1124, %get3A_1137 : vector<16xf32>
        %get3A_1139 = arith.index_cast %add3A_1133 : i32 to index
        %get3A_1140 = arith.constant 16 : index
        %get3A_1141 = tpu.vector_load %arg8[%get3A_1139, %get3A_1140] {strides = array<i32>} : memref<1600x32xf32, #tpu.memory_space<vmem>>, vector<1x16xf32>,
        %get3A_1142 = vector.shape_cast %get3A_1141 : vector<1x16xf32> to vector<16xf32>
        %add3A_1143 = arith.addf %add3A_1129, %get3A_1142 : vector<16xf32>
        %scan3A_1144 = arith.constant 4 : i32
        %scan3A_1145 = arith.addi %scan3A_1088, %scan3A_1144 : i32
        %add3A_1146 = arith.constant 800 : i32
        %add3A_1147 = arith.addi %add3A_1146, %scan3A_1145 : i32
        %get3A_1148 = arith.index_cast %add3A_1147 : i32 to index
        %get3A_1149 = arith.constant 0 : index
        %get3A_1150 = tpu.vector_load %arg8[%get3A_1148, %get3A_1149] {strides = array<i32>} : memref<1600x32xf32, #tpu.memory_space<vmem>>, vector<1x16xf32>,
        %get3A_1151 = vector.shape_cast %get3A_1150 : vector<1x16xf32> to vector<16xf32>
        %add3A_1152 = arith.addf %add3A_1138, %get3A_1151 : vector<16xf32>
        %get3A_1153 = arith.index_cast %add3A_1147 : i32 to index
        %get3A_1154 = arith.constant 16 : index
        %get3A_1155 = tpu.vector_load %arg8[%get3A_1153, %get3A_1154] {strides = array<i32>} : memref<1600x32xf32, #tpu.memory_space<vmem>>, vector<1x16xf32>,
        %get3A_1156 = vector.shape_cast %get3A_1155 : vector<1x16xf32> to vector<16xf32>
        %add3A_1157 = arith.addf %add3A_1143, %get3A_1156 : vector<16xf32>
        %scan3A_1158 = arith.constant 5 : i32
        %scan3A_1159 = arith.addi %scan3A_1088, %scan3A_1158 : i32
        %add3A_1160 = arith.constant 800 : i32
        %add3A_1161 = arith.addi %add3A_1160, %scan3A_1159 : i32
        %get3A_1162 = arith.index_cast %add3A_1161 : i32 to index
        %get3A_1163 = arith.constant 0 : index
        %get3A_1164 = tpu.vector_load %arg8[%get3A_1162, %get3A_1163] {strides = array<i32>} : memref<1600x32xf32, #tpu.memory_space<vmem>>, vector<1x16xf32>,
        %get3A_1165 = vector.shape_cast %get3A_1164 : vector<1x16xf32> to vector<16xf32>
        %add3A_1166 = arith.addf %add3A_1152, %get3A_1165 : vector<16xf32>
        %get3A_1167 = arith.index_cast %add3A_1161 : i32 to index
        %get3A_1168 = arith.constant 16 : index
        %get3A_1169 = tpu.vector_load %arg8[%get3A_1167, %get3A_1168] {strides = array<i32>} : memref<1600x32xf32, #tpu.memory_space<vmem>>, vector<1x16xf32>,
        %get3A_1170 = vector.shape_cast %get3A_1169 : vector<1x16xf32> to vector<16xf32>
        %add3A_1171 = arith.addf %add3A_1157, %get3A_1170 : vector<16xf32>
        %scan3A_1172 = arith.constant 6 : i32
        %scan3A_1173 = arith.addi %scan3A_1088, %scan3A_1172 : i32
        %add3A_1174 = arith.constant 800 : i32
        %add3A_1175 = arith.addi %add3A_1174, %scan3A_1173 : i32
        %get3A_1176 = arith.index_cast %add3A_1175 : i32 to index
        %get3A_1177 = arith.constant 0 : index
        %get3A_1178 = tpu.vector_load %arg8[%get3A_1176, %get3A_1177] {strides = array<i32>} : memref<1600x32xf32, #tpu.memory_space<vmem>>, vector<1x16xf32>,
        %get3A_1179 = vector.shape_cast %get3A_1178 : vector<1x16xf32> to vector<16xf32>
        %add3A_1180 = arith.addf %add3A_1166, %get3A_1179 : vector<16xf32>
        %get3A_1181 = arith.index_cast %add3A_1175 : i32 to index
        %get3A_1182 = arith.constant 16 : index
        %get3A_1183 = tpu.vector_load %arg8[%get3A_1181, %get3A_1182] {strides = array<i32>} : memref<1600x32xf32, #tpu.memory_space<vmem>>, vector<1x16xf32>,
        %get3A_1184 = vector.shape_cast %get3A_1183 : vector<1x16xf32> to vector<16xf32>
        %add3A_1185 = arith.addf %add3A_1171, %get3A_1184 : vector<16xf32>
        %scan3A_1186 = arith.constant 7 : i32
        %scan3A_1187 = arith.addi %scan3A_1088, %scan3A_1186 : i32
        %add3A_1188 = arith.constant 800 : i32
        %add3A_1189 = arith.addi %add3A_1188, %scan3A_1187 : i32
        %get3A_1190 = arith.index_cast %add3A_1189 : i32 to index
        %get3A_1191 = arith.constant 0 : index
        %get3A_1192 = tpu.vector_load %arg8[%get3A_1190, %get3A_1191] {strides = array<i32>} : memref<1600x32xf32, #tpu.memory_space<vmem>>, vector<1x16xf32>,
        %get3A_1193 = vector.shape_cast %get3A_1192 : vector<1x16xf32> to vector<16xf32>
        %add3A_1194 = arith.addf %add3A_1180, %get3A_1193 : vector<16xf32>
        %get3A_1195 = arith.index_cast %add3A_1189 : i32 to index
        %get3A_1196 = arith.constant 16 : index
        %get3A_1197 = tpu.vector_load %arg8[%get3A_1195, %get3A_1196] {strides = array<i32>} : memref<1600x32xf32, #tpu.memory_space<vmem>>, vector<1x16xf32>,
        %get3A_1198 = vector.shape_cast %get3A_1197 : vector<1x16xf32> to vector<16xf32>
        %add3A_1199 = arith.addf %add3A_1185, %get3A_1198 : vector<16xf32>
        scf.yield %add3A_1194, %add3A_1199 : vector<16xf32>, vector<16xf32>
      }
      %scan3A_992 = arith.constant 200 : i32
      %add3A_993 = arith.constant 4 : i32
      %add3A_994 = arith.addi %mul3A_906, %add3A_993 : i32
      %swap3A_995 = arith.index_cast %add3A_994 : i32 to index
      %swap3A_996 = arith.constant 0 : index
      %swap3A_997 = tpu.vector_load %arg9[%swap3A_995, %swap3A_996] {strides = array<i32>} : memref<64x32xf32, #tpu.memory_space<vmem>>, vector<1x16xf32>,
      %swap3A_998 = vector.shape_cast %swap3A_997 : vector<1x16xf32> to vector<16xf32>
      %swap3A_999 = vector.shape_cast %scan3A_991#0 : vector<16xf32> to vector<1x16xf32>
      tpu.vector_store %arg9[%swap3A_995, %swap3A_996], %swap3A_999 {strides = array<i32>} : memref<64x32xf32, #tpu.memory_space<vmem>>, vector<1x16xf32>,
      %add3A_1000 = arith.constant 4 : i32
      %add3A_1001 = arith.addi %mul3A_906, %add3A_1000 : i32
      %swap3A_1002 = arith.index_cast %add3A_1001 : i32 to index
      %swap3A_1003 = arith.constant 16 : index
      %swap3A_1004 = tpu.vector_load %arg9[%swap3A_1002, %swap3A_1003] {strides = array<i32>} : memref<64x32xf32, #tpu.memory_space<vmem>>, vector<1x16xf32>,
      %swap3A_1005 = vector.shape_cast %swap3A_1004 : vector<1x16xf32> to vector<16xf32>
      %swap3A_1006 = vector.shape_cast %scan3A_991#1 : vector<16xf32> to vector<1x16xf32>
      tpu.vector_store %arg9[%swap3A_1002, %swap3A_1003], %swap3A_1006 {strides = array<i32>} : memref<64x32xf32, #tpu.memory_space<vmem>>, vector<1x16xf32>,
      %scan3A_1007 = arith.constant 0 : i32
      %scan3A_1008 = arith.constant 200 : i32
      %scan3A_1009 = arith.addi %scan3A_1007, %scan3A_1008 : i32
      %scan3A_1010 = arith.constant 8 : i32
      %scan3A_1011:2 = scf.for %scan3A_1088 = %scan3A_1007 to %scan3A_1009 step %scan3A_1010 iter_args(%scan3A_1089 = %broadcast_in_dim3A_3, %scan3A_1090 = %broadcast_in_dim3A_3) -> (vector<16xf32>, vector<16xf32>)  : i32 {
        %add3A_1091 = arith.constant 1000 : i32
        %add3A_1092 = arith.addi %add3A_1091, %scan3A_1088 : i32
        %get3A = arith.index_cast %add3A_1092 : i32 to index
        %get3A_1093 = arith.constant 0 : index
        %get3A_1094 = tpu.vector_load %arg8[%get3A, %get3A_1093] {strides = array<i32>} : memref<1600x32xf32, #tpu.memory_space<vmem>>, vector<1x16xf32>,
        %get3A_1095 = vector.shape_cast %get3A_1094 : vector<1x16xf32> to vector<16xf32>
        %add3A_1096 = arith.addf %scan3A_1089, %get3A_1095 : vector<16xf32>
        %get3A_1097 = arith.index_cast %add3A_1092 : i32 to index
        %get3A_1098 = arith.constant 16 : index
        %get3A_1099 = tpu.vector_load %arg8[%get3A_1097, %get3A_1098] {strides = array<i32>} : memref<1600x32xf32, #tpu.memory_space<vmem>>, vector<1x16xf32>,
        %get3A_1100 = vector.shape_cast %get3A_1099 : vector<1x16xf32> to vector<16xf32>
        %add3A_1101 = arith.addf %scan3A_1090, %get3A_1100 : vector<16xf32>
        %scan3A_1102 = arith.constant 1 : i32
        %scan3A_1103 = arith.addi %scan3A_1088, %scan3A_1102 : i32
        %add3A_1104 = arith.constant 1000 : i32
        %add3A_1105 = arith.addi %add3A_1104, %scan3A_1103 : i32
        %get3A_1106 = arith.index_cast %add3A_1105 : i32 to index
        %get3A_1107 = arith.constant 0 : index
        %get3A_1108 = tpu.vector_load %arg8[%get3A_1106, %get3A_1107] {strides = array<i32>} : memref<1600x32xf32, #tpu.memory_space<vmem>>, vector<1x16xf32>,
        %get3A_1109 = vector.shape_cast %get3A_1108 : vector<1x16xf32> to vector<16xf32>
        %add3A_1110 = arith.addf %add3A_1096, %get3A_1109 : vector<16xf32>
        %get3A_1111 = arith.index_cast %add3A_1105 : i32 to index
        %get3A_1112 = arith.constant 16 : index
        %get3A_1113 = tpu.vector_load %arg8[%get3A_1111, %get3A_1112] {strides = array<i32>} : memref<1600x32xf32, #tpu.memory_space<vmem>>, vector<1x16xf32>,
        %get3A_1114 = vector.shape_cast %get3A_1113 : vector<1x16xf32> to vector<16xf32>
        %add3A_1115 = arith.addf %add3A_1101, %get3A_1114 : vector<16xf32>
        %scan3A_1116 = arith.constant 2 : i32
        %scan3A_1117 = arith.addi %scan3A_1088, %scan3A_1116 : i32
        %add3A_1118 = arith.constant 1000 : i32
        %add3A_1119 = arith.addi %add3A_1118, %scan3A_1117 : i32
        %get3A_1120 = arith.index_cast %add3A_1119 : i32 to index
        %get3A_1121 = arith.constant 0 : index
        %get3A_1122 = tpu.vector_load %arg8[%get3A_1120, %get3A_1121] {strides = array<i32>} : memref<1600x32xf32, #tpu.memory_space<vmem>>, vector<1x16xf32>,
        %get3A_1123 = vector.shape_cast %get3A_1122 : vector<1x16xf32> to vector<16xf32>
        %add3A_1124 = arith.addf %add3A_1110, %get3A_1123 : vector<16xf32>
        %get3A_1125 = arith.index_cast %add3A_1119 : i32 to index
        %get3A_1126 = arith.constant 16 : index
        %get3A_1127 = tpu.vector_load %arg8[%get3A_1125, %get3A_1126] {strides = array<i32>} : memref<1600x32xf32, #tpu.memory_space<vmem>>, vector<1x16xf32>,
        %get3A_1128 = vector.shape_cast %get3A_1127 : vector<1x16xf32> to vector<16xf32>
        %add3A_1129 = arith.addf %add3A_1115, %get3A_1128 : vector<16xf32>
        %scan3A_1130 = arith.constant 3 : i32
        %scan3A_1131 = arith.addi %scan3A_1088, %scan3A_1130 : i32
        %add3A_1132 = arith.constant 1000 : i32
        %add3A_1133 = arith.addi %add3A_1132, %scan3A_1131 : i32
        %get3A_1134 = arith.index_cast %add3A_1133 : i32 to index
        %get3A_1135 = arith.constant 0 : index
        %get3A_1136 = tpu.vector_load %arg8[%get3A_1134, %get3A_1135] {strides = array<i32>} : memref<1600x32xf32, #tpu.memory_space<vmem>>, vector<1x16xf32>,
        %get3A_1137 = vector.shape_cast %get3A_1136 : vector<1x16xf32> to vector<16xf32>
        %add3A_1138 = arith.addf %add3A_1124, %get3A_1137 : vector<16xf32>
        %get3A_1139 = arith.index_cast %add3A_1133 : i32 to index
        %get3A_1140 = arith.constant 16 : index
        %get3A_1141 = tpu.vector_load %arg8[%get3A_1139, %get3A_1140] {strides = array<i32>} : memref<1600x32xf32, #tpu.memory_space<vmem>>, vector<1x16xf32>,
        %get3A_1142 = vector.shape_cast %get3A_1141 : vector<1x16xf32> to vector<16xf32>
        %add3A_1143 = arith.addf %add3A_1129, %get3A_1142 : vector<16xf32>
        %scan3A_1144 = arith.constant 4 : i32
        %scan3A_1145 = arith.addi %scan3A_1088, %scan3A_1144 : i32
        %add3A_1146 = arith.constant 1000 : i32
        %add3A_1147 = arith.addi %add3A_1146, %scan3A_1145 : i32
        %get3A_1148 = arith.index_cast %add3A_1147 : i32 to index
        %get3A_1149 = arith.constant 0 : index
        %get3A_1150 = tpu.vector_load %arg8[%get3A_1148, %get3A_1149] {strides = array<i32>} : memref<1600x32xf32, #tpu.memory_space<vmem>>, vector<1x16xf32>,
        %get3A_1151 = vector.shape_cast %get3A_1150 : vector<1x16xf32> to vector<16xf32>
        %add3A_1152 = arith.addf %add3A_1138, %get3A_1151 : vector<16xf32>
        %get3A_1153 = arith.index_cast %add3A_1147 : i32 to index
        %get3A_1154 = arith.constant 16 : index
        %get3A_1155 = tpu.vector_load %arg8[%get3A_1153, %get3A_1154] {strides = array<i32>} : memref<1600x32xf32, #tpu.memory_space<vmem>>, vector<1x16xf32>,
        %get3A_1156 = vector.shape_cast %get3A_1155 : vector<1x16xf32> to vector<16xf32>
        %add3A_1157 = arith.addf %add3A_1143, %get3A_1156 : vector<16xf32>
        %scan3A_1158 = arith.constant 5 : i32
        %scan3A_1159 = arith.addi %scan3A_1088, %scan3A_1158 : i32
        %add3A_1160 = arith.constant 1000 : i32
        %add3A_1161 = arith.addi %add3A_1160, %scan3A_1159 : i32
        %get3A_1162 = arith.index_cast %add3A_1161 : i32 to index
        %get3A_1163 = arith.constant 0 : index
        %get3A_1164 = tpu.vector_load %arg8[%get3A_1162, %get3A_1163] {strides = array<i32>} : memref<1600x32xf32, #tpu.memory_space<vmem>>, vector<1x16xf32>,
        %get3A_1165 = vector.shape_cast %get3A_1164 : vector<1x16xf32> to vector<16xf32>
        %add3A_1166 = arith.addf %add3A_1152, %get3A_1165 : vector<16xf32>
        %get3A_1167 = arith.index_cast %add3A_1161 : i32 to index
        %get3A_1168 = arith.constant 16 : index
        %get3A_1169 = tpu.vector_load %arg8[%get3A_1167, %get3A_1168] {strides = array<i32>} : memref<1600x32xf32, #tpu.memory_space<vmem>>, vector<1x16xf32>,
        %get3A_1170 = vector.shape_cast %get3A_1169 : vector<1x16xf32> to vector<16xf32>
        %add3A_1171 = arith.addf %add3A_1157, %get3A_1170 : vector<16xf32>
        %scan3A_1172 = arith.constant 6 : i32
        %scan3A_1173 = arith.addi %scan3A_1088, %scan3A_1172 : i32
        %add3A_1174 = arith.constant 1000 : i32
        %add3A_1175 = arith.addi %add3A_1174, %scan3A_1173 : i32
        %get3A_1176 = arith.index_cast %add3A_1175 : i32 to index
        %get3A_1177 = arith.constant 0 : index
        %get3A_1178 = tpu.vector_load %arg8[%get3A_1176, %get3A_1177] {strides = array<i32>} : memref<1600x32xf32, #tpu.memory_space<vmem>>, vector<1x16xf32>,
        %get3A_1179 = vector.shape_cast %get3A_1178 : vector<1x16xf32> to vector<16xf32>
        %add3A_1180 = arith.addf %add3A_1166, %get3A_1179 : vector<16xf32>
        %get3A_1181 = arith.index_cast %add3A_1175 : i32 to index
        %get3A_1182 = arith.constant 16 : index
        %get3A_1183 = tpu.vector_load %arg8[%get3A_1181, %get3A_1182] {strides = array<i32>} : memref<1600x32xf32, #tpu.memory_space<vmem>>, vector<1x16xf32>,
        %get3A_1184 = vector.shape_cast %get3A_1183 : vector<1x16xf32> to vector<16xf32>
        %add3A_1185 = arith.addf %add3A_1171, %get3A_1184 : vector<16xf32>
        %scan3A_1186 = arith.constant 7 : i32
        %scan3A_1187 = arith.addi %scan3A_1088, %scan3A_1186 : i32
        %add3A_1188 = arith.constant 1000 : i32
        %add3A_1189 = arith.addi %add3A_1188, %scan3A_1187 : i32
        %get3A_1190 = arith.index_cast %add3A_1189 : i32 to index
        %get3A_1191 = arith.constant 0 : index
        %get3A_1192 = tpu.vector_load %arg8[%get3A_1190, %get3A_1191] {strides = array<i32>} : memref<1600x32xf32, #tpu.memory_space<vmem>>, vector<1x16xf32>,
        %get3A_1193 = vector.shape_cast %get3A_1192 : vector<1x16xf32> to vector<16xf32>
        %add3A_1194 = arith.addf %add3A_1180, %get3A_1193 : vector<16xf32>
        %get3A_1195 = arith.index_cast %add3A_1189 : i32 to index
        %get3A_1196 = arith.constant 16 : index
        %get3A_1197 = tpu.vector_load %arg8[%get3A_1195, %get3A_1196] {strides = array<i32>} : memref<1600x32xf32, #tpu.memory_space<vmem>>, vector<1x16xf32>,
        %get3A_1198 = vector.shape_cast %get3A_1197 : vector<1x16xf32> to vector<16xf32>
        %add3A_1199 = arith.addf %add3A_1185, %get3A_1198 : vector<16xf32>
        scf.yield %add3A_1194, %add3A_1199 : vector<16xf32>, vector<16xf32>
      }
      %scan3A_1012 = arith.constant 200 : i32
      %add3A_1013 = arith.constant 5 : i32
      %add3A_1014 = arith.addi %mul3A_906, %add3A_1013 : i32
      %swap3A_1015 = arith.index_cast %add3A_1014 : i32 to index
      %swap3A_1016 = arith.constant 0 : index
      %swap3A_1017 = tpu.vector_load %arg9[%swap3A_1015, %swap3A_1016] {strides = array<i32>} : memref<64x32xf32, #tpu.memory_space<vmem>>, vector<1x16xf32>,
      %swap3A_1018 = vector.shape_cast %swap3A_1017 : vector<1x16xf32> to vector<16xf32>
      %swap3A_1019 = vector.shape_cast %scan3A_1011#0 : vector<16xf32> to vector<1x16xf32>
      tpu.vector_store %arg9[%swap3A_1015, %swap3A_1016], %swap3A_1019 {strides = array<i32>} : memref<64x32xf32, #tpu.memory_space<vmem>>, vector<1x16xf32>,
      %add3A_1020 = arith.constant 5 : i32
      %add3A_1021 = arith.addi %mul3A_906, %add3A_1020 : i32
      %swap3A_1022 = arith.index_cast %add3A_1021 : i32 to index
      %swap3A_1023 = arith.constant 16 : index
      %swap3A_1024 = tpu.vector_load %arg9[%swap3A_1022, %swap3A_1023] {strides = array<i32>} : memref<64x32xf32, #tpu.memory_space<vmem>>, vector<1x16xf32>,
      %swap3A_1025 = vector.shape_cast %swap3A_1024 : vector<1x16xf32> to vector<16xf32>
      %swap3A_1026 = vector.shape_cast %scan3A_1011#1 : vector<16xf32> to vector<1x16xf32>
      tpu.vector_store %arg9[%swap3A_1022, %swap3A_1023], %swap3A_1026 {strides = array<i32>} : memref<64x32xf32, #tpu.memory_space<vmem>>, vector<1x16xf32>,
      %scan3A_1027 = arith.constant 0 : i32
      %scan3A_1028 = arith.constant 200 : i32
      %scan3A_1029 = arith.addi %scan3A_1027, %scan3A_1028 : i32
      %scan3A_1030 = arith.constant 8 : i32
      %scan3A_1031:2 = scf.for %scan3A_1088 = %scan3A_1027 to %scan3A_1029 step %scan3A_1030 iter_args(%scan3A_1089 = %broadcast_in_dim3A_3, %scan3A_1090 = %broadcast_in_dim3A_3) -> (vector<16xf32>, vector<16xf32>)  : i32 {
        %add3A_1091 = arith.constant 1200 : i32
        %add3A_1092 = arith.addi %add3A_1091, %scan3A_1088 : i32
        %get3A = arith.index_cast %add3A_1092 : i32 to index
        %get3A_1093 = arith.constant 0 : index
        %get3A_1094 = tpu.vector_load %arg8[%get3A, %get3A_1093] {strides = array<i32>} : memref<1600x32xf32, #tpu.memory_space<vmem>>, vector<1x16xf32>,
        %get3A_1095 = vector.shape_cast %get3A_1094 : vector<1x16xf32> to vector<16xf32>
        %add3A_1096 = arith.addf %scan3A_1089, %get3A_1095 : vector<16xf32>
        %get3A_1097 = arith.index_cast %add3A_1092 : i32 to index
        %get3A_1098 = arith.constant 16 : index
        %get3A_1099 = tpu.vector_load %arg8[%get3A_1097, %get3A_1098] {strides = array<i32>} : memref<1600x32xf32, #tpu.memory_space<vmem>>, vector<1x16xf32>,
        %get3A_1100 = vector.shape_cast %get3A_1099 : vector<1x16xf32> to vector<16xf32>
        %add3A_1101 = arith.addf %scan3A_1090, %get3A_1100 : vector<16xf32>
        %scan3A_1102 = arith.constant 1 : i32
        %scan3A_1103 = arith.addi %scan3A_1088, %scan3A_1102 : i32
        %add3A_1104 = arith.constant 1200 : i32
        %add3A_1105 = arith.addi %add3A_1104, %scan3A_1103 : i32
        %get3A_1106 = arith.index_cast %add3A_1105 : i32 to index
        %get3A_1107 = arith.constant 0 : index
        %get3A_1108 = tpu.vector_load %arg8[%get3A_1106, %get3A_1107] {strides = array<i32>} : memref<1600x32xf32, #tpu.memory_space<vmem>>, vector<1x16xf32>,
        %get3A_1109 = vector.shape_cast %get3A_1108 : vector<1x16xf32> to vector<16xf32>
        %add3A_1110 = arith.addf %add3A_1096, %get3A_1109 : vector<16xf32>
        %get3A_1111 = arith.index_cast %add3A_1105 : i32 to index
        %get3A_1112 = arith.constant 16 : index
        %get3A_1113 = tpu.vector_load %arg8[%get3A_1111, %get3A_1112] {strides = array<i32>} : memref<1600x32xf32, #tpu.memory_space<vmem>>, vector<1x16xf32>,
        %get3A_1114 = vector.shape_cast %get3A_1113 : vector<1x16xf32> to vector<16xf32>
        %add3A_1115 = arith.addf %add3A_1101, %get3A_1114 : vector<16xf32>
        %scan3A_1116 = arith.constant 2 : i32
        %scan3A_1117 = arith.addi %scan3A_1088, %scan3A_1116 : i32
        %add3A_1118 = arith.constant 1200 : i32
        %add3A_1119 = arith.addi %add3A_1118, %scan3A_1117 : i32
        %get3A_1120 = arith.index_cast %add3A_1119 : i32 to index
        %get3A_1121 = arith.constant 0 : index
        %get3A_1122 = tpu.vector_load %arg8[%get3A_1120, %get3A_1121] {strides = array<i32>} : memref<1600x32xf32, #tpu.memory_space<vmem>>, vector<1x16xf32>,
        %get3A_1123 = vector.shape_cast %get3A_1122 : vector<1x16xf32> to vector<16xf32>
        %add3A_1124 = arith.addf %add3A_1110, %get3A_1123 : vector<16xf32>
        %get3A_1125 = arith.index_cast %add3A_1119 : i32 to index
        %get3A_1126 = arith.constant 16 : index
        %get3A_1127 = tpu.vector_load %arg8[%get3A_1125, %get3A_1126] {strides = array<i32>} : memref<1600x32xf32, #tpu.memory_space<vmem>>, vector<1x16xf32>,
        %get3A_1128 = vector.shape_cast %get3A_1127 : vector<1x16xf32> to vector<16xf32>
        %add3A_1129 = arith.addf %add3A_1115, %get3A_1128 : vector<16xf32>
        %scan3A_1130 = arith.constant 3 : i32
        %scan3A_1131 = arith.addi %scan3A_1088, %scan3A_1130 : i32
        %add3A_1132 = arith.constant 1200 : i32
        %add3A_1133 = arith.addi %add3A_1132, %scan3A_1131 : i32
        %get3A_1134 = arith.index_cast %add3A_1133 : i32 to index
        %get3A_1135 = arith.constant 0 : index
        %get3A_1136 = tpu.vector_load %arg8[%get3A_1134, %get3A_1135] {strides = array<i32>} : memref<1600x32xf32, #tpu.memory_space<vmem>>, vector<1x16xf32>,
        %get3A_1137 = vector.shape_cast %get3A_1136 : vector<1x16xf32> to vector<16xf32>
        %add3A_1138 = arith.addf %add3A_1124, %get3A_1137 : vector<16xf32>
        %get3A_1139 = arith.index_cast %add3A_1133 : i32 to index
        %get3A_1140 = arith.constant 16 : index
        %get3A_1141 = tpu.vector_load %arg8[%get3A_1139, %get3A_1140] {strides = array<i32>} : memref<1600x32xf32, #tpu.memory_space<vmem>>, vector<1x16xf32>,
        %get3A_1142 = vector.shape_cast %get3A_1141 : vector<1x16xf32> to vector<16xf32>
        %add3A_1143 = arith.addf %add3A_1129, %get3A_1142 : vector<16xf32>
        %scan3A_1144 = arith.constant 4 : i32
        %scan3A_1145 = arith.addi %scan3A_1088, %scan3A_1144 : i32
        %add3A_1146 = arith.constant 1200 : i32
        %add3A_1147 = arith.addi %add3A_1146, %scan3A_1145 : i32
        %get3A_1148 = arith.index_cast %add3A_1147 : i32 to index
        %get3A_1149 = arith.constant 0 : index
        %get3A_1150 = tpu.vector_load %arg8[%get3A_1148, %get3A_1149] {strides = array<i32>} : memref<1600x32xf32, #tpu.memory_space<vmem>>, vector<1x16xf32>,
        %get3A_1151 = vector.shape_cast %get3A_1150 : vector<1x16xf32> to vector<16xf32>
        %add3A_1152 = arith.addf %add3A_1138, %get3A_1151 : vector<16xf32>
        %get3A_1153 = arith.index_cast %add3A_1147 : i32 to index
        %get3A_1154 = arith.constant 16 : index
        %get3A_1155 = tpu.vector_load %arg8[%get3A_1153, %get3A_1154] {strides = array<i32>} : memref<1600x32xf32, #tpu.memory_space<vmem>>, vector<1x16xf32>,
        %get3A_1156 = vector.shape_cast %get3A_1155 : vector<1x16xf32> to vector<16xf32>
        %add3A_1157 = arith.addf %add3A_1143, %get3A_1156 : vector<16xf32>
        %scan3A_1158 = arith.constant 5 : i32
        %scan3A_1159 = arith.addi %scan3A_1088, %scan3A_1158 : i32
        %add3A_1160 = arith.constant 1200 : i32
        %add3A_1161 = arith.addi %add3A_1160, %scan3A_1159 : i32
        %get3A_1162 = arith.index_cast %add3A_1161 : i32 to index
        %get3A_1163 = arith.constant 0 : index
        %get3A_1164 = tpu.vector_load %arg8[%get3A_1162, %get3A_1163] {strides = array<i32>} : memref<1600x32xf32, #tpu.memory_space<vmem>>, vector<1x16xf32>,
        %get3A_1165 = vector.shape_cast %get3A_1164 : vector<1x16xf32> to vector<16xf32>
        %add3A_1166 = arith.addf %add3A_1152, %get3A_1165 : vector<16xf32>
        %get3A_1167 = arith.index_cast %add3A_1161 : i32 to index
        %get3A_1168 = arith.constant 16 : index
        %get3A_1169 = tpu.vector_load %arg8[%get3A_1167, %get3A_1168] {strides = array<i32>} : memref<1600x32xf32, #tpu.memory_space<vmem>>, vector<1x16xf32>,
        %get3A_1170 = vector.shape_cast %get3A_1169 : vector<1x16xf32> to vector<16xf32>
        %add3A_1171 = arith.addf %add3A_1157, %get3A_1170 : vector<16xf32>
        %scan3A_1172 = arith.constant 6 : i32
        %scan3A_1173 = arith.addi %scan3A_1088, %scan3A_1172 : i32
        %add3A_1174 = arith.constant 1200 : i32
        %add3A_1175 = arith.addi %add3A_1174, %scan3A_1173 : i32
        %get3A_1176 = arith.index_cast %add3A_1175 : i32 to index
        %get3A_1177 = arith.constant 0 : index
        %get3A_1178 = tpu.vector_load %arg8[%get3A_1176, %get3A_1177] {strides = array<i32>} : memref<1600x32xf32, #tpu.memory_space<vmem>>, vector<1x16xf32>,
        %get3A_1179 = vector.shape_cast %get3A_1178 : vector<1x16xf32> to vector<16xf32>
        %add3A_1180 = arith.addf %add3A_1166, %get3A_1179 : vector<16xf32>
        %get3A_1181 = arith.index_cast %add3A_1175 : i32 to index
        %get3A_1182 = arith.constant 16 : index
        %get3A_1183 = tpu.vector_load %arg8[%get3A_1181, %get3A_1182] {strides = array<i32>} : memref<1600x32xf32, #tpu.memory_space<vmem>>, vector<1x16xf32>,
        %get3A_1184 = vector.shape_cast %get3A_1183 : vector<1x16xf32> to vector<16xf32>
        %add3A_1185 = arith.addf %add3A_1171, %get3A_1184 : vector<16xf32>
        %scan3A_1186 = arith.constant 7 : i32
        %scan3A_1187 = arith.addi %scan3A_1088, %scan3A_1186 : i32
        %add3A_1188 = arith.constant 1200 : i32
        %add3A_1189 = arith.addi %add3A_1188, %scan3A_1187 : i32
        %get3A_1190 = arith.index_cast %add3A_1189 : i32 to index
        %get3A_1191 = arith.constant 0 : index
        %get3A_1192 = tpu.vector_load %arg8[%get3A_1190, %get3A_1191] {strides = array<i32>} : memref<1600x32xf32, #tpu.memory_space<vmem>>, vector<1x16xf32>,
        %get3A_1193 = vector.shape_cast %get3A_1192 : vector<1x16xf32> to vector<16xf32>
        %add3A_1194 = arith.addf %add3A_1180, %get3A_1193 : vector<16xf32>
        %get3A_1195 = arith.index_cast %add3A_1189 : i32 to index
        %get3A_1196 = arith.constant 16 : index
        %get3A_1197 = tpu.vector_load %arg8[%get3A_1195, %get3A_1196] {strides = array<i32>} : memref<1600x32xf32, #tpu.memory_space<vmem>>, vector<1x16xf32>,
        %get3A_1198 = vector.shape_cast %get3A_1197 : vector<1x16xf32> to vector<16xf32>
        %add3A_1199 = arith.addf %add3A_1185, %get3A_1198 : vector<16xf32>
        scf.yield %add3A_1194, %add3A_1199 : vector<16xf32>, vector<16xf32>
      }
      %scan3A_1032 = arith.constant 200 : i32
      %add3A_1033 = arith.constant 6 : i32
      %add3A_1034 = arith.addi %mul3A_906, %add3A_1033 : i32
      %swap3A_1035 = arith.index_cast %add3A_1034 : i32 to index
      %swap3A_1036 = arith.constant 0 : index
      %swap3A_1037 = tpu.vector_load %arg9[%swap3A_1035, %swap3A_1036] {strides = array<i32>} : memref<64x32xf32, #tpu.memory_space<vmem>>, vector<1x16xf32>,
      %swap3A_1038 = vector.shape_cast %swap3A_1037 : vector<1x16xf32> to vector<16xf32>
      %swap3A_1039 = vector.shape_cast %scan3A_1031#0 : vector<16xf32> to vector<1x16xf32>
      tpu.vector_store %arg9[%swap3A_1035, %swap3A_1036], %swap3A_1039 {strides = array<i32>} : memref<64x32xf32, #tpu.memory_space<vmem>>, vector<1x16xf32>,
      %add3A_1040 = arith.constant 6 : i32
      %add3A_1041 = arith.addi %mul3A_906, %add3A_1040 : i32
      %swap3A_1042 = arith.index_cast %add3A_1041 : i32 to index
      %swap3A_1043 = arith.constant 16 : index
      %swap3A_1044 = tpu.vector_load %arg9[%swap3A_1042, %swap3A_1043] {strides = array<i32>} : memref<64x32xf32, #tpu.memory_space<vmem>>, vector<1x16xf32>,
      %swap3A_1045 = vector.shape_cast %swap3A_1044 : vector<1x16xf32> to vector<16xf32>
      %swap3A_1046 = vector.shape_cast %scan3A_1031#1 : vector<16xf32> to vector<1x16xf32>
      tpu.vector_store %arg9[%swap3A_1042, %swap3A_1043], %swap3A_1046 {strides = array<i32>} : memref<64x32xf32, #tpu.memory_space<vmem>>, vector<1x16xf32>,
      %scan3A_1047 = arith.constant 0 : i32
      %scan3A_1048 = arith.constant 200 : i32
      %scan3A_1049 = arith.addi %scan3A_1047, %scan3A_1048 : i32
      %scan3A_1050 = arith.constant 8 : i32
      %scan3A_1051:2 = scf.for %scan3A_1088 = %scan3A_1047 to %scan3A_1049 step %scan3A_1050 iter_args(%scan3A_1089 = %broadcast_in_dim3A_3, %scan3A_1090 = %broadcast_in_dim3A_3) -> (vector<16xf32>, vector<16xf32>)  : i32 {
        %add3A_1091 = arith.constant 1400 : i32
        %add3A_1092 = arith.addi %add3A_1091, %scan3A_1088 : i32
        %get3A = arith.index_cast %add3A_1092 : i32 to index
        %get3A_1093 = arith.constant 0 : index
        %get3A_1094 = tpu.vector_load %arg8[%get3A, %get3A_1093] {strides = array<i32>} : memref<1600x32xf32, #tpu.memory_space<vmem>>, vector<1x16xf32>,
        %get3A_1095 = vector.shape_cast %get3A_1094 : vector<1x16xf32> to vector<16xf32>
        %add3A_1096 = arith.addf %scan3A_1089, %get3A_1095 : vector<16xf32>
        %get3A_1097 = arith.index_cast %add3A_1092 : i32 to index
        %get3A_1098 = arith.constant 16 : index
        %get3A_1099 = tpu.vector_load %arg8[%get3A_1097, %get3A_1098] {strides = array<i32>} : memref<1600x32xf32, #tpu.memory_space<vmem>>, vector<1x16xf32>,
        %get3A_1100 = vector.shape_cast %get3A_1099 : vector<1x16xf32> to vector<16xf32>
        %add3A_1101 = arith.addf %scan3A_1090, %get3A_1100 : vector<16xf32>
        %scan3A_1102 = arith.constant 1 : i32
        %scan3A_1103 = arith.addi %scan3A_1088, %scan3A_1102 : i32
        %add3A_1104 = arith.constant 1400 : i32
        %add3A_1105 = arith.addi %add3A_1104, %scan3A_1103 : i32
        %get3A_1106 = arith.index_cast %add3A_1105 : i32 to index
        %get3A_1107 = arith.constant 0 : index
        %get3A_1108 = tpu.vector_load %arg8[%get3A_1106, %get3A_1107] {strides = array<i32>} : memref<1600x32xf32, #tpu.memory_space<vmem>>, vector<1x16xf32>,
        %get3A_1109 = vector.shape_cast %get3A_1108 : vector<1x16xf32> to vector<16xf32>
        %add3A_1110 = arith.addf %add3A_1096, %get3A_1109 : vector<16xf32>
        %get3A_1111 = arith.index_cast %add3A_1105 : i32 to index
        %get3A_1112 = arith.constant 16 : index
        %get3A_1113 = tpu.vector_load %arg8[%get3A_1111, %get3A_1112] {strides = array<i32>} : memref<1600x32xf32, #tpu.memory_space<vmem>>, vector<1x16xf32>,
        %get3A_1114 = vector.shape_cast %get3A_1113 : vector<1x16xf32> to vector<16xf32>
        %add3A_1115 = arith.addf %add3A_1101, %get3A_1114 : vector<16xf32>
        %scan3A_1116 = arith.constant 2 : i32
        %scan3A_1117 = arith.addi %scan3A_1088, %scan3A_1116 : i32
        %add3A_1118 = arith.constant 1400 : i32
        %add3A_1119 = arith.addi %add3A_1118, %scan3A_1117 : i32
        %get3A_1120 = arith.index_cast %add3A_1119 : i32 to index
        %get3A_1121 = arith.constant 0 : index
        %get3A_1122 = tpu.vector_load %arg8[%get3A_1120, %get3A_1121] {strides = array<i32>} : memref<1600x32xf32, #tpu.memory_space<vmem>>, vector<1x16xf32>,
        %get3A_1123 = vector.shape_cast %get3A_1122 : vector<1x16xf32> to vector<16xf32>
        %add3A_1124 = arith.addf %add3A_1110, %get3A_1123 : vector<16xf32>
        %get3A_1125 = arith.index_cast %add3A_1119 : i32 to index
        %get3A_1126 = arith.constant 16 : index
        %get3A_1127 = tpu.vector_load %arg8[%get3A_1125, %get3A_1126] {strides = array<i32>} : memref<1600x32xf32, #tpu.memory_space<vmem>>, vector<1x16xf32>,
        %get3A_1128 = vector.shape_cast %get3A_1127 : vector<1x16xf32> to vector<16xf32>
        %add3A_1129 = arith.addf %add3A_1115, %get3A_1128 : vector<16xf32>
        %scan3A_1130 = arith.constant 3 : i32
        %scan3A_1131 = arith.addi %scan3A_1088, %scan3A_1130 : i32
        %add3A_1132 = arith.constant 1400 : i32
        %add3A_1133 = arith.addi %add3A_1132, %scan3A_1131 : i32
        %get3A_1134 = arith.index_cast %add3A_1133 : i32 to index
        %get3A_1135 = arith.constant 0 : index
        %get3A_1136 = tpu.vector_load %arg8[%get3A_1134, %get3A_1135] {strides = array<i32>} : memref<1600x32xf32, #tpu.memory_space<vmem>>, vector<1x16xf32>,
        %get3A_1137 = vector.shape_cast %get3A_1136 : vector<1x16xf32> to vector<16xf32>
        %add3A_1138 = arith.addf %add3A_1124, %get3A_1137 : vector<16xf32>
        %get3A_1139 = arith.index_cast %add3A_1133 : i32 to index
        %get3A_1140 = arith.constant 16 : index
        %get3A_1141 = tpu.vector_load %arg8[%get3A_1139, %get3A_1140] {strides = array<i32>} : memref<1600x32xf32, #tpu.memory_space<vmem>>, vector<1x16xf32>,
        %get3A_1142 = vector.shape_cast %get3A_1141 : vector<1x16xf32> to vector<16xf32>
        %add3A_1143 = arith.addf %add3A_1129, %get3A_1142 : vector<16xf32>
        %scan3A_1144 = arith.constant 4 : i32
        %scan3A_1145 = arith.addi %scan3A_1088, %scan3A_1144 : i32
        %add3A_1146 = arith.constant 1400 : i32
        %add3A_1147 = arith.addi %add3A_1146, %scan3A_1145 : i32
        %get3A_1148 = arith.index_cast %add3A_1147 : i32 to index
        %get3A_1149 = arith.constant 0 : index
        %get3A_1150 = tpu.vector_load %arg8[%get3A_1148, %get3A_1149] {strides = array<i32>} : memref<1600x32xf32, #tpu.memory_space<vmem>>, vector<1x16xf32>,
        %get3A_1151 = vector.shape_cast %get3A_1150 : vector<1x16xf32> to vector<16xf32>
        %add3A_1152 = arith.addf %add3A_1138, %get3A_1151 : vector<16xf32>
        %get3A_1153 = arith.index_cast %add3A_1147 : i32 to index
        %get3A_1154 = arith.constant 16 : index
        %get3A_1155 = tpu.vector_load %arg8[%get3A_1153, %get3A_1154] {strides = array<i32>} : memref<1600x32xf32, #tpu.memory_space<vmem>>, vector<1x16xf32>,
        %get3A_1156 = vector.shape_cast %get3A_1155 : vector<1x16xf32> to vector<16xf32>
        %add3A_1157 = arith.addf %add3A_1143, %get3A_1156 : vector<16xf32>
        %scan3A_1158 = arith.constant 5 : i32
        %scan3A_1159 = arith.addi %scan3A_1088, %scan3A_1158 : i32
        %add3A_1160 = arith.constant 1400 : i32
        %add3A_1161 = arith.addi %add3A_1160, %scan3A_1159 : i32
        %get3A_1162 = arith.index_cast %add3A_1161 : i32 to index
        %get3A_1163 = arith.constant 0 : index
        %get3A_1164 = tpu.vector_load %arg8[%get3A_1162, %get3A_1163] {strides = array<i32>} : memref<1600x32xf32, #tpu.memory_space<vmem>>, vector<1x16xf32>,
        %get3A_1165 = vector.shape_cast %get3A_1164 : vector<1x16xf32> to vector<16xf32>
        %add3A_1166 = arith.addf %add3A_1152, %get3A_1165 : vector<16xf32>
        %get3A_1167 = arith.index_cast %add3A_1161 : i32 to index
        %get3A_1168 = arith.constant 16 : index
        %get3A_1169 = tpu.vector_load %arg8[%get3A_1167, %get3A_1168] {strides = array<i32>} : memref<1600x32xf32, #tpu.memory_space<vmem>>, vector<1x16xf32>,
        %get3A_1170 = vector.shape_cast %get3A_1169 : vector<1x16xf32> to vector<16xf32>
        %add3A_1171 = arith.addf %add3A_1157, %get3A_1170 : vector<16xf32>
        %scan3A_1172 = arith.constant 6 : i32
        %scan3A_1173 = arith.addi %scan3A_1088, %scan3A_1172 : i32
        %add3A_1174 = arith.constant 1400 : i32
        %add3A_1175 = arith.addi %add3A_1174, %scan3A_1173 : i32
        %get3A_1176 = arith.index_cast %add3A_1175 : i32 to index
        %get3A_1177 = arith.constant 0 : index
        %get3A_1178 = tpu.vector_load %arg8[%get3A_1176, %get3A_1177] {strides = array<i32>} : memref<1600x32xf32, #tpu.memory_space<vmem>>, vector<1x16xf32>,
        %get3A_1179 = vector.shape_cast %get3A_1178 : vector<1x16xf32> to vector<16xf32>
        %add3A_1180 = arith.addf %add3A_1166, %get3A_1179 : vector<16xf32>
        %get3A_1181 = arith.index_cast %add3A_1175 : i32 to index
        %get3A_1182 = arith.constant 16 : index
        %get3A_1183 = tpu.vector_load %arg8[%get3A_1181, %get3A_1182] {strides = array<i32>} : memref<1600x32xf32, #tpu.memory_space<vmem>>, vector<1x16xf32>,
        %get3A_1184 = vector.shape_cast %get3A_1183 : vector<1x16xf32> to vector<16xf32>
        %add3A_1185 = arith.addf %add3A_1171, %get3A_1184 : vector<16xf32>
        %scan3A_1186 = arith.constant 7 : i32
        %scan3A_1187 = arith.addi %scan3A_1088, %scan3A_1186 : i32
        %add3A_1188 = arith.constant 1400 : i32
        %add3A_1189 = arith.addi %add3A_1188, %scan3A_1187 : i32
        %get3A_1190 = arith.index_cast %add3A_1189 : i32 to index
        %get3A_1191 = arith.constant 0 : index
        %get3A_1192 = tpu.vector_load %arg8[%get3A_1190, %get3A_1191] {strides = array<i32>} : memref<1600x32xf32, #tpu.memory_space<vmem>>, vector<1x16xf32>,
        %get3A_1193 = vector.shape_cast %get3A_1192 : vector<1x16xf32> to vector<16xf32>
        %add3A_1194 = arith.addf %add3A_1180, %get3A_1193 : vector<16xf32>
        %get3A_1195 = arith.index_cast %add3A_1189 : i32 to index
        %get3A_1196 = arith.constant 16 : index
        %get3A_1197 = tpu.vector_load %arg8[%get3A_1195, %get3A_1196] {strides = array<i32>} : memref<1600x32xf32, #tpu.memory_space<vmem>>, vector<1x16xf32>,
        %get3A_1198 = vector.shape_cast %get3A_1197 : vector<1x16xf32> to vector<16xf32>
        %add3A_1199 = arith.addf %add3A_1185, %get3A_1198 : vector<16xf32>
        scf.yield %add3A_1194, %add3A_1199 : vector<16xf32>, vector<16xf32>
      }
      %scan3A_1052 = arith.constant 200 : i32
      %add3A_1053 = arith.constant 7 : i32
      %add3A_1054 = arith.addi %mul3A_906, %add3A_1053 : i32
      %swap3A_1055 = arith.index_cast %add3A_1054 : i32 to index
      %swap3A_1056 = arith.constant 0 : index
      %swap3A_1057 = tpu.vector_load %arg9[%swap3A_1055, %swap3A_1056] {strides = array<i32>} : memref<64x32xf32, #tpu.memory_space<vmem>>, vector<1x16xf32>,
      %swap3A_1058 = vector.shape_cast %swap3A_1057 : vector<1x16xf32> to vector<16xf32>
      %swap3A_1059 = vector.shape_cast %scan3A_1051#0 : vector<16xf32> to vector<1x16xf32>
      tpu.vector_store %arg9[%swap3A_1055, %swap3A_1056], %swap3A_1059 {strides = array<i32>} : memref<64x32xf32, #tpu.memory_space<vmem>>, vector<1x16xf32>,
      %add3A_1060 = arith.constant 7 : i32
      %add3A_1061 = arith.addi %mul3A_906, %add3A_1060 : i32
      %swap3A_1062 = arith.index_cast %add3A_1061 : i32 to index
      %swap3A_1063 = arith.constant 16 : index
      %swap3A_1064 = tpu.vector_load %arg9[%swap3A_1062, %swap3A_1063] {strides = array<i32>} : memref<64x32xf32, #tpu.memory_space<vmem>>, vector<1x16xf32>,
      %swap3A_1065 = vector.shape_cast %swap3A_1064 : vector<1x16xf32> to vector<16xf32>
      %swap3A_1066 = vector.shape_cast %scan3A_1051#1 : vector<16xf32> to vector<1x16xf32>
      tpu.vector_store %arg9[%swap3A_1062, %swap3A_1063], %swap3A_1066 {strides = array<i32>} : memref<64x32xf32, #tpu.memory_space<vmem>>, vector<1x16xf32>,
      %jit3A_1067 = arith.constant 8 : i32
      %eq3A_1068 = arith.constant 0 : i32
      %eq3A_1069 = arith.cmpi eq, %jit3A_1067, %eq3A_1068 : i32
      %jit3A_1070 = arith.constant 1 : i32
      %select_n3A_1071 = arith.select %eq3A_1069, %jit3A_1070, %jit3A_1067 : i32
      %rem3A_1072 = arith.remsi %add3A_888, %select_n3A_1071 : i32
      %ne3A_1073 = arith.constant 0 : i32
      %ne3A_1074 = arith.cmpi ne, %rem3A_1072, %ne3A_1073 : i32
      %lt3A_1075 = arith.constant 0 : i32
      %lt3A_1076 = arith.cmpi slt, %rem3A_1072, %lt3A_1075 : i32
      %lt3A_1077 = arith.constant 0 : i32
      %lt3A_1078 = arith.cmpi slt, %select_n3A_1071, %lt3A_1077 : i32
      %ne3A_1079 = arith.xori %lt3A_1076, %lt3A_1078 : i1
      %and3A_1080 = arith.andi %ne3A_1079, %ne3A_1074 : i1
      %add3A_1081 = arith.addi %rem3A_1072, %select_n3A_1071 : i32
      %select_n3A_1082 = arith.select %and3A_1080, %add3A_1081, %rem3A_1072 : i32
      %eq3A_1083 = arith.constant 7 : i32
      %eq3A_1084 = arith.cmpi eq, %select_n3A_1082, %eq3A_1083 : i32
      %convert_element_type3A_1085 = arith.extui %eq3A_1084 : i1 to i32
      %cond3A_1086 = arith.constant 0 : i32
      %cond3A_1087 = arith.cmpi ne, %convert_element_type3A_1085, %cond3A_1086 : i32
      scf.if %cond3A_1087 {
        %add3A_1088 = arith.addi %mul3A_2, %add3A_888 : i32
        %sub3A = arith.constant 7 : i32
        %sub3A_1089 = arith.subi %add3A_1088, %sub3A : i32
        %mul3A_1090 = arith.constant 8 : i32
        %mul3A_1091 = arith.muli %sub3A_1089, %mul3A_1090 : i32
        "tpu.region"() ({
          %run_scoped3A = tpu.sem_alloc : memref<!tpu.dma_semaphore, #tpu.memory_space<semaphore_mem>>
          %dma_start3A_1092 = arith.constant 0 : i32
          %dma_start3A_1093 = tpu.memref_slice %arg4[%mul3A_1091, %dma_start3A_1092] : memref<16384x32xf32, #tpu.memory_space<hbm>> -> memref<64x32xf32, #tpu.memory_space<hbm>>
          %dma_start3A_1094 = arith.constant 0 : i32
          %dma_start3A_1095 = tpu.memref_slice %arg4[%mul3A_1091, %dma_start3A_1094] : memref<16384x32xf32, #tpu.memory_space<hbm>> -> memref<64x32xf32, #tpu.memory_space<hbm>>
          tpu.enqueue_dma source(%arg9 : memref<64x32xf32, #tpu.memory_space<vmem>>) target(%dma_start3A_1095 : memref<64x32xf32, #tpu.memory_space<hbm>>) target_semaphore(%run_scoped3A : memref<!tpu.dma_semaphore, #tpu.memory_space<semaphore_mem>>)
          %dma_wait3A_1096 = arith.constant 0 : i32
          %dma_wait3A_1097 = tpu.memref_slice %arg4[%mul3A_1091, %dma_wait3A_1096] : memref<16384x32xf32, #tpu.memory_space<hbm>> -> memref<64x32xf32, #tpu.memory_space<hbm>>
          %dma_wait3A_1098 = arith.constant 0 : i32
          %dma_wait3A_1099 = tpu.memref_slice %arg4[%mul3A_1091, %dma_wait3A_1098] : memref<16384x32xf32, #tpu.memory_space<hbm>> -> memref<64x32xf32, #tpu.memory_space<hbm>>
          tpu.wait_dma2 semaphore(%run_scoped3A : memref<!tpu.dma_semaphore, #tpu.memory_space<semaphore_mem>>) src(%arg9 : memref<64x32xf32, #tpu.memory_space<vmem>>) dst(%dma_wait3A_1099 : memref<64x32xf32, #tpu.memory_space<hbm>>)
          tpu.yield
        }) : () -> ()
      } else {
      }
    }
    %scan3A_190 = arith.constant 32 : i32
    return
  }
}

module attributes {stable_mosaic.version = 14 : i64} {
  func.func @_mlp_body(%arg0: i32, %arg1: memref<2048x32xf32, #tpu.memory_space<vmem>>, %arg2: memref<32x128xf32, #tpu.memory_space<vmem>>, %arg3: memref<1x128xf32, #tpu.memory_space<vmem>>, %arg4: memref<128x64xf32, #tpu.memory_space<vmem>>, %arg5: memref<1x64xf32, #tpu.memory_space<vmem>>, %arg6: memref<2048x64xf32, #tpu.memory_space<vmem>>) attributes {dimension_semantics = [#tpu.dimension_semantics<arbitrary>], iteration_bounds = array<i64: 8>, scalar_prefetch = 0 : i64, scratch_operands = 0 : i64, tpu.core_type = #tpu.core_type<tc>, window_params = [{transform_indices = @transform_0, window_bounds = array<i64: 2048, 32>}, {pipeline_mode = #tpu.pipeline_mode<synchronous>, transform_indices = @transform_1, window_bounds = array<i64: 32, 128>}, {pipeline_mode = #tpu.pipeline_mode<synchronous>, transform_indices = @transform_2, window_bounds = array<i64: 1, 128>}, {pipeline_mode = #tpu.pipeline_mode<synchronous>, transform_indices = @transform_3, window_bounds = array<i64: 128, 64>}, {pipeline_mode = #tpu.pipeline_mode<synchronous>, transform_indices = @transform_4, window_bounds = array<i64: 1, 64>}, {transform_indices = @transform_5, window_bounds = array<i64: 2048, 64>}]} {
    %get3A = arith.constant 0 : index
    %get3A_0 = arith.constant 0 : index
    %get3A_1 = vector.load %arg1[%get3A, %get3A_0] : memref<2048x32xf32, #tpu.memory_space<vmem>>, vector<2048x32xf32>
    %mul3A = arith.constant 5.000000e-03 : f32
    %mul3A_2 = vector.broadcast %mul3A : f32 to vector<2048x32xf32>
    %mul3A_3 = arith.mulf %get3A_1, %mul3A_2 : vector<2048x32xf32>
    %get3A_4 = arith.constant 0 : index
    %get3A_5 = arith.constant 0 : index
    %get3A_6 = vector.load %arg2[%get3A_4, %get3A_5] : memref<32x128xf32, #tpu.memory_space<vmem>>, vector<32x128xf32>
    %dot_general3A = arith.constant dense<0.000000e+00> : vector<2048x128xf32>
    %dot_general3A_7 = tpu.matmul %mul3A_3, %get3A_6, %dot_general3A {dimension_numbers = #tpu.dot_dimension_numbers<[1], [0], [0], [1], [0, 0, 1, 1], [], []>, transpose_lhs_hint = false} : vector<2048x32xf32>, vector<32x128xf32>, vector<2048x128xf32> -> vector<2048x128xf32>
    %get3A_8 = arith.constant 0 : index
    %get3A_9 = arith.constant 0 : index
    %get3A_10 = vector.load %arg3[%get3A_8, %get3A_9] : memref<1x128xf32, #tpu.memory_space<vmem>>, vector<1x128xf32>
    %add3A = vector.broadcast %get3A_10 : vector<1x128xf32> to vector<2048x128xf32>
    %add3A_11 = arith.addf %dot_general3A_7, %add3A : vector<2048x128xf32>
    %max3A = arith.constant 0.000000e+00 : f32
    %max3A_12 = vector.broadcast %max3A : f32 to vector<2048x128xf32>
    %max3A_13 = arith.maximumf %add3A_11, %max3A_12 : vector<2048x128xf32>
    %get3A_14 = arith.constant 0 : index
    %get3A_15 = arith.constant 0 : index
    %get3A_16 = vector.load %arg4[%get3A_14, %get3A_15] : memref<128x64xf32, #tpu.memory_space<vmem>>, vector<128x64xf32>
    %dot_general3A_17 = arith.constant dense<0.000000e+00> : vector<2048x64xf32>
    %dot_general3A_18 = tpu.matmul %max3A_13, %get3A_16, %dot_general3A_17 {dimension_numbers = #tpu.dot_dimension_numbers<[1], [0], [0], [1], [0, 0, 1, 1], [], []>, transpose_lhs_hint = false} : vector<2048x128xf32>, vector<128x64xf32>, vector<2048x64xf32> -> vector<2048x64xf32>
    %get3A_19 = arith.constant 0 : index
    %get3A_20 = arith.constant 0 : index
    %get3A_21 = vector.load %arg5[%get3A_19, %get3A_20] : memref<1x64xf32, #tpu.memory_space<vmem>>, vector<1x64xf32>
    %add3A_22 = vector.broadcast %get3A_21 : vector<1x64xf32> to vector<2048x64xf32>
    %add3A_23 = arith.addf %dot_general3A_18, %add3A_22 : vector<2048x64xf32>
    %swap3A = arith.constant 0 : index
    %swap3A_24 = arith.constant 0 : index
    %swap3A_25 = vector.load %arg6[%swap3A, %swap3A_24] : memref<2048x64xf32, #tpu.memory_space<vmem>>, vector<2048x64xf32>
    tpu.vector_store %arg6[%swap3A, %swap3A_24], %add3A_23 {strides = array<i32>} : memref<2048x64xf32, #tpu.memory_space<vmem>>, vector<2048x64xf32>,
    return
  }
  func.func @transform_0(%arg0: i32) -> (i32, i32) {
    %c0_i32 = arith.constant 0 : i32
    %c0_i32_0 = arith.constant 0 : i32
    return %arg0, %c0_i32 : i32, i32
  }
  func.func @transform_1(%arg0: i32) -> (i32, i32) {
    %c0_i32 = arith.constant 0 : i32
    %c0_i32_0 = arith.constant 0 : i32
    %c0_i32_1 = arith.constant 0 : i32
    return %c0_i32, %c0_i32_0 : i32, i32
  }
  func.func @transform_2(%arg0: i32) -> (i32, i32) {
    %c0_i32 = arith.constant 0 : i32
    %c0_i32_0 = arith.constant 0 : i32
    %c0_i32_1 = arith.constant 0 : i32
    return %c0_i32, %c0_i32_0 : i32, i32
  }
  func.func @transform_3(%arg0: i32) -> (i32, i32) {
    %c0_i32 = arith.constant 0 : i32
    %c0_i32_0 = arith.constant 0 : i32
    %c0_i32_1 = arith.constant 0 : i32
    return %c0_i32, %c0_i32_0 : i32, i32
  }
  func.func @transform_4(%arg0: i32) -> (i32, i32) {
    %c0_i32 = arith.constant 0 : i32
    %c0_i32_0 = arith.constant 0 : i32
    %c0_i32_1 = arith.constant 0 : i32
    return %c0_i32, %c0_i32_0 : i32, i32
  }
  func.func @transform_5(%arg0: i32) -> (i32, i32) {
    %c0_i32 = arith.constant 0 : i32
    %c0_i32_0 = arith.constant 0 : i32
    return %arg0, %c0_i32 : i32, i32
  }
}

</mosaic_0001>

<sc_bundles>
// kernel: kernel.4.cloned.1.call-start
scs
__scs_entry_jumppad:
0x0: {  	(pc) =	sbr.rel $0x88, $3  }
0x1: {  	(tag) =	ssettag $0x0;
	lr =	simm.s32 $0x1  }
0x2: {  	[smem:$0x3F9B] =	sst lr;
	_ =	strace $0xD0000000  }
0x3: {  	_ = 	snop  }
0x4: {  	_ = 	snop  }
0x5: {  	_ = 	snop  }
0x6: {  	_ = 	snop  }
0x7: {  	_ = 	snop  }
__scs_overlays_trampoline_lowered:
0x8: {  	[smem:$0x3FAA] =	sst s0  }
0x9: {  	[smem:$0x3FAB] =	sst s1  }
0xa: {  	[smem:$0x3FAC] =	sst s2  }
0xb: {  	[smem:$0x3FAD] =	sst s3  }
0xc: {  	[smem:$0x3FAE] =	sst s4  }
0xd: {  	[smem:$0x3FAF] =	sst s5  }
0xe: {  	[smem:$0x3FB0] =	sst s6  }
0xf: {  	[smem:$0x3FB1] =	sst s7  }
0x10: {  	[smem:$0x3FB2] =	sst s8  }
0x11: {  	[smem:$0x3FB3] =	sst s9;
	s0 =	simm.s32 @!p0 $0x0  }
0x12: {  	s1 =	sld [smem:$0x3F99];
	s0 =	simm.s32 @p0 $0x1  }
0x13: {  	[smem:$0x3FB4] =	sst s0;
	s0 =	simm.s32 @!p1 $0x0  }
0x14: {  	s2 =	sld [smem:$0x3F98];
	s0 =	simm.s32 @p1 $0x1  }
0x15: {  	[smem:$0x3FB5] =	sst s0;
	s0 =	simm.s32 @!p2 $0x0  }
0x16: {  	s3 =	sld [smem:$0x3FDB];
	s0 =	simm.s32 @p2 $0x1  }
0x17: {  	s4 =	simm.s32 $0x1BF5;
	[smem:$0x3FB7] =	sst s0  }
0x18: {  	s0 =	sld [smem:$0x3F9A];
	_ =	swait.ge [sflag:s4], $0x0  }
0x19: {  	s7 =	sld [smem:$0x3F9B]  }
0x1a: {  	s8 =	sadd.s32 $0xFFFFE003, lr  }
0x1b: {  	s9 =	sadd.s32 $0xFFFFFEF7, lr;
	s5 =	simm.s32 $0xFFFFFFFF;
	p2 =	slt.u32 s8, $0xFFFFF086  }
0x1c: {  	p1 =	slt.u32 s9, $0xF7A;
	s5 =	simm.s32 @!p2 $0x0  }
0x1d: {  	s5 =	simm.s32 @p1 $0x1;
	p0 =	seq.s32 s7, s2  }
0x1e: {  	s7 =	smul.u32 @!p0 $0xF7A, s2;
	p2 =	seq.s32 @!p0 s5, $0x0  }
0x1f: {  	s9 =	smul.u32 $0xF7A, s1;
	s8 =	simm.s32 @!p0 $0x1BF5;
	p2 =	por !p2, p0  }
0x20: {  	[sflag:s8] =	ssyncset.s32 @!p0 $0xFFFFF086;
	s6 =	sadd.s32 @!p0 s3, s7;
	s7 =	simm.s32 @!p0 $0x108  }
0x21: {  	s3 =	sadd.s32 s3, s9;
	s6 =	sadd.s32 @!p0 $0x88, s6;
	s7 =	simm.s32 @p2 $0x1082  }
0x22: {  	[simem:s7], [sflag:s8] =	dma.local @!p0 [hbm:s6], $0xF7A  }
0x23: {  	s9 =	sor.u32 $0xD0000000, s2;
	s6 =	simm.s32 $0x108;
	_ =	swait.ge @!p0 [sflag:s8], $0x0  }
0x24: {  	s3 =	sadd.s32 $0x88, s3;
	s6 =	simm.s32 @!p1 $0x1082;
	[sflag:s4] =	ssyncset.s32 $0xFFFFF086  }
0x25: {  	[simem:s6], [sflag:s4] =	dma.local [hbm:s3], $0xF7A  }
0x26: {  	[smem:$0x3F9B] =	sst s1;
	(tag) =	ssettag s2;
	_ =	strace s9  }
0x27: {  	s1 =	sld [smem:$0x3FAB]  }
0x28: {  	s2 =	sld [smem:$0x3FAC]  }
0x29: {  	s4 =	sld [smem:$0x3FAE]  }
0x2a: {  	p0 =	seq.s32 s5, $0x0;
	s5 =	sld [smem:$0x3FAF]  }
0x2b: {  	s6 =	sld [smem:$0x3FB0]  }
0x2c: {  	s7 =	sld [smem:$0x3FB1]  }
0x2d: {  	s3 =	simm.s32 $0x108;
	s8 =	sld [smem:$0x3FB2]  }
0x2e: {  	s3 =	simm.s32 @!p0 $0x1082;
	s9 =	sld [smem:$0x3FB3]  }
0x2f: {  	lr =	sadd.s32 s0, s3;
	s0 =	sld [smem:$0x3FAA]  }
0x30: {  	s3 =	sld [smem:$0x3FAD]  }
0x31: {  	[smem:$0x3FB6] =	sst s10  }
0x32: {  	s10 =	sld [smem:$0x3FB4];
	_ =	sdelay $0x3  }
0x33: {  	p0 =	seq.s32 s10, $0x1;
	s10 =	sld [smem:$0x3FB6];
	_ =	sdelay $0x3  }
0x34: {  	[smem:$0x3FB6] =	sst s10  }
0x35: {  	s10 =	sld [smem:$0x3FB5];
	_ =	sdelay $0x3  }
0x36: {  	p1 =	seq.s32 s10, $0x1;
	s10 =	sld [smem:$0x3FB6];
	_ =	sdelay $0x3  }
0x37: {  	[smem:$0x3FB6] =	sst s10  }
0x38: {  	s10 =	sld [smem:$0x3FB7]  }
0x39: {  	_ = 	snop;
	(pc) =	sbr.ind lr, $3  }
0x3a: {  	_ = 	snop  }
0x3b: {  	_ = 	snop  }
0x3c: {  	p2 =	seq.s32 s10, $0x1;
	s10 =	sld [smem:$0x3FB6]  }
0x3d: {  	_ =	shalt  }
0x3e: {  	_ =	shalt  }
0x3f: {  	_ =	shalt  }
0x40: {  	_ =	shalt  }
0x41: {  	_ =	shalt  }
0x42: {  	_ =	shalt  }
0x43: {  	_ =	shalt  }
0x44: {  	_ =	shalt  }
0x45: {  	_ =	shalt  }
0x46: {  	_ =	shalt  }
0x47: {  	_ =	shalt  }
0x48: {  	_ =	shalt  }
0x49: {  	_ =	shalt  }
0x4a: {  	_ =	shalt  }
0x4b: {  	_ =	shalt  }
0x4c: {  	_ =	shalt  }
0x4d: {  	_ =	shalt  }
0x4e: {  	_ =	shalt  }
0x4f: {  	_ =	shalt  }
0x50: {  	_ =	shalt  }
0x51: {  	_ =	shalt  }
0x52: {  	_ =	shalt  }
0x53: {  	_ =	shalt  }
0x54: {  	_ =	shalt  }
0x55: {  	_ =	shalt  }
0x56: {  	_ =	shalt  }
0x57: {  	_ =	shalt  }
0x58: {  	_ =	shalt  }
0x59: {  	_ =	shalt  }
0x5a: {  	_ =	shalt  }
0x5b: {  	_ =	shalt  }
0x5c: {  	_ =	shalt  }
0x5d: {  	_ =	shalt  }
0x5e: {  	_ =	shalt  }
0x5f: {  	_ =	shalt  }
0x60: {  	_ =	shalt  }
0x61: {  	_ =	shalt  }
0x62: {  	_ =	shalt  }
0x63: {  	_ =	shalt  }
0x64: {  	_ =	shalt  }
0x65: {  	_ =	shalt  }
0x66: {  	_ =	shalt  }
0x67: {  	_ =	shalt  }
0x68: {  	_ =	shalt  }
0x69: {  	_ =	shalt  }
0x6a: {  	_ =	shalt  }
0x6b: {  	_ =	shalt  }
0x6c: {  	_ =	shalt  }
0x6d: {  	_ =	shalt  }
0x6e: {  	_ =	shalt  }
0x6f: {  	_ =	shalt  }
0x70: {  	_ =	shalt  }
0x71: {  	_ =	shalt  }
0x72: {  	_ =	shalt  }
0x73: {  	_ =	shalt  }
0x74: {  	_ =	shalt  }
0x75: {  	_ =	shalt  }
0x76: {  	_ =	shalt  }
0x77: {  	_ =	shalt  }
0x78: {  	_ =	shalt  }
0x79: {  	_ =	shalt  }
0x7a: {  	_ =	shalt  }
0x7b: {  	_ =	shalt  }
0x7c: {  	_ =	shalt  }
0x7d: {  	_ =	shalt  }
0x7e: {  	_ =	shalt  }
0x7f: {  	_ =	shalt  }
0x80: {  	_ =	shalt  }
0x81: {  	_ =	shalt  }
0x82: {  	_ =	shalt  }
0x83: {  	_ =	shalt  }
0x84: {  	_ =	shalt  }
0x85: {  	_ =	shalt  }
0x86: {  	_ =	shalt  }
0x87: {  	_ =	shalt  }
.Lfunc_end0:
.L_simem_size_0:
called_computation_lowered:
.L_overlay_start_0:
0x88: {  	s2 =	sld [smem:$0x3FD9]  }
0x89: {  	s3 =	sld [smem:$0x3FFE];
	_ =	sdelay $0x1  }
0x8a: {  	s1 =	srdreg.scid  }
0x8b: {  	s0 =	sand.u32 $0x1, s1  }
0x8c: {  	s17 =	sshll.u32 s0, $0xA;
	s2 =	sadd.s32 s3, s2  }
0x8d: {  	s2 =	sadd.s32 s2, s17  }
0x8e: {  	[smem:$0x3FC2] =	sst s2  }
0x8f: {  	_ = 	snop  }
0x90: {  	s2 =	sld [smem:$0x3FD0];
	(tm) =	ssettm $0x1  }
0x91: {  	s18 =	sld [smem:$0x3FFB];
	_ =	sdelay $0x3  }
0x92: {  	_ =	strace s18  }
0x93: {  	s3 =	sld [smem:$0x3FFC];
	_ =	sdelay $0x3  }
0x94: {  	_ =	strace s3  }
0x95: {  	s3 =	sld [smem:$0x3FFD];
	_ =	sdelay $0x3  }
0x96: {  	_ =	strace s3  }
0x97: {  	_ =	strace $0x8FFFFFFF  }
0x98: {  	s19 =	sld [smem:$0x3FDB];
	_ =	sdelay $0x1  }
0x99: {  	s4 =	simm.s32 $_scs_section_size  }
0x9a: {  	s5 =	simm.s32 $_size__tile_overlayer_lowered;
	s6 =	simm.s32 $_tile_overlayer_lowered  }
0x9b: {  	s22 =	simm.s32 $0x1BFF;
	s21 =	sshll.u32 s6, $0x1;
	s3 =	sadd.s32 s4, s19  }
0x9c: {  	s7 =	simm.s32 $0x0;
	s20 =	sshll.u32 s5, $0x1;
	s5 =	sadd.s32 s21, s3  }
0x9d: {  	[timem:s7], [sflag:s22] =	dma.local [hbm:s5], s20  }
0x9e: {  	_ =	swait.ge [sflag:s22], s20  }
0x9f: {  	s4 =	ssub.s32 $0x0, s20;
	[sflag:s22] =	ssyncset.done $0x0  }
0xa0: {  	[sflag:s22] =	ssyncadd.s32 s4;
	_ =	sdelay $0x1  }
0xa1: {  	s23 =	simm.s32 $0x1B8B  }
0xa2: {  	_ =	swait.ge [sflag:s23], $0x1  }
0xa3: {  	[sflag:s23] =	ssyncset.done $0x0  }
0xa4: {  	s25 =	simm.s32 $0x1B8E;
	s24 =	sld [smem:$0x3FFE];
	[sflag:s23] =	ssyncadd.s32 $0xFFFFFFFF  }
0xa5: {  	s26 =	simm.s32 $execute0_lowered;
	[smem:$0x3FD2] =	sst s25  }
0xa6: {  	s5 =	sshll.u32 s26, $0x1;
	_ =	strace $0x80000046;
	[dreg:$0x1] =	wrdreg $0xFFFFFFFF  }
0xa7: {  	s28 =	simm.s32 $_size_execute0_lowered;
	s3 =	sadd.s32 s3, s5;
	[dreg:$0x0] =	wrdreg $0x0  }
0xa8: {  	s5 =	sshll.u32 s28, $0x1;
	[dreg:$0x2] =	wrdreg s3  }
0xa9: {  	[dreg:$0x3] =	wrdreg s5  }
0xaa: {  	[dreg:$0x4] =	wrdreg $0xC0  }
0xab: {  	_ =	task [dreg:s7], $0x5FFFF  }
0xac: {  	[dreg:$0x1] =	wrdreg $0xFFFFFFFF  }
0xad: {  	[dreg:$0x0] =	wrdreg $0x60  }
0xae: {  	[dreg:$0x2] =	wrdreg s24  }
0xaf: {  	[dreg:$0x3] =	wrdreg s2  }
0xb0: {  	[dreg:$0x4] =	wrdreg $0x9  }
0xb1: {  	_ =	task.clear_ibuf [dreg:s7], $0x5FFFF;
	_ =	strace $0x90000046  }
0xb2: {  	s29 =	simm.s32 $0x9;
	_ =	strace $0x80000048  }
0xb3: {  	_ =	swait.ge [sflag:s29], $0x1  }
0xb4: {  	[sflag:s29] =	ssyncadd.s32 $0xFFFFFFFF  }
0xb5: {  	_ =	strace $0x90000048  }
0xb6: {  	_ =	sfence  }
0xb7: {  	s30 =	sld [smem:$0x0];
	_ =	sdelay $0x2  }
0xb8: {  	s31 =	sshll.u32 s1, $0xD;
	s1 =	sshrl.u32 s1, $0x2  }
0xb9: {  	s3 =	sand.u32 $0x4000, s31;
	s1 =	sadd.s32 s1, s30  }
0xba: {  	s0 =	sor.u32 s3, s0;
	s1 =	sshll.u32 s1, $0x11  }
0xbb: {  	s0 =	sor.u32 s1, s0  }
0xbc: {  	s0 =	sadd.s32 $0x8F2B, s0  }
0xbd: {  	[sflag:s0] =	ssyncadd.remote.s32 $0x1  }
0xbe: {  	_ =	sfence.sel $0xFFFF  }
0xbf: {  	[dreg:$0x0] =	wrdreg $0xFFFFFFFF;
	(pc) =	sbr.abs _section_cstart, $3  }
0xc0: {  	[dreg:$0x1] =	wrdreg $0xFFFFFFFF  }
0xc1: {  	_ =	task.clear_ibuf [dreg:s7], $0x2FFFF;
	_ =	strace $0x9FFFFFFF  }
0xc2: {  	(tm) =	ssettm $0x7FFFFFFF  }
0xc3: {  	_ =	shalt  }
tec
execute0_lowered:
.L_overlay_start_1:
0x0: {  	(tag) =	ssettag $0x1  }
0x1: {  	s0 =	rddreg [dreg:$0x0]  }
0x2: {  	s1 =	srdreg.scid;
	s2 =	stileid.u32  }
0x3: {  	s3 =	simm.s32 $0x0;
	s13 =	simm.s32 $0x80;
	s15 =	simm.s32 $0x48  }
0x4: {  	s28 =	simm.s32 $0x640;
	s29 =	simm.s32 $0x2;
	s30 =	simm.s32 $0x16180  }
0x5: {  	s31 =	simm.s32 $0xAF0;
	s14 =	simm.s32 $0x17A80;
	s16 =	simm.s32 $0xBB8  }
0x6: {  	s17 =	simm.s32 $0x18380;
	s18 =	simm.s32 $0xC38;
	s19 =	simm.s32 $0x19380  }
0x7: {  	s20 =	simm.s32 $0x3;
	s21 =	simm.s32 $0x4;
	s8 =	simm.s32 $0x0  }
0x8: {  	s1 =	sand.u32 $0x1, s1;
	s2 =	sshll.u32 s2, $0x1;
	[smem:$0x7FF] =	sst s3  }
0x9: {  	s4 =	sadd.s32 $0xE00, s0;
	s5 =	sadd.s32 $0xF43200, s0;
	s2 =	sor.u32 s1, s2  }
0xa: {  	_ =	strace $0x80000047;
	s1 =	ssub.s32 $0x2, s1;
	s24 =	smul.u32 $0x3200, s2  }
0xb: {  	s25 =	sshrl.u32 s1, $0x1;
	s7 =	sshll.u32 s2, $0x6;
	s2 =	simm.s32 $0xAA8  }
0xc: {  	s0 =	ssub.s32 s1, s25;
	s9 =	sor.u32 $0x2, s7;
	s3 =	sadd.s32 s4, s24  }
0xd: {  	s10 =	sor.u32 $0x3, s7;
	s0 =	smax.u32 s0, $0x1;
	[dreg:$0x3] =	wrdreg s3  }
0xe: {  	s1 =	simm.s32 $0x16A80;
	s26 =	sadd.s32 $0xC8, s3;
	[dreg:$0x5] =	wrdreg s0  }
0xf: {  	s3 =	simm.s32 $0x15180;
	s0 =	simm.s32 $0xB70;
	[dreg:$0x4] =	wrdreg s26  }
.LBB2_1:
0x10: {  	[dreg:$0x6] =	wrdreg s8  }
0x11: {  	s6 =	simm.s32 $0x0;
	s11 =	rddreg [dreg:$0x3];
	s12 =	simm.s32 $0x1  }
0x12: {  	[tilespmem:s6], [sflag:$0x1] =	stream.linear.gather [hbm4b:s11+s6], $0x640, $0x38;
	[tilespmem:$0x1A480] =	vst v63  }
0x13: {  	_ =	swait.ge [sflag:s12], $0x640  }
0x14: {  	[sflag:s12] =	ssyncset.done $0x0  }
0x15: {  	s22 =	simm.s32 $0xC80;
	[sflag:s12] =	ssyncadd.s32 $0xFFFFF9C0  }
0x16: {  	[tilespmem:s22], [sflag:$0x3] =	stream.indirect.gather [hbm4b:s5+s13], $0x20, s6, s13, $0xb8;
	[tilespmem:$0x1A480] =	vst v63  }
0x17: {  	s23 =	simm.s32 $0x1C80  }
0x18: {  	[tilespmem:s23], [sflag:$0x3] =	stream.indirect.gather [hbm4b:s5+s15], $0x20, s13, s15, $0xb8;
	[tilespmem:$0x1A480] =	vst v63  }
0x19: {  	s24 =	simm.s32 $0xC8;
	s11 =	simm.s32 $0x2580  }
0x1a: {  	[tilespmem:s11], [sflag:$0x3] =	stream.indirect.gather [hbm4b:s5+s13], $0x20, s24, s13, $0xb8;
	[tilespmem:$0x1A480] =	vst v63  }
0x1b: {  	s25 =	simm.s32 $0x148;
	s26 =	simm.s32 $0x3580  }
0x1c: {  	[tilespmem:s26], [sflag:$0x3] =	stream.indirect.gather [hbm4b:s5+s15], $0x20, s25, s15, $0xb8;
	[tilespmem:$0x1A480] =	vst v63  }
0x1d: {  	s12 =	simm.s32 $0x190;
	s22 =	simm.s32 $0x3E80  }
0x1e: {  	[tilespmem:s22], [sflag:$0x3] =	stream.indirect.gather [hbm4b:s5+s13], $0x20, s12, s13, $0xb8;
	[tilespmem:$0x1A480] =	vst v63  }
0x1f: {  	s23 =	simm.s32 $0x210;
	s24 =	simm.s32 $0x4E80  }
0x20: {  	[tilespmem:s24], [sflag:$0x3] =	stream.indirect.gather [hbm4b:s5+s15], $0x20, s23, s15, $0xb8;
	[tilespmem:$0x1A480] =	vst v63  }
0x21: {  	s25 =	simm.s32 $0x258;
	s26 =	simm.s32 $0x5780  }
0x22: {  	[tilespmem:s26], [sflag:$0x3] =	stream.indirect.gather [hbm4b:s5+s13], $0x20, s25, s13, $0xb8;
	[tilespmem:$0x1A480] =	vst v63  }
0x23: {  	s12 =	simm.s32 $0x2D8;
	s22 =	simm.s32 $0x6780  }
0x24: {  	[tilespmem:s22], [sflag:$0x3] =	stream.indirect.gather [hbm4b:s5+s15], $0x20, s12, s15, $0xb8;
	[tilespmem:$0x1A480] =	vst v63  }
0x25: {  	s23 =	simm.s32 $0x320;
	s24 =	simm.s32 $0x7080  }
0x26: {  	[tilespmem:s24], [sflag:$0x3] =	stream.indirect.gather [hbm4b:s5+s13], $0x20, s23, s13, $0xb8;
	[tilespmem:$0x1A480] =	vst v63  }
0x27: {  	s25 =	simm.s32 $0x3A0;
	s26 =	simm.s32 $0x8080  }
0x28: {  	[tilespmem:s26], [sflag:$0x3] =	stream.indirect.gather [hbm4b:s5+s15], $0x20, s25, s15, $0xb8;
	[tilespmem:$0x1A480] =	vst v63  }
0x29: {  	s12 =	simm.s32 $0x3E8;
	s22 =	simm.s32 $0x8980  }
0x2a: {  	[tilespmem:s22], [sflag:$0x3] =	stream.indirect.gather [hbm4b:s5+s13], $0x20, s12, s13, $0xb8;
	[tilespmem:$0x1A480] =	vst v63  }
0x2b: {  	s23 =	simm.s32 $0x468;
	s24 =	simm.s32 $0x9980  }
0x2c: {  	[tilespmem:s24], [sflag:$0x3] =	stream.indirect.gather [hbm4b:s5+s15], $0x20, s23, s15, $0xb8;
	[tilespmem:$0x1A480] =	vst v63  }
0x2d: {  	s25 =	simm.s32 $0x4B0;
	s26 =	simm.s32 $0xA280  }
0x2e: {  	[tilespmem:s26], [sflag:$0x3] =	stream.indirect.gather [hbm4b:s5+s13], $0x20, s25, s13, $0xb8;
	[tilespmem:$0x1A480] =	vst v63  }
0x2f: {  	s11 =	simm.s32 $0x530;
	s12 =	simm.s32 $0xB280  }
0x30: {  	[tilespmem:s12], [sflag:$0x3] =	stream.indirect.gather [hbm4b:s5+s15], $0x20, s11, s15, $0xb8;
	[tilespmem:$0x1A480] =	vst v63  }
0x31: {  	s22 =	simm.s32 $0x578;
	s23 =	simm.s32 $0xBB80  }
0x32: {  	[tilespmem:s23], [sflag:$0x3] =	stream.indirect.gather [hbm4b:s5+s13], $0x20, s22, s13, $0xb8;
	[tilespmem:$0x1A480] =	vst v63  }
0x33: {  	s24 =	simm.s32 $0x5F8;
	s25 =	simm.s32 $0xCB80  }
0x34: {  	[tilespmem:s25], [sflag:$0x3] =	stream.indirect.gather [hbm4b:s5+s15], $0x20, s24, s15, $0xb8;
	[tilespmem:$0x1A480] =	vst v63  }
0x35: {  	s26 =	rddreg [dreg:$0x4];
	s22 =	simm.s32 $0x0  }
0x36: {  	[tilespmem:s28], [sflag:$0x2] =	stream.linear.gather [hbm4b:s26+s6], $0x640, $0x38;
	[tilespmem:$0x1A480] =	vst v63  }
.LBB2_2:
0x37: {  	_ =	swait.ge [sflag:s29], $0x640  }
0x38: {  	[sflag:s29] =	ssyncset.done $0x0  }
0x39: {  	s6 =	simm.s32 $0xD480;
	[sflag:s29] =	ssyncadd.s32 $0xFFFFF9C0  }
0x3a: {  	[tilespmem:s6], [sflag:$0x4] =	stream.indirect.gather [hbm4b:s5+s13], $0x20, s28, s13, $0xb8;
	[tilespmem:$0x1A480] =	vst v63  }
0x3b: {  	s12 =	simm.s32 $0x6C0;
	s8 =	simm.s32 $0xE480  }
0x3c: {  	[tilespmem:s8], [sflag:$0x4] =	stream.indirect.gather [hbm4b:s5+s15], $0x20, s12, s15, $0xb8;
	[tilespmem:$0x1A480] =	vst v63  }
0x3d: {  	s23 =	simm.s32 $0x708;
	s24 =	simm.s32 $0xED80  }
0x3e: {  	[tilespmem:s24], [sflag:$0x4] =	stream.indirect.gather [hbm4b:s5+s13], $0x20, s23, s13, $0xb8;
	[tilespmem:$0x1A480] =	vst v63  }
0x3f: {  	s25 =	simm.s32 $0x788;
	s26 =	simm.s32 $0xFD80  }
0x40: {  	[tilespmem:s26], [sflag:$0x4] =	stream.indirect.gather [hbm4b:s5+s15], $0x20, s25, s15, $0xb8;
	[tilespmem:$0x1A480] =	vst v63  }
0x41: {  	s11 =	simm.s32 $0x7D0;
	s12 =	simm.s32 $0x10680  }
0x42: {  	[tilespmem:s12], [sflag:$0x4] =	stream.indirect.gather [hbm4b:s5+s13], $0x20, s11, s13, $0xb8;
	[tilespmem:$0x1A480] =	vst v63  }
0x43: {  	s23 =	simm.s32 $0x850;
	s24 =	simm.s32 $0x11680  }
0x44: {  	[tilespmem:s24], [sflag:$0x4] =	stream.indirect.gather [hbm4b:s5+s15], $0x20, s23, s15, $0xb8;
	[tilespmem:$0x1A480] =	vst v63  }
0x45: {  	s25 =	simm.s32 $0x898;
	s26 =	simm.s32 $0x11F80  }
0x46: {  	[tilespmem:s26], [sflag:$0x4] =	stream.indirect.gather [hbm4b:s5+s13], $0x20, s25, s13, $0xb8;
	[tilespmem:$0x1A480] =	vst v63  }
0x47: {  	s11 =	simm.s32 $0x918;
	s12 =	simm.s32 $0x12F80  }
0x48: {  	[tilespmem:s12], [sflag:$0x4] =	stream.indirect.gather [hbm4b:s5+s15], $0x20, s11, s15, $0xb8;
	[tilespmem:$0x1A480] =	vst v63  }
0x49: {  	s23 =	simm.s32 $0x960;
	s24 =	simm.s32 $0x13880  }
0x4a: {  	[tilespmem:s24], [sflag:$0x4] =	stream.indirect.gather [hbm4b:s5+s13], $0x20, s23, s13, $0xb8;
	[tilespmem:$0x1A480] =	vst v63  }
0x4b: {  	s25 =	simm.s32 $0x9E0;
	s26 =	simm.s32 $0x14880  }
0x4c: {  	[tilespmem:s26], [sflag:$0x4] =	stream.indirect.gather [hbm4b:s5+s15], $0x20, s25, s15, $0xb8;
	[tilespmem:$0x1A480] =	vst v63  }
0x4d: {  	s11 =	simm.s32 $0xA28  }
0x4e: {  	[tilespmem:s3], [sflag:$0x4] =	stream.indirect.gather [hbm4b:s5+s13], $0x20, s11, s13, $0xb8;
	[tilespmem:$0x1A480] =	vst v63  }
0x4f: {  	_ = 	snop  }
0x50: {  	[tilespmem:s30], [sflag:$0x4] =	stream.indirect.gather [hbm4b:s5+s15], $0x20, s2, s15, $0xb8;
	[tilespmem:$0x1A480] =	vst v63  }
0x51: {  	_ = 	snop  }
0x52: {  	[tilespmem:s1], [sflag:$0x4] =	stream.indirect.gather [hbm4b:s5+s13], $0x20, s31, s13, $0xb8;
	[tilespmem:$0x1A480] =	vst v63  }
0x53: {  	_ = 	snop  }
0x54: {  	[tilespmem:s14], [sflag:$0x4] =	stream.indirect.gather [hbm4b:s5+s15], $0x20, s0, s15, $0xb8;
	[tilespmem:$0x1A480] =	vst v63  }
0x55: {  	_ = 	snop  }
0x56: {  	[tilespmem:s17], [sflag:$0x4] =	stream.indirect.gather [hbm4b:s5+s13], $0x20, s16, s13, $0xb8;
	[tilespmem:$0x1A480] =	vst v63  }
0x57: {  	_ = 	snop  }
0x58: {  	[tilespmem:s19], [sflag:$0x4] =	stream.indirect.gather [hbm4b:s5+s15], $0x20, s18, s15, $0xb8;
	[tilespmem:$0x1A480] =	vst v63  }
0x59: {  	_ =	swait.ge [sflag:s20], $0x1000  }
0x5a: {  	[sflag:s20] =	ssyncset.done $0x0  }
0x5b: {  	[sflag:s20] =	ssyncadd.s32 $0xFFFFF000  }
0x5c: {  	_ =	swait.ge [sflag:s20], $0x900  }
0x5d: {  	[sflag:s20] =	ssyncset.done $0x0  }
0x5e: {  	[sflag:s20] =	ssyncadd.s32 $0xFFFFF700  }
0x5f: {  	_ =	swait.ge [sflag:s20], $0x1000  }
0x60: {  	[sflag:s20] =	ssyncset.done $0x0  }
0x61: {  	[sflag:s20] =	ssyncadd.s32 $0xFFFFF000  }
0x62: {  	_ =	swait.ge [sflag:s20], $0x900  }
0x63: {  	[sflag:s20] =	ssyncset.done $0x0  }
0x64: {  	[sflag:s20] =	ssyncadd.s32 $0xFFFFF700  }
0x65: {  	_ =	swait.ge [sflag:s20], $0x1000  }
0x66: {  	[sflag:s20] =	ssyncset.done $0x0  }
0x67: {  	[sflag:s20] =	ssyncadd.s32 $0xFFFFF000  }
0x68: {  	_ =	swait.ge [sflag:s20], $0x900  }
0x69: {  	[sflag:s20] =	ssyncset.done $0x0  }
0x6a: {  	[sflag:s20] =	ssyncadd.s32 $0xFFFFF700  }
0x6b: {  	_ =	swait.ge [sflag:s20], $0x1000  }
0x6c: {  	[sflag:s20] =	ssyncset.done $0x0  }
0x6d: {  	[sflag:s20] =	ssyncadd.s32 $0xFFFFF000  }
0x6e: {  	_ =	swait.ge [sflag:s20], $0x900  }
0x6f: {  	[sflag:s20] =	ssyncset.done $0x0  }
0x70: {  	[sflag:s20] =	ssyncadd.s32 $0xFFFFF700  }
0x71: {  	_ =	swait.ge [sflag:s20], $0x1000  }
0x72: {  	[sflag:s20] =	ssyncset.done $0x0  }
0x73: {  	[sflag:s20] =	ssyncadd.s32 $0xFFFFF000  }
0x74: {  	_ =	swait.ge [sflag:s20], $0x900  }
0x75: {  	[sflag:s20] =	ssyncset.done $0x0  }
0x76: {  	[sflag:s20] =	ssyncadd.s32 $0xFFFFF700  }
0x77: {  	_ =	swait.ge [sflag:s20], $0x1000  }
0x78: {  	[sflag:s20] =	ssyncset.done $0x0  }
0x79: {  	[sflag:s20] =	ssyncadd.s32 $0xFFFFF000  }
0x7a: {  	_ =	swait.ge [sflag:s20], $0x900  }
0x7b: {  	[sflag:s20] =	ssyncset.done $0x0  }
0x7c: {  	[sflag:s20] =	ssyncadd.s32 $0xFFFFF700  }
0x7d: {  	_ =	swait.ge [sflag:s20], $0x1000  }
0x7e: {  	[sflag:s20] =	ssyncset.done $0x0  }
0x7f: {  	[sflag:s20] =	ssyncadd.s32 $0xFFFFF000  }
0x80: {  	_ =	swait.ge [sflag:s20], $0x900  }
0x81: {  	[sflag:s20] =	ssyncset.done $0x0  }
0x82: {  	[sflag:s20] =	ssyncadd.s32 $0xFFFFF700  }
0x83: {  	_ =	swait.ge [sflag:s20], $0x1000  }
0x84: {  	p0 =	seq.s32 s22, $0x1F;
	s25 =	sshll.u32 s22, $0x1;
	[sflag:s20] =	ssyncset.done $0x0  }
0x85: {  	s8 =	sadd.s32 @!p0 s25, s9;
	[sflag:s20] =	ssyncadd.s32 $0xFFFFF000  }
0x86: {  	s8 =	smul.u32 @!p0 $0xC8, s8;
	_ =	swait.ge [sflag:s20], $0x900  }
0x87: {  	s12 =	simm.s32 $0xD00;
	[sflag:s20] =	ssyncset.done $0x0  }
0x88: {  	s11 =	simm.s32 @!p0 $0x0;
	s8 =	sadd.s32 @!p0 s4, s8;
	[sflag:s20] =	ssyncadd.s32 $0xFFFFF700  }
0x89: {  	[tilespmem:s11], [sflag:$0x1] =	stream.linear.gather @!p0 [hbm4b:s8+s11], $0x640, $0x38;
	[tilespmem:$0x1A480] =	vst v63  }
0x8a: {  	v0 =	vld [tilespmem:s12+$0xFFFFFF80]  }
0x8b: {  	v1 =	vld [tilespmem:s12+$0xFFFFFF90]  }
0x8c: {  	v2 =	vld [tilespmem:s12+$0xFFFFFFA0]  }
0x8d: {  	v3 =	vld [tilespmem:s12+$0xFFFFFFB0]  }
0x8e: {  	v4 =	vld [tilespmem:s12+$0xFFFFFFC0]  }
0x8f: {  	v6 =	vimm.f32 $0.0e+00;
	v5 =	vld [tilespmem:s12+$0xFFFFFFD0]  }
0x90: {  	v7 =	vld [tilespmem:s12+$0xFFFFFFE0];
	v0 =	vadd.f32 v0, v6;
	v1 =	vadd.f32 v1, v6  }
0x91: {  	v6 =	vld [tilespmem:s12+$0xFFFFFFF0]  }
0x92: {  	v8 =	vld [tilespmem:s12+$0x0];
	v2 =	vadd.f32 v2, v0;
	v1 =	vadd.f32 v3, v1  }
0x93: {  	v9 =	vld [tilespmem:s12+$0x10]  }
0x94: {  	v0 =	vld [tilespmem:s12+$0x20];
	v3 =	vadd.f32 v4, v2;
	v4 =	vadd.f32 v5, v1  }
0x95: {  	v2 =	vld [tilespmem:s12+$0x30]  }
0x96: {  	v1 =	vld [tilespmem:s12+$0x40];
	v5 =	vadd.f32 v7, v3;
	v7 =	vadd.f32 v6, v4  }
0x97: {  	v3 =	vld [tilespmem:s12+$0x50]  }
0x98: {  	s24 =	sshllo.u32 s22, $0x1;
	v4 =	vld [tilespmem:s12+$0x60];
	v6 =	vadd.f32 v8, v5;
	v7 =	vadd.f32 v9, v7  }
0x99: {  	s23 =	sadd.s32 s7, s24;
	s26 =	simm.s32 $0x0;
	s8 =	simm.s32 $0xE00;
	v5 =	vld [tilespmem:s12+$0x70]  }
.LBB2_3:
0x9a: {  	v8 =	vld [tilespmem:s8+$0xFFFFFF80];
	v0 =	vadd.f32 v0, v6;
	v2 =	vadd.f32 v2, v7  }
0x9b: {  	s26 =	sadd.s32 $0x8, s26;
	v6 =	vld [tilespmem:s8+$0xFFFFFF90]  }
0x9c: {  	p1 =	slt.u32 s26, $0xC0;
	v7 =	vld [tilespmem:s8+$0xFFFFFFA0];
	v0 =	vadd.f32 v1, v0;
	v1 =	vadd.f32 v3, v2  }
0x9d: {  	v2 =	vld [tilespmem:s8+$0xFFFFFFB0]  }
0x9e: {  	v3 =	vld [tilespmem:s8+$0xFFFFFFC0];
	v0 =	vadd.f32 v4, v0;
	v1 =	vadd.f32 v5, v1  }
0x9f: {  	v4 =	vld [tilespmem:s8+$0xFFFFFFD0]  }
0xa0: {  	v0 =	vadd.f32 v8, v0;
	v1 =	vadd.f32 v6, v1;
	v5 =	vld [tilespmem:s8+$0xFFFFFFE0]  }
0xa1: {  	v6 =	vld [tilespmem:s8+$0xFFFFFFF0]  }
0xa2: {  	v0 =	vadd.f32 v7, v0;
	v1 =	vadd.f32 v2, v1;
	v7 =	vld [tilespmem:s8+$0x0]  }
0xa3: {  	v8 =	vld [tilespmem:s8+$0x10]  }
0xa4: {  	v3 =	vadd.f32 v3, v0;
	v1 =	vadd.f32 v4, v1;
	v0 =	vld [tilespmem:s8+$0x20]  }
.Ltmp0:
0xa5: {  	v2 =	vld [tilespmem:s8+$0x30];
	(pc) =	sbr.rel @p1 .LBB2_3-.Ltmp0, $4  }
0xa6: {  	v4 =	vadd.f32 v5, v3;
	v5 =	vadd.f32 v6, v1;
	v1 =	vld [tilespmem:s8+$0x40]  }
0xa7: {  	v3 =	vld [tilespmem:s8+$0x50]  }
0xa8: {  	v6 =	vadd.f32 v7, v4;
	v7 =	vadd.f32 v8, v5;
	v4 =	vld [tilespmem:s8+$0x60]  }
0xa9: {  	v5 =	vld [tilespmem:s8+$0x70];
	s8 =	sadd.s32 $0x100, s8  }
0xaa: {  	v0 =	vadd.f32 v0, v6  }
0xab: {  	v2 =	vadd.f32 v2, v7  }
0xac: {  	v0 =	vadd.f32 v1, v0  }
0xad: {  	v1 =	vadd.f32 v3, v2  }
0xae: {  	s8 =	sshll.u32 s22, $0x9;
	v0 =	vadd.f32 v4, v0  }
0xaf: {  	s26 =	sand.u32 $0x600, s8;
	v1 =	vadd.f32 v5, v1  }
0xb0: {  	[tilespmem:s26+$0x19C80] =	vst v0  }
0xb1: {  	s11 =	simm.s32 $0x2670;
	[tilespmem:s26+$0x19C90] =	vst v1  }
0xb2: {  	v0 =	vld [tilespmem:s11+$0xFFFFFF10]  }
0xb3: {  	v1 =	vld [tilespmem:s11+$0xFFFFFF20]  }
0xb4: {  	v2 =	vld [tilespmem:s11+$0xFFFFFF30]  }
0xb5: {  	v3 =	vld [tilespmem:s11+$0xFFFFFF40]  }
0xb6: {  	v4 =	vld [tilespmem:s11+$0xFFFFFF50]  }
0xb7: {  	v6 =	vimm.f32 $0.0e+00;
	v5 =	vld [tilespmem:s11+$0xFFFFFF60]  }
0xb8: {  	v7 =	vld [tilespmem:s11+$0xFFFFFF70];
	v0 =	vadd.f32 v0, v6;
	v1 =	vadd.f32 v1, v6  }
0xb9: {  	v6 =	vld [tilespmem:s11+$0xFFFFFF80]  }
0xba: {  	v8 =	vld [tilespmem:s11+$0xFFFFFF90];
	v2 =	vadd.f32 v2, v0;
	v1 =	vadd.f32 v3, v1  }
0xbb: {  	v9 =	vld [tilespmem:s11+$0xFFFFFFA0]  }
0xbc: {  	v0 =	vld [tilespmem:s11+$0xFFFFFFB0];
	v2 =	vadd.f32 v4, v2;
	v4 =	vadd.f32 v5, v1  }
0xbd: {  	v3 =	vld [tilespmem:s11+$0xFFFFFFC0]  }
0xbe: {  	v1 =	vld [tilespmem:s11+$0xFFFFFFD0];
	v5 =	vadd.f32 v7, v2;
	v7 =	vadd.f32 v6, v4  }
0xbf: {  	v4 =	vld [tilespmem:s11+$0xFFFFFFE0]  }
0xc0: {  	v2 =	vld [tilespmem:s11+$0xFFFFFFF0];
	v6 =	vadd.f32 v8, v5;
	v7 =	vadd.f32 v9, v7  }
0xc1: {  	s8 =	simm.s32 $0x0;
	v5 =	vld [tilespmem:s11+$0x0];
	s11 =	simm.s32 $0x2770  }
.LBB2_5:
0xc2: {  	v8 =	vld [tilespmem:s11+$0xFFFFFF10];
	v0 =	vadd.f32 v0, v6;
	v3 =	vadd.f32 v3, v7  }
0xc3: {  	s8 =	sadd.s32 $0x8, s8;
	v6 =	vld [tilespmem:s11+$0xFFFFFF20]  }
0xc4: {  	p1 =	slt.u32 s8, $0xC0;
	v7 =	vld [tilespmem:s11+$0xFFFFFF30];
	v0 =	vadd.f32 v1, v0;
	v1 =	vadd.f32 v4, v3  }
0xc5: {  	v3 =	vld [tilespmem:s11+$0xFFFFFF40]  }
0xc6: {  	v4 =	vld [tilespmem:s11+$0xFFFFFF50];
	v0 =	vadd.f32 v2, v0;
	v1 =	vadd.f32 v5, v1  }
0xc7: {  	v2 =	vld [tilespmem:s11+$0xFFFFFF60]  }
0xc8: {  	v0 =	vadd.f32 v8, v0;
	v1 =	vadd.f32 v6, v1;
	v5 =	vld [tilespmem:s11+$0xFFFFFF70]  }
0xc9: {  	v6 =	vld [tilespmem:s11+$0xFFFFFF80]  }
0xca: {  	v0 =	vadd.f32 v7, v0;
	v1 =	vadd.f32 v3, v1;
	v7 =	vld [tilespmem:s11+$0xFFFFFF90]  }
0xcb: {  	v8 =	vld [tilespmem:s11+$0xFFFFFFA0]  }
0xcc: {  	v4 =	vadd.f32 v4, v0;
	v1 =	vadd.f32 v2, v1;
	v0 =	vld [tilespmem:s11+$0xFFFFFFB0]  }
.Ltmp1:
0xcd: {  	v3 =	vld [tilespmem:s11+$0xFFFFFFC0];
	(pc) =	sbr.rel @p1 .LBB2_5-.Ltmp1, $4  }
0xce: {  	v2 =	vadd.f32 v5, v4;
	v5 =	vadd.f32 v6, v1;
	v1 =	vld [tilespmem:s11+$0xFFFFFFD0]  }
0xcf: {  	v4 =	vld [tilespmem:s11+$0xFFFFFFE0]  }
0xd0: {  	v6 =	vadd.f32 v7, v2;
	v7 =	vadd.f32 v8, v5;
	v2 =	vld [tilespmem:s11+$0xFFFFFFF0]  }
0xd1: {  	v5 =	vld [tilespmem:s11+$0x0];
	s11 =	sadd.s32 $0x100, s11  }
0xd2: {  	v0 =	vadd.f32 v0, v6  }
0xd3: {  	v3 =	vadd.f32 v3, v7  }
0xd4: {  	v0 =	vadd.f32 v1, v0  }
0xd5: {  	v1 =	vadd.f32 v4, v3  }
0xd6: {  	v0 =	vadd.f32 v2, v0  }
0xd7: {  	v1 =	vadd.f32 v5, v1  }
0xd8: {  	[tilespmem:s26+$0x19CA0] =	vst v0  }
0xd9: {  	s11 =	simm.s32 $0x3F70;
	[tilespmem:s26+$0x19CB0] =	vst v1  }
0xda: {  	v0 =	vld [tilespmem:s11+$0xFFFFFF10]  }
0xdb: {  	v1 =	vld [tilespmem:s11+$0xFFFFFF20]  }
0xdc: {  	v2 =	vld [tilespmem:s11+$0xFFFFFF30]  }
0xdd: {  	v3 =	vld [tilespmem:s11+$0xFFFFFF40]  }
0xde: {  	v4 =	vld [tilespmem:s11+$0xFFFFFF50]  }
0xdf: {  	v6 =	vimm.f32 $0.0e+00;
	v5 =	vld [tilespmem:s11+$0xFFFFFF60]  }
0xe0: {  	v7 =	vld [tilespmem:s11+$0xFFFFFF70];
	v0 =	vadd.f32 v0, v6;
	v1 =	vadd.f32 v1, v6  }
0xe1: {  	v6 =	vld [tilespmem:s11+$0xFFFFFF80]  }
0xe2: {  	v8 =	vld [tilespmem:s11+$0xFFFFFF90];
	v2 =	vadd.f32 v2, v0;
	v1 =	vadd.f32 v3, v1  }
0xe3: {  	v9 =	vld [tilespmem:s11+$0xFFFFFFA0]  }
0xe4: {  	v0 =	vld [tilespmem:s11+$0xFFFFFFB0];
	v2 =	vadd.f32 v4, v2;
	v4 =	vadd.f32 v5, v1  }
0xe5: {  	v3 =	vld [tilespmem:s11+$0xFFFFFFC0]  }
0xe6: {  	v1 =	vld [tilespmem:s11+$0xFFFFFFD0];
	v5 =	vadd.f32 v7, v2;
	v7 =	vadd.f32 v6, v4  }
0xe7: {  	v4 =	vld [tilespmem:s11+$0xFFFFFFE0]  }
0xe8: {  	v2 =	vld [tilespmem:s11+$0xFFFFFFF0];
	v6 =	vadd.f32 v8, v5;
	v7 =	vadd.f32 v9, v7  }
0xe9: {  	s8 =	simm.s32 $0x0;
	v5 =	vld [tilespmem:s11+$0x0];
	s11 =	simm.s32 $0x4070  }
.LBB2_7:
0xea: {  	v8 =	vld [tilespmem:s11+$0xFFFFFF10];
	v0 =	vadd.f32 v0, v6;
	v3 =	vadd.f32 v3, v7  }
0xeb: {  	s8 =	sadd.s32 $0x8, s8;
	v6 =	vld [tilespmem:s11+$0xFFFFFF20]  }
0xec: {  	p1 =	slt.u32 s8, $0xC0;
	v7 =	vld [tilespmem:s11+$0xFFFFFF30];
	v0 =	vadd.f32 v1, v0;
	v1 =	vadd.f32 v4, v3  }
0xed: {  	v3 =	vld [tilespmem:s11+$0xFFFFFF40]  }
0xee: {  	v4 =	vld [tilespmem:s11+$0xFFFFFF50];
	v0 =	vadd.f32 v2, v0;
	v1 =	vadd.f32 v5, v1  }
0xef: {  	v2 =	vld [tilespmem:s11+$0xFFFFFF60]  }
0xf0: {  	v0 =	vadd.f32 v8, v0;
	v1 =	vadd.f32 v6, v1;
	v5 =	vld [tilespmem:s11+$0xFFFFFF70]  }
0xf1: {  	v6 =	vld [tilespmem:s11+$0xFFFFFF80]  }
0xf2: {  	v0 =	vadd.f32 v7, v0;
	v1 =	vadd.f32 v3, v1;
	v7 =	vld [tilespmem:s11+$0xFFFFFF90]  }
0xf3: {  	v8 =	vld [tilespmem:s11+$0xFFFFFFA0]  }
0xf4: {  	v4 =	vadd.f32 v4, v0;
	v1 =	vadd.f32 v2, v1;
	v0 =	vld [tilespmem:s11+$0xFFFFFFB0]  }
.Ltmp2:
0xf5: {  	v3 =	vld [tilespmem:s11+$0xFFFFFFC0];
	(pc) =	sbr.rel @p1 .LBB2_7-.Ltmp2, $4  }
0xf6: {  	v2 =	vadd.f32 v5, v4;
	v5 =	vadd.f32 v6, v1;
	v1 =	vld [tilespmem:s11+$0xFFFFFFD0]  }
0xf7: {  	v4 =	vld [tilespmem:s11+$0xFFFFFFE0]  }
0xf8: {  	v6 =	vadd.f32 v7, v2;
	v7 =	vadd.f32 v8, v5;
	v2 =	vld [tilespmem:s11+$0xFFFFFFF0]  }
0xf9: {  	v5 =	vld [tilespmem:s11+$0x0];
	s11 =	sadd.s32 $0x100, s11  }
0xfa: {  	v0 =	vadd.f32 v0, v6  }
0xfb: {  	v3 =	vadd.f32 v3, v7  }
0xfc: {  	v0 =	vadd.f32 v1, v0  }
0xfd: {  	v1 =	vadd.f32 v4, v3  }
0xfe: {  	v0 =	vadd.f32 v2, v0  }
0xff: {  	v1 =	vadd.f32 v5, v1  }
0x100: {  	[tilespmem:s26+$0x19CC0] =	vst v0  }
0x101: {  	s11 =	simm.s32 $0x5780;
	[tilespmem:s26+$0x19CD0] =	vst v1  }
0x102: {  	v0 =	vld [tilespmem:s11+$0x0]  }
0x103: {  	v1 =	vld [tilespmem:s11+$0x10]  }
0x104: {  	v2 =	vld [tilespmem:s11+$0x20]  }
0x105: {  	v3 =	vld [tilespmem:s11+$0x30]  }
0x106: {  	v4 =	vld [tilespmem:s11+$0x40]  }
0x107: {  	v6 =	vimm.f32 $0.0e+00;
	v5 =	vld [tilespmem:s11+$0x50]  }
0x108: {  	v7 =	vld [tilespmem:s11+$0x60];
	v0 =	vadd.f32 v0, v6;
	v1 =	vadd.f32 v1, v6  }
0x109: {  	v6 =	vld [tilespmem:s11+$0x70]  }
0x10a: {  	v8 =	vld [tilespmem:s11+$0x80];
	v2 =	vadd.f32 v2, v0;
	v1 =	vadd.f32 v3, v1  }
0x10b: {  	v9 =	vld [tilespmem:s11+$0x90]  }
0x10c: {  	v0 =	vld [tilespmem:s11+$0xA0];
	v2 =	vadd.f32 v4, v2;
	v4 =	vadd.f32 v5, v1  }
0x10d: {  	v3 =	vld [tilespmem:s11+$0xB0]  }
0x10e: {  	v1 =	vld [tilespmem:s11+$0xC0];
	v5 =	vadd.f32 v7, v2;
	v7 =	vadd.f32 v6, v4  }
0x10f: {  	v4 =	vld [tilespmem:s11+$0xD0]  }
0x110: {  	v2 =	vld [tilespmem:s11+$0xE0];
	v6 =	vadd.f32 v8, v5;
	v7 =	vadd.f32 v9, v7  }
0x111: {  	s8 =	simm.s32 $0x0;
	v5 =	vld [tilespmem:s11+$0xF0];
	s11 =	simm.s32 $0x5880  }
.LBB2_9:
0x112: {  	v8 =	vld [tilespmem:s11+$0x0];
	v0 =	vadd.f32 v0, v6;
	v3 =	vadd.f32 v3, v7  }
0x113: {  	s8 =	sadd.s32 $0x8, s8;
	v6 =	vld [tilespmem:s11+$0x10]  }
0x114: {  	p1 =	slt.u32 s8, $0xC0;
	v7 =	vld [tilespmem:s11+$0x20];
	v0 =	vadd.f32 v1, v0;
	v1 =	vadd.f32 v4, v3  }
0x115: {  	v3 =	vld [tilespmem:s11+$0x30]  }
0x116: {  	v4 =	vld [tilespmem:s11+$0x40];
	v0 =	vadd.f32 v2, v0;
	v1 =	vadd.f32 v5, v1  }
0x117: {  	v2 =	vld [tilespmem:s11+$0x50]  }
0x118: {  	v0 =	vadd.f32 v8, v0;
	v1 =	vadd.f32 v6, v1;
	v5 =	vld [tilespmem:s11+$0x60]  }
0x119: {  	v6 =	vld [tilespmem:s11+$0x70]  }
0x11a: {  	v0 =	vadd.f32 v7, v0;
	v1 =	vadd.f32 v3, v1;
	v7 =	vld [tilespmem:s11+$0x80]  }
0x11b: {  	v8 =	vld [tilespmem:s11+$0x90]  }
0x11c: {  	v4 =	vadd.f32 v4, v0;
	v1 =	vadd.f32 v2, v1;
	v0 =	vld [tilespmem:s11+$0xA0]  }
.Ltmp3:
0x11d: {  	v3 =	vld [tilespmem:s11+$0xB0];
	(pc) =	sbr.rel @p1 .LBB2_9-.Ltmp3, $4  }
0x11e: {  	v2 =	vadd.f32 v5, v4;
	v5 =	vadd.f32 v6, v1;
	v1 =	vld [tilespmem:s11+$0xC0]  }
0x11f: {  	v4 =	vld [tilespmem:s11+$0xD0]  }
0x120: {  	v6 =	vadd.f32 v7, v2;
	v7 =	vadd.f32 v8, v5;
	v2 =	vld [tilespmem:s11+$0xE0]  }
0x121: {  	v5 =	vld [tilespmem:s11+$0xF0];
	s11 =	sadd.s32 $0x100, s11  }
0x122: {  	v0 =	vadd.f32 v0, v6  }
0x123: {  	v3 =	vadd.f32 v3, v7  }
0x124: {  	v0 =	vadd.f32 v1, v0  }
0x125: {  	v1 =	vadd.f32 v4, v3  }
0x126: {  	v0 =	vadd.f32 v2, v0  }
0x127: {  	v1 =	vadd.f32 v5, v1  }
0x128: {  	[tilespmem:s26+$0x19CE0] =	vst v0  }
0x129: {  	s11 =	simm.s32 $0x7080;
	[tilespmem:s26+$0x19CF0] =	vst v1  }
0x12a: {  	v0 =	vld [tilespmem:s11+$0x0]  }
0x12b: {  	v1 =	vld [tilespmem:s11+$0x10]  }
0x12c: {  	v2 =	vld [tilespmem:s11+$0x20]  }
0x12d: {  	v3 =	vld [tilespmem:s11+$0x30]  }
0x12e: {  	v4 =	vld [tilespmem:s11+$0x40]  }
0x12f: {  	v6 =	vimm.f32 $0.0e+00;
	v5 =	vld [tilespmem:s11+$0x50]  }
0x130: {  	v7 =	vld [tilespmem:s11+$0x60];
	v0 =	vadd.f32 v0, v6;
	v1 =	vadd.f32 v1, v6  }
0x131: {  	v6 =	vld [tilespmem:s11+$0x70]  }
0x132: {  	v8 =	vld [tilespmem:s11+$0x80];
	v2 =	vadd.f32 v2, v0;
	v1 =	vadd.f32 v3, v1  }
0x133: {  	v9 =	vld [tilespmem:s11+$0x90]  }
0x134: {  	v0 =	vld [tilespmem:s11+$0xA0];
	v2 =	vadd.f32 v4, v2;
	v4 =	vadd.f32 v5, v1  }
0x135: {  	v3 =	vld [tilespmem:s11+$0xB0]  }
0x136: {  	v1 =	vld [tilespmem:s11+$0xC0];
	v5 =	vadd.f32 v7, v2;
	v7 =	vadd.f32 v6, v4  }
0x137: {  	v4 =	vld [tilespmem:s11+$0xD0]  }
0x138: {  	v2 =	vld [tilespmem:s11+$0xE0];
	v6 =	vadd.f32 v8, v5;
	v7 =	vadd.f32 v9, v7  }
0x139: {  	s8 =	simm.s32 $0x0;
	v5 =	vld [tilespmem:s11+$0xF0];
	s11 =	simm.s32 $0x7180  }
.LBB2_11:
0x13a: {  	v8 =	vld [tilespmem:s11+$0x0];
	v0 =	vadd.f32 v0, v6;
	v3 =	vadd.f32 v3, v7  }
0x13b: {  	s8 =	sadd.s32 $0x8, s8;
	v6 =	vld [tilespmem:s11+$0x10]  }
0x13c: {  	p1 =	slt.u32 s8, $0xC0;
	v7 =	vld [tilespmem:s11+$0x20];
	v0 =	vadd.f32 v1, v0;
	v1 =	vadd.f32 v4, v3  }
0x13d: {  	v3 =	vld [tilespmem:s11+$0x30]  }
0x13e: {  	v4 =	vld [tilespmem:s11+$0x40];
	v0 =	vadd.f32 v2, v0;
	v1 =	vadd.f32 v5, v1  }
0x13f: {  	v2 =	vld [tilespmem:s11+$0x50]  }
0x140: {  	v0 =	vadd.f32 v8, v0;
	v1 =	vadd.f32 v6, v1;
	v5 =	vld [tilespmem:s11+$0x60]  }
0x141: {  	v6 =	vld [tilespmem:s11+$0x70]  }
0x142: {  	v0 =	vadd.f32 v7, v0;
	v1 =	vadd.f32 v3, v1;
	v7 =	vld [tilespmem:s11+$0x80]  }
0x143: {  	v8 =	vld [tilespmem:s11+$0x90]  }
0x144: {  	v4 =	vadd.f32 v4, v0;
	v1 =	vadd.f32 v2, v1;
	v0 =	vld [tilespmem:s11+$0xA0]  }
.Ltmp4:
0x145: {  	v3 =	vld [tilespmem:s11+$0xB0];
	(pc) =	sbr.rel @p1 .LBB2_11-.Ltmp4, $4  }
0x146: {  	v2 =	vadd.f32 v5, v4;
	v5 =	vadd.f32 v6, v1;
	v1 =	vld [tilespmem:s11+$0xC0]  }
0x147: {  	v4 =	vld [tilespmem:s11+$0xD0]  }
0x148: {  	v6 =	vadd.f32 v7, v2;
	v7 =	vadd.f32 v8, v5;
	v2 =	vld [tilespmem:s11+$0xE0]  }
0x149: {  	v5 =	vld [tilespmem:s11+$0xF0];
	s11 =	sadd.s32 $0x100, s11  }
0x14a: {  	v0 =	vadd.f32 v0, v6  }
0x14b: {  	v3 =	vadd.f32 v3, v7  }
0x14c: {  	v0 =	vadd.f32 v1, v0  }
0x14d: {  	v1 =	vadd.f32 v4, v3  }
0x14e: {  	v0 =	vadd.f32 v2, v0  }
0x14f: {  	v1 =	vadd.f32 v5, v1  }
0x150: {  	[tilespmem:s26+$0x19D00] =	vst v0  }
0x151: {  	s11 =	simm.s32 $0x8980;
	[tilespmem:s26+$0x19D10] =	vst v1  }
0x152: {  	v0 =	vld [tilespmem:s11+$0x0]  }
0x153: {  	v1 =	vld [tilespmem:s11+$0x10]  }
0x154: {  	v2 =	vld [tilespmem:s11+$0x20]  }
0x155: {  	v3 =	vld [tilespmem:s11+$0x30]  }
0x156: {  	v4 =	vld [tilespmem:s11+$0x40]  }
0x157: {  	v6 =	vimm.f32 $0.0e+00;
	v5 =	vld [tilespmem:s11+$0x50]  }
0x158: {  	v7 =	vld [tilespmem:s11+$0x60];
	v0 =	vadd.f32 v0, v6;
	v1 =	vadd.f32 v1, v6  }
0x159: {  	v6 =	vld [tilespmem:s11+$0x70]  }
0x15a: {  	v8 =	vld [tilespmem:s11+$0x80];
	v2 =	vadd.f32 v2, v0;
	v1 =	vadd.f32 v3, v1  }
0x15b: {  	v9 =	vld [tilespmem:s11+$0x90]  }
0x15c: {  	v0 =	vld [tilespmem:s11+$0xA0];
	v2 =	vadd.f32 v4, v2;
	v4 =	vadd.f32 v5, v1  }
0x15d: {  	v3 =	vld [tilespmem:s11+$0xB0]  }
0x15e: {  	v1 =	vld [tilespmem:s11+$0xC0];
	v5 =	vadd.f32 v7, v2;
	v7 =	vadd.f32 v6, v4  }
0x15f: {  	v4 =	vld [tilespmem:s11+$0xD0]  }
0x160: {  	v2 =	vld [tilespmem:s11+$0xE0];
	v6 =	vadd.f32 v8, v5;
	v7 =	vadd.f32 v9, v7  }
0x161: {  	s8 =	simm.s32 $0x0;
	v5 =	vld [tilespmem:s11+$0xF0];
	s11 =	simm.s32 $0x8A80  }
.LBB2_13:
0x162: {  	v8 =	vld [tilespmem:s11+$0x0];
	v0 =	vadd.f32 v0, v6;
	v3 =	vadd.f32 v3, v7  }
0x163: {  	s8 =	sadd.s32 $0x8, s8;
	v6 =	vld [tilespmem:s11+$0x10]  }
0x164: {  	p1 =	slt.u32 s8, $0xC0;
	v7 =	vld [tilespmem:s11+$0x20];
	v0 =	vadd.f32 v1, v0;
	v1 =	vadd.f32 v4, v3  }
0x165: {  	v3 =	vld [tilespmem:s11+$0x30]  }
0x166: {  	v4 =	vld [tilespmem:s11+$0x40];
	v0 =	vadd.f32 v2, v0;
	v1 =	vadd.f32 v5, v1  }
0x167: {  	v2 =	vld [tilespmem:s11+$0x50]  }
0x168: {  	v0 =	vadd.f32 v8, v0;
	v1 =	vadd.f32 v6, v1;
	v5 =	vld [tilespmem:s11+$0x60]  }
0x169: {  	v6 =	vld [tilespmem:s11+$0x70]  }
0x16a: {  	v0 =	vadd.f32 v7, v0;
	v1 =	vadd.f32 v3, v1;
	v7 =	vld [tilespmem:s11+$0x80]  }
0x16b: {  	v8 =	vld [tilespmem:s11+$0x90]  }
0x16c: {  	v4 =	vadd.f32 v4, v0;
	v1 =	vadd.f32 v2, v1;
	v0 =	vld [tilespmem:s11+$0xA0]  }
.Ltmp5:
0x16d: {  	v3 =	vld [tilespmem:s11+$0xB0];
	(pc) =	sbr.rel @p1 .LBB2_13-.Ltmp5, $4  }
0x16e: {  	v2 =	vadd.f32 v5, v4;
	v5 =	vadd.f32 v6, v1;
	v1 =	vld [tilespmem:s11+$0xC0]  }
0x16f: {  	v4 =	vld [tilespmem:s11+$0xD0]  }
0x170: {  	v6 =	vadd.f32 v7, v2;
	v7 =	vadd.f32 v8, v5;
	v2 =	vld [tilespmem:s11+$0xE0]  }
0x171: {  	v5 =	vld [tilespmem:s11+$0xF0];
	s11 =	sadd.s32 $0x100, s11  }
0x172: {  	v0 =	vadd.f32 v0, v6  }
0x173: {  	v3 =	vadd.f32 v3, v7  }
0x174: {  	v0 =	vadd.f32 v1, v0  }
0x175: {  	v1 =	vadd.f32 v4, v3  }
0x176: {  	v0 =	vadd.f32 v2, v0  }
0x177: {  	v1 =	vadd.f32 v5, v1  }
0x178: {  	[tilespmem:s26+$0x19D20] =	vst v0  }
0x179: {  	s11 =	simm.s32 $0xA280;
	[tilespmem:s26+$0x19D30] =	vst v1  }
0x17a: {  	v0 =	vld [tilespmem:s11+$0x0]  }
0x17b: {  	v1 =	vld [tilespmem:s11+$0x10]  }
0x17c: {  	v2 =	vld [tilespmem:s11+$0x20]  }
0x17d: {  	v3 =	vld [tilespmem:s11+$0x30]  }
0x17e: {  	v4 =	vld [tilespmem:s11+$0x40]  }
0x17f: {  	v6 =	vimm.f32 $0.0e+00;
	v5 =	vld [tilespmem:s11+$0x50]  }
0x180: {  	v7 =	vld [tilespmem:s11+$0x60];
	v0 =	vadd.f32 v0, v6;
	v1 =	vadd.f32 v1, v6  }
0x181: {  	v6 =	vld [tilespmem:s11+$0x70]  }
0x182: {  	v8 =	vld [tilespmem:s11+$0x80];
	v2 =	vadd.f32 v2, v0;
	v1 =	vadd.f32 v3, v1  }
0x183: {  	v9 =	vld [tilespmem:s11+$0x90]  }
0x184: {  	v0 =	vld [tilespmem:s11+$0xA0];
	v2 =	vadd.f32 v4, v2;
	v4 =	vadd.f32 v5, v1  }
0x185: {  	v3 =	vld [tilespmem:s11+$0xB0]  }
0x186: {  	v1 =	vld [tilespmem:s11+$0xC0];
	v5 =	vadd.f32 v7, v2;
	v7 =	vadd.f32 v6, v4  }
0x187: {  	v4 =	vld [tilespmem:s11+$0xD0]  }
0x188: {  	v2 =	vld [tilespmem:s11+$0xE0];
	v6 =	vadd.f32 v8, v5;
	v7 =	vadd.f32 v9, v7  }
0x189: {  	s8 =	simm.s32 $0x0;
	v5 =	vld [tilespmem:s11+$0xF0];
	s11 =	simm.s32 $0xA380  }
.LBB2_15:
0x18a: {  	v8 =	vld [tilespmem:s11+$0x0];
	v0 =	vadd.f32 v0, v6;
	v3 =	vadd.f32 v3, v7  }
0x18b: {  	s8 =	sadd.s32 $0x8, s8;
	v6 =	vld [tilespmem:s11+$0x10]  }
0x18c: {  	p1 =	slt.u32 s8, $0xC0;
	v7 =	vld [tilespmem:s11+$0x20];
	v0 =	vadd.f32 v1, v0;
	v1 =	vadd.f32 v4, v3  }
0x18d: {  	v3 =	vld [tilespmem:s11+$0x30]  }
0x18e: {  	v4 =	vld [tilespmem:s11+$0x40];
	v0 =	vadd.f32 v2, v0;
	v1 =	vadd.f32 v5, v1  }
0x18f: {  	v2 =	vld [tilespmem:s11+$0x50]  }
0x190: {  	v0 =	vadd.f32 v8, v0;
	v1 =	vadd.f32 v6, v1;
	v5 =	vld [tilespmem:s11+$0x60]  }
0x191: {  	v6 =	vld [tilespmem:s11+$0x70]  }
0x192: {  	v0 =	vadd.f32 v7, v0;
	v1 =	vadd.f32 v3, v1;
	v7 =	vld [tilespmem:s11+$0x80]  }
0x193: {  	v8 =	vld [tilespmem:s11+$0x90]  }
0x194: {  	v4 =	vadd.f32 v4, v0;
	v1 =	vadd.f32 v2, v1;
	v0 =	vld [tilespmem:s11+$0xA0]  }
.Ltmp6:
0x195: {  	v3 =	vld [tilespmem:s11+$0xB0];
	(pc) =	sbr.rel @p1 .LBB2_15-.Ltmp6, $4  }
0x196: {  	v2 =	vadd.f32 v5, v4;
	v5 =	vadd.f32 v6, v1;
	v1 =	vld [tilespmem:s11+$0xC0]  }
0x197: {  	v4 =	vld [tilespmem:s11+$0xD0]  }
0x198: {  	v6 =	vadd.f32 v7, v2;
	v7 =	vadd.f32 v8, v5;
	v2 =	vld [tilespmem:s11+$0xE0]  }
0x199: {  	v5 =	vld [tilespmem:s11+$0xF0];
	s11 =	sadd.s32 $0x100, s11  }
0x19a: {  	v0 =	vadd.f32 v0, v6  }
0x19b: {  	v3 =	vadd.f32 v3, v7  }
0x19c: {  	v0 =	vadd.f32 v1, v0  }
0x19d: {  	v1 =	vadd.f32 v4, v3  }
0x19e: {  	v0 =	vadd.f32 v2, v0  }
0x19f: {  	v1 =	vadd.f32 v5, v1  }
0x1a0: {  	[tilespmem:s26+$0x19D40] =	vst v0  }
0x1a1: {  	s11 =	simm.s32 $0xBB80;
	[tilespmem:s26+$0x19D50] =	vst v1  }
0x1a2: {  	v0 =	vld [tilespmem:s11+$0x0]  }
0x1a3: {  	v1 =	vld [tilespmem:s11+$0x10]  }
0x1a4: {  	v2 =	vld [tilespmem:s11+$0x20]  }
0x1a5: {  	v3 =	vld [tilespmem:s11+$0x30]  }
0x1a6: {  	v4 =	vld [tilespmem:s11+$0x40]  }
0x1a7: {  	v6 =	vimm.f32 $0.0e+00;
	v5 =	vld [tilespmem:s11+$0x50]  }
0x1a8: {  	v7 =	vld [tilespmem:s11+$0x60];
	v0 =	vadd.f32 v0, v6;
	v1 =	vadd.f32 v1, v6  }
0x1a9: {  	v6 =	vld [tilespmem:s11+$0x70]  }
0x1aa: {  	v8 =	vld [tilespmem:s11+$0x80];
	v2 =	vadd.f32 v2, v0;
	v1 =	vadd.f32 v3, v1  }
0x1ab: {  	v9 =	vld [tilespmem:s11+$0x90]  }
0x1ac: {  	v0 =	vld [tilespmem:s11+$0xA0];
	v2 =	vadd.f32 v4, v2;
	v4 =	vadd.f32 v5, v1  }
0x1ad: {  	v3 =	vld [tilespmem:s11+$0xB0]  }
0x1ae: {  	v1 =	vld [tilespmem:s11+$0xC0];
	v5 =	vadd.f32 v7, v2;
	v7 =	vadd.f32 v6, v4  }
0x1af: {  	v4 =	vld [tilespmem:s11+$0xD0]  }
0x1b0: {  	v2 =	vld [tilespmem:s11+$0xE0];
	v6 =	vadd.f32 v8, v5;
	v7 =	vadd.f32 v9, v7  }
0x1b1: {  	s8 =	simm.s32 $0x0;
	v5 =	vld [tilespmem:s11+$0xF0];
	s11 =	simm.s32 $0xBC80  }
.LBB2_17:
0x1b2: {  	v8 =	vld [tilespmem:s11+$0x0];
	v0 =	vadd.f32 v0, v6;
	v3 =	vadd.f32 v3, v7  }
0x1b3: {  	s8 =	sadd.s32 $0x8, s8;
	v6 =	vld [tilespmem:s11+$0x10]  }
0x1b4: {  	p1 =	slt.u32 s8, $0xC0;
	v7 =	vld [tilespmem:s11+$0x20];
	v0 =	vadd.f32 v1, v0;
	v1 =	vadd.f32 v4, v3  }
0x1b5: {  	v3 =	vld [tilespmem:s11+$0x30]  }
0x1b6: {  	v4 =	vld [tilespmem:s11+$0x40];
	v0 =	vadd.f32 v2, v0;
	v1 =	vadd.f32 v5, v1  }
0x1b7: {  	v2 =	vld [tilespmem:s11+$0x50]  }
0x1b8: {  	v0 =	vadd.f32 v8, v0;
	v1 =	vadd.f32 v6, v1;
	v5 =	vld [tilespmem:s11+$0x60]  }
0x1b9: {  	v6 =	vld [tilespmem:s11+$0x70]  }
0x1ba: {  	v0 =	vadd.f32 v7, v0;
	v1 =	vadd.f32 v3, v1;
	v7 =	vld [tilespmem:s11+$0x80]  }
0x1bb: {  	v8 =	vld [tilespmem:s11+$0x90]  }
0x1bc: {  	v4 =	vadd.f32 v4, v0;
	v1 =	vadd.f32 v2, v1;
	v0 =	vld [tilespmem:s11+$0xA0]  }
.Ltmp7:
0x1bd: {  	v3 =	vld [tilespmem:s11+$0xB0];
	(pc) =	sbr.rel @p1 .LBB2_17-.Ltmp7, $4  }
0x1be: {  	v2 =	vadd.f32 v5, v4;
	v5 =	vadd.f32 v6, v1;
	v1 =	vld [tilespmem:s11+$0xC0]  }
0x1bf: {  	v4 =	vld [tilespmem:s11+$0xD0]  }
0x1c0: {  	v6 =	vadd.f32 v7, v2;
	v7 =	vadd.f32 v8, v5;
	v2 =	vld [tilespmem:s11+$0xE0]  }
0x1c1: {  	v5 =	vld [tilespmem:s11+$0xF0];
	s11 =	sadd.s32 $0x100, s11  }
0x1c2: {  	v0 =	vadd.f32 v0, v6  }
0x1c3: {  	v3 =	vadd.f32 v3, v7  }
0x1c4: {  	v0 =	vadd.f32 v1, v0  }
0x1c5: {  	v1 =	vadd.f32 v4, v3  }
0x1c6: {  	v0 =	vadd.f32 v2, v0  }
0x1c7: {  	v1 =	vadd.f32 v5, v1  }
0x1c8: {  	[tilespmem:s26+$0x19D60] =	vst v0  }
0x1c9: {  	s8 =	simm.s32 @!p0 $0x1;
	[tilespmem:s26+$0x19D70] =	vst v1  }
0x1ca: {  	_ =	swait.ge @!p0 [sflag:s8], $0x640  }
0x1cb: {  	s11 =	simm.s32 @!p0 $0xC80;
	[sflag:s8] =	ssyncset.done @!p0 $0x0  }
0x1cc: {  	s26 =	simm.s32 @!p0 $0x0;
	[sflag:s8] =	ssyncadd.s32 @!p0 $0xFFFFF9C0;
	s8 =	simm.s32 @!p0 $0x80  }
0x1cd: {  	[tilespmem:s11], [sflag:$0x3] =	stream.indirect.gather @!p0 [hbm4b:s5+s8], $0x20, s26, s8, $0xb8;
	[tilespmem:$0x1A480] =	vst v63  }
0x1ce: {  	s6 =	simm.s32 @!p0 $0x1C80;
	s11 =	simm.s32 @!p0 $0x48  }
0x1cf: {  	[tilespmem:s6], [sflag:$0x3] =	stream.indirect.gather @!p0 [hbm4b:s5+s11], $0x20, s8, s11, $0xb8;
	[tilespmem:$0x1A480] =	vst v63  }
0x1d0: {  	s12 =	simm.s32 @!p0 $0x2580;
	s6 =	simm.s32 @!p0 $0xC8  }
0x1d1: {  	[tilespmem:s12], [sflag:$0x3] =	stream.indirect.gather @!p0 [hbm4b:s5+s8], $0x20, s6, s8, $0xb8;
	[tilespmem:$0x1A480] =	vst v63  }
0x1d2: {  	s6 =	simm.s32 @!p0 $0x148;
	s12 =	simm.s32 @!p0 $0x3580  }
0x1d3: {  	[tilespmem:s12], [sflag:$0x3] =	stream.indirect.gather @!p0 [hbm4b:s5+s11], $0x20, s6, s11, $0xb8;
	[tilespmem:$0x1A480] =	vst v63  }
0x1d4: {  	s6 =	simm.s32 @!p0 $0x190;
	s12 =	simm.s32 @!p0 $0x3E80  }
0x1d5: {  	[tilespmem:s12], [sflag:$0x3] =	stream.indirect.gather @!p0 [hbm4b:s5+s8], $0x20, s6, s8, $0xb8;
	[tilespmem:$0x1A480] =	vst v63  }
0x1d6: {  	s6 =	simm.s32 @!p0 $0x210;
	s12 =	simm.s32 @!p0 $0x4E80  }
0x1d7: {  	[tilespmem:s12], [sflag:$0x3] =	stream.indirect.gather @!p0 [hbm4b:s5+s11], $0x20, s6, s11, $0xb8;
	[tilespmem:$0x1A480] =	vst v63  }
0x1d8: {  	s6 =	simm.s32 @!p0 $0x258;
	s12 =	simm.s32 @!p0 $0x5780  }
0x1d9: {  	[tilespmem:s12], [sflag:$0x3] =	stream.indirect.gather @!p0 [hbm4b:s5+s8], $0x20, s6, s8, $0xb8;
	[tilespmem:$0x1A480] =	vst v63  }
0x1da: {  	s6 =	simm.s32 @!p0 $0x2D8;
	s12 =	simm.s32 @!p0 $0x6780  }
0x1db: {  	[tilespmem:s12], [sflag:$0x3] =	stream.indirect.gather @!p0 [hbm4b:s5+s11], $0x20, s6, s11, $0xb8;
	[tilespmem:$0x1A480] =	vst v63  }
0x1dc: {  	s6 =	simm.s32 @!p0 $0x320;
	s12 =	simm.s32 @!p0 $0x7080  }
0x1dd: {  	[tilespmem:s12], [sflag:$0x3] =	stream.indirect.gather @!p0 [hbm4b:s5+s8], $0x20, s6, s8, $0xb8;
	[tilespmem:$0x1A480] =	vst v63  }
0x1de: {  	s6 =	simm.s32 @!p0 $0x3A0;
	s12 =	simm.s32 @!p0 $0x8080  }
0x1df: {  	[tilespmem:s12], [sflag:$0x3] =	stream.indirect.gather @!p0 [hbm4b:s5+s11], $0x20, s6, s11, $0xb8;
	[tilespmem:$0x1A480] =	vst v63  }
0x1e0: {  	s6 =	simm.s32 @!p0 $0x3E8;
	s12 =	simm.s32 @!p0 $0x8980  }
0x1e1: {  	[tilespmem:s12], [sflag:$0x3] =	stream.indirect.gather @!p0 [hbm4b:s5+s8], $0x20, s6, s8, $0xb8;
	[tilespmem:$0x1A480] =	vst v63  }
0x1e2: {  	s6 =	simm.s32 @!p0 $0x468;
	s12 =	simm.s32 @!p0 $0x9980  }
0x1e3: {  	[tilespmem:s12], [sflag:$0x3] =	stream.indirect.gather @!p0 [hbm4b:s5+s11], $0x20, s6, s11, $0xb8;
	[tilespmem:$0x1A480] =	vst v63  }
0x1e4: {  	s6 =	simm.s32 @!p0 $0x4B0;
	s12 =	simm.s32 @!p0 $0xA280  }
0x1e5: {  	[tilespmem:s12], [sflag:$0x3] =	stream.indirect.gather @!p0 [hbm4b:s5+s8], $0x20, s6, s8, $0xb8;
	[tilespmem:$0x1A480] =	vst v63  }
0x1e6: {  	s6 =	simm.s32 @!p0 $0x530;
	s12 =	simm.s32 @!p0 $0xB280  }
0x1e7: {  	[tilespmem:s12], [sflag:$0x3] =	stream.indirect.gather @!p0 [hbm4b:s5+s11], $0x20, s6, s11, $0xb8;
	[tilespmem:$0x1A480] =	vst v63  }
0x1e8: {  	s6 =	simm.s32 @!p0 $0x578;
	s12 =	simm.s32 @!p0 $0xBB80  }
0x1e9: {  	[tilespmem:s12], [sflag:$0x3] =	stream.indirect.gather @!p0 [hbm4b:s5+s8], $0x20, s6, s8, $0xb8;
	[tilespmem:$0x1A480] =	vst v63  }
0x1ea: {  	s6 =	simm.s32 @!p0 $0x5F8;
	s8 =	simm.s32 @!p0 $0xCB80  }
0x1eb: {  	[tilespmem:s8], [sflag:$0x3] =	stream.indirect.gather @!p0 [hbm4b:s5+s11], $0x20, s6, s11, $0xb8;
	[tilespmem:$0x1A480] =	vst v63  }
0x1ec: {  	_ =	swait.ge [sflag:s21], $0x1000  }
0x1ed: {  	[sflag:s21] =	ssyncset.done $0x0  }
0x1ee: {  	[sflag:s21] =	ssyncadd.s32 $0xFFFFF000  }
0x1ef: {  	_ =	swait.ge [sflag:s21], $0x900  }
0x1f0: {  	[sflag:s21] =	ssyncset.done $0x0  }
0x1f1: {  	[sflag:s21] =	ssyncadd.s32 $0xFFFFF700  }
0x1f2: {  	_ =	swait.ge [sflag:s21], $0x1000  }
0x1f3: {  	[sflag:s21] =	ssyncset.done $0x0  }
0x1f4: {  	[sflag:s21] =	ssyncadd.s32 $0xFFFFF000  }
0x1f5: {  	_ =	swait.ge [sflag:s21], $0x900  }
0x1f6: {  	[sflag:s21] =	ssyncset.done $0x0  }
0x1f7: {  	[sflag:s21] =	ssyncadd.s32 $0xFFFFF700  }
0x1f8: {  	_ =	swait.ge [sflag:s21], $0x1000  }
0x1f9: {  	[sflag:s21] =	ssyncset.done $0x0  }
0x1fa: {  	[sflag:s21] =	ssyncadd.s32 $0xFFFFF000  }
0x1fb: {  	_ =	swait.ge [sflag:s21], $0x900  }
0x1fc: {  	[sflag:s21] =	ssyncset.done $0x0  }
0x1fd: {  	[sflag:s21] =	ssyncadd.s32 $0xFFFFF700  }
0x1fe: {  	_ =	swait.ge [sflag:s21], $0x1000  }
0x1ff: {  	[sflag:s21] =	ssyncset.done $0x0  }
0x200: {  	[sflag:s21] =	ssyncadd.s32 $0xFFFFF000  }
0x201: {  	_ =	swait.ge [sflag:s21], $0x900  }
0x202: {  	[sflag:s21] =	ssyncset.done $0x0  }
0x203: {  	[sflag:s21] =	ssyncadd.s32 $0xFFFFF700  }
0x204: {  	_ =	swait.ge [sflag:s21], $0x1000  }
0x205: {  	[sflag:s21] =	ssyncset.done $0x0  }
0x206: {  	[sflag:s21] =	ssyncadd.s32 $0xFFFFF000  }
0x207: {  	_ =	swait.ge [sflag:s21], $0x900  }
0x208: {  	[sflag:s21] =	ssyncset.done $0x0  }
0x209: {  	[sflag:s21] =	ssyncadd.s32 $0xFFFFF700  }
0x20a: {  	_ =	swait.ge [sflag:s21], $0x1000  }
0x20b: {  	[sflag:s21] =	ssyncset.done $0x0  }
0x20c: {  	[sflag:s21] =	ssyncadd.s32 $0xFFFFF000  }
0x20d: {  	_ =	swait.ge [sflag:s21], $0x900  }
0x20e: {  	[sflag:s21] =	ssyncset.done $0x0  }
0x20f: {  	[sflag:s21] =	ssyncadd.s32 $0xFFFFF700  }
0x210: {  	_ =	swait.ge [sflag:s21], $0x1000  }
0x211: {  	[sflag:s21] =	ssyncset.done $0x0  }
0x212: {  	[sflag:s21] =	ssyncadd.s32 $0xFFFFF000  }
0x213: {  	_ =	swait.ge [sflag:s21], $0x900  }
0x214: {  	[sflag:s21] =	ssyncset.done $0x0  }
0x215: {  	[sflag:s21] =	ssyncadd.s32 $0xFFFFF700  }
0x216: {  	_ =	swait.ge [sflag:s21], $0x1000  }
0x217: {  	[sflag:s21] =	ssyncset.done $0x0  }
0x218: {  	s6 =	sadd.s32 @!p0 s25, s10;
	[sflag:s21] =	ssyncadd.s32 $0xFFFFF000  }
0x219: {  	s6 =	smul.u32 @!p0 $0xC8, s6;
	_ =	swait.ge [sflag:s21], $0x900  }
0x21a: {  	[sflag:s21] =	ssyncset.done $0x0  }
0x21b: {  	s8 =	simm.s32 @!p0 $0x640;
	s6 =	sadd.s32 @!p0 s4, s6;
	[sflag:s21] =	ssyncadd.s32 $0xFFFFF700  }
0x21c: {  	[tilespmem:s8], [sflag:$0x2] =	stream.linear.gather @!p0 [hbm4b:s6+s26], $0x640, $0x38;
	[tilespmem:$0x1A480] =	vst v63  }
0x21d: {  	s26 =	simm.s32 $0xD500  }
0x21e: {  	v0 =	vld [tilespmem:s26+$0xFFFFFF80]  }
0x21f: {  	v1 =	vld [tilespmem:s26+$0xFFFFFF90]  }
0x220: {  	v2 =	vld [tilespmem:s26+$0xFFFFFFA0]  }
0x221: {  	v3 =	vld [tilespmem:s26+$0xFFFFFFB0]  }
0x222: {  	v4 =	vld [tilespmem:s26+$0xFFFFFFC0]  }
0x223: {  	v6 =	vimm.f32 $0.0e+00;
	v5 =	vld [tilespmem:s26+$0xFFFFFFD0]  }
0x224: {  	v7 =	vld [tilespmem:s26+$0xFFFFFFE0];
	v0 =	vadd.f32 v0, v6;
	v1 =	vadd.f32 v1, v6  }
0x225: {  	v6 =	vld [tilespmem:s26+$0xFFFFFFF0]  }
0x226: {  	v8 =	vld [tilespmem:s26+$0x0];
	v2 =	vadd.f32 v2, v0;
	v1 =	vadd.f32 v3, v1  }
0x227: {  	v9 =	vld [tilespmem:s26+$0x10]  }
0x228: {  	v0 =	vld [tilespmem:s26+$0x20];
	v2 =	vadd.f32 v4, v2;
	v4 =	vadd.f32 v5, v1  }
0x229: {  	v3 =	vld [tilespmem:s26+$0x30]  }
0x22a: {  	v1 =	vld [tilespmem:s26+$0x40];
	v5 =	vadd.f32 v7, v2;
	v7 =	vadd.f32 v6, v4  }
0x22b: {  	v4 =	vld [tilespmem:s26+$0x50]  }
0x22c: {  	v2 =	vld [tilespmem:s26+$0x60];
	v6 =	vadd.f32 v8, v5;
	v7 =	vadd.f32 v9, v7  }
0x22d: {  	s11 =	simm.s32 $0xD600;
	s8 =	simm.s32 $0x0;
	v5 =	vld [tilespmem:s26+$0x70]  }
.LBB2_19:
0x22e: {  	v8 =	vld [tilespmem:s11+$0xFFFFFF80];
	v0 =	vadd.f32 v0, v6;
	v3 =	vadd.f32 v3, v7  }
0x22f: {  	s8 =	sadd.s32 $0x8, s8;
	v6 =	vld [tilespmem:s11+$0xFFFFFF90]  }
0x230: {  	p0 =	slt.u32 s8, $0xC0;
	v7 =	vld [tilespmem:s11+$0xFFFFFFA0];
	v0 =	vadd.f32 v1, v0;
	v1 =	vadd.f32 v4, v3  }
0x231: {  	v3 =	vld [tilespmem:s11+$0xFFFFFFB0]  }
0x232: {  	v4 =	vld [tilespmem:s11+$0xFFFFFFC0];
	v0 =	vadd.f32 v2, v0;
	v1 =	vadd.f32 v5, v1  }
0x233: {  	v2 =	vld [tilespmem:s11+$0xFFFFFFD0]  }
0x234: {  	v0 =	vadd.f32 v8, v0;
	v1 =	vadd.f32 v6, v1;
	v5 =	vld [tilespmem:s11+$0xFFFFFFE0]  }
0x235: {  	v6 =	vld [tilespmem:s11+$0xFFFFFFF0]  }
0x236: {  	v0 =	vadd.f32 v7, v0;
	v1 =	vadd.f32 v3, v1;
	v7 =	vld [tilespmem:s11+$0x0]  }
0x237: {  	v8 =	vld [tilespmem:s11+$0x10]  }
0x238: {  	v4 =	vadd.f32 v4, v0;
	v1 =	vadd.f32 v2, v1;
	v0 =	vld [tilespmem:s11+$0x20]  }
.Ltmp8:
0x239: {  	v3 =	vld [tilespmem:s11+$0x30];
	(pc) =	sbr.rel @p0 .LBB2_19-.Ltmp8, $4  }
0x23a: {  	v2 =	vadd.f32 v5, v4;
	v5 =	vadd.f32 v6, v1;
	v1 =	vld [tilespmem:s11+$0x40]  }
0x23b: {  	v4 =	vld [tilespmem:s11+$0x50]  }
0x23c: {  	v6 =	vadd.f32 v7, v2;
	v7 =	vadd.f32 v8, v5;
	v2 =	vld [tilespmem:s11+$0x60]  }
0x23d: {  	v5 =	vld [tilespmem:s11+$0x70];
	s11 =	sadd.s32 $0x100, s11  }
0x23e: {  	v0 =	vadd.f32 v0, v6  }
0x23f: {  	v3 =	vadd.f32 v3, v7  }
0x240: {  	v0 =	vadd.f32 v1, v0  }
0x241: {  	v1 =	vadd.f32 v4, v3  }
0x242: {  	s25 =	sand.u32 $0x7, s24;
	v0 =	vadd.f32 v2, v0  }
0x243: {  	s24 =	sshll.u32 s25, $0x8;
	v1 =	vadd.f32 v5, v1  }
0x244: {  	[tilespmem:s24+$0x19C80] =	vst v0  }
0x245: {  	s6 =	simm.s32 $0xEE70;
	[tilespmem:s24+$0x19C90] =	vst v1  }
0x246: {  	v0 =	vld [tilespmem:s6+$0xFFFFFF10]  }
0x247: {  	v1 =	vld [tilespmem:s6+$0xFFFFFF20]  }
0x248: {  	v2 =	vld [tilespmem:s6+$0xFFFFFF30]  }
0x249: {  	v3 =	vld [tilespmem:s6+$0xFFFFFF40]  }
0x24a: {  	v4 =	vld [tilespmem:s6+$0xFFFFFF50]  }
0x24b: {  	v6 =	vimm.f32 $0.0e+00;
	v5 =	vld [tilespmem:s6+$0xFFFFFF60]  }
0x24c: {  	v7 =	vld [tilespmem:s6+$0xFFFFFF70];
	v0 =	vadd.f32 v0, v6;
	v1 =	vadd.f32 v1, v6  }
0x24d: {  	v6 =	vld [tilespmem:s6+$0xFFFFFF80]  }
0x24e: {  	v8 =	vld [tilespmem:s6+$0xFFFFFF90];
	v2 =	vadd.f32 v2, v0;
	v1 =	vadd.f32 v3, v1  }
0x24f: {  	v9 =	vld [tilespmem:s6+$0xFFFFFFA0]  }
0x250: {  	v0 =	vld [tilespmem:s6+$0xFFFFFFB0];
	v2 =	vadd.f32 v4, v2;
	v4 =	vadd.f32 v5, v1  }
0x251: {  	v3 =	vld [tilespmem:s6+$0xFFFFFFC0]  }
0x252: {  	v1 =	vld [tilespmem:s6+$0xFFFFFFD0];
	v5 =	vadd.f32 v7, v2;
	v7 =	vadd.f32 v6, v4  }
0x253: {  	v4 =	vld [tilespmem:s6+$0xFFFFFFE0]  }
0x254: {  	v2 =	vld [tilespmem:s6+$0xFFFFFFF0];
	v6 =	vadd.f32 v8, v5;
	v7 =	vadd.f32 v9, v7  }
0x255: {  	s8 =	simm.s32 $0x0;
	s11 =	simm.s32 $0xEF70;
	v5 =	vld [tilespmem:s6+$0x0]  }
.LBB2_21:
0x256: {  	v8 =	vld [tilespmem:s11+$0xFFFFFF10];
	v0 =	vadd.f32 v0, v6;
	v3 =	vadd.f32 v3, v7  }
0x257: {  	s8 =	sadd.s32 $0x8, s8;
	v6 =	vld [tilespmem:s11+$0xFFFFFF20]  }
0x258: {  	p0 =	slt.u32 s8, $0xC0;
	v7 =	vld [tilespmem:s11+$0xFFFFFF30];
	v0 =	vadd.f32 v1, v0;
	v1 =	vadd.f32 v4, v3  }
0x259: {  	v3 =	vld [tilespmem:s11+$0xFFFFFF40]  }
0x25a: {  	v4 =	vld [tilespmem:s11+$0xFFFFFF50];
	v0 =	vadd.f32 v2, v0;
	v1 =	vadd.f32 v5, v1  }
0x25b: {  	v2 =	vld [tilespmem:s11+$0xFFFFFF60]  }
0x25c: {  	v0 =	vadd.f32 v8, v0;
	v1 =	vadd.f32 v6, v1;
	v5 =	vld [tilespmem:s11+$0xFFFFFF70]  }
0x25d: {  	v6 =	vld [tilespmem:s11+$0xFFFFFF80]  }
0x25e: {  	v0 =	vadd.f32 v7, v0;
	v1 =	vadd.f32 v3, v1;
	v7 =	vld [tilespmem:s11+$0xFFFFFF90]  }
0x25f: {  	v8 =	vld [tilespmem:s11+$0xFFFFFFA0]  }
0x260: {  	v4 =	vadd.f32 v4, v0;
	v1 =	vadd.f32 v2, v1;
	v0 =	vld [tilespmem:s11+$0xFFFFFFB0]  }
.Ltmp9:
0x261: {  	v3 =	vld [tilespmem:s11+$0xFFFFFFC0];
	(pc) =	sbr.rel @p0 .LBB2_21-.Ltmp9, $4  }
0x262: {  	v2 =	vadd.f32 v5, v4;
	v5 =	vadd.f32 v6, v1;
	v1 =	vld [tilespmem:s11+$0xFFFFFFD0]  }
0x263: {  	v4 =	vld [tilespmem:s11+$0xFFFFFFE0]  }
0x264: {  	v6 =	vadd.f32 v7, v2;
	v7 =	vadd.f32 v8, v5;
	v2 =	vld [tilespmem:s11+$0xFFFFFFF0]  }
0x265: {  	v5 =	vld [tilespmem:s11+$0x0];
	s11 =	sadd.s32 $0x100, s11  }
0x266: {  	v0 =	vadd.f32 v0, v6  }
0x267: {  	v3 =	vadd.f32 v3, v7  }
0x268: {  	v0 =	vadd.f32 v1, v0  }
0x269: {  	v1 =	vadd.f32 v4, v3  }
0x26a: {  	v0 =	vadd.f32 v2, v0  }
0x26b: {  	v1 =	vadd.f32 v5, v1  }
0x26c: {  	[tilespmem:s24+$0x19CA0] =	vst v0  }
0x26d: {  	s6 =	simm.s32 $0x10770;
	[tilespmem:s24+$0x19CB0] =	vst v1  }
0x26e: {  	v0 =	vld [tilespmem:s6+$0xFFFFFF10]  }
0x26f: {  	v1 =	vld [tilespmem:s6+$0xFFFFFF20]  }
0x270: {  	v2 =	vld [tilespmem:s6+$0xFFFFFF30]  }
0x271: {  	v3 =	vld [tilespmem:s6+$0xFFFFFF40]  }
0x272: {  	v4 =	vld [tilespmem:s6+$0xFFFFFF50]  }
0x273: {  	v6 =	vimm.f32 $0.0e+00;
	v5 =	vld [tilespmem:s6+$0xFFFFFF60]  }
0x274: {  	v7 =	vld [tilespmem:s6+$0xFFFFFF70];
	v0 =	vadd.f32 v0, v6;
	v1 =	vadd.f32 v1, v6  }
0x275: {  	v6 =	vld [tilespmem:s6+$0xFFFFFF80]  }
0x276: {  	v8 =	vld [tilespmem:s6+$0xFFFFFF90];
	v2 =	vadd.f32 v2, v0;
	v1 =	vadd.f32 v3, v1  }
0x277: {  	v9 =	vld [tilespmem:s6+$0xFFFFFFA0]  }
0x278: {  	v0 =	vld [tilespmem:s6+$0xFFFFFFB0];
	v2 =	vadd.f32 v4, v2;
	v4 =	vadd.f32 v5, v1  }
0x279: {  	v3 =	vld [tilespmem:s6+$0xFFFFFFC0]  }
0x27a: {  	v1 =	vld [tilespmem:s6+$0xFFFFFFD0];
	v5 =	vadd.f32 v7, v2;
	v7 =	vadd.f32 v6, v4  }
0x27b: {  	v4 =	vld [tilespmem:s6+$0xFFFFFFE0]  }
0x27c: {  	v2 =	vld [tilespmem:s6+$0xFFFFFFF0];
	v6 =	vadd.f32 v8, v5;
	v7 =	vadd.f32 v9, v7  }
0x27d: {  	s8 =	simm.s32 $0x0;
	s11 =	simm.s32 $0x10870;
	v5 =	vld [tilespmem:s6+$0x0]  }
.LBB2_23:
0x27e: {  	v8 =	vld [tilespmem:s11+$0xFFFFFF10];
	v0 =	vadd.f32 v0, v6;
	v3 =	vadd.f32 v3, v7  }
0x27f: {  	s8 =	sadd.s32 $0x8, s8;
	v6 =	vld [tilespmem:s11+$0xFFFFFF20]  }
0x280: {  	p0 =	slt.u32 s8, $0xC0;
	v7 =	vld [tilespmem:s11+$0xFFFFFF30];
	v0 =	vadd.f32 v1, v0;
	v1 =	vadd.f32 v4, v3  }
0x281: {  	v3 =	vld [tilespmem:s11+$0xFFFFFF40]  }
0x282: {  	v4 =	vld [tilespmem:s11+$0xFFFFFF50];
	v0 =	vadd.f32 v2, v0;
	v1 =	vadd.f32 v5, v1  }
0x283: {  	v2 =	vld [tilespmem:s11+$0xFFFFFF60]  }
0x284: {  	v0 =	vadd.f32 v8, v0;
	v1 =	vadd.f32 v6, v1;
	v5 =	vld [tilespmem:s11+$0xFFFFFF70]  }
0x285: {  	v6 =	vld [tilespmem:s11+$0xFFFFFF80]  }
0x286: {  	v0 =	vadd.f32 v7, v0;
	v1 =	vadd.f32 v3, v1;
	v7 =	vld [tilespmem:s11+$0xFFFFFF90]  }
0x287: {  	v8 =	vld [tilespmem:s11+$0xFFFFFFA0]  }
0x288: {  	v4 =	vadd.f32 v4, v0;
	v1 =	vadd.f32 v2, v1;
	v0 =	vld [tilespmem:s11+$0xFFFFFFB0]  }
.Ltmp10:
0x289: {  	v3 =	vld [tilespmem:s11+$0xFFFFFFC0];
	(pc) =	sbr.rel @p0 .LBB2_23-.Ltmp10, $4  }
0x28a: {  	v2 =	vadd.f32 v5, v4;
	v5 =	vadd.f32 v6, v1;
	v1 =	vld [tilespmem:s11+$0xFFFFFFD0]  }
0x28b: {  	v4 =	vld [tilespmem:s11+$0xFFFFFFE0]  }
0x28c: {  	v6 =	vadd.f32 v7, v2;
	v7 =	vadd.f32 v8, v5;
	v2 =	vld [tilespmem:s11+$0xFFFFFFF0]  }
0x28d: {  	v5 =	vld [tilespmem:s11+$0x0];
	s11 =	sadd.s32 $0x100, s11  }
0x28e: {  	v0 =	vadd.f32 v0, v6  }
0x28f: {  	v3 =	vadd.f32 v3, v7  }
0x290: {  	v0 =	vadd.f32 v1, v0  }
0x291: {  	v1 =	vadd.f32 v4, v3  }
0x292: {  	v0 =	vadd.f32 v2, v0  }
0x293: {  	v1 =	vadd.f32 v5, v1  }
0x294: {  	[tilespmem:s24+$0x19CC0] =	vst v0  }
0x295: {  	s6 =	simm.s32 $0x11F80;
	[tilespmem:s24+$0x19CD0] =	vst v1  }
0x296: {  	v0 =	vld [tilespmem:s6+$0x0]  }
0x297: {  	v1 =	vld [tilespmem:s6+$0x10]  }
0x298: {  	v2 =	vld [tilespmem:s6+$0x20]  }
0x299: {  	v3 =	vld [tilespmem:s6+$0x30]  }
0x29a: {  	v4 =	vld [tilespmem:s6+$0x40]  }
0x29b: {  	v6 =	vimm.f32 $0.0e+00;
	v5 =	vld [tilespmem:s6+$0x50]  }
0x29c: {  	v7 =	vld [tilespmem:s6+$0x60];
	v0 =	vadd.f32 v0, v6;
	v1 =	vadd.f32 v1, v6  }
0x29d: {  	v6 =	vld [tilespmem:s6+$0x70]  }
0x29e: {  	v8 =	vld [tilespmem:s6+$0x80];
	v2 =	vadd.f32 v2, v0;
	v1 =	vadd.f32 v3, v1  }
0x29f: {  	v9 =	vld [tilespmem:s6+$0x90]  }
0x2a0: {  	v0 =	vld [tilespmem:s6+$0xA0];
	v2 =	vadd.f32 v4, v2;
	v4 =	vadd.f32 v5, v1  }
0x2a1: {  	v3 =	vld [tilespmem:s6+$0xB0]  }
0x2a2: {  	v1 =	vld [tilespmem:s6+$0xC0];
	v5 =	vadd.f32 v7, v2;
	v7 =	vadd.f32 v6, v4  }
0x2a3: {  	v4 =	vld [tilespmem:s6+$0xD0]  }
0x2a4: {  	v2 =	vld [tilespmem:s6+$0xE0];
	v6 =	vadd.f32 v8, v5;
	v7 =	vadd.f32 v9, v7  }
0x2a5: {  	s8 =	simm.s32 $0x0;
	s11 =	simm.s32 $0x12080;
	v5 =	vld [tilespmem:s6+$0xF0]  }
.LBB2_25:
0x2a6: {  	v8 =	vld [tilespmem:s11+$0x0];
	v0 =	vadd.f32 v0, v6;
	v3 =	vadd.f32 v3, v7  }
0x2a7: {  	s8 =	sadd.s32 $0x8, s8;
	v6 =	vld [tilespmem:s11+$0x10]  }
0x2a8: {  	p0 =	slt.u32 s8, $0xC0;
	v7 =	vld [tilespmem:s11+$0x20];
	v0 =	vadd.f32 v1, v0;
	v1 =	vadd.f32 v4, v3  }
0x2a9: {  	v3 =	vld [tilespmem:s11+$0x30]  }
0x2aa: {  	v4 =	vld [tilespmem:s11+$0x40];
	v0 =	vadd.f32 v2, v0;
	v1 =	vadd.f32 v5, v1  }
0x2ab: {  	v2 =	vld [tilespmem:s11+$0x50]  }
0x2ac: {  	v0 =	vadd.f32 v8, v0;
	v1 =	vadd.f32 v6, v1;
	v5 =	vld [tilespmem:s11+$0x60]  }
0x2ad: {  	v6 =	vld [tilespmem:s11+$0x70]  }
0x2ae: {  	v0 =	vadd.f32 v7, v0;
	v1 =	vadd.f32 v3, v1;
	v7 =	vld [tilespmem:s11+$0x80]  }
0x2af: {  	v8 =	vld [tilespmem:s11+$0x90]  }
0x2b0: {  	v4 =	vadd.f32 v4, v0;
	v1 =	vadd.f32 v2, v1;
	v0 =	vld [tilespmem:s11+$0xA0]  }
.Ltmp11:
0x2b1: {  	v3 =	vld [tilespmem:s11+$0xB0];
	(pc) =	sbr.rel @p0 .LBB2_25-.Ltmp11, $4  }
0x2b2: {  	v2 =	vadd.f32 v5, v4;
	v5 =	vadd.f32 v6, v1;
	v1 =	vld [tilespmem:s11+$0xC0]  }
0x2b3: {  	v4 =	vld [tilespmem:s11+$0xD0]  }
0x2b4: {  	v6 =	vadd.f32 v7, v2;
	v7 =	vadd.f32 v8, v5;
	v2 =	vld [tilespmem:s11+$0xE0]  }
0x2b5: {  	v5 =	vld [tilespmem:s11+$0xF0];
	s11 =	sadd.s32 $0x100, s11  }
0x2b6: {  	v0 =	vadd.f32 v0, v6  }
0x2b7: {  	v3 =	vadd.f32 v3, v7  }
0x2b8: {  	v0 =	vadd.f32 v1, v0  }
0x2b9: {  	v1 =	vadd.f32 v4, v3  }
0x2ba: {  	v0 =	vadd.f32 v2, v0  }
0x2bb: {  	v1 =	vadd.f32 v5, v1  }
0x2bc: {  	[tilespmem:s24+$0x19CE0] =	vst v0  }
0x2bd: {  	s6 =	simm.s32 $0x13880;
	[tilespmem:s24+$0x19CF0] =	vst v1  }
0x2be: {  	v0 =	vld [tilespmem:s6+$0x0]  }
0x2bf: {  	v1 =	vld [tilespmem:s6+$0x10]  }
0x2c0: {  	v2 =	vld [tilespmem:s6+$0x20]  }
0x2c1: {  	v3 =	vld [tilespmem:s6+$0x30]  }
0x2c2: {  	v4 =	vld [tilespmem:s6+$0x40]  }
0x2c3: {  	v6 =	vimm.f32 $0.0e+00;
	v5 =	vld [tilespmem:s6+$0x50]  }
0x2c4: {  	v7 =	vld [tilespmem:s6+$0x60];
	v0 =	vadd.f32 v0, v6;
	v1 =	vadd.f32 v1, v6  }
0x2c5: {  	v6 =	vld [tilespmem:s6+$0x70]  }
0x2c6: {  	v8 =	vld [tilespmem:s6+$0x80];
	v2 =	vadd.f32 v2, v0;
	v1 =	vadd.f32 v3, v1  }
0x2c7: {  	v9 =	vld [tilespmem:s6+$0x90]  }
0x2c8: {  	v0 =	vld [tilespmem:s6+$0xA0];
	v2 =	vadd.f32 v4, v2;
	v4 =	vadd.f32 v5, v1  }
0x2c9: {  	v3 =	vld [tilespmem:s6+$0xB0]  }
0x2ca: {  	v1 =	vld [tilespmem:s6+$0xC0];
	v5 =	vadd.f32 v7, v2;
	v7 =	vadd.f32 v6, v4  }
0x2cb: {  	v4 =	vld [tilespmem:s6+$0xD0]  }
0x2cc: {  	v2 =	vld [tilespmem:s6+$0xE0];
	v6 =	vadd.f32 v8, v5;
	v7 =	vadd.f32 v9, v7  }
0x2cd: {  	s8 =	simm.s32 $0x0;
	s11 =	simm.s32 $0x13980;
	v5 =	vld [tilespmem:s6+$0xF0]  }
.LBB2_27:
0x2ce: {  	v8 =	vld [tilespmem:s11+$0x0];
	v0 =	vadd.f32 v0, v6;
	v3 =	vadd.f32 v3, v7  }
0x2cf: {  	s8 =	sadd.s32 $0x8, s8;
	v6 =	vld [tilespmem:s11+$0x10]  }
0x2d0: {  	p0 =	slt.u32 s8, $0xC0;
	v7 =	vld [tilespmem:s11+$0x20];
	v0 =	vadd.f32 v1, v0;
	v1 =	vadd.f32 v4, v3  }
0x2d1: {  	v3 =	vld [tilespmem:s11+$0x30]  }
0x2d2: {  	v4 =	vld [tilespmem:s11+$0x40];
	v0 =	vadd.f32 v2, v0;
	v1 =	vadd.f32 v5, v1  }
0x2d3: {  	v2 =	vld [tilespmem:s11+$0x50]  }
0x2d4: {  	v0 =	vadd.f32 v8, v0;
	v1 =	vadd.f32 v6, v1;
	v5 =	vld [tilespmem:s11+$0x60]  }
0x2d5: {  	v6 =	vld [tilespmem:s11+$0x70]  }
0x2d6: {  	v0 =	vadd.f32 v7, v0;
	v1 =	vadd.f32 v3, v1;
	v7 =	vld [tilespmem:s11+$0x80]  }
0x2d7: {  	v8 =	vld [tilespmem:s11+$0x90]  }
0x2d8: {  	v4 =	vadd.f32 v4, v0;
	v1 =	vadd.f32 v2, v1;
	v0 =	vld [tilespmem:s11+$0xA0]  }
.Ltmp12:
0x2d9: {  	v3 =	vld [tilespmem:s11+$0xB0];
	(pc) =	sbr.rel @p0 .LBB2_27-.Ltmp12, $4  }
0x2da: {  	v2 =	vadd.f32 v5, v4;
	v5 =	vadd.f32 v6, v1;
	v1 =	vld [tilespmem:s11+$0xC0]  }
0x2db: {  	v4 =	vld [tilespmem:s11+$0xD0]  }
0x2dc: {  	v6 =	vadd.f32 v7, v2;
	v7 =	vadd.f32 v8, v5;
	v2 =	vld [tilespmem:s11+$0xE0]  }
0x2dd: {  	v5 =	vld [tilespmem:s11+$0xF0];
	s11 =	sadd.s32 $0x100, s11  }
0x2de: {  	v0 =	vadd.f32 v0, v6  }
0x2df: {  	v3 =	vadd.f32 v3, v7  }
0x2e0: {  	v0 =	vadd.f32 v1, v0  }
0x2e1: {  	v1 =	vadd.f32 v4, v3  }
0x2e2: {  	v0 =	vadd.f32 v2, v0  }
0x2e3: {  	v1 =	vadd.f32 v5, v1  }
0x2e4: {  	[tilespmem:s24+$0x19D00] =	vst v0  }
0x2e5: {  	s6 =	simm.s32 $0x15180;
	[tilespmem:s24+$0x19D10] =	vst v1  }
0x2e6: {  	v0 =	vld [tilespmem:s6+$0x0]  }
0x2e7: {  	v1 =	vld [tilespmem:s6+$0x10]  }
0x2e8: {  	v2 =	vld [tilespmem:s6+$0x20]  }
0x2e9: {  	v3 =	vld [tilespmem:s6+$0x30]  }
0x2ea: {  	v4 =	vld [tilespmem:s6+$0x40]  }
0x2eb: {  	v6 =	vimm.f32 $0.0e+00;
	v5 =	vld [tilespmem:s6+$0x50]  }
0x2ec: {  	v7 =	vld [tilespmem:s6+$0x60];
	v0 =	vadd.f32 v0, v6;
	v1 =	vadd.f32 v1, v6  }
0x2ed: {  	v6 =	vld [tilespmem:s6+$0x70]  }
0x2ee: {  	v8 =	vld [tilespmem:s6+$0x80];
	v2 =	vadd.f32 v2, v0;
	v1 =	vadd.f32 v3, v1  }
0x2ef: {  	v9 =	vld [tilespmem:s6+$0x90]  }
0x2f0: {  	v0 =	vld [tilespmem:s6+$0xA0];
	v2 =	vadd.f32 v4, v2;
	v4 =	vadd.f32 v5, v1  }
0x2f1: {  	v3 =	vld [tilespmem:s6+$0xB0]  }
0x2f2: {  	v1 =	vld [tilespmem:s6+$0xC0];
	v5 =	vadd.f32 v7, v2;
	v7 =	vadd.f32 v6, v4  }
0x2f3: {  	v4 =	vld [tilespmem:s6+$0xD0]  }
0x2f4: {  	v2 =	vld [tilespmem:s6+$0xE0];
	v6 =	vadd.f32 v8, v5;
	v7 =	vadd.f32 v9, v7  }
0x2f5: {  	s8 =	simm.s32 $0x0;
	s11 =	simm.s32 $0x15280;
	v5 =	vld [tilespmem:s6+$0xF0]  }
.LBB2_29:
0x2f6: {  	v8 =	vld [tilespmem:s11+$0x0];
	v0 =	vadd.f32 v0, v6;
	v3 =	vadd.f32 v3, v7  }
0x2f7: {  	s8 =	sadd.s32 $0x8, s8;
	v6 =	vld [tilespmem:s11+$0x10]  }
0x2f8: {  	p0 =	slt.u32 s8, $0xC0;
	v7 =	vld [tilespmem:s11+$0x20];
	v0 =	vadd.f32 v1, v0;
	v1 =	vadd.f32 v4, v3  }
0x2f9: {  	v3 =	vld [tilespmem:s11+$0x30]  }
0x2fa: {  	v4 =	vld [tilespmem:s11+$0x40];
	v0 =	vadd.f32 v2, v0;
	v1 =	vadd.f32 v5, v1  }
0x2fb: {  	v2 =	vld [tilespmem:s11+$0x50]  }
0x2fc: {  	v0 =	vadd.f32 v8, v0;
	v1 =	vadd.f32 v6, v1;
	v5 =	vld [tilespmem:s11+$0x60]  }
0x2fd: {  	v6 =	vld [tilespmem:s11+$0x70]  }
0x2fe: {  	v0 =	vadd.f32 v7, v0;
	v1 =	vadd.f32 v3, v1;
	v7 =	vld [tilespmem:s11+$0x80]  }
0x2ff: {  	v8 =	vld [tilespmem:s11+$0x90]  }
0x300: {  	v4 =	vadd.f32 v4, v0;
	v1 =	vadd.f32 v2, v1;
	v0 =	vld [tilespmem:s11+$0xA0]  }
.Ltmp13:
0x301: {  	v3 =	vld [tilespmem:s11+$0xB0];
	(pc) =	sbr.rel @p0 .LBB2_29-.Ltmp13, $4  }
0x302: {  	v2 =	vadd.f32 v5, v4;
	v5 =	vadd.f32 v6, v1;
	v1 =	vld [tilespmem:s11+$0xC0]  }
0x303: {  	v4 =	vld [tilespmem:s11+$0xD0]  }
0x304: {  	v6 =	vadd.f32 v7, v2;
	v7 =	vadd.f32 v8, v5;
	v2 =	vld [tilespmem:s11+$0xE0]  }
0x305: {  	v5 =	vld [tilespmem:s11+$0xF0];
	s11 =	sadd.s32 $0x100, s11  }
0x306: {  	v0 =	vadd.f32 v0, v6  }
0x307: {  	v3 =	vadd.f32 v3, v7  }
0x308: {  	v0 =	vadd.f32 v1, v0  }
0x309: {  	v1 =	vadd.f32 v4, v3  }
0x30a: {  	v0 =	vadd.f32 v2, v0  }
0x30b: {  	v1 =	vadd.f32 v5, v1  }
0x30c: {  	[tilespmem:s24+$0x19D20] =	vst v0  }
0x30d: {  	s6 =	simm.s32 $0x16A80;
	[tilespmem:s24+$0x19D30] =	vst v1  }
0x30e: {  	v0 =	vld [tilespmem:s6+$0x0]  }
0x30f: {  	v1 =	vld [tilespmem:s6+$0x10]  }
0x310: {  	v2 =	vld [tilespmem:s6+$0x20]  }
0x311: {  	v3 =	vld [tilespmem:s6+$0x30]  }
0x312: {  	v4 =	vld [tilespmem:s6+$0x40]  }
0x313: {  	v6 =	vimm.f32 $0.0e+00;
	v5 =	vld [tilespmem:s6+$0x50]  }
0x314: {  	v7 =	vld [tilespmem:s6+$0x60];
	v0 =	vadd.f32 v0, v6;
	v1 =	vadd.f32 v1, v6  }
0x315: {  	v6 =	vld [tilespmem:s6+$0x70]  }
0x316: {  	v8 =	vld [tilespmem:s6+$0x80];
	v2 =	vadd.f32 v2, v0;
	v1 =	vadd.f32 v3, v1  }
0x317: {  	v9 =	vld [tilespmem:s6+$0x90]  }
0x318: {  	v0 =	vld [tilespmem:s6+$0xA0];
	v2 =	vadd.f32 v4, v2;
	v4 =	vadd.f32 v5, v1  }
0x319: {  	v3 =	vld [tilespmem:s6+$0xB0]  }
0x31a: {  	v1 =	vld [tilespmem:s6+$0xC0];
	v5 =	vadd.f32 v7, v2;
	v7 =	vadd.f32 v6, v4  }
0x31b: {  	v4 =	vld [tilespmem:s6+$0xD0]  }
0x31c: {  	v2 =	vld [tilespmem:s6+$0xE0];
	v6 =	vadd.f32 v8, v5;
	v7 =	vadd.f32 v9, v7  }
0x31d: {  	s8 =	simm.s32 $0x0;
	s11 =	simm.s32 $0x16B80;
	v5 =	vld [tilespmem:s6+$0xF0]  }
.LBB2_31:
0x31e: {  	v8 =	vld [tilespmem:s11+$0x0];
	v0 =	vadd.f32 v0, v6;
	v3 =	vadd.f32 v3, v7  }
0x31f: {  	s8 =	sadd.s32 $0x8, s8;
	v6 =	vld [tilespmem:s11+$0x10]  }
0x320: {  	p0 =	slt.u32 s8, $0xC0;
	v7 =	vld [tilespmem:s11+$0x20];
	v0 =	vadd.f32 v1, v0;
	v1 =	vadd.f32 v4, v3  }
0x321: {  	v3 =	vld [tilespmem:s11+$0x30]  }
0x322: {  	v4 =	vld [tilespmem:s11+$0x40];
	v0 =	vadd.f32 v2, v0;
	v1 =	vadd.f32 v5, v1  }
0x323: {  	v2 =	vld [tilespmem:s11+$0x50]  }
0x324: {  	v0 =	vadd.f32 v8, v0;
	v1 =	vadd.f32 v6, v1;
	v5 =	vld [tilespmem:s11+$0x60]  }
0x325: {  	v6 =	vld [tilespmem:s11+$0x70]  }
0x326: {  	v0 =	vadd.f32 v7, v0;
	v1 =	vadd.f32 v3, v1;
	v7 =	vld [tilespmem:s11+$0x80]  }
0x327: {  	v8 =	vld [tilespmem:s11+$0x90]  }
0x328: {  	v4 =	vadd.f32 v4, v0;
	v1 =	vadd.f32 v2, v1;
	v0 =	vld [tilespmem:s11+$0xA0]  }
.Ltmp14:
0x329: {  	v3 =	vld [tilespmem:s11+$0xB0];
	(pc) =	sbr.rel @p0 .LBB2_31-.Ltmp14, $4  }
0x32a: {  	v2 =	vadd.f32 v5, v4;
	v5 =	vadd.f32 v6, v1;
	v1 =	vld [tilespmem:s11+$0xC0]  }
0x32b: {  	v4 =	vld [tilespmem:s11+$0xD0]  }
0x32c: {  	v6 =	vadd.f32 v7, v2;
	v7 =	vadd.f32 v8, v5;
	v2 =	vld [tilespmem:s11+$0xE0]  }
0x32d: {  	v5 =	vld [tilespmem:s11+$0xF0];
	s11 =	sadd.s32 $0x100, s11  }
0x32e: {  	v0 =	vadd.f32 v0, v6  }
0x32f: {  	v3 =	vadd.f32 v3, v7  }
0x330: {  	v0 =	vadd.f32 v1, v0  }
0x331: {  	v1 =	vadd.f32 v4, v3  }
0x332: {  	v0 =	vadd.f32 v2, v0  }
0x333: {  	v1 =	vadd.f32 v5, v1  }
0x334: {  	[tilespmem:s24+$0x19D40] =	vst v0  }
0x335: {  	s6 =	simm.s32 $0x18380;
	[tilespmem:s24+$0x19D50] =	vst v1  }
0x336: {  	v0 =	vld [tilespmem:s6+$0x0]  }
0x337: {  	v1 =	vld [tilespmem:s6+$0x10]  }
0x338: {  	v2 =	vld [tilespmem:s6+$0x20]  }
0x339: {  	v3 =	vld [tilespmem:s6+$0x30]  }
0x33a: {  	v4 =	vld [tilespmem:s6+$0x40]  }
0x33b: {  	v6 =	vimm.f32 $0.0e+00;
	v5 =	vld [tilespmem:s6+$0x50]  }
0x33c: {  	v7 =	vld [tilespmem:s6+$0x60];
	v0 =	vadd.f32 v0, v6;
	v1 =	vadd.f32 v1, v6  }
0x33d: {  	v6 =	vld [tilespmem:s6+$0x70]  }
0x33e: {  	v8 =	vld [tilespmem:s6+$0x80];
	v2 =	vadd.f32 v2, v0;
	v1 =	vadd.f32 v3, v1  }
0x33f: {  	v9 =	vld [tilespmem:s6+$0x90]  }
0x340: {  	v0 =	vld [tilespmem:s6+$0xA0];
	v2 =	vadd.f32 v4, v2;
	v4 =	vadd.f32 v5, v1  }
0x341: {  	v3 =	vld [tilespmem:s6+$0xB0]  }
0x342: {  	v1 =	vld [tilespmem:s6+$0xC0];
	v5 =	vadd.f32 v7, v2;
	v7 =	vadd.f32 v6, v4  }
0x343: {  	v4 =	vld [tilespmem:s6+$0xD0]  }
0x344: {  	v2 =	vld [tilespmem:s6+$0xE0];
	v6 =	vadd.f32 v8, v5;
	v7 =	vadd.f32 v9, v7  }
0x345: {  	s8 =	simm.s32 $0x0;
	s11 =	simm.s32 $0x18480;
	v5 =	vld [tilespmem:s6+$0xF0]  }
.LBB2_33:
0x346: {  	v8 =	vld [tilespmem:s11+$0x0];
	v0 =	vadd.f32 v0, v6;
	v3 =	vadd.f32 v3, v7  }
0x347: {  	s8 =	sadd.s32 $0x8, s8;
	v6 =	vld [tilespmem:s11+$0x10]  }
0x348: {  	p0 =	slt.u32 s8, $0xC0;
	v7 =	vld [tilespmem:s11+$0x20];
	v0 =	vadd.f32 v1, v0;
	v1 =	vadd.f32 v4, v3  }
0x349: {  	v3 =	vld [tilespmem:s11+$0x30]  }
0x34a: {  	v4 =	vld [tilespmem:s11+$0x40];
	v0 =	vadd.f32 v2, v0;
	v1 =	vadd.f32 v5, v1  }
0x34b: {  	v2 =	vld [tilespmem:s11+$0x50]  }
0x34c: {  	v0 =	vadd.f32 v8, v0;
	v1 =	vadd.f32 v6, v1;
	v5 =	vld [tilespmem:s11+$0x60]  }
0x34d: {  	v6 =	vld [tilespmem:s11+$0x70]  }
0x34e: {  	v0 =	vadd.f32 v7, v0;
	v1 =	vadd.f32 v3, v1;
	v7 =	vld [tilespmem:s11+$0x80]  }
0x34f: {  	v8 =	vld [tilespmem:s11+$0x90]  }
0x350: {  	v4 =	vadd.f32 v4, v0;
	v1 =	vadd.f32 v2, v1;
	v0 =	vld [tilespmem:s11+$0xA0]  }
.Ltmp15:
0x351: {  	v3 =	vld [tilespmem:s11+$0xB0];
	(pc) =	sbr.rel @p0 .LBB2_33-.Ltmp15, $4  }
0x352: {  	v2 =	vadd.f32 v5, v4;
	v5 =	vadd.f32 v6, v1;
	v1 =	vld [tilespmem:s11+$0xC0]  }
0x353: {  	v4 =	vld [tilespmem:s11+$0xD0]  }
0x354: {  	v6 =	vadd.f32 v7, v2;
	v7 =	vadd.f32 v8, v5;
	v2 =	vld [tilespmem:s11+$0xE0]  }
0x355: {  	v5 =	vld [tilespmem:s11+$0xF0];
	s11 =	sadd.s32 $0x100, s11  }
0x356: {  	v0 =	vadd.f32 v0, v6  }
0x357: {  	v3 =	vadd.f32 v3, v7  }
0x358: {  	v0 =	vadd.f32 v1, v0  }
0x359: {  	p0 =	sne.s32 s25, $0x7;
	v63 =	vadd.f32 v4, v3  }
0x35a: {  	s6 =	sshll.u32 @!p0 s23, $0x8;
	v0 =	vadd.f32 v2, v0  }
0x35b: {  	s8 =	rddreg [dreg:$0x1];
	s6 =	sadd.s32 @!p0 $0xFFFFF900, s6;
	v1 =	vadd.f32 v5, v63  }
0x35c: {  	s22 =	sadd.s32 $0x1, s22;
	s11 =	simm.s32 @!p0 $0x19C80;
	s6 =	sshrl.u32 @!p0 s6, $0x3;
	[tilespmem:s24+$0x19D60] =	vst v0  }
0x35d: {  	p1 =	sne.s32 s22, $0x20;
	s6 =	sadd.s32 @!p0 s8, s6;
	s8 =	simm.s32 @!p0 $0x0;
	[tilespmem:s24+$0x19D70] =	vst v1  }
0x35e: {  	[hbm4b:s6+s8] =	stream.linear.scatter @!p0 [tilespmem:s11], [sflag:$0x5], $0x800, $0x38;
	[tilespmem:$0x1A480] =	vst v63  }
.Ltmp16:
0x35f: {  	_ = 	snop;
	(pc) =	sbr.rel @p1 .LBB2_2-.Ltmp16, $4  }
0x360: {  	s6 =	simm.s32 @!p0 $0x5  }
0x361: {  	_ =	swait.ge @!p0 [sflag:s6], $0x800  }
0x362: {  	[sflag:s6] =	ssyncset.done @!p0 $0x0  }
0x363: {  	[sflag:s6] =	ssyncadd.s32 @!p0 $0xFFFFF800  }
0x364: {  	s8 =	rddreg [dreg:$0x6]  }
0x365: {  	s6 =	rddreg [dreg:$0x5];
	s8 =	sadd.s32 $0x1, s8  }
0x366: {  	p0 =	sne.s32 s8, s6  }
.Ltmp17:
0x367: {  	_ = 	snop;
	(pc) =	sbr.rel @p0 .LBB2_1-.Ltmp17, $1  }
0x368: {  	_ =	sdelay $0x3  }
0x369: {  	_ =	sfence.sel $0x180000  }
0x36a: {  	[bflag:$0x0] =	sbarrier.arrive $0xFFFF  }
0x36b: {  	_ =	strace $0x90000047  }
0x36c: {  	s0 =	stileid.u32;
	[bflag:$0x2] =	sbarrier.arrive $0xFFFF  }
0x36d: {  	p0 =	sne.s32 s0, $0x0;
	s0 =	rddreg [dreg:$0x2]  }
0x36e: {  	s0 =	sadd.s32 @!p0 $0x100000, s0  }
0x36f: {  	[sflag:s0] =	ssyncadd.tile.s32 @!p0 $0x1;
	_ =	shalt  }
.Lfunc_end2:
_tile_overlayer_lowered:
.L_overlay_start_2:
0x370: {  	(tag) =	ssettag $0x2  }
0x371: {  	s0 =	rddreg [dreg:$0x0];
	s2 =	stileid.u32  }
0x372: {  	s1 =	rddreg [dreg:$0x1];
	p0 =	sne.s32 s2, $0x0  }
0x373: {  	s3 =	rddreg [dreg:$0x2];
	[bflag:$0x3] =	sbarrier.arrive $0xFFFF;
	s2 =	simm.s32 @!p0 $0x1C05  }
0x374: {  	[timem:s3], [sflag:s2] =	dma.local @!p0 [hbm:s0], s1  }
0x375: {  	s0 =	simm.s32 @!p0 $0x5  }
0x376: {  	_ =	swait.ge @!p0 [sflag:s0], s1  }
0x377: {  	s1 =	ssub.s32 @!p0 $0x0, s1;
	[sflag:s0] =	ssyncset.done @!p0 $0x0  }
0x378: {  	[sflag:s0] =	ssyncadd.s32 @!p0 s1  }
0x379: {  	[bflag:$0x3] =	sbarrier.arrive $0xFFFF  }
0x37a: {  	_ =	shalt  }

</sc_bundles>
